<compile_context>
chip_gen: v7x
topology: tpu7x:2x2x1
jax: 0.10.2.dev20260603
libtpu: 0.0.44.dev20260713+nightly
codegen_flags: <defaults>
</compile_context>

<pallas_src>
import functools

import jax
import jax.numpy as jnp
from jax import lax
from jax.experimental import pallas as pl
from jax.experimental.pallas import tpu as pltpu
from jax.experimental.pallas import tpu_sc as plsc

_CHH = 5
_NB = 2


def _build_gather(B, H, V, D, NC, NS):
    NW = NC * NS
    JB = B // 128
    assert JB == NW and D == 32 and H % _CHH == 0
    NCH = H // _CHH
    CH = _CHH * 128
    assert NCH % 2 == 0 and NCH >= 4
    mesh = plsc.VectorSubcoreMesh(core_axis_name="c", subcore_axis_name="s")

    @functools.partial(
        pl.kernel,
        mesh=mesh,
        out_type=jax.ShapeDtypeStruct((H, 4, JB, 8, 128), jnp.float32),
        scratch_types=[
            pltpu.VMEM((128, H), jnp.int32),
            pltpu.VMEM((_NB, CH), jnp.int32),
            pltpu.VMEM((_NB, CH, D), jnp.float32),
            pltpu.VMEM((_NB, _CHH, 4, 8, 129), jnp.float32),
            pltpu.SemaphoreType.DMA,
        ] + [pltpu.SemaphoreType.DMA] * (2 * _NB),
        compiler_params=pltpu.CompilerParams(
            use_tc_tiling_on_sc=False, needs_layout_passes=False),
    )
    def gather(idx_hbm, tbl_hbm, out_hbm, idx_raw, glist, gath, tbuf,
               sem_idx, *sems):
        sem_g = sems[0:_NB]
        sem_w = sems[_NB:2 * _NB]
        wid = lax.axis_index("s") * NC + lax.axis_index("c")
        iota = lax.iota(jnp.int32, 16)

        def build_glist(i, b):
            h0 = i * _CHH

            def g2body(g2, carry):
                jv = iota + g2 * 16
                for hl in range(_CHH):
                    hv = jnp.zeros((16,), jnp.int32) + (h0 + hl)
                    v = plsc.load_gather(idx_raw, [jv, hv])
                    glist[b, pl.ds(hl * 128 + g2 * 16, 16)] = v
                return carry

            lax.fori_loop(0, 8, g2body, 0)

        def issue_gather(b):
            pltpu.async_copy(tbl_hbm.at[glist.at[b]], gath.at[b], sem_g[b])

        def wait_gather(b):
            pltpu.make_async_copy(
                tbl_hbm.at[glist.at[b]], gath.at[b], sem_g[b]).wait()

        def transpose(b):
            def tbody(j, carry):
                jv = jnp.zeros((16,), jnp.int32) + j
                for hl in range(_CHH):
                    for o in range(2):
                        v = gath[b, hl * 128 + j, pl.ds(o * 16, 16)]
                        cvec = iota + (o * 16)
                        plsc.store_scatter(
                            tbuf.at[b],
                            [jnp.full((16,), hl, jnp.int32),
                             lax.shift_right_logical(cvec, 3),
                             cvec & 7,
                             jv],
                            v)
                return carry

            lax.fori_loop(0, 128, tbody, 0)

        def issue_write(i, b):
            pltpu.async_copy(
                tbuf.at[b, :, :, :, pl.ds(0, 128)],
                out_hbm.at[pl.ds(i * _CHH, _CHH), :, wid], sem_w[b])

        def wait_write(b):
            pltpu.make_async_copy(
                tbuf.at[b, :, :, :, pl.ds(0, 128)],
                out_hbm.at[pl.ds(0, _CHH), :, wid], sem_w[b]).wait()

        pltpu.async_copy(
            idx_hbm.at[pl.ds(128 * wid, 128)], idx_raw, sem_idx).wait()

        for b in range(_NB):
            build_glist(b, b)
            issue_gather(b)

        for b in range(_NB):
            wait_gather(b)
            transpose(b)
            issue_write(b, b)
            build_glist(b + 2, b)
            issue_gather(b)

        def body(k, carry):
            for b in range(_NB):
                i = 2 * k + b
                wait_gather(b)
                wait_write(b)
                transpose(b)
                issue_write(i, b)
                build_glist(i + 2, b)
                issue_gather(b)
            return carry

        lax.fori_loop(1, NCH // 2 - 1, body, 0)

        for b in range(_NB):
            i = NCH - 2 + b
            wait_gather(b)
            wait_write(b)
            transpose(b)
            issue_write(i, b)
        for b in range(_NB):
            wait_write(b)

    return gather


def kernel(src, weight):
    B, H = src.shape
    V, D = weight.shape
    info = plsc.get_sparse_core_info()
    gather = _build_gather(B, H, V, D, info.num_cores, info.num_subcores)
    z = gather(src, weight)
    return z.transpose(2, 4, 0, 1, 3).reshape(B, H, D)

# --- scband reference (transcript-rebuilt; emitter-appended) ---
"""Pipeline reference for scband-embeddings-layer-44684839748092 (READ-ONLY COPY).

The authoritative reference and input builder live on the scoring server;
editing this copy changes nothing except your own understanding.
"""

import jax, jax.numpy as jnp
import numpy as np

INPUT_DIM = 1000000
EMBED_DIM = 32
BATCH = 4096
HIST = 200

def setup_inputs(seed: int = 0) -> dict:
    key = jax.random.key(seed)
    k_idx, k_w = jax.random.split(key)
    src = jax.random.randint(k_idx, (BATCH, HIST), 0, INPUT_DIM, dtype=jnp.int64 if jax.config.jax_enable_x64 else jnp.int32).astype(jnp.int32)
    # nn.Embedding default init: N(0, 1)
    weight = jax.random.normal(k_w, (INPUT_DIM, EMBED_DIM), dtype=jnp.float32)
    return {"src": src, "weight": weight}

def reference(src, weight):
    # EmbeddingsLayer.forward: embedded = self.embedding(src)
    embedded = jnp.take(weight, src, axis=0)
    return embedded

if __name__ == "__main__":
    import jax
    _d = setup_inputs()
    print(jax.jit(kernel)(*tuple(_d.values())))

</pallas_src>

<mosaic_0001>
#map = affine_map<(d0, d1) -> (0, 0)>
#map1 = affine_map<(d0, d1) -> (0, 0, 0, 0, 0)>
module attributes {stable_mosaic.version = 14 : i64} {
  func.func @gather(%arg0: i32, %arg1: i32, %arg2: memref<4096x200xi32, #tpu.memory_space<hbm>>, %arg3: memref<1000000x32xf32, #tpu.memory_space<hbm>>, %arg4: memref<200x4x32x8x128xf32, #tpu.memory_space<hbm>>, %arg5: memref<128x200xi32, #tpu.memory_space<vmem>>, %arg6: memref<2x640xi32, #tpu.memory_space<vmem>>, %arg7: memref<2x640x32xf32, #tpu.memory_space<vmem>>, %arg8: memref<2x5x4x8x129xf32, #tpu.memory_space<vmem>>, %arg9: memref<!tpu.dma_semaphore, #tpu.memory_space<semaphore_mem>>, %arg10: memref<!tpu.dma_semaphore, #tpu.memory_space<semaphore_mem>>, %arg11: memref<!tpu.dma_semaphore, #tpu.memory_space<semaphore_mem>>, %arg12: memref<!tpu.dma_semaphore, #tpu.memory_space<semaphore_mem>>, %arg13: memref<!tpu.dma_semaphore, #tpu.memory_space<semaphore_mem>>) attributes {dimension_semantics = [#tpu.dimension_semantics<core_parallel>, #tpu.dimension_semantics<subcore_parallel>], iteration_bounds = array<i64: 2, 16>, scalar_prefetch = 0 : i64, scratch_operands = 9 : i64, tpu.core_type = #tpu.core_type<sc_vector_subcore>, window_params = [{transform_indices = #map}, {transform_indices = #map}, {transform_indices = #map1}]} {
    %mul3A = arith.constant 2 : i32
    %mul3A_0 = arith.muli %arg1, %mul3A : i32
    %add3A = arith.addi %mul3A_0, %arg0 : i32
    %iota3A = tpu.iota {dimensions = array<i32: 0>} : vector<16xi32>
    %mul3A_1 = arith.constant 128 : i32
    %mul3A_2 = arith.muli %mul3A_1, %add3A : i32
    %dma_start3A = arith.constant 0 : i32
    %dma_start3A_3 = tpu.memref_slice %arg2[%mul3A_2, %dma_start3A] : memref<4096x200xi32, #tpu.memory_space<hbm>> -> memref<128x200xi32, #tpu.memory_space<hbm>>
    %dma_start3A_4 = arith.constant 0 : i32
    %dma_start3A_5 = tpu.memref_slice %arg2[%mul3A_2, %dma_start3A_4] : memref<4096x200xi32, #tpu.memory_space<hbm>> -> memref<128x200xi32, #tpu.memory_space<hbm>>
    tpu.enqueue_dma source(%dma_start3A_5 : memref<128x200xi32, #tpu.memory_space<hbm>>) target(%arg5 : memref<128x200xi32, #tpu.memory_space<vmem>>) target_semaphore(%arg9 : memref<!tpu.dma_semaphore, #tpu.memory_space<semaphore_mem>>)
    %dma_wait3A = arith.constant 0 : i32
    %dma_wait3A_6 = tpu.memref_slice %arg2[%mul3A_2, %dma_wait3A] : memref<4096x200xi32, #tpu.memory_space<hbm>> -> memref<128x200xi32, #tpu.memory_space<hbm>>
    %dma_wait3A_7 = arith.constant 0 : i32
    %dma_wait3A_8 = tpu.memref_slice %arg2[%mul3A_2, %dma_wait3A_7] : memref<4096x200xi32, #tpu.memory_space<hbm>> -> memref<128x200xi32, #tpu.memory_space<hbm>>
    tpu.wait_dma2 semaphore(%arg9 : memref<!tpu.dma_semaphore, #tpu.memory_space<semaphore_mem>>) src(%dma_wait3A_8 : memref<128x200xi32, #tpu.memory_space<hbm>>) dst(%arg5 : memref<128x200xi32, #tpu.memory_space<vmem>>)
    %scan3A = arith.constant 0 : i32
    %scan3A_9 = arith.constant 0 : i32
    %scan3A_10 = arith.constant 8 : i32
    %scan3A_11 = arith.addi %scan3A_9, %scan3A_10 : i32
    %scan3A_12 = arith.constant 1 : i32
    scf.for %scan3A_358 = %scan3A_9 to %scan3A_11 step %scan3A_12  : i32 {
      %mul3A_359 = arith.constant 16 : i32
      %mul3A_360 = arith.muli %scan3A_358, %mul3A_359 : i32
      %add3A_361 = vector.broadcast %mul3A_360 : i32 to vector<16xi32>
      %add3A_362 = arith.addi %iota3A, %add3A_361 : vector<16xi32>
      %broadcast_in_dim3A = arith.constant 0 : i32
      %broadcast_in_dim3A_363 = vector.broadcast %broadcast_in_dim3A : i32 to vector<16xi32>
      %add3A_364 = arith.constant 0 : i32
      %add3A_365 = vector.broadcast %add3A_364 : i32 to vector<16xi32>
      %add3A_366 = arith.addi %broadcast_in_dim3A_363, %add3A_365 : vector<16xi32>
      %gather3A = tpu.vector_load_idx %arg5[%add3A_362, %add3A_366] : memref<128x200xi32, #tpu.memory_space<vmem>>[vector<16xi32>, vector<16xi32>], vector<16xi32>,
      %mul3A_367 = arith.constant 16 : i32
      %mul3A_368 = arith.muli %scan3A_358, %mul3A_367 : i32
      %add3A_369 = arith.constant 0 : i32
      %add3A_370 = arith.addi %add3A_369, %mul3A_368 : i32
      %swap3A = arith.constant 0 : i32
      %swap3A_371 = arith.index_cast %swap3A : i32 to index
      %swap3A_372 = arith.index_cast %add3A_370 : i32 to index
      %swap3A_373 = tpu.vector_load %arg6[%swap3A_371, %swap3A_372] {strides = array<i32>} : memref<2x640xi32, #tpu.memory_space<vmem>>, vector<16xi32>,
      tpu.vector_store %arg6[%swap3A_371, %swap3A_372], %gather3A {strides = array<i32>} : memref<2x640xi32, #tpu.memory_space<vmem>>, vector<16xi32>,
      %broadcast_in_dim3A_374 = arith.constant 0 : i32
      %broadcast_in_dim3A_375 = vector.broadcast %broadcast_in_dim3A_374 : i32 to vector<16xi32>
      %add3A_376 = arith.constant 1 : i32
      %add3A_377 = vector.broadcast %add3A_376 : i32 to vector<16xi32>
      %add3A_378 = arith.addi %broadcast_in_dim3A_375, %add3A_377 : vector<16xi32>
      %gather3A_379 = tpu.vector_load_idx %arg5[%add3A_362, %add3A_378] : memref<128x200xi32, #tpu.memory_space<vmem>>[vector<16xi32>, vector<16xi32>], vector<16xi32>,
      %mul3A_380 = arith.constant 16 : i32
      %mul3A_381 = arith.muli %scan3A_358, %mul3A_380 : i32
      %add3A_382 = arith.constant 128 : i32
      %add3A_383 = arith.addi %add3A_382, %mul3A_381 : i32
      %swap3A_384 = arith.constant 0 : i32
      %swap3A_385 = arith.index_cast %swap3A_384 : i32 to index
      %swap3A_386 = arith.index_cast %add3A_383 : i32 to index
      %swap3A_387 = tpu.vector_load %arg6[%swap3A_385, %swap3A_386] {strides = array<i32>} : memref<2x640xi32, #tpu.memory_space<vmem>>, vector<16xi32>,
      tpu.vector_store %arg6[%swap3A_385, %swap3A_386], %gather3A_379 {strides = array<i32>} : memref<2x640xi32, #tpu.memory_space<vmem>>, vector<16xi32>,
      %broadcast_in_dim3A_388 = arith.constant 0 : i32
      %broadcast_in_dim3A_389 = vector.broadcast %broadcast_in_dim3A_388 : i32 to vector<16xi32>
      %add3A_390 = arith.constant 2 : i32
      %add3A_391 = vector.broadcast %add3A_390 : i32 to vector<16xi32>
      %add3A_392 = arith.addi %broadcast_in_dim3A_389, %add3A_391 : vector<16xi32>
      %gather3A_393 = tpu.vector_load_idx %arg5[%add3A_362, %add3A_392] : memref<128x200xi32, #tpu.memory_space<vmem>>[vector<16xi32>, vector<16xi32>], vector<16xi32>,
      %mul3A_394 = arith.constant 16 : i32
      %mul3A_395 = arith.muli %scan3A_358, %mul3A_394 : i32
      %add3A_396 = arith.constant 256 : i32
      %add3A_397 = arith.addi %add3A_396, %mul3A_395 : i32
      %swap3A_398 = arith.constant 0 : i32
      %swap3A_399 = arith.index_cast %swap3A_398 : i32 to index
      %swap3A_400 = arith.index_cast %add3A_397 : i32 to index
      %swap3A_401 = tpu.vector_load %arg6[%swap3A_399, %swap3A_400] {strides = array<i32>} : memref<2x640xi32, #tpu.memory_space<vmem>>, vector<16xi32>,
      tpu.vector_store %arg6[%swap3A_399, %swap3A_400], %gather3A_393 {strides = array<i32>} : memref<2x640xi32, #tpu.memory_space<vmem>>, vector<16xi32>,
      %broadcast_in_dim3A_402 = arith.constant 0 : i32
      %broadcast_in_dim3A_403 = vector.broadcast %broadcast_in_dim3A_402 : i32 to vector<16xi32>
      %add3A_404 = arith.constant 3 : i32
      %add3A_405 = vector.broadcast %add3A_404 : i32 to vector<16xi32>
      %add3A_406 = arith.addi %broadcast_in_dim3A_403, %add3A_405 : vector<16xi32>
      %gather3A_407 = tpu.vector_load_idx %arg5[%add3A_362, %add3A_406] : memref<128x200xi32, #tpu.memory_space<vmem>>[vector<16xi32>, vector<16xi32>], vector<16xi32>,
      %mul3A_408 = arith.constant 16 : i32
      %mul3A_409 = arith.muli %scan3A_358, %mul3A_408 : i32
      %add3A_410 = arith.constant 384 : i32
      %add3A_411 = arith.addi %add3A_410, %mul3A_409 : i32
      %swap3A_412 = arith.constant 0 : i32
      %swap3A_413 = arith.index_cast %swap3A_412 : i32 to index
      %swap3A_414 = arith.index_cast %add3A_411 : i32 to index
      %swap3A_415 = tpu.vector_load %arg6[%swap3A_413, %swap3A_414] {strides = array<i32>} : memref<2x640xi32, #tpu.memory_space<vmem>>, vector<16xi32>,
      tpu.vector_store %arg6[%swap3A_413, %swap3A_414], %gather3A_407 {strides = array<i32>} : memref<2x640xi32, #tpu.memory_space<vmem>>, vector<16xi32>,
      %broadcast_in_dim3A_416 = arith.constant 0 : i32
      %broadcast_in_dim3A_417 = vector.broadcast %broadcast_in_dim3A_416 : i32 to vector<16xi32>
      %add3A_418 = arith.constant 4 : i32
      %add3A_419 = vector.broadcast %add3A_418 : i32 to vector<16xi32>
      %add3A_420 = arith.addi %broadcast_in_dim3A_417, %add3A_419 : vector<16xi32>
      %gather3A_421 = tpu.vector_load_idx %arg5[%add3A_362, %add3A_420] : memref<128x200xi32, #tpu.memory_space<vmem>>[vector<16xi32>, vector<16xi32>], vector<16xi32>,
      %mul3A_422 = arith.constant 16 : i32
      %mul3A_423 = arith.muli %scan3A_358, %mul3A_422 : i32
      %add3A_424 = arith.constant 512 : i32
      %add3A_425 = arith.addi %add3A_424, %mul3A_423 : i32
      %swap3A_426 = arith.constant 0 : i32
      %swap3A_427 = arith.index_cast %swap3A_426 : i32 to index
      %swap3A_428 = arith.index_cast %add3A_425 : i32 to index
      %swap3A_429 = tpu.vector_load %arg6[%swap3A_427, %swap3A_428] {strides = array<i32>} : memref<2x640xi32, #tpu.memory_space<vmem>>, vector<16xi32>,
      tpu.vector_store %arg6[%swap3A_427, %swap3A_428], %gather3A_421 {strides = array<i32>} : memref<2x640xi32, #tpu.memory_space<vmem>>, vector<16xi32>,
    }
    %scan3A_13 = arith.constant 8 : i32
    %dma_start3A_14 = arith.constant 0 : i32
    %dma_start3A_15 = arith.constant 0 : i32
    %dma_start3A_16 = arith.constant 0 : i32
    %dma_start3A_17 = arith.constant 0 : i32
    %dma_start3A_18 = tpu.memref_slice %arg7[%dma_start3A_15, %dma_start3A_16, %dma_start3A_17] : memref<2x640x32xf32, #tpu.memory_space<vmem>> -> memref<1x640x32xf32, #tpu.memory_space<vmem>>
    %dma_start3A_19 = tpu.memref_squeeze %dma_start3A_18 : memref<1x640x32xf32, #tpu.memory_space<vmem>> -> memref<640x32xf32, #tpu.memory_space<vmem>>
    %dma_start3A_20 = arith.constant 0 : i32
    %dma_start3A_21 = tpu.memref_slice %arg6[%dma_start3A_14, %dma_start3A_20] : memref<2x640xi32, #tpu.memory_space<vmem>> -> memref<1x640xi32, #tpu.memory_space<vmem>>
    %dma_start3A_22 = tpu.memref_squeeze %dma_start3A_21 : memref<1x640xi32, #tpu.memory_space<vmem>> -> memref<640xi32, #tpu.memory_space<vmem>>
    %dma_start3A_23 = arith.constant 0 : i32
    %dma_start3A_24 = arith.constant 0 : i32
    %dma_start3A_25 = tpu.memref_slice %arg3[%dma_start3A_23, %dma_start3A_24] : memref<1000000x32xf32, #tpu.memory_space<hbm>> -> memref<1000000x32xf32, #tpu.memory_space<hbm>>
    tpu.enqueue_indirect_dma source(%dma_start3A_25 : memref<1000000x32xf32, #tpu.memory_space<hbm>>) target(%dma_start3A_19 : memref<640x32xf32, #tpu.memory_space<vmem>>) offsets(%dma_start3A_22 : memref<640xi32, #tpu.memory_space<vmem>>) semaphore(%arg10 : memref<!tpu.dma_semaphore, #tpu.memory_space<semaphore_mem>>)
    %scan3A_26 = arith.constant 0 : i32
    %scan3A_27 = arith.constant 0 : i32
    %scan3A_28 = arith.constant 8 : i32
    %scan3A_29 = arith.addi %scan3A_27, %scan3A_28 : i32
    %scan3A_30 = arith.constant 1 : i32
    scf.for %scan3A_358 = %scan3A_27 to %scan3A_29 step %scan3A_30  : i32 {
      %mul3A_359 = arith.constant 16 : i32
      %mul3A_360 = arith.muli %scan3A_358, %mul3A_359 : i32
      %add3A_361 = vector.broadcast %mul3A_360 : i32 to vector<16xi32>
      %add3A_362 = arith.addi %iota3A, %add3A_361 : vector<16xi32>
      %broadcast_in_dim3A = arith.constant 0 : i32
      %broadcast_in_dim3A_363 = vector.broadcast %broadcast_in_dim3A : i32 to vector<16xi32>
      %add3A_364 = arith.constant 5 : i32
      %add3A_365 = vector.broadcast %add3A_364 : i32 to vector<16xi32>
      %add3A_366 = arith.addi %broadcast_in_dim3A_363, %add3A_365 : vector<16xi32>
      %gather3A = tpu.vector_load_idx %arg5[%add3A_362, %add3A_366] : memref<128x200xi32, #tpu.memory_space<vmem>>[vector<16xi32>, vector<16xi32>], vector<16xi32>,
      %mul3A_367 = arith.constant 16 : i32
      %mul3A_368 = arith.muli %scan3A_358, %mul3A_367 : i32
      %add3A_369 = arith.constant 0 : i32
      %add3A_370 = arith.addi %add3A_369, %mul3A_368 : i32
      %swap3A = arith.constant 1 : i32
      %swap3A_371 = arith.index_cast %swap3A : i32 to index
      %swap3A_372 = arith.index_cast %add3A_370 : i32 to index
      %swap3A_373 = tpu.vector_load %arg6[%swap3A_371, %swap3A_372] {strides = array<i32>} : memref<2x640xi32, #tpu.memory_space<vmem>>, vector<16xi32>,
      tpu.vector_store %arg6[%swap3A_371, %swap3A_372], %gather3A {strides = array<i32>} : memref<2x640xi32, #tpu.memory_space<vmem>>, vector<16xi32>,
      %broadcast_in_dim3A_374 = arith.constant 0 : i32
      %broadcast_in_dim3A_375 = vector.broadcast %broadcast_in_dim3A_374 : i32 to vector<16xi32>
      %add3A_376 = arith.constant 6 : i32
      %add3A_377 = vector.broadcast %add3A_376 : i32 to vector<16xi32>
      %add3A_378 = arith.addi %broadcast_in_dim3A_375, %add3A_377 : vector<16xi32>
      %gather3A_379 = tpu.vector_load_idx %arg5[%add3A_362, %add3A_378] : memref<128x200xi32, #tpu.memory_space<vmem>>[vector<16xi32>, vector<16xi32>], vector<16xi32>,
      %mul3A_380 = arith.constant 16 : i32
      %mul3A_381 = arith.muli %scan3A_358, %mul3A_380 : i32
      %add3A_382 = arith.constant 128 : i32
      %add3A_383 = arith.addi %add3A_382, %mul3A_381 : i32
      %swap3A_384 = arith.constant 1 : i32
      %swap3A_385 = arith.index_cast %swap3A_384 : i32 to index
      %swap3A_386 = arith.index_cast %add3A_383 : i32 to index
      %swap3A_387 = tpu.vector_load %arg6[%swap3A_385, %swap3A_386] {strides = array<i32>} : memref<2x640xi32, #tpu.memory_space<vmem>>, vector<16xi32>,
      tpu.vector_store %arg6[%swap3A_385, %swap3A_386], %gather3A_379 {strides = array<i32>} : memref<2x640xi32, #tpu.memory_space<vmem>>, vector<16xi32>,
      %broadcast_in_dim3A_388 = arith.constant 0 : i32
      %broadcast_in_dim3A_389 = vector.broadcast %broadcast_in_dim3A_388 : i32 to vector<16xi32>
      %add3A_390 = arith.constant 7 : i32
      %add3A_391 = vector.broadcast %add3A_390 : i32 to vector<16xi32>
      %add3A_392 = arith.addi %broadcast_in_dim3A_389, %add3A_391 : vector<16xi32>
      %gather3A_393 = tpu.vector_load_idx %arg5[%add3A_362, %add3A_392] : memref<128x200xi32, #tpu.memory_space<vmem>>[vector<16xi32>, vector<16xi32>], vector<16xi32>,
      %mul3A_394 = arith.constant 16 : i32
      %mul3A_395 = arith.muli %scan3A_358, %mul3A_394 : i32
      %add3A_396 = arith.constant 256 : i32
      %add3A_397 = arith.addi %add3A_396, %mul3A_395 : i32
      %swap3A_398 = arith.constant 1 : i32
      %swap3A_399 = arith.index_cast %swap3A_398 : i32 to index
      %swap3A_400 = arith.index_cast %add3A_397 : i32 to index
      %swap3A_401 = tpu.vector_load %arg6[%swap3A_399, %swap3A_400] {strides = array<i32>} : memref<2x640xi32, #tpu.memory_space<vmem>>, vector<16xi32>,
      tpu.vector_store %arg6[%swap3A_399, %swap3A_400], %gather3A_393 {strides = array<i32>} : memref<2x640xi32, #tpu.memory_space<vmem>>, vector<16xi32>,
      %broadcast_in_dim3A_402 = arith.constant 0 : i32
      %broadcast_in_dim3A_403 = vector.broadcast %broadcast_in_dim3A_402 : i32 to vector<16xi32>
      %add3A_404 = arith.constant 8 : i32
      %add3A_405 = vector.broadcast %add3A_404 : i32 to vector<16xi32>
      %add3A_406 = arith.addi %broadcast_in_dim3A_403, %add3A_405 : vector<16xi32>
      %gather3A_407 = tpu.vector_load_idx %arg5[%add3A_362, %add3A_406] : memref<128x200xi32, #tpu.memory_space<vmem>>[vector<16xi32>, vector<16xi32>], vector<16xi32>,
      %mul3A_408 = arith.constant 16 : i32
      %mul3A_409 = arith.muli %scan3A_358, %mul3A_408 : i32
      %add3A_410 = arith.constant 384 : i32
      %add3A_411 = arith.addi %add3A_410, %mul3A_409 : i32
      %swap3A_412 = arith.constant 1 : i32
      %swap3A_413 = arith.index_cast %swap3A_412 : i32 to index
      %swap3A_414 = arith.index_cast %add3A_411 : i32 to index
      %swap3A_415 = tpu.vector_load %arg6[%swap3A_413, %swap3A_414] {strides = array<i32>} : memref<2x640xi32, #tpu.memory_space<vmem>>, vector<16xi32>,
      tpu.vector_store %arg6[%swap3A_413, %swap3A_414], %gather3A_407 {strides = array<i32>} : memref<2x640xi32, #tpu.memory_space<vmem>>, vector<16xi32>,
      %broadcast_in_dim3A_416 = arith.constant 0 : i32
      %broadcast_in_dim3A_417 = vector.broadcast %broadcast_in_dim3A_416 : i32 to vector<16xi32>
      %add3A_418 = arith.constant 9 : i32
      %add3A_419 = vector.broadcast %add3A_418 : i32 to vector<16xi32>
      %add3A_420 = arith.addi %broadcast_in_dim3A_417, %add3A_419 : vector<16xi32>
      %gather3A_421 = tpu.vector_load_idx %arg5[%add3A_362, %add3A_420] : memref<128x200xi32, #tpu.memory_space<vmem>>[vector<16xi32>, vector<16xi32>], vector<16xi32>,
      %mul3A_422 = arith.constant 16 : i32
      %mul3A_423 = arith.muli %scan3A_358, %mul3A_422 : i32
      %add3A_424 = arith.constant 512 : i32
      %add3A_425 = arith.addi %add3A_424, %mul3A_423 : i32
      %swap3A_426 = arith.constant 1 : i32
      %swap3A_427 = arith.index_cast %swap3A_426 : i32 to index
      %swap3A_428 = arith.index_cast %add3A_425 : i32 to index
      %swap3A_429 = tpu.vector_load %arg6[%swap3A_427, %swap3A_428] {strides = array<i32>} : memref<2x640xi32, #tpu.memory_space<vmem>>, vector<16xi32>,
      tpu.vector_store %arg6[%swap3A_427, %swap3A_428], %gather3A_421 {strides = array<i32>} : memref<2x640xi32, #tpu.memory_space<vmem>>, vector<16xi32>,
    }
    %scan3A_31 = arith.constant 8 : i32
    %dma_start3A_32 = arith.constant 1 : i32
    %dma_start3A_33 = arith.constant 1 : i32
    %dma_start3A_34 = arith.constant 0 : i32
    %dma_start3A_35 = arith.constant 0 : i32
    %dma_start3A_36 = tpu.memref_slice %arg7[%dma_start3A_33, %dma_start3A_34, %dma_start3A_35] : memref<2x640x32xf32, #tpu.memory_space<vmem>> -> memref<1x640x32xf32, #tpu.memory_space<vmem>>
    %dma_start3A_37 = tpu.memref_squeeze %dma_start3A_36 : memref<1x640x32xf32, #tpu.memory_space<vmem>> -> memref<640x32xf32, #tpu.memory_space<vmem>>
    %dma_start3A_38 = arith.constant 0 : i32
    %dma_start3A_39 = tpu.memref_slice %arg6[%dma_start3A_32, %dma_start3A_38] : memref<2x640xi32, #tpu.memory_space<vmem>> -> memref<1x640xi32, #tpu.memory_space<vmem>>
    %dma_start3A_40 = tpu.memref_squeeze %dma_start3A_39 : memref<1x640xi32, #tpu.memory_space<vmem>> -> memref<640xi32, #tpu.memory_space<vmem>>
    %dma_start3A_41 = arith.constant 0 : i32
    %dma_start3A_42 = arith.constant 0 : i32
    %dma_start3A_43 = tpu.memref_slice %arg3[%dma_start3A_41, %dma_start3A_42] : memref<1000000x32xf32, #tpu.memory_space<hbm>> -> memref<1000000x32xf32, #tpu.memory_space<hbm>>
    tpu.enqueue_indirect_dma source(%dma_start3A_43 : memref<1000000x32xf32, #tpu.memory_space<hbm>>) target(%dma_start3A_37 : memref<640x32xf32, #tpu.memory_space<vmem>>) offsets(%dma_start3A_40 : memref<640xi32, #tpu.memory_space<vmem>>) semaphore(%arg11 : memref<!tpu.dma_semaphore, #tpu.memory_space<semaphore_mem>>)
    %dma_wait3A_44 = arith.constant 0 : i32
    %dma_wait3A_45 = arith.constant 0 : i32
    %dma_wait3A_46 = arith.constant 0 : i32
    %dma_wait3A_47 = arith.constant 0 : i32
    %dma_wait3A_48 = tpu.memref_slice %arg7[%dma_wait3A_45, %dma_wait3A_46, %dma_wait3A_47] : memref<2x640x32xf32, #tpu.memory_space<vmem>> -> memref<1x640x32xf32, #tpu.memory_space<vmem>>
    %dma_wait3A_49 = tpu.memref_squeeze %dma_wait3A_48 : memref<1x640x32xf32, #tpu.memory_space<vmem>> -> memref<640x32xf32, #tpu.memory_space<vmem>>
    %dma_wait3A_50 = arith.constant 0 : i32
    %dma_wait3A_51 = tpu.memref_slice %arg6[%dma_wait3A_44, %dma_wait3A_50] : memref<2x640xi32, #tpu.memory_space<vmem>> -> memref<1x640xi32, #tpu.memory_space<vmem>>
    %dma_wait3A_52 = tpu.memref_squeeze %dma_wait3A_51 : memref<1x640xi32, #tpu.memory_space<vmem>> -> memref<640xi32, #tpu.memory_space<vmem>>
    %dma_wait3A_53 = arith.constant 0 : i32
    %dma_wait3A_54 = arith.constant 0 : i32
    %dma_wait3A_55 = tpu.memref_slice %arg3[%dma_wait3A_53, %dma_wait3A_54] : memref<1000000x32xf32, #tpu.memory_space<hbm>> -> memref<1000000x32xf32, #tpu.memory_space<hbm>>
    tpu.wait_indirect_dma semaphore(%arg10 : memref<!tpu.dma_semaphore, #tpu.memory_space<semaphore_mem>>) src(%dma_wait3A_55 : memref<1000000x32xf32, #tpu.memory_space<hbm>>) dst(%dma_wait3A_49 : memref<640x32xf32, #tpu.memory_space<vmem>>)
    %scan3A_56 = arith.constant 0 : i32
    %scan3A_57 = arith.constant 0 : i32
    %scan3A_58 = arith.constant 128 : i32
    %scan3A_59 = arith.addi %scan3A_57, %scan3A_58 : i32
    %scan3A_60 = arith.constant 1 : i32
    scf.for %scan3A_358 = %scan3A_57 to %scan3A_59 step %scan3A_60  : i32 {
      %broadcast_in_dim3A = arith.constant 0 : i32
      %broadcast_in_dim3A_359 = vector.broadcast %broadcast_in_dim3A : i32 to vector<16xi32>
      %add3A_360 = vector.broadcast %scan3A_358 : i32 to vector<16xi32>
      %add3A_361 = arith.addi %broadcast_in_dim3A_359, %add3A_360 : vector<16xi32>
      %add3A_362 = arith.constant 0 : i32
      %add3A_363 = arith.addi %add3A_362, %scan3A_358 : i32
      %get3A = arith.constant 0 : i32
      %get3A_364 = arith.index_cast %get3A : i32 to index
      %get3A_365 = arith.index_cast %add3A_363 : i32 to index
      %get3A_366 = arith.constant 0 : index
      %get3A_367 = tpu.vector_load %arg7[%get3A_364, %get3A_365, %get3A_366] {strides = array<i32>} : memref<2x640x32xf32, #tpu.memory_space<vmem>>, vector<16xf32>,
      %add3A_368 = arith.constant 0 : i32
      %add3A_369 = vector.broadcast %add3A_368 : i32 to vector<16xi32>
      %add3A_370 = arith.addi %iota3A, %add3A_369 : vector<16xi32>
      %broadcast_in_dim3A_371 = arith.constant 0 : i32
      %broadcast_in_dim3A_372 = vector.broadcast %broadcast_in_dim3A_371 : i32 to vector<16xi32>
      %shift_right_logical3A = arith.constant 3 : i32
      %shift_right_logical3A_373 = vector.broadcast %shift_right_logical3A : i32 to vector<16xi32>
      %shift_right_logical3A_374 = arith.shrui %add3A_370, %shift_right_logical3A_373 : vector<16xi32>
      %and3A = arith.constant 7 : i32
      %and3A_375 = vector.broadcast %and3A : i32 to vector<16xi32>
      %and3A_376 = arith.andi %add3A_370, %and3A_375 : vector<16xi32>
      %scatter3A = arith.constant 0 : i32
      %scatter3A_377 = arith.constant 0 : i32
      %scatter3A_378 = arith.constant 0 : i32
      %scatter3A_379 = arith.constant 0 : i32
      %scatter3A_380 = arith.constant 0 : i32
      %scatter3A_381 = tpu.memref_slice %arg8[%scatter3A, %scatter3A_377, %scatter3A_378, %scatter3A_379, %scatter3A_380] : memref<2x5x4x8x129xf32, #tpu.memory_space<vmem>> -> memref<1x5x4x8x129xf32, #tpu.memory_space<vmem>>
      %scatter3A_382 = tpu.memref_squeeze %scatter3A_381 : memref<1x5x4x8x129xf32, #tpu.memory_space<vmem>> -> memref<5x4x8x129xf32, #tpu.memory_space<vmem>>
      tpu.vector_store_idx %scatter3A_382[%broadcast_in_dim3A_372, %shift_right_logical3A_374, %and3A_376, %add3A_361], %get3A_367 : memref<5x4x8x129xf32, #tpu.memory_space<vmem>>[vector<16xi32>, vector<16xi32>, vector<16xi32>, vector<16xi32>], vector<16xf32>,
      %add3A_383 = arith.constant 0 : i32
      %add3A_384 = arith.addi %add3A_383, %scan3A_358 : i32
      %get3A_385 = arith.constant 0 : i32
      %get3A_386 = arith.index_cast %get3A_385 : i32 to index
      %get3A_387 = arith.index_cast %add3A_384 : i32 to index
      %get3A_388 = arith.constant 16 : index
      %get3A_389 = tpu.vector_load %arg7[%get3A_386, %get3A_387, %get3A_388] {strides = array<i32>} : memref<2x640x32xf32, #tpu.memory_space<vmem>>, vector<16xf32>,
      %add3A_390 = arith.constant 16 : i32
      %add3A_391 = vector.broadcast %add3A_390 : i32 to vector<16xi32>
      %add3A_392 = arith.addi %iota3A, %add3A_391 : vector<16xi32>
      %broadcast_in_dim3A_393 = arith.constant 0 : i32
      %broadcast_in_dim3A_394 = vector.broadcast %broadcast_in_dim3A_393 : i32 to vector<16xi32>
      %shift_right_logical3A_395 = arith.constant 3 : i32
      %shift_right_logical3A_396 = vector.broadcast %shift_right_logical3A_395 : i32 to vector<16xi32>
      %shift_right_logical3A_397 = arith.shrui %add3A_392, %shift_right_logical3A_396 : vector<16xi32>
      %and3A_398 = arith.constant 7 : i32
      %and3A_399 = vector.broadcast %and3A_398 : i32 to vector<16xi32>
      %and3A_400 = arith.andi %add3A_392, %and3A_399 : vector<16xi32>
      %scatter3A_401 = arith.constant 0 : i32
      %scatter3A_402 = arith.constant 0 : i32
      %scatter3A_403 = arith.constant 0 : i32
      %scatter3A_404 = arith.constant 0 : i32
      %scatter3A_405 = arith.constant 0 : i32
      %scatter3A_406 = tpu.memref_slice %arg8[%scatter3A_401, %scatter3A_402, %scatter3A_403, %scatter3A_404, %scatter3A_405] : memref<2x5x4x8x129xf32, #tpu.memory_space<vmem>> -> memref<1x5x4x8x129xf32, #tpu.memory_space<vmem>>
      %scatter3A_407 = tpu.memref_squeeze %scatter3A_406 : memref<1x5x4x8x129xf32, #tpu.memory_space<vmem>> -> memref<5x4x8x129xf32, #tpu.memory_space<vmem>>
      tpu.vector_store_idx %scatter3A_407[%broadcast_in_dim3A_394, %shift_right_logical3A_397, %and3A_400, %add3A_361], %get3A_389 : memref<5x4x8x129xf32, #tpu.memory_space<vmem>>[vector<16xi32>, vector<16xi32>, vector<16xi32>, vector<16xi32>], vector<16xf32>,
      %add3A_408 = arith.constant 128 : i32
      %add3A_409 = arith.addi %add3A_408, %scan3A_358 : i32
      %get3A_410 = arith.constant 0 : i32
      %get3A_411 = arith.index_cast %get3A_410 : i32 to index
      %get3A_412 = arith.index_cast %add3A_409 : i32 to index
      %get3A_413 = arith.constant 0 : index
      %get3A_414 = tpu.vector_load %arg7[%get3A_411, %get3A_412, %get3A_413] {strides = array<i32>} : memref<2x640x32xf32, #tpu.memory_space<vmem>>, vector<16xf32>,
      %add3A_415 = arith.constant 0 : i32
      %add3A_416 = vector.broadcast %add3A_415 : i32 to vector<16xi32>
      %add3A_417 = arith.addi %iota3A, %add3A_416 : vector<16xi32>
      %broadcast_in_dim3A_418 = arith.constant 1 : i32
      %broadcast_in_dim3A_419 = vector.broadcast %broadcast_in_dim3A_418 : i32 to vector<16xi32>
      %shift_right_logical3A_420 = arith.constant 3 : i32
      %shift_right_logical3A_421 = vector.broadcast %shift_right_logical3A_420 : i32 to vector<16xi32>
      %shift_right_logical3A_422 = arith.shrui %add3A_417, %shift_right_logical3A_421 : vector<16xi32>
      %and3A_423 = arith.constant 7 : i32
      %and3A_424 = vector.broadcast %and3A_423 : i32 to vector<16xi32>
      %and3A_425 = arith.andi %add3A_417, %and3A_424 : vector<16xi32>
      %scatter3A_426 = arith.constant 0 : i32
      %scatter3A_427 = arith.constant 0 : i32
      %scatter3A_428 = arith.constant 0 : i32
      %scatter3A_429 = arith.constant 0 : i32
      %scatter3A_430 = arith.constant 0 : i32
      %scatter3A_431 = tpu.memref_slice %arg8[%scatter3A_426, %scatter3A_427, %scatter3A_428, %scatter3A_429, %scatter3A_430] : memref<2x5x4x8x129xf32, #tpu.memory_space<vmem>> -> memref<1x5x4x8x129xf32, #tpu.memory_space<vmem>>
      %scatter3A_432 = tpu.memref_squeeze %scatter3A_431 : memref<1x5x4x8x129xf32, #tpu.memory_space<vmem>> -> memref<5x4x8x129xf32, #tpu.memory_space<vmem>>
      tpu.vector_store_idx %scatter3A_432[%broadcast_in_dim3A_419, %shift_right_logical3A_422, %and3A_425, %add3A_361], %get3A_414 : memref<5x4x8x129xf32, #tpu.memory_space<vmem>>[vector<16xi32>, vector<16xi32>, vector<16xi32>, vector<16xi32>], vector<16xf32>,
      %add3A_433 = arith.constant 128 : i32
      %add3A_434 = arith.addi %add3A_433, %scan3A_358 : i32
      %get3A_435 = arith.constant 0 : i32
      %get3A_436 = arith.index_cast %get3A_435 : i32 to index
      %get3A_437 = arith.index_cast %add3A_434 : i32 to index
      %get3A_438 = arith.constant 16 : index
      %get3A_439 = tpu.vector_load %arg7[%get3A_436, %get3A_437, %get3A_438] {strides = array<i32>} : memref<2x640x32xf32, #tpu.memory_space<vmem>>, vector<16xf32>,
      %add3A_440 = arith.constant 16 : i32
      %add3A_441 = vector.broadcast %add3A_440 : i32 to vector<16xi32>
      %add3A_442 = arith.addi %iota3A, %add3A_441 : vector<16xi32>
      %broadcast_in_dim3A_443 = arith.constant 1 : i32
      %broadcast_in_dim3A_444 = vector.broadcast %broadcast_in_dim3A_443 : i32 to vector<16xi32>
      %shift_right_logical3A_445 = arith.constant 3 : i32
      %shift_right_logical3A_446 = vector.broadcast %shift_right_logical3A_445 : i32 to vector<16xi32>
      %shift_right_logical3A_447 = arith.shrui %add3A_442, %shift_right_logical3A_446 : vector<16xi32>
      %and3A_448 = arith.constant 7 : i32
      %and3A_449 = vector.broadcast %and3A_448 : i32 to vector<16xi32>
      %and3A_450 = arith.andi %add3A_442, %and3A_449 : vector<16xi32>
      %scatter3A_451 = arith.constant 0 : i32
      %scatter3A_452 = arith.constant 0 : i32
      %scatter3A_453 = arith.constant 0 : i32
      %scatter3A_454 = arith.constant 0 : i32
      %scatter3A_455 = arith.constant 0 : i32
      %scatter3A_456 = tpu.memref_slice %arg8[%scatter3A_451, %scatter3A_452, %scatter3A_453, %scatter3A_454, %scatter3A_455] : memref<2x5x4x8x129xf32, #tpu.memory_space<vmem>> -> memref<1x5x4x8x129xf32, #tpu.memory_space<vmem>>
      %scatter3A_457 = tpu.memref_squeeze %scatter3A_456 : memref<1x5x4x8x129xf32, #tpu.memory_space<vmem>> -> memref<5x4x8x129xf32, #tpu.memory_space<vmem>>
      tpu.vector_store_idx %scatter3A_457[%broadcast_in_dim3A_444, %shift_right_logical3A_447, %and3A_450, %add3A_361], %get3A_439 : memref<5x4x8x129xf32, #tpu.memory_space<vmem>>[vector<16xi32>, vector<16xi32>, vector<16xi32>, vector<16xi32>], vector<16xf32>,
      %add3A_458 = arith.constant 256 : i32
      %add3A_459 = arith.addi %add3A_458, %scan3A_358 : i32
      %get3A_460 = arith.constant 0 : i32
      %get3A_461 = arith.index_cast %get3A_460 : i32 to index
      %get3A_462 = arith.index_cast %add3A_459 : i32 to index
      %get3A_463 = arith.constant 0 : index
      %get3A_464 = tpu.vector_load %arg7[%get3A_461, %get3A_462, %get3A_463] {strides = array<i32>} : memref<2x640x32xf32, #tpu.memory_space<vmem>>, vector<16xf32>,
      %add3A_465 = arith.constant 0 : i32
      %add3A_466 = vector.broadcast %add3A_465 : i32 to vector<16xi32>
      %add3A_467 = arith.addi %iota3A, %add3A_466 : vector<16xi32>
      %broadcast_in_dim3A_468 = arith.constant 2 : i32
      %broadcast_in_dim3A_469 = vector.broadcast %broadcast_in_dim3A_468 : i32 to vector<16xi32>
      %shift_right_logical3A_470 = arith.constant 3 : i32
      %shift_right_logical3A_471 = vector.broadcast %shift_right_logical3A_470 : i32 to vector<16xi32>
      %shift_right_logical3A_472 = arith.shrui %add3A_467, %shift_right_logical3A_471 : vector<16xi32>
      %and3A_473 = arith.constant 7 : i32
      %and3A_474 = vector.broadcast %and3A_473 : i32 to vector<16xi32>
      %and3A_475 = arith.andi %add3A_467, %and3A_474 : vector<16xi32>
      %scatter3A_476 = arith.constant 0 : i32
      %scatter3A_477 = arith.constant 0 : i32
      %scatter3A_478 = arith.constant 0 : i32
      %scatter3A_479 = arith.constant 0 : i32
      %scatter3A_480 = arith.constant 0 : i32
      %scatter3A_481 = tpu.memref_slice %arg8[%scatter3A_476, %scatter3A_477, %scatter3A_478, %scatter3A_479, %scatter3A_480] : memref<2x5x4x8x129xf32, #tpu.memory_space<vmem>> -> memref<1x5x4x8x129xf32, #tpu.memory_space<vmem>>
      %scatter3A_482 = tpu.memref_squeeze %scatter3A_481 : memref<1x5x4x8x129xf32, #tpu.memory_space<vmem>> -> memref<5x4x8x129xf32, #tpu.memory_space<vmem>>
      tpu.vector_store_idx %scatter3A_482[%broadcast_in_dim3A_469, %shift_right_logical3A_472, %and3A_475, %add3A_361], %get3A_464 : memref<5x4x8x129xf32, #tpu.memory_space<vmem>>[vector<16xi32>, vector<16xi32>, vector<16xi32>, vector<16xi32>], vector<16xf32>,
      %add3A_483 = arith.constant 256 : i32
      %add3A_484 = arith.addi %add3A_483, %scan3A_358 : i32
      %get3A_485 = arith.constant 0 : i32
      %get3A_486 = arith.index_cast %get3A_485 : i32 to index
      %get3A_487 = arith.index_cast %add3A_484 : i32 to index
      %get3A_488 = arith.constant 16 : index
      %get3A_489 = tpu.vector_load %arg7[%get3A_486, %get3A_487, %get3A_488] {strides = array<i32>} : memref<2x640x32xf32, #tpu.memory_space<vmem>>, vector<16xf32>,
      %add3A_490 = arith.constant 16 : i32
      %add3A_491 = vector.broadcast %add3A_490 : i32 to vector<16xi32>
      %add3A_492 = arith.addi %iota3A, %add3A_491 : vector<16xi32>
      %broadcast_in_dim3A_493 = arith.constant 2 : i32
      %broadcast_in_dim3A_494 = vector.broadcast %broadcast_in_dim3A_493 : i32 to vector<16xi32>
      %shift_right_logical3A_495 = arith.constant 3 : i32
      %shift_right_logical3A_496 = vector.broadcast %shift_right_logical3A_495 : i32 to vector<16xi32>
      %shift_right_logical3A_497 = arith.shrui %add3A_492, %shift_right_logical3A_496 : vector<16xi32>
      %and3A_498 = arith.constant 7 : i32
      %and3A_499 = vector.broadcast %and3A_498 : i32 to vector<16xi32>
      %and3A_500 = arith.andi %add3A_492, %and3A_499 : vector<16xi32>
      %scatter3A_501 = arith.constant 0 : i32
      %scatter3A_502 = arith.constant 0 : i32
      %scatter3A_503 = arith.constant 0 : i32
      %scatter3A_504 = arith.constant 0 : i32
      %scatter3A_505 = arith.constant 0 : i32
      %scatter3A_506 = tpu.memref_slice %arg8[%scatter3A_501, %scatter3A_502, %scatter3A_503, %scatter3A_504, %scatter3A_505] : memref<2x5x4x8x129xf32, #tpu.memory_space<vmem>> -> memref<1x5x4x8x129xf32, #tpu.memory_space<vmem>>
      %scatter3A_507 = tpu.memref_squeeze %scatter3A_506 : memref<1x5x4x8x129xf32, #tpu.memory_space<vmem>> -> memref<5x4x8x129xf32, #tpu.memory_space<vmem>>
      tpu.vector_store_idx %scatter3A_507[%broadcast_in_dim3A_494, %shift_right_logical3A_497, %and3A_500, %add3A_361], %get3A_489 : memref<5x4x8x129xf32, #tpu.memory_space<vmem>>[vector<16xi32>, vector<16xi32>, vector<16xi32>, vector<16xi32>], vector<16xf32>,
      %add3A_508 = arith.constant 384 : i32
      %add3A_509 = arith.addi %add3A_508, %scan3A_358 : i32
      %get3A_510 = arith.constant 0 : i32
      %get3A_511 = arith.index_cast %get3A_510 : i32 to index
      %get3A_512 = arith.index_cast %add3A_509 : i32 to index
      %get3A_513 = arith.constant 0 : index
      %get3A_514 = tpu.vector_load %arg7[%get3A_511, %get3A_512, %get3A_513] {strides = array<i32>} : memref<2x640x32xf32, #tpu.memory_space<vmem>>, vector<16xf32>,
      %add3A_515 = arith.constant 0 : i32
      %add3A_516 = vector.broadcast %add3A_515 : i32 to vector<16xi32>
      %add3A_517 = arith.addi %iota3A, %add3A_516 : vector<16xi32>
      %broadcast_in_dim3A_518 = arith.constant 3 : i32
      %broadcast_in_dim3A_519 = vector.broadcast %broadcast_in_dim3A_518 : i32 to vector<16xi32>
      %shift_right_logical3A_520 = arith.constant 3 : i32
      %shift_right_logical3A_521 = vector.broadcast %shift_right_logical3A_520 : i32 to vector<16xi32>
      %shift_right_logical3A_522 = arith.shrui %add3A_517, %shift_right_logical3A_521 : vector<16xi32>
      %and3A_523 = arith.constant 7 : i32
      %and3A_524 = vector.broadcast %and3A_523 : i32 to vector<16xi32>
      %and3A_525 = arith.andi %add3A_517, %and3A_524 : vector<16xi32>
      %scatter3A_526 = arith.constant 0 : i32
      %scatter3A_527 = arith.constant 0 : i32
      %scatter3A_528 = arith.constant 0 : i32
      %scatter3A_529 = arith.constant 0 : i32
      %scatter3A_530 = arith.constant 0 : i32
      %scatter3A_531 = tpu.memref_slice %arg8[%scatter3A_526, %scatter3A_527, %scatter3A_528, %scatter3A_529, %scatter3A_530] : memref<2x5x4x8x129xf32, #tpu.memory_space<vmem>> -> memref<1x5x4x8x129xf32, #tpu.memory_space<vmem>>
      %scatter3A_532 = tpu.memref_squeeze %scatter3A_531 : memref<1x5x4x8x129xf32, #tpu.memory_space<vmem>> -> memref<5x4x8x129xf32, #tpu.memory_space<vmem>>
      tpu.vector_store_idx %scatter3A_532[%broadcast_in_dim3A_519, %shift_right_logical3A_522, %and3A_525, %add3A_361], %get3A_514 : memref<5x4x8x129xf32, #tpu.memory_space<vmem>>[vector<16xi32>, vector<16xi32>, vector<16xi32>, vector<16xi32>], vector<16xf32>,
      %add3A_533 = arith.constant 384 : i32
      %add3A_534 = arith.addi %add3A_533, %scan3A_358 : i32
      %get3A_535 = arith.constant 0 : i32
      %get3A_536 = arith.index_cast %get3A_535 : i32 to index
      %get3A_537 = arith.index_cast %add3A_534 : i32 to index
      %get3A_538 = arith.constant 16 : index
      %get3A_539 = tpu.vector_load %arg7[%get3A_536, %get3A_537, %get3A_538] {strides = array<i32>} : memref<2x640x32xf32, #tpu.memory_space<vmem>>, vector<16xf32>,
      %add3A_540 = arith.constant 16 : i32
      %add3A_541 = vector.broadcast %add3A_540 : i32 to vector<16xi32>
      %add3A_542 = arith.addi %iota3A, %add3A_541 : vector<16xi32>
      %broadcast_in_dim3A_543 = arith.constant 3 : i32
      %broadcast_in_dim3A_544 = vector.broadcast %broadcast_in_dim3A_543 : i32 to vector<16xi32>
      %shift_right_logical3A_545 = arith.constant 3 : i32
      %shift_right_logical3A_546 = vector.broadcast %shift_right_logical3A_545 : i32 to vector<16xi32>
      %shift_right_logical3A_547 = arith.shrui %add3A_542, %shift_right_logical3A_546 : vector<16xi32>
      %and3A_548 = arith.constant 7 : i32
      %and3A_549 = vector.broadcast %and3A_548 : i32 to vector<16xi32>
      %and3A_550 = arith.andi %add3A_542, %and3A_549 : vector<16xi32>
      %scatter3A_551 = arith.constant 0 : i32
      %scatter3A_552 = arith.constant 0 : i32
      %scatter3A_553 = arith.constant 0 : i32
      %scatter3A_554 = arith.constant 0 : i32
      %scatter3A_555 = arith.constant 0 : i32
      %scatter3A_556 = tpu.memref_slice %arg8[%scatter3A_551, %scatter3A_552, %scatter3A_553, %scatter3A_554, %scatter3A_555] : memref<2x5x4x8x129xf32, #tpu.memory_space<vmem>> -> memref<1x5x4x8x129xf32, #tpu.memory_space<vmem>>
      %scatter3A_557 = tpu.memref_squeeze %scatter3A_556 : memref<1x5x4x8x129xf32, #tpu.memory_space<vmem>> -> memref<5x4x8x129xf32, #tpu.memory_space<vmem>>
      tpu.vector_store_idx %scatter3A_557[%broadcast_in_dim3A_544, %shift_right_logical3A_547, %and3A_550, %add3A_361], %get3A_539 : memref<5x4x8x129xf32, #tpu.memory_space<vmem>>[vector<16xi32>, vector<16xi32>, vector<16xi32>, vector<16xi32>], vector<16xf32>,
      %add3A_558 = arith.constant 512 : i32
      %add3A_559 = arith.addi %add3A_558, %scan3A_358 : i32
      %get3A_560 = arith.constant 0 : i32
      %get3A_561 = arith.index_cast %get3A_560 : i32 to index
      %get3A_562 = arith.index_cast %add3A_559 : i32 to index
      %get3A_563 = arith.constant 0 : index
      %get3A_564 = tpu.vector_load %arg7[%get3A_561, %get3A_562, %get3A_563] {strides = array<i32>} : memref<2x640x32xf32, #tpu.memory_space<vmem>>, vector<16xf32>,
      %add3A_565 = arith.constant 0 : i32
      %add3A_566 = vector.broadcast %add3A_565 : i32 to vector<16xi32>
      %add3A_567 = arith.addi %iota3A, %add3A_566 : vector<16xi32>
      %broadcast_in_dim3A_568 = arith.constant 4 : i32
      %broadcast_in_dim3A_569 = vector.broadcast %broadcast_in_dim3A_568 : i32 to vector<16xi32>
      %shift_right_logical3A_570 = arith.constant 3 : i32
      %shift_right_logical3A_571 = vector.broadcast %shift_right_logical3A_570 : i32 to vector<16xi32>
      %shift_right_logical3A_572 = arith.shrui %add3A_567, %shift_right_logical3A_571 : vector<16xi32>
      %and3A_573 = arith.constant 7 : i32
      %and3A_574 = vector.broadcast %and3A_573 : i32 to vector<16xi32>
      %and3A_575 = arith.andi %add3A_567, %and3A_574 : vector<16xi32>
      %scatter3A_576 = arith.constant 0 : i32
      %scatter3A_577 = arith.constant 0 : i32
      %scatter3A_578 = arith.constant 0 : i32
      %scatter3A_579 = arith.constant 0 : i32
      %scatter3A_580 = arith.constant 0 : i32
      %scatter3A_581 = tpu.memref_slice %arg8[%scatter3A_576, %scatter3A_577, %scatter3A_578, %scatter3A_579, %scatter3A_580] : memref<2x5x4x8x129xf32, #tpu.memory_space<vmem>> -> memref<1x5x4x8x129xf32, #tpu.memory_space<vmem>>
      %scatter3A_582 = tpu.memref_squeeze %scatter3A_581 : memref<1x5x4x8x129xf32, #tpu.memory_space<vmem>> -> memref<5x4x8x129xf32, #tpu.memory_space<vmem>>
      tpu.vector_store_idx %scatter3A_582[%broadcast_in_dim3A_569, %shift_right_logical3A_572, %and3A_575, %add3A_361], %get3A_564 : memref<5x4x8x129xf32, #tpu.memory_space<vmem>>[vector<16xi32>, vector<16xi32>, vector<16xi32>, vector<16xi32>], vector<16xf32>,
      %add3A_583 = arith.constant 512 : i32
      %add3A_584 = arith.addi %add3A_583, %scan3A_358 : i32
      %get3A_585 = arith.constant 0 : i32
      %get3A_586 = arith.index_cast %get3A_585 : i32 to index
      %get3A_587 = arith.index_cast %add3A_584 : i32 to index
      %get3A_588 = arith.constant 16 : index
      %get3A_589 = tpu.vector_load %arg7[%get3A_586, %get3A_587, %get3A_588] {strides = array<i32>} : memref<2x640x32xf32, #tpu.memory_space<vmem>>, vector<16xf32>,
      %add3A_590 = arith.constant 16 : i32
      %add3A_591 = vector.broadcast %add3A_590 : i32 to vector<16xi32>
      %add3A_592 = arith.addi %iota3A, %add3A_591 : vector<16xi32>
      %broadcast_in_dim3A_593 = arith.constant 4 : i32
      %broadcast_in_dim3A_594 = vector.broadcast %broadcast_in_dim3A_593 : i32 to vector<16xi32>
      %shift_right_logical3A_595 = arith.constant 3 : i32
      %shift_right_logical3A_596 = vector.broadcast %shift_right_logical3A_595 : i32 to vector<16xi32>
      %shift_right_logical3A_597 = arith.shrui %add3A_592, %shift_right_logical3A_596 : vector<16xi32>
      %and3A_598 = arith.constant 7 : i32
      %and3A_599 = vector.broadcast %and3A_598 : i32 to vector<16xi32>
      %and3A_600 = arith.andi %add3A_592, %and3A_599 : vector<16xi32>
      %scatter3A_601 = arith.constant 0 : i32
      %scatter3A_602 = arith.constant 0 : i32
      %scatter3A_603 = arith.constant 0 : i32
      %scatter3A_604 = arith.constant 0 : i32
      %scatter3A_605 = arith.constant 0 : i32
      %scatter3A_606 = tpu.memref_slice %arg8[%scatter3A_601, %scatter3A_602, %scatter3A_603, %scatter3A_604, %scatter3A_605] : memref<2x5x4x8x129xf32, #tpu.memory_space<vmem>> -> memref<1x5x4x8x129xf32, #tpu.memory_space<vmem>>
      %scatter3A_607 = tpu.memref_squeeze %scatter3A_606 : memref<1x5x4x8x129xf32, #tpu.memory_space<vmem>> -> memref<5x4x8x129xf32, #tpu.memory_space<vmem>>
      tpu.vector_store_idx %scatter3A_607[%broadcast_in_dim3A_594, %shift_right_logical3A_597, %and3A_600, %add3A_361], %get3A_589 : memref<5x4x8x129xf32, #tpu.memory_space<vmem>>[vector<16xi32>, vector<16xi32>, vector<16xi32>, vector<16xi32>], vector<16xf32>,
    }
    %scan3A_61 = arith.constant 128 : i32
    %dma_start3A_62 = arith.constant 0 : i32
    %dma_start3A_63 = arith.constant 0 : i32
    %dma_start3A_64 = arith.constant 0 : i32
    %dma_start3A_65 = arith.constant 0 : i32
    %dma_start3A_66 = arith.constant 0 : i32
    %dma_start3A_67 = tpu.memref_slice %arg8[%dma_start3A_62, %dma_start3A_63, %dma_start3A_64, %dma_start3A_65, %dma_start3A_66] : memref<2x5x4x8x129xf32, #tpu.memory_space<vmem>> -> memref<1x5x4x8x128xf32, #tpu.memory_space<vmem>>
    %dma_start3A_68 = tpu.memref_squeeze %dma_start3A_67 : memref<1x5x4x8x128xf32, #tpu.memory_space<vmem>> -> memref<5x4x8x128xf32, #tpu.memory_space<vmem>>
    %dma_start3A_69 = arith.constant 0 : i32
    %dma_start3A_70 = arith.constant 0 : i32
    %dma_start3A_71 = arith.constant 0 : i32
    %dma_start3A_72 = arith.constant 0 : i32
    %dma_start3A_73 = tpu.memref_slice %arg4[%dma_start3A_69, %dma_start3A_70, %add3A, %dma_start3A_71, %dma_start3A_72] : memref<200x4x32x8x128xf32, #tpu.memory_space<hbm>> -> memref<5x4x1x8x128xf32, #tpu.memory_space<hbm>>
    %dma_start3A_74 = tpu.memref_squeeze %dma_start3A_73 : memref<5x4x1x8x128xf32, #tpu.memory_space<hbm>> -> memref<5x4x8x128xf32, #tpu.memory_space<hbm>>
    %dma_start3A_75 = arith.constant 0 : i32
    %dma_start3A_76 = arith.constant 0 : i32
    %dma_start3A_77 = arith.constant 0 : i32
    %dma_start3A_78 = arith.constant 0 : i32
    %dma_start3A_79 = tpu.memref_slice %arg4[%dma_start3A_75, %dma_start3A_76, %add3A, %dma_start3A_77, %dma_start3A_78] : memref<200x4x32x8x128xf32, #tpu.memory_space<hbm>> -> memref<5x4x1x8x128xf32, #tpu.memory_space<hbm>>
    %dma_start3A_80 = tpu.memref_squeeze %dma_start3A_79 : memref<5x4x1x8x128xf32, #tpu.memory_space<hbm>> -> memref<5x4x8x128xf32, #tpu.memory_space<hbm>>
    %dma_start3A_81 = arith.constant 0 : i32
    %dma_start3A_82 = arith.constant 0 : i32
    %dma_start3A_83 = arith.constant 0 : i32
    %dma_start3A_84 = arith.constant 0 : i32
    %dma_start3A_85 = tpu.memref_slice %arg8[%dma_start3A_62, %dma_start3A_81, %dma_start3A_82, %dma_start3A_83, %dma_start3A_84] : memref<2x5x4x8x129xf32, #tpu.memory_space<vmem>> -> memref<1x5x4x8x128xf32, #tpu.memory_space<vmem>>
    %dma_start3A_86 = tpu.memref_squeeze %dma_start3A_85 : memref<1x5x4x8x128xf32, #tpu.memory_space<vmem>> -> memref<5x4x8x128xf32, #tpu.memory_space<vmem>>
    tpu.enqueue_dma source(%dma_start3A_86 : memref<5x4x8x128xf32, #tpu.memory_space<vmem>>) target(%dma_start3A_80 : memref<5x4x8x128xf32, #tpu.memory_space<hbm>>) target_semaphore(%arg12 : memref<!tpu.dma_semaphore, #tpu.memory_space<semaphore_mem>>)
    %scan3A_87 = arith.constant 0 : i32
    %scan3A_88 = arith.constant 0 : i32
    %scan3A_89 = arith.constant 8 : i32
    %scan3A_90 = arith.addi %scan3A_88, %scan3A_89 : i32
    %scan3A_91 = arith.constant 1 : i32
    scf.for %scan3A_358 = %scan3A_88 to %scan3A_90 step %scan3A_91  : i32 {
      %mul3A_359 = arith.constant 16 : i32
      %mul3A_360 = arith.muli %scan3A_358, %mul3A_359 : i32
      %add3A_361 = vector.broadcast %mul3A_360 : i32 to vector<16xi32>
      %add3A_362 = arith.addi %iota3A, %add3A_361 : vector<16xi32>
      %broadcast_in_dim3A = arith.constant 0 : i32
      %broadcast_in_dim3A_363 = vector.broadcast %broadcast_in_dim3A : i32 to vector<16xi32>
      %add3A_364 = arith.constant 10 : i32
      %add3A_365 = vector.broadcast %add3A_364 : i32 to vector<16xi32>
      %add3A_366 = arith.addi %broadcast_in_dim3A_363, %add3A_365 : vector<16xi32>
      %gather3A = tpu.vector_load_idx %arg5[%add3A_362, %add3A_366] : memref<128x200xi32, #tpu.memory_space<vmem>>[vector<16xi32>, vector<16xi32>], vector<16xi32>,
      %mul3A_367 = arith.constant 16 : i32
      %mul3A_368 = arith.muli %scan3A_358, %mul3A_367 : i32
      %add3A_369 = arith.constant 0 : i32
      %add3A_370 = arith.addi %add3A_369, %mul3A_368 : i32
      %swap3A = arith.constant 0 : i32
      %swap3A_371 = arith.index_cast %swap3A : i32 to index
      %swap3A_372 = arith.index_cast %add3A_370 : i32 to index
      %swap3A_373 = tpu.vector_load %arg6[%swap3A_371, %swap3A_372] {strides = array<i32>} : memref<2x640xi32, #tpu.memory_space<vmem>>, vector<16xi32>,
      tpu.vector_store %arg6[%swap3A_371, %swap3A_372], %gather3A {strides = array<i32>} : memref<2x640xi32, #tpu.memory_space<vmem>>, vector<16xi32>,
      %broadcast_in_dim3A_374 = arith.constant 0 : i32
      %broadcast_in_dim3A_375 = vector.broadcast %broadcast_in_dim3A_374 : i32 to vector<16xi32>
      %add3A_376 = arith.constant 11 : i32
      %add3A_377 = vector.broadcast %add3A_376 : i32 to vector<16xi32>
      %add3A_378 = arith.addi %broadcast_in_dim3A_375, %add3A_377 : vector<16xi32>
      %gather3A_379 = tpu.vector_load_idx %arg5[%add3A_362, %add3A_378] : memref<128x200xi32, #tpu.memory_space<vmem>>[vector<16xi32>, vector<16xi32>], vector<16xi32>,
      %mul3A_380 = arith.constant 16 : i32
      %mul3A_381 = arith.muli %scan3A_358, %mul3A_380 : i32
      %add3A_382 = arith.constant 128 : i32
      %add3A_383 = arith.addi %add3A_382, %mul3A_381 : i32
      %swap3A_384 = arith.constant 0 : i32
      %swap3A_385 = arith.index_cast %swap3A_384 : i32 to index
      %swap3A_386 = arith.index_cast %add3A_383 : i32 to index
      %swap3A_387 = tpu.vector_load %arg6[%swap3A_385, %swap3A_386] {strides = array<i32>} : memref<2x640xi32, #tpu.memory_space<vmem>>, vector<16xi32>,
      tpu.vector_store %arg6[%swap3A_385, %swap3A_386], %gather3A_379 {strides = array<i32>} : memref<2x640xi32, #tpu.memory_space<vmem>>, vector<16xi32>,
      %broadcast_in_dim3A_388 = arith.constant 0 : i32
      %broadcast_in_dim3A_389 = vector.broadcast %broadcast_in_dim3A_388 : i32 to vector<16xi32>
      %add3A_390 = arith.constant 12 : i32
      %add3A_391 = vector.broadcast %add3A_390 : i32 to vector<16xi32>
      %add3A_392 = arith.addi %broadcast_in_dim3A_389, %add3A_391 : vector<16xi32>
      %gather3A_393 = tpu.vector_load_idx %arg5[%add3A_362, %add3A_392] : memref<128x200xi32, #tpu.memory_space<vmem>>[vector<16xi32>, vector<16xi32>], vector<16xi32>,
      %mul3A_394 = arith.constant 16 : i32
      %mul3A_395 = arith.muli %scan3A_358, %mul3A_394 : i32
      %add3A_396 = arith.constant 256 : i32
      %add3A_397 = arith.addi %add3A_396, %mul3A_395 : i32
      %swap3A_398 = arith.constant 0 : i32
      %swap3A_399 = arith.index_cast %swap3A_398 : i32 to index
      %swap3A_400 = arith.index_cast %add3A_397 : i32 to index
      %swap3A_401 = tpu.vector_load %arg6[%swap3A_399, %swap3A_400] {strides = array<i32>} : memref<2x640xi32, #tpu.memory_space<vmem>>, vector<16xi32>,
      tpu.vector_store %arg6[%swap3A_399, %swap3A_400], %gather3A_393 {strides = array<i32>} : memref<2x640xi32, #tpu.memory_space<vmem>>, vector<16xi32>,
      %broadcast_in_dim3A_402 = arith.constant 0 : i32
      %broadcast_in_dim3A_403 = vector.broadcast %broadcast_in_dim3A_402 : i32 to vector<16xi32>
      %add3A_404 = arith.constant 13 : i32
      %add3A_405 = vector.broadcast %add3A_404 : i32 to vector<16xi32>
      %add3A_406 = arith.addi %broadcast_in_dim3A_403, %add3A_405 : vector<16xi32>
      %gather3A_407 = tpu.vector_load_idx %arg5[%add3A_362, %add3A_406] : memref<128x200xi32, #tpu.memory_space<vmem>>[vector<16xi32>, vector<16xi32>], vector<16xi32>,
      %mul3A_408 = arith.constant 16 : i32
      %mul3A_409 = arith.muli %scan3A_358, %mul3A_408 : i32
      %add3A_410 = arith.constant 384 : i32
      %add3A_411 = arith.addi %add3A_410, %mul3A_409 : i32
      %swap3A_412 = arith.constant 0 : i32
      %swap3A_413 = arith.index_cast %swap3A_412 : i32 to index
      %swap3A_414 = arith.index_cast %add3A_411 : i32 to index
      %swap3A_415 = tpu.vector_load %arg6[%swap3A_413, %swap3A_414] {strides = array<i32>} : memref<2x640xi32, #tpu.memory_space<vmem>>, vector<16xi32>,
      tpu.vector_store %arg6[%swap3A_413, %swap3A_414], %gather3A_407 {strides = array<i32>} : memref<2x640xi32, #tpu.memory_space<vmem>>, vector<16xi32>,
      %broadcast_in_dim3A_416 = arith.constant 0 : i32
      %broadcast_in_dim3A_417 = vector.broadcast %broadcast_in_dim3A_416 : i32 to vector<16xi32>
      %add3A_418 = arith.constant 14 : i32
      %add3A_419 = vector.broadcast %add3A_418 : i32 to vector<16xi32>
      %add3A_420 = arith.addi %broadcast_in_dim3A_417, %add3A_419 : vector<16xi32>
      %gather3A_421 = tpu.vector_load_idx %arg5[%add3A_362, %add3A_420] : memref<128x200xi32, #tpu.memory_space<vmem>>[vector<16xi32>, vector<16xi32>], vector<16xi32>,
      %mul3A_422 = arith.constant 16 : i32
      %mul3A_423 = arith.muli %scan3A_358, %mul3A_422 : i32
      %add3A_424 = arith.constant 512 : i32
      %add3A_425 = arith.addi %add3A_424, %mul3A_423 : i32
      %swap3A_426 = arith.constant 0 : i32
      %swap3A_427 = arith.index_cast %swap3A_426 : i32 to index
      %swap3A_428 = arith.index_cast %add3A_425 : i32 to index
      %swap3A_429 = tpu.vector_load %arg6[%swap3A_427, %swap3A_428] {strides = array<i32>} : memref<2x640xi32, #tpu.memory_space<vmem>>, vector<16xi32>,
      tpu.vector_store %arg6[%swap3A_427, %swap3A_428], %gather3A_421 {strides = array<i32>} : memref<2x640xi32, #tpu.memory_space<vmem>>, vector<16xi32>,
    }
    %scan3A_92 = arith.constant 8 : i32
    %dma_start3A_93 = arith.constant 0 : i32
    %dma_start3A_94 = arith.constant 0 : i32
    %dma_start3A_95 = arith.constant 0 : i32
    %dma_start3A_96 = arith.constant 0 : i32
    %dma_start3A_97 = tpu.memref_slice %arg7[%dma_start3A_94, %dma_start3A_95, %dma_start3A_96] : memref<2x640x32xf32, #tpu.memory_space<vmem>> -> memref<1x640x32xf32, #tpu.memory_space<vmem>>
    %dma_start3A_98 = tpu.memref_squeeze %dma_start3A_97 : memref<1x640x32xf32, #tpu.memory_space<vmem>> -> memref<640x32xf32, #tpu.memory_space<vmem>>
    %dma_start3A_99 = arith.constant 0 : i32
    %dma_start3A_100 = tpu.memref_slice %arg6[%dma_start3A_93, %dma_start3A_99] : memref<2x640xi32, #tpu.memory_space<vmem>> -> memref<1x640xi32, #tpu.memory_space<vmem>>
    %dma_start3A_101 = tpu.memref_squeeze %dma_start3A_100 : memref<1x640xi32, #tpu.memory_space<vmem>> -> memref<640xi32, #tpu.memory_space<vmem>>
    %dma_start3A_102 = arith.constant 0 : i32
    %dma_start3A_103 = arith.constant 0 : i32
    %dma_start3A_104 = tpu.memref_slice %arg3[%dma_start3A_102, %dma_start3A_103] : memref<1000000x32xf32, #tpu.memory_space<hbm>> -> memref<1000000x32xf32, #tpu.memory_space<hbm>>
    tpu.enqueue_indirect_dma source(%dma_start3A_104 : memref<1000000x32xf32, #tpu.memory_space<hbm>>) target(%dma_start3A_98 : memref<640x32xf32, #tpu.memory_space<vmem>>) offsets(%dma_start3A_101 : memref<640xi32, #tpu.memory_space<vmem>>) semaphore(%arg10 : memref<!tpu.dma_semaphore, #tpu.memory_space<semaphore_mem>>)
    %dma_wait3A_105 = arith.constant 1 : i32
    %dma_wait3A_106 = arith.constant 1 : i32
    %dma_wait3A_107 = arith.constant 0 : i32
    %dma_wait3A_108 = arith.constant 0 : i32
    %dma_wait3A_109 = tpu.memref_slice %arg7[%dma_wait3A_106, %dma_wait3A_107, %dma_wait3A_108] : memref<2x640x32xf32, #tpu.memory_space<vmem>> -> memref<1x640x32xf32, #tpu.memory_space<vmem>>
    %dma_wait3A_110 = tpu.memref_squeeze %dma_wait3A_109 : memref<1x640x32xf32, #tpu.memory_space<vmem>> -> memref<640x32xf32, #tpu.memory_space<vmem>>
    %dma_wait3A_111 = arith.constant 0 : i32
    %dma_wait3A_112 = tpu.memref_slice %arg6[%dma_wait3A_105, %dma_wait3A_111] : memref<2x640xi32, #tpu.memory_space<vmem>> -> memref<1x640xi32, #tpu.memory_space<vmem>>
    %dma_wait3A_113 = tpu.memref_squeeze %dma_wait3A_112 : memref<1x640xi32, #tpu.memory_space<vmem>> -> memref<640xi32, #tpu.memory_space<vmem>>
    %dma_wait3A_114 = arith.constant 0 : i32
    %dma_wait3A_115 = arith.constant 0 : i32
    %dma_wait3A_116 = tpu.memref_slice %arg3[%dma_wait3A_114, %dma_wait3A_115] : memref<1000000x32xf32, #tpu.memory_space<hbm>> -> memref<1000000x32xf32, #tpu.memory_space<hbm>>
    tpu.wait_indirect_dma semaphore(%arg11 : memref<!tpu.dma_semaphore, #tpu.memory_space<semaphore_mem>>) src(%dma_wait3A_116 : memref<1000000x32xf32, #tpu.memory_space<hbm>>) dst(%dma_wait3A_110 : memref<640x32xf32, #tpu.memory_space<vmem>>)
    %scan3A_117 = arith.constant 0 : i32
    %scan3A_118 = arith.constant 0 : i32
    %scan3A_119 = arith.constant 128 : i32
    %scan3A_120 = arith.addi %scan3A_118, %scan3A_119 : i32
    %scan3A_121 = arith.constant 1 : i32
    scf.for %scan3A_358 = %scan3A_118 to %scan3A_120 step %scan3A_121  : i32 {
      %broadcast_in_dim3A = arith.constant 0 : i32
      %broadcast_in_dim3A_359 = vector.broadcast %broadcast_in_dim3A : i32 to vector<16xi32>
      %add3A_360 = vector.broadcast %scan3A_358 : i32 to vector<16xi32>
      %add3A_361 = arith.addi %broadcast_in_dim3A_359, %add3A_360 : vector<16xi32>
      %add3A_362 = arith.constant 0 : i32
      %add3A_363 = arith.addi %add3A_362, %scan3A_358 : i32
      %get3A = arith.constant 1 : i32
      %get3A_364 = arith.index_cast %get3A : i32 to index
      %get3A_365 = arith.index_cast %add3A_363 : i32 to index
      %get3A_366 = arith.constant 0 : index
      %get3A_367 = tpu.vector_load %arg7[%get3A_364, %get3A_365, %get3A_366] {strides = array<i32>} : memref<2x640x32xf32, #tpu.memory_space<vmem>>, vector<16xf32>,
      %add3A_368 = arith.constant 0 : i32
      %add3A_369 = vector.broadcast %add3A_368 : i32 to vector<16xi32>
      %add3A_370 = arith.addi %iota3A, %add3A_369 : vector<16xi32>
      %broadcast_in_dim3A_371 = arith.constant 0 : i32
      %broadcast_in_dim3A_372 = vector.broadcast %broadcast_in_dim3A_371 : i32 to vector<16xi32>
      %shift_right_logical3A = arith.constant 3 : i32
      %shift_right_logical3A_373 = vector.broadcast %shift_right_logical3A : i32 to vector<16xi32>
      %shift_right_logical3A_374 = arith.shrui %add3A_370, %shift_right_logical3A_373 : vector<16xi32>
      %and3A = arith.constant 7 : i32
      %and3A_375 = vector.broadcast %and3A : i32 to vector<16xi32>
      %and3A_376 = arith.andi %add3A_370, %and3A_375 : vector<16xi32>
      %scatter3A = arith.constant 1 : i32
      %scatter3A_377 = arith.constant 0 : i32
      %scatter3A_378 = arith.constant 0 : i32
      %scatter3A_379 = arith.constant 0 : i32
      %scatter3A_380 = arith.constant 0 : i32
      %scatter3A_381 = tpu.memref_slice %arg8[%scatter3A, %scatter3A_377, %scatter3A_378, %scatter3A_379, %scatter3A_380] : memref<2x5x4x8x129xf32, #tpu.memory_space<vmem>> -> memref<1x5x4x8x129xf32, #tpu.memory_space<vmem>>
      %scatter3A_382 = tpu.memref_squeeze %scatter3A_381 : memref<1x5x4x8x129xf32, #tpu.memory_space<vmem>> -> memref<5x4x8x129xf32, #tpu.memory_space<vmem>>
      tpu.vector_store_idx %scatter3A_382[%broadcast_in_dim3A_372, %shift_right_logical3A_374, %and3A_376, %add3A_361], %get3A_367 : memref<5x4x8x129xf32, #tpu.memory_space<vmem>>[vector<16xi32>, vector<16xi32>, vector<16xi32>, vector<16xi32>], vector<16xf32>,
      %add3A_383 = arith.constant 0 : i32
      %add3A_384 = arith.addi %add3A_383, %scan3A_358 : i32
      %get3A_385 = arith.constant 1 : i32
      %get3A_386 = arith.index_cast %get3A_385 : i32 to index
      %get3A_387 = arith.index_cast %add3A_384 : i32 to index
      %get3A_388 = arith.constant 16 : index
      %get3A_389 = tpu.vector_load %arg7[%get3A_386, %get3A_387, %get3A_388] {strides = array<i32>} : memref<2x640x32xf32, #tpu.memory_space<vmem>>, vector<16xf32>,
      %add3A_390 = arith.constant 16 : i32
      %add3A_391 = vector.broadcast %add3A_390 : i32 to vector<16xi32>
      %add3A_392 = arith.addi %iota3A, %add3A_391 : vector<16xi32>
      %broadcast_in_dim3A_393 = arith.constant 0 : i32
      %broadcast_in_dim3A_394 = vector.broadcast %broadcast_in_dim3A_393 : i32 to vector<16xi32>
      %shift_right_logical3A_395 = arith.constant 3 : i32
      %shift_right_logical3A_396 = vector.broadcast %shift_right_logical3A_395 : i32 to vector<16xi32>
      %shift_right_logical3A_397 = arith.shrui %add3A_392, %shift_right_logical3A_396 : vector<16xi32>
      %and3A_398 = arith.constant 7 : i32
      %and3A_399 = vector.broadcast %and3A_398 : i32 to vector<16xi32>
      %and3A_400 = arith.andi %add3A_392, %and3A_399 : vector<16xi32>
      %scatter3A_401 = arith.constant 1 : i32
      %scatter3A_402 = arith.constant 0 : i32
      %scatter3A_403 = arith.constant 0 : i32
      %scatter3A_404 = arith.constant 0 : i32
      %scatter3A_405 = arith.constant 0 : i32
      %scatter3A_406 = tpu.memref_slice %arg8[%scatter3A_401, %scatter3A_402, %scatter3A_403, %scatter3A_404, %scatter3A_405] : memref<2x5x4x8x129xf32, #tpu.memory_space<vmem>> -> memref<1x5x4x8x129xf32, #tpu.memory_space<vmem>>
      %scatter3A_407 = tpu.memref_squeeze %scatter3A_406 : memref<1x5x4x8x129xf32, #tpu.memory_space<vmem>> -> memref<5x4x8x129xf32, #tpu.memory_space<vmem>>
      tpu.vector_store_idx %scatter3A_407[%broadcast_in_dim3A_394, %shift_right_logical3A_397, %and3A_400, %add3A_361], %get3A_389 : memref<5x4x8x129xf32, #tpu.memory_space<vmem>>[vector<16xi32>, vector<16xi32>, vector<16xi32>, vector<16xi32>], vector<16xf32>,
      %add3A_408 = arith.constant 128 : i32
      %add3A_409 = arith.addi %add3A_408, %scan3A_358 : i32
      %get3A_410 = arith.constant 1 : i32
      %get3A_411 = arith.index_cast %get3A_410 : i32 to index
      %get3A_412 = arith.index_cast %add3A_409 : i32 to index
      %get3A_413 = arith.constant 0 : index
      %get3A_414 = tpu.vector_load %arg7[%get3A_411, %get3A_412, %get3A_413] {strides = array<i32>} : memref<2x640x32xf32, #tpu.memory_space<vmem>>, vector<16xf32>,
      %add3A_415 = arith.constant 0 : i32
      %add3A_416 = vector.broadcast %add3A_415 : i32 to vector<16xi32>
      %add3A_417 = arith.addi %iota3A, %add3A_416 : vector<16xi32>
      %broadcast_in_dim3A_418 = arith.constant 1 : i32
      %broadcast_in_dim3A_419 = vector.broadcast %broadcast_in_dim3A_418 : i32 to vector<16xi32>
      %shift_right_logical3A_420 = arith.constant 3 : i32
      %shift_right_logical3A_421 = vector.broadcast %shift_right_logical3A_420 : i32 to vector<16xi32>
      %shift_right_logical3A_422 = arith.shrui %add3A_417, %shift_right_logical3A_421 : vector<16xi32>
      %and3A_423 = arith.constant 7 : i32
      %and3A_424 = vector.broadcast %and3A_423 : i32 to vector<16xi32>
      %and3A_425 = arith.andi %add3A_417, %and3A_424 : vector<16xi32>
      %scatter3A_426 = arith.constant 1 : i32
      %scatter3A_427 = arith.constant 0 : i32
      %scatter3A_428 = arith.constant 0 : i32
      %scatter3A_429 = arith.constant 0 : i32
      %scatter3A_430 = arith.constant 0 : i32
      %scatter3A_431 = tpu.memref_slice %arg8[%scatter3A_426, %scatter3A_427, %scatter3A_428, %scatter3A_429, %scatter3A_430] : memref<2x5x4x8x129xf32, #tpu.memory_space<vmem>> -> memref<1x5x4x8x129xf32, #tpu.memory_space<vmem>>
      %scatter3A_432 = tpu.memref_squeeze %scatter3A_431 : memref<1x5x4x8x129xf32, #tpu.memory_space<vmem>> -> memref<5x4x8x129xf32, #tpu.memory_space<vmem>>
      tpu.vector_store_idx %scatter3A_432[%broadcast_in_dim3A_419, %shift_right_logical3A_422, %and3A_425, %add3A_361], %get3A_414 : memref<5x4x8x129xf32, #tpu.memory_space<vmem>>[vector<16xi32>, vector<16xi32>, vector<16xi32>, vector<16xi32>], vector<16xf32>,
      %add3A_433 = arith.constant 128 : i32
      %add3A_434 = arith.addi %add3A_433, %scan3A_358 : i32
      %get3A_435 = arith.constant 1 : i32
      %get3A_436 = arith.index_cast %get3A_435 : i32 to index
      %get3A_437 = arith.index_cast %add3A_434 : i32 to index
      %get3A_438 = arith.constant 16 : index
      %get3A_439 = tpu.vector_load %arg7[%get3A_436, %get3A_437, %get3A_438] {strides = array<i32>} : memref<2x640x32xf32, #tpu.memory_space<vmem>>, vector<16xf32>,
      %add3A_440 = arith.constant 16 : i32
      %add3A_441 = vector.broadcast %add3A_440 : i32 to vector<16xi32>
      %add3A_442 = arith.addi %iota3A, %add3A_441 : vector<16xi32>
      %broadcast_in_dim3A_443 = arith.constant 1 : i32
      %broadcast_in_dim3A_444 = vector.broadcast %broadcast_in_dim3A_443 : i32 to vector<16xi32>
      %shift_right_logical3A_445 = arith.constant 3 : i32
      %shift_right_logical3A_446 = vector.broadcast %shift_right_logical3A_445 : i32 to vector<16xi32>
      %shift_right_logical3A_447 = arith.shrui %add3A_442, %shift_right_logical3A_446 : vector<16xi32>
      %and3A_448 = arith.constant 7 : i32
      %and3A_449 = vector.broadcast %and3A_448 : i32 to vector<16xi32>
      %and3A_450 = arith.andi %add3A_442, %and3A_449 : vector<16xi32>
      %scatter3A_451 = arith.constant 1 : i32
      %scatter3A_452 = arith.constant 0 : i32
      %scatter3A_453 = arith.constant 0 : i32
      %scatter3A_454 = arith.constant 0 : i32
      %scatter3A_455 = arith.constant 0 : i32
      %scatter3A_456 = tpu.memref_slice %arg8[%scatter3A_451, %scatter3A_452, %scatter3A_453, %scatter3A_454, %scatter3A_455] : memref<2x5x4x8x129xf32, #tpu.memory_space<vmem>> -> memref<1x5x4x8x129xf32, #tpu.memory_space<vmem>>
      %scatter3A_457 = tpu.memref_squeeze %scatter3A_456 : memref<1x5x4x8x129xf32, #tpu.memory_space<vmem>> -> memref<5x4x8x129xf32, #tpu.memory_space<vmem>>
      tpu.vector_store_idx %scatter3A_457[%broadcast_in_dim3A_444, %shift_right_logical3A_447, %and3A_450, %add3A_361], %get3A_439 : memref<5x4x8x129xf32, #tpu.memory_space<vmem>>[vector<16xi32>, vector<16xi32>, vector<16xi32>, vector<16xi32>], vector<16xf32>,
      %add3A_458 = arith.constant 256 : i32
      %add3A_459 = arith.addi %add3A_458, %scan3A_358 : i32
      %get3A_460 = arith.constant 1 : i32
      %get3A_461 = arith.index_cast %get3A_460 : i32 to index
      %get3A_462 = arith.index_cast %add3A_459 : i32 to index
      %get3A_463 = arith.constant 0 : index
      %get3A_464 = tpu.vector_load %arg7[%get3A_461, %get3A_462, %get3A_463] {strides = array<i32>} : memref<2x640x32xf32, #tpu.memory_space<vmem>>, vector<16xf32>,
      %add3A_465 = arith.constant 0 : i32
      %add3A_466 = vector.broadcast %add3A_465 : i32 to vector<16xi32>
      %add3A_467 = arith.addi %iota3A, %add3A_466 : vector<16xi32>
      %broadcast_in_dim3A_468 = arith.constant 2 : i32
      %broadcast_in_dim3A_469 = vector.broadcast %broadcast_in_dim3A_468 : i32 to vector<16xi32>
      %shift_right_logical3A_470 = arith.constant 3 : i32
      %shift_right_logical3A_471 = vector.broadcast %shift_right_logical3A_470 : i32 to vector<16xi32>
      %shift_right_logical3A_472 = arith.shrui %add3A_467, %shift_right_logical3A_471 : vector<16xi32>
      %and3A_473 = arith.constant 7 : i32
      %and3A_474 = vector.broadcast %and3A_473 : i32 to vector<16xi32>
      %and3A_475 = arith.andi %add3A_467, %and3A_474 : vector<16xi32>
      %scatter3A_476 = arith.constant 1 : i32
      %scatter3A_477 = arith.constant 0 : i32
      %scatter3A_478 = arith.constant 0 : i32
      %scatter3A_479 = arith.constant 0 : i32
      %scatter3A_480 = arith.constant 0 : i32
      %scatter3A_481 = tpu.memref_slice %arg8[%scatter3A_476, %scatter3A_477, %scatter3A_478, %scatter3A_479, %scatter3A_480] : memref<2x5x4x8x129xf32, #tpu.memory_space<vmem>> -> memref<1x5x4x8x129xf32, #tpu.memory_space<vmem>>
      %scatter3A_482 = tpu.memref_squeeze %scatter3A_481 : memref<1x5x4x8x129xf32, #tpu.memory_space<vmem>> -> memref<5x4x8x129xf32, #tpu.memory_space<vmem>>
      tpu.vector_store_idx %scatter3A_482[%broadcast_in_dim3A_469, %shift_right_logical3A_472, %and3A_475, %add3A_361], %get3A_464 : memref<5x4x8x129xf32, #tpu.memory_space<vmem>>[vector<16xi32>, vector<16xi32>, vector<16xi32>, vector<16xi32>], vector<16xf32>,
      %add3A_483 = arith.constant 256 : i32
      %add3A_484 = arith.addi %add3A_483, %scan3A_358 : i32
      %get3A_485 = arith.constant 1 : i32
      %get3A_486 = arith.index_cast %get3A_485 : i32 to index
      %get3A_487 = arith.index_cast %add3A_484 : i32 to index
      %get3A_488 = arith.constant 16 : index
      %get3A_489 = tpu.vector_load %arg7[%get3A_486, %get3A_487, %get3A_488] {strides = array<i32>} : memref<2x640x32xf32, #tpu.memory_space<vmem>>, vector<16xf32>,
      %add3A_490 = arith.constant 16 : i32
      %add3A_491 = vector.broadcast %add3A_490 : i32 to vector<16xi32>
      %add3A_492 = arith.addi %iota3A, %add3A_491 : vector<16xi32>
      %broadcast_in_dim3A_493 = arith.constant 2 : i32
      %broadcast_in_dim3A_494 = vector.broadcast %broadcast_in_dim3A_493 : i32 to vector<16xi32>
      %shift_right_logical3A_495 = arith.constant 3 : i32
      %shift_right_logical3A_496 = vector.broadcast %shift_right_logical3A_495 : i32 to vector<16xi32>
      %shift_right_logical3A_497 = arith.shrui %add3A_492, %shift_right_logical3A_496 : vector<16xi32>
      %and3A_498 = arith.constant 7 : i32
      %and3A_499 = vector.broadcast %and3A_498 : i32 to vector<16xi32>
      %and3A_500 = arith.andi %add3A_492, %and3A_499 : vector<16xi32>
      %scatter3A_501 = arith.constant 1 : i32
      %scatter3A_502 = arith.constant 0 : i32
      %scatter3A_503 = arith.constant 0 : i32
      %scatter3A_504 = arith.constant 0 : i32
      %scatter3A_505 = arith.constant 0 : i32
      %scatter3A_506 = tpu.memref_slice %arg8[%scatter3A_501, %scatter3A_502, %scatter3A_503, %scatter3A_504, %scatter3A_505] : memref<2x5x4x8x129xf32, #tpu.memory_space<vmem>> -> memref<1x5x4x8x129xf32, #tpu.memory_space<vmem>>
      %scatter3A_507 = tpu.memref_squeeze %scatter3A_506 : memref<1x5x4x8x129xf32, #tpu.memory_space<vmem>> -> memref<5x4x8x129xf32, #tpu.memory_space<vmem>>
      tpu.vector_store_idx %scatter3A_507[%broadcast_in_dim3A_494, %shift_right_logical3A_497, %and3A_500, %add3A_361], %get3A_489 : memref<5x4x8x129xf32, #tpu.memory_space<vmem>>[vector<16xi32>, vector<16xi32>, vector<16xi32>, vector<16xi32>], vector<16xf32>,
      %add3A_508 = arith.constant 384 : i32
      %add3A_509 = arith.addi %add3A_508, %scan3A_358 : i32
      %get3A_510 = arith.constant 1 : i32
      %get3A_511 = arith.index_cast %get3A_510 : i32 to index
      %get3A_512 = arith.index_cast %add3A_509 : i32 to index
      %get3A_513 = arith.constant 0 : index
      %get3A_514 = tpu.vector_load %arg7[%get3A_511, %get3A_512, %get3A_513] {strides = array<i32>} : memref<2x640x32xf32, #tpu.memory_space<vmem>>, vector<16xf32>,
      %add3A_515 = arith.constant 0 : i32
      %add3A_516 = vector.broadcast %add3A_515 : i32 to vector<16xi32>
      %add3A_517 = arith.addi %iota3A, %add3A_516 : vector<16xi32>
      %broadcast_in_dim3A_518 = arith.constant 3 : i32
      %broadcast_in_dim3A_519 = vector.broadcast %broadcast_in_dim3A_518 : i32 to vector<16xi32>
      %shift_right_logical3A_520 = arith.constant 3 : i32
      %shift_right_logical3A_521 = vector.broadcast %shift_right_logical3A_520 : i32 to vector<16xi32>
      %shift_right_logical3A_522 = arith.shrui %add3A_517, %shift_right_logical3A_521 : vector<16xi32>
      %and3A_523 = arith.constant 7 : i32
      %and3A_524 = vector.broadcast %and3A_523 : i32 to vector<16xi32>
      %and3A_525 = arith.andi %add3A_517, %and3A_524 : vector<16xi32>
      %scatter3A_526 = arith.constant 1 : i32
      %scatter3A_527 = arith.constant 0 : i32
      %scatter3A_528 = arith.constant 0 : i32
      %scatter3A_529 = arith.constant 0 : i32
      %scatter3A_530 = arith.constant 0 : i32
      %scatter3A_531 = tpu.memref_slice %arg8[%scatter3A_526, %scatter3A_527, %scatter3A_528, %scatter3A_529, %scatter3A_530] : memref<2x5x4x8x129xf32, #tpu.memory_space<vmem>> -> memref<1x5x4x8x129xf32, #tpu.memory_space<vmem>>
      %scatter3A_532 = tpu.memref_squeeze %scatter3A_531 : memref<1x5x4x8x129xf32, #tpu.memory_space<vmem>> -> memref<5x4x8x129xf32, #tpu.memory_space<vmem>>
      tpu.vector_store_idx %scatter3A_532[%broadcast_in_dim3A_519, %shift_right_logical3A_522, %and3A_525, %add3A_361], %get3A_514 : memref<5x4x8x129xf32, #tpu.memory_space<vmem>>[vector<16xi32>, vector<16xi32>, vector<16xi32>, vector<16xi32>], vector<16xf32>,
      %add3A_533 = arith.constant 384 : i32
      %add3A_534 = arith.addi %add3A_533, %scan3A_358 : i32
      %get3A_535 = arith.constant 1 : i32
      %get3A_536 = arith.index_cast %get3A_535 : i32 to index
      %get3A_537 = arith.index_cast %add3A_534 : i32 to index
      %get3A_538 = arith.constant 16 : index
      %get3A_539 = tpu.vector_load %arg7[%get3A_536, %get3A_537, %get3A_538] {strides = array<i32>} : memref<2x640x32xf32, #tpu.memory_space<vmem>>, vector<16xf32>,
      %add3A_540 = arith.constant 16 : i32
      %add3A_541 = vector.broadcast %add3A_540 : i32 to vector<16xi32>
      %add3A_542 = arith.addi %iota3A, %add3A_541 : vector<16xi32>
      %broadcast_in_dim3A_543 = arith.constant 3 : i32
      %broadcast_in_dim3A_544 = vector.broadcast %broadcast_in_dim3A_543 : i32 to vector<16xi32>
      %shift_right_logical3A_545 = arith.constant 3 : i32
      %shift_right_logical3A_546 = vector.broadcast %shift_right_logical3A_545 : i32 to vector<16xi32>
      %shift_right_logical3A_547 = arith.shrui %add3A_542, %shift_right_logical3A_546 : vector<16xi32>
      %and3A_548 = arith.constant 7 : i32
      %and3A_549 = vector.broadcast %and3A_548 : i32 to vector<16xi32>
      %and3A_550 = arith.andi %add3A_542, %and3A_549 : vector<16xi32>
      %scatter3A_551 = arith.constant 1 : i32
      %scatter3A_552 = arith.constant 0 : i32
      %scatter3A_553 = arith.constant 0 : i32
      %scatter3A_554 = arith.constant 0 : i32
      %scatter3A_555 = arith.constant 0 : i32
      %scatter3A_556 = tpu.memref_slice %arg8[%scatter3A_551, %scatter3A_552, %scatter3A_553, %scatter3A_554, %scatter3A_555] : memref<2x5x4x8x129xf32, #tpu.memory_space<vmem>> -> memref<1x5x4x8x129xf32, #tpu.memory_space<vmem>>
      %scatter3A_557 = tpu.memref_squeeze %scatter3A_556 : memref<1x5x4x8x129xf32, #tpu.memory_space<vmem>> -> memref<5x4x8x129xf32, #tpu.memory_space<vmem>>
      tpu.vector_store_idx %scatter3A_557[%broadcast_in_dim3A_544, %shift_right_logical3A_547, %and3A_550, %add3A_361], %get3A_539 : memref<5x4x8x129xf32, #tpu.memory_space<vmem>>[vector<16xi32>, vector<16xi32>, vector<16xi32>, vector<16xi32>], vector<16xf32>,
      %add3A_558 = arith.constant 512 : i32
      %add3A_559 = arith.addi %add3A_558, %scan3A_358 : i32
      %get3A_560 = arith.constant 1 : i32
      %get3A_561 = arith.index_cast %get3A_560 : i32 to index
      %get3A_562 = arith.index_cast %add3A_559 : i32 to index
      %get3A_563 = arith.constant 0 : index
      %get3A_564 = tpu.vector_load %arg7[%get3A_561, %get3A_562, %get3A_563] {strides = array<i32>} : memref<2x640x32xf32, #tpu.memory_space<vmem>>, vector<16xf32>,
      %add3A_565 = arith.constant 0 : i32
      %add3A_566 = vector.broadcast %add3A_565 : i32 to vector<16xi32>
      %add3A_567 = arith.addi %iota3A, %add3A_566 : vector<16xi32>
      %broadcast_in_dim3A_568 = arith.constant 4 : i32
      %broadcast_in_dim3A_569 = vector.broadcast %broadcast_in_dim3A_568 : i32 to vector<16xi32>
      %shift_right_logical3A_570 = arith.constant 3 : i32
      %shift_right_logical3A_571 = vector.broadcast %shift_right_logical3A_570 : i32 to vector<16xi32>
      %shift_right_logical3A_572 = arith.shrui %add3A_567, %shift_right_logical3A_571 : vector<16xi32>
      %and3A_573 = arith.constant 7 : i32
      %and3A_574 = vector.broadcast %and3A_573 : i32 to vector<16xi32>
      %and3A_575 = arith.andi %add3A_567, %and3A_574 : vector<16xi32>
      %scatter3A_576 = arith.constant 1 : i32
      %scatter3A_577 = arith.constant 0 : i32
      %scatter3A_578 = arith.constant 0 : i32
      %scatter3A_579 = arith.constant 0 : i32
      %scatter3A_580 = arith.constant 0 : i32
      %scatter3A_581 = tpu.memref_slice %arg8[%scatter3A_576, %scatter3A_577, %scatter3A_578, %scatter3A_579, %scatter3A_580] : memref<2x5x4x8x129xf32, #tpu.memory_space<vmem>> -> memref<1x5x4x8x129xf32, #tpu.memory_space<vmem>>
      %scatter3A_582 = tpu.memref_squeeze %scatter3A_581 : memref<1x5x4x8x129xf32, #tpu.memory_space<vmem>> -> memref<5x4x8x129xf32, #tpu.memory_space<vmem>>
      tpu.vector_store_idx %scatter3A_582[%broadcast_in_dim3A_569, %shift_right_logical3A_572, %and3A_575, %add3A_361], %get3A_564 : memref<5x4x8x129xf32, #tpu.memory_space<vmem>>[vector<16xi32>, vector<16xi32>, vector<16xi32>, vector<16xi32>], vector<16xf32>,
      %add3A_583 = arith.constant 512 : i32
      %add3A_584 = arith.addi %add3A_583, %scan3A_358 : i32
      %get3A_585 = arith.constant 1 : i32
      %get3A_586 = arith.index_cast %get3A_585 : i32 to index
      %get3A_587 = arith.index_cast %add3A_584 : i32 to index
      %get3A_588 = arith.constant 16 : index
      %get3A_589 = tpu.vector_load %arg7[%get3A_586, %get3A_587, %get3A_588] {strides = array<i32>} : memref<2x640x32xf32, #tpu.memory_space<vmem>>, vector<16xf32>,
      %add3A_590 = arith.constant 16 : i32
      %add3A_591 = vector.broadcast %add3A_590 : i32 to vector<16xi32>
      %add3A_592 = arith.addi %iota3A, %add3A_591 : vector<16xi32>
      %broadcast_in_dim3A_593 = arith.constant 4 : i32
      %broadcast_in_dim3A_594 = vector.broadcast %broadcast_in_dim3A_593 : i32 to vector<16xi32>
      %shift_right_logical3A_595 = arith.constant 3 : i32
      %shift_right_logical3A_596 = vector.broadcast %shift_right_logical3A_595 : i32 to vector<16xi32>
      %shift_right_logical3A_597 = arith.shrui %add3A_592, %shift_right_logical3A_596 : vector<16xi32>
      %and3A_598 = arith.constant 7 : i32
      %and3A_599 = vector.broadcast %and3A_598 : i32 to vector<16xi32>
      %and3A_600 = arith.andi %add3A_592, %and3A_599 : vector<16xi32>
      %scatter3A_601 = arith.constant 1 : i32
      %scatter3A_602 = arith.constant 0 : i32
      %scatter3A_603 = arith.constant 0 : i32
      %scatter3A_604 = arith.constant 0 : i32
      %scatter3A_605 = arith.constant 0 : i32
      %scatter3A_606 = tpu.memref_slice %arg8[%scatter3A_601, %scatter3A_602, %scatter3A_603, %scatter3A_604, %scatter3A_605] : memref<2x5x4x8x129xf32, #tpu.memory_space<vmem>> -> memref<1x5x4x8x129xf32, #tpu.memory_space<vmem>>
      %scatter3A_607 = tpu.memref_squeeze %scatter3A_606 : memref<1x5x4x8x129xf32, #tpu.memory_space<vmem>> -> memref<5x4x8x129xf32, #tpu.memory_space<vmem>>
      tpu.vector_store_idx %scatter3A_607[%broadcast_in_dim3A_594, %shift_right_logical3A_597, %and3A_600, %add3A_361], %get3A_589 : memref<5x4x8x129xf32, #tpu.memory_space<vmem>>[vector<16xi32>, vector<16xi32>, vector<16xi32>, vector<16xi32>], vector<16xf32>,
    }
    %scan3A_122 = arith.constant 128 : i32
    %dma_start3A_123 = arith.constant 1 : i32
    %dma_start3A_124 = arith.constant 0 : i32
    %dma_start3A_125 = arith.constant 0 : i32
    %dma_start3A_126 = arith.constant 0 : i32
    %dma_start3A_127 = arith.constant 0 : i32
    %dma_start3A_128 = tpu.memref_slice %arg8[%dma_start3A_123, %dma_start3A_124, %dma_start3A_125, %dma_start3A_126, %dma_start3A_127] : memref<2x5x4x8x129xf32, #tpu.memory_space<vmem>> -> memref<1x5x4x8x128xf32, #tpu.memory_space<vmem>>
    %dma_start3A_129 = tpu.memref_squeeze %dma_start3A_128 : memref<1x5x4x8x128xf32, #tpu.memory_space<vmem>> -> memref<5x4x8x128xf32, #tpu.memory_space<vmem>>
    %dma_start3A_130 = arith.constant 5 : i32
    %dma_start3A_131 = arith.constant 0 : i32
    %dma_start3A_132 = arith.constant 0 : i32
    %dma_start3A_133 = arith.constant 0 : i32
    %dma_start3A_134 = tpu.memref_slice %arg4[%dma_start3A_130, %dma_start3A_131, %add3A, %dma_start3A_132, %dma_start3A_133] : memref<200x4x32x8x128xf32, #tpu.memory_space<hbm>> -> memref<5x4x1x8x128xf32, #tpu.memory_space<hbm>>
    %dma_start3A_135 = tpu.memref_squeeze %dma_start3A_134 : memref<5x4x1x8x128xf32, #tpu.memory_space<hbm>> -> memref<5x4x8x128xf32, #tpu.memory_space<hbm>>
    %dma_start3A_136 = arith.constant 5 : i32
    %dma_start3A_137 = arith.constant 0 : i32
    %dma_start3A_138 = arith.constant 0 : i32
    %dma_start3A_139 = arith.constant 0 : i32
    %dma_start3A_140 = tpu.memref_slice %arg4[%dma_start3A_136, %dma_start3A_137, %add3A, %dma_start3A_138, %dma_start3A_139] : memref<200x4x32x8x128xf32, #tpu.memory_space<hbm>> -> memref<5x4x1x8x128xf32, #tpu.memory_space<hbm>>
    %dma_start3A_141 = tpu.memref_squeeze %dma_start3A_140 : memref<5x4x1x8x128xf32, #tpu.memory_space<hbm>> -> memref<5x4x8x128xf32, #tpu.memory_space<hbm>>
    %dma_start3A_142 = arith.constant 0 : i32
    %dma_start3A_143 = arith.constant 0 : i32
    %dma_start3A_144 = arith.constant 0 : i32
    %dma_start3A_145 = arith.constant 0 : i32
    %dma_start3A_146 = tpu.memref_slice %arg8[%dma_start3A_123, %dma_start3A_142, %dma_start3A_143, %dma_start3A_144, %dma_start3A_145] : memref<2x5x4x8x129xf32, #tpu.memory_space<vmem>> -> memref<1x5x4x8x128xf32, #tpu.memory_space<vmem>>
    %dma_start3A_147 = tpu.memref_squeeze %dma_start3A_146 : memref<1x5x4x8x128xf32, #tpu.memory_space<vmem>> -> memref<5x4x8x128xf32, #tpu.memory_space<vmem>>
    tpu.enqueue_dma source(%dma_start3A_147 : memref<5x4x8x128xf32, #tpu.memory_space<vmem>>) target(%dma_start3A_141 : memref<5x4x8x128xf32, #tpu.memory_space<hbm>>) target_semaphore(%arg13 : memref<!tpu.dma_semaphore, #tpu.memory_space<semaphore_mem>>)
    %scan3A_148 = arith.constant 0 : i32
    %scan3A_149 = arith.constant 0 : i32
    %scan3A_150 = arith.constant 8 : i32
    %scan3A_151 = arith.addi %scan3A_149, %scan3A_150 : i32
    %scan3A_152 = arith.constant 1 : i32
    scf.for %scan3A_358 = %scan3A_149 to %scan3A_151 step %scan3A_152  : i32 {
      %mul3A_359 = arith.constant 16 : i32
      %mul3A_360 = arith.muli %scan3A_358, %mul3A_359 : i32
      %add3A_361 = vector.broadcast %mul3A_360 : i32 to vector<16xi32>
      %add3A_362 = arith.addi %iota3A, %add3A_361 : vector<16xi32>
      %broadcast_in_dim3A = arith.constant 0 : i32
      %broadcast_in_dim3A_363 = vector.broadcast %broadcast_in_dim3A : i32 to vector<16xi32>
      %add3A_364 = arith.constant 15 : i32
      %add3A_365 = vector.broadcast %add3A_364 : i32 to vector<16xi32>
      %add3A_366 = arith.addi %broadcast_in_dim3A_363, %add3A_365 : vector<16xi32>
      %gather3A = tpu.vector_load_idx %arg5[%add3A_362, %add3A_366] : memref<128x200xi32, #tpu.memory_space<vmem>>[vector<16xi32>, vector<16xi32>], vector<16xi32>,
      %mul3A_367 = arith.constant 16 : i32
      %mul3A_368 = arith.muli %scan3A_358, %mul3A_367 : i32
      %add3A_369 = arith.constant 0 : i32
      %add3A_370 = arith.addi %add3A_369, %mul3A_368 : i32
      %swap3A = arith.constant 1 : i32
      %swap3A_371 = arith.index_cast %swap3A : i32 to index
      %swap3A_372 = arith.index_cast %add3A_370 : i32 to index
      %swap3A_373 = tpu.vector_load %arg6[%swap3A_371, %swap3A_372] {strides = array<i32>} : memref<2x640xi32, #tpu.memory_space<vmem>>, vector<16xi32>,
      tpu.vector_store %arg6[%swap3A_371, %swap3A_372], %gather3A {strides = array<i32>} : memref<2x640xi32, #tpu.memory_space<vmem>>, vector<16xi32>,
      %broadcast_in_dim3A_374 = arith.constant 0 : i32
      %broadcast_in_dim3A_375 = vector.broadcast %broadcast_in_dim3A_374 : i32 to vector<16xi32>
      %add3A_376 = arith.constant 16 : i32
      %add3A_377 = vector.broadcast %add3A_376 : i32 to vector<16xi32>
      %add3A_378 = arith.addi %broadcast_in_dim3A_375, %add3A_377 : vector<16xi32>
      %gather3A_379 = tpu.vector_load_idx %arg5[%add3A_362, %add3A_378] : memref<128x200xi32, #tpu.memory_space<vmem>>[vector<16xi32>, vector<16xi32>], vector<16xi32>,
      %mul3A_380 = arith.constant 16 : i32
      %mul3A_381 = arith.muli %scan3A_358, %mul3A_380 : i32
      %add3A_382 = arith.constant 128 : i32
      %add3A_383 = arith.addi %add3A_382, %mul3A_381 : i32
      %swap3A_384 = arith.constant 1 : i32
      %swap3A_385 = arith.index_cast %swap3A_384 : i32 to index
      %swap3A_386 = arith.index_cast %add3A_383 : i32 to index
      %swap3A_387 = tpu.vector_load %arg6[%swap3A_385, %swap3A_386] {strides = array<i32>} : memref<2x640xi32, #tpu.memory_space<vmem>>, vector<16xi32>,
      tpu.vector_store %arg6[%swap3A_385, %swap3A_386], %gather3A_379 {strides = array<i32>} : memref<2x640xi32, #tpu.memory_space<vmem>>, vector<16xi32>,
      %broadcast_in_dim3A_388 = arith.constant 0 : i32
      %broadcast_in_dim3A_389 = vector.broadcast %broadcast_in_dim3A_388 : i32 to vector<16xi32>
      %add3A_390 = arith.constant 17 : i32
      %add3A_391 = vector.broadcast %add3A_390 : i32 to vector<16xi32>
      %add3A_392 = arith.addi %broadcast_in_dim3A_389, %add3A_391 : vector<16xi32>
      %gather3A_393 = tpu.vector_load_idx %arg5[%add3A_362, %add3A_392] : memref<128x200xi32, #tpu.memory_space<vmem>>[vector<16xi32>, vector<16xi32>], vector<16xi32>,
      %mul3A_394 = arith.constant 16 : i32
      %mul3A_395 = arith.muli %scan3A_358, %mul3A_394 : i32
      %add3A_396 = arith.constant 256 : i32
      %add3A_397 = arith.addi %add3A_396, %mul3A_395 : i32
      %swap3A_398 = arith.constant 1 : i32
      %swap3A_399 = arith.index_cast %swap3A_398 : i32 to index
      %swap3A_400 = arith.index_cast %add3A_397 : i32 to index
      %swap3A_401 = tpu.vector_load %arg6[%swap3A_399, %swap3A_400] {strides = array<i32>} : memref<2x640xi32, #tpu.memory_space<vmem>>, vector<16xi32>,
      tpu.vector_store %arg6[%swap3A_399, %swap3A_400], %gather3A_393 {strides = array<i32>} : memref<2x640xi32, #tpu.memory_space<vmem>>, vector<16xi32>,
      %broadcast_in_dim3A_402 = arith.constant 0 : i32
      %broadcast_in_dim3A_403 = vector.broadcast %broadcast_in_dim3A_402 : i32 to vector<16xi32>
      %add3A_404 = arith.constant 18 : i32
      %add3A_405 = vector.broadcast %add3A_404 : i32 to vector<16xi32>
      %add3A_406 = arith.addi %broadcast_in_dim3A_403, %add3A_405 : vector<16xi32>
      %gather3A_407 = tpu.vector_load_idx %arg5[%add3A_362, %add3A_406] : memref<128x200xi32, #tpu.memory_space<vmem>>[vector<16xi32>, vector<16xi32>], vector<16xi32>,
      %mul3A_408 = arith.constant 16 : i32
      %mul3A_409 = arith.muli %scan3A_358, %mul3A_408 : i32
      %add3A_410 = arith.constant 384 : i32
      %add3A_411 = arith.addi %add3A_410, %mul3A_409 : i32
      %swap3A_412 = arith.constant 1 : i32
      %swap3A_413 = arith.index_cast %swap3A_412 : i32 to index
      %swap3A_414 = arith.index_cast %add3A_411 : i32 to index
      %swap3A_415 = tpu.vector_load %arg6[%swap3A_413, %swap3A_414] {strides = array<i32>} : memref<2x640xi32, #tpu.memory_space<vmem>>, vector<16xi32>,
      tpu.vector_store %arg6[%swap3A_413, %swap3A_414], %gather3A_407 {strides = array<i32>} : memref<2x640xi32, #tpu.memory_space<vmem>>, vector<16xi32>,
      %broadcast_in_dim3A_416 = arith.constant 0 : i32
      %broadcast_in_dim3A_417 = vector.broadcast %broadcast_in_dim3A_416 : i32 to vector<16xi32>
      %add3A_418 = arith.constant 19 : i32
      %add3A_419 = vector.broadcast %add3A_418 : i32 to vector<16xi32>
      %add3A_420 = arith.addi %broadcast_in_dim3A_417, %add3A_419 : vector<16xi32>
      %gather3A_421 = tpu.vector_load_idx %arg5[%add3A_362, %add3A_420] : memref<128x200xi32, #tpu.memory_space<vmem>>[vector<16xi32>, vector<16xi32>], vector<16xi32>,
      %mul3A_422 = arith.constant 16 : i32
      %mul3A_423 = arith.muli %scan3A_358, %mul3A_422 : i32
      %add3A_424 = arith.constant 512 : i32
      %add3A_425 = arith.addi %add3A_424, %mul3A_423 : i32
      %swap3A_426 = arith.constant 1 : i32
      %swap3A_427 = arith.index_cast %swap3A_426 : i32 to index
      %swap3A_428 = arith.index_cast %add3A_425 : i32 to index
      %swap3A_429 = tpu.vector_load %arg6[%swap3A_427, %swap3A_428] {strides = array<i32>} : memref<2x640xi32, #tpu.memory_space<vmem>>, vector<16xi32>,
      tpu.vector_store %arg6[%swap3A_427, %swap3A_428], %gather3A_421 {strides = array<i32>} : memref<2x640xi32, #tpu.memory_space<vmem>>, vector<16xi32>,
    }
    %scan3A_153 = arith.constant 8 : i32
    %dma_start3A_154 = arith.constant 1 : i32
    %dma_start3A_155 = arith.constant 1 : i32
    %dma_start3A_156 = arith.constant 0 : i32
    %dma_start3A_157 = arith.constant 0 : i32
    %dma_start3A_158 = tpu.memref_slice %arg7[%dma_start3A_155, %dma_start3A_156, %dma_start3A_157] : memref<2x640x32xf32, #tpu.memory_space<vmem>> -> memref<1x640x32xf32, #tpu.memory_space<vmem>>
    %dma_start3A_159 = tpu.memref_squeeze %dma_start3A_158 : memref<1x640x32xf32, #tpu.memory_space<vmem>> -> memref<640x32xf32, #tpu.memory_space<vmem>>
    %dma_start3A_160 = arith.constant 0 : i32
    %dma_start3A_161 = tpu.memref_slice %arg6[%dma_start3A_154, %dma_start3A_160] : memref<2x640xi32, #tpu.memory_space<vmem>> -> memref<1x640xi32, #tpu.memory_space<vmem>>
    %dma_start3A_162 = tpu.memref_squeeze %dma_start3A_161 : memref<1x640xi32, #tpu.memory_space<vmem>> -> memref<640xi32, #tpu.memory_space<vmem>>
    %dma_start3A_163 = arith.constant 0 : i32
    %dma_start3A_164 = arith.constant 0 : i32
    %dma_start3A_165 = tpu.memref_slice %arg3[%dma_start3A_163, %dma_start3A_164] : memref<1000000x32xf32, #tpu.memory_space<hbm>> -> memref<1000000x32xf32, #tpu.memory_space<hbm>>
    tpu.enqueue_indirect_dma source(%dma_start3A_165 : memref<1000000x32xf32, #tpu.memory_space<hbm>>) target(%dma_start3A_159 : memref<640x32xf32, #tpu.memory_space<vmem>>) offsets(%dma_start3A_162 : memref<640xi32, #tpu.memory_space<vmem>>) semaphore(%arg11 : memref<!tpu.dma_semaphore, #tpu.memory_space<semaphore_mem>>)
    %scan3A_166 = arith.constant 0 : i32
    %scan3A_167 = arith.constant 1 : i32
    %scan3A_168 = arith.constant 18 : i32
    %scan3A_169 = arith.addi %scan3A_167, %scan3A_168 : i32
    %scan3A_170 = arith.constant 1 : i32
    scf.for %scan3A_358 = %scan3A_167 to %scan3A_169 step %scan3A_170  : i32 {
      %mul3A_359 = arith.constant 2 : i32
      %mul3A_360 = arith.muli %mul3A_359, %scan3A_358 : i32
      %add3A_361 = arith.constant 0 : i32
      %add3A_362 = arith.addi %mul3A_360, %add3A_361 : i32
      %dma_wait3A_363 = arith.constant 0 : i32
      %dma_wait3A_364 = arith.constant 0 : i32
      %dma_wait3A_365 = arith.constant 0 : i32
      %dma_wait3A_366 = arith.constant 0 : i32
      %dma_wait3A_367 = tpu.memref_slice %arg7[%dma_wait3A_364, %dma_wait3A_365, %dma_wait3A_366] : memref<2x640x32xf32, #tpu.memory_space<vmem>> -> memref<1x640x32xf32, #tpu.memory_space<vmem>>
      %dma_wait3A_368 = tpu.memref_squeeze %dma_wait3A_367 : memref<1x640x32xf32, #tpu.memory_space<vmem>> -> memref<640x32xf32, #tpu.memory_space<vmem>>
      %dma_wait3A_369 = arith.constant 0 : i32
      %dma_wait3A_370 = tpu.memref_slice %arg6[%dma_wait3A_363, %dma_wait3A_369] : memref<2x640xi32, #tpu.memory_space<vmem>> -> memref<1x640xi32, #tpu.memory_space<vmem>>
      %dma_wait3A_371 = tpu.memref_squeeze %dma_wait3A_370 : memref<1x640xi32, #tpu.memory_space<vmem>> -> memref<640xi32, #tpu.memory_space<vmem>>
      %dma_wait3A_372 = arith.constant 0 : i32
      %dma_wait3A_373 = arith.constant 0 : i32
      %dma_wait3A_374 = tpu.memref_slice %arg3[%dma_wait3A_372, %dma_wait3A_373] : memref<1000000x32xf32, #tpu.memory_space<hbm>> -> memref<1000000x32xf32, #tpu.memory_space<hbm>>
      tpu.wait_indirect_dma semaphore(%arg10 : memref<!tpu.dma_semaphore, #tpu.memory_space<semaphore_mem>>) src(%dma_wait3A_374 : memref<1000000x32xf32, #tpu.memory_space<hbm>>) dst(%dma_wait3A_368 : memref<640x32xf32, #tpu.memory_space<vmem>>)
      %dma_wait3A_375 = arith.constant 0 : i32
      %dma_wait3A_376 = arith.constant 0 : i32
      %dma_wait3A_377 = arith.constant 0 : i32
      %dma_wait3A_378 = arith.constant 0 : i32
      %dma_wait3A_379 = arith.constant 0 : i32
      %dma_wait3A_380 = tpu.memref_slice %arg8[%dma_wait3A_375, %dma_wait3A_376, %dma_wait3A_377, %dma_wait3A_378, %dma_wait3A_379] : memref<2x5x4x8x129xf32, #tpu.memory_space<vmem>> -> memref<1x5x4x8x128xf32, #tpu.memory_space<vmem>>
      %dma_wait3A_381 = tpu.memref_squeeze %dma_wait3A_380 : memref<1x5x4x8x128xf32, #tpu.memory_space<vmem>> -> memref<5x4x8x128xf32, #tpu.memory_space<vmem>>
      %dma_wait3A_382 = arith.constant 0 : i32
      %dma_wait3A_383 = arith.constant 0 : i32
      %dma_wait3A_384 = arith.constant 0 : i32
      %dma_wait3A_385 = arith.constant 0 : i32
      %dma_wait3A_386 = tpu.memref_slice %arg4[%dma_wait3A_382, %dma_wait3A_383, %add3A, %dma_wait3A_384, %dma_wait3A_385] : memref<200x4x32x8x128xf32, #tpu.memory_space<hbm>> -> memref<5x4x1x8x128xf32, #tpu.memory_space<hbm>>
      %dma_wait3A_387 = tpu.memref_squeeze %dma_wait3A_386 : memref<5x4x1x8x128xf32, #tpu.memory_space<hbm>> -> memref<5x4x8x128xf32, #tpu.memory_space<hbm>>
      %dma_wait3A_388 = arith.constant 0 : i32
      %dma_wait3A_389 = arith.constant 0 : i32
      %dma_wait3A_390 = arith.constant 0 : i32
      %dma_wait3A_391 = arith.constant 0 : i32
      %dma_wait3A_392 = tpu.memref_slice %arg4[%dma_wait3A_388, %dma_wait3A_389, %add3A, %dma_wait3A_390, %dma_wait3A_391] : memref<200x4x32x8x128xf32, #tpu.memory_space<hbm>> -> memref<5x4x1x8x128xf32, #tpu.memory_space<hbm>>
      %dma_wait3A_393 = tpu.memref_squeeze %dma_wait3A_392 : memref<5x4x1x8x128xf32, #tpu.memory_space<hbm>> -> memref<5x4x8x128xf32, #tpu.memory_space<hbm>>
      %dma_wait3A_394 = arith.constant 0 : i32
      %dma_wait3A_395 = arith.constant 0 : i32
      %dma_wait3A_396 = arith.constant 0 : i32
      %dma_wait3A_397 = arith.constant 0 : i32
      %dma_wait3A_398 = tpu.memref_slice %arg8[%dma_wait3A_375, %dma_wait3A_394, %dma_wait3A_395, %dma_wait3A_396, %dma_wait3A_397] : memref<2x5x4x8x129xf32, #tpu.memory_space<vmem>> -> memref<1x5x4x8x128xf32, #tpu.memory_space<vmem>>
      %dma_wait3A_399 = tpu.memref_squeeze %dma_wait3A_398 : memref<1x5x4x8x128xf32, #tpu.memory_space<vmem>> -> memref<5x4x8x128xf32, #tpu.memory_space<vmem>>
      tpu.wait_dma2 semaphore(%arg12 : memref<!tpu.dma_semaphore, #tpu.memory_space<semaphore_mem>>) src(%dma_wait3A_399 : memref<5x4x8x128xf32, #tpu.memory_space<vmem>>) dst(%dma_wait3A_393 : memref<5x4x8x128xf32, #tpu.memory_space<hbm>>)
      %scan3A_400 = arith.constant 0 : i32
      %scan3A_401 = arith.constant 0 : i32
      %scan3A_402 = arith.constant 128 : i32
      %scan3A_403 = arith.addi %scan3A_401, %scan3A_402 : i32
      %scan3A_404 = arith.constant 1 : i32
      scf.for %scan3A_547 = %scan3A_401 to %scan3A_403 step %scan3A_404  : i32 {
        %broadcast_in_dim3A = arith.constant 0 : i32
        %broadcast_in_dim3A_548 = vector.broadcast %broadcast_in_dim3A : i32 to vector<16xi32>
        %add3A_549 = vector.broadcast %scan3A_547 : i32 to vector<16xi32>
        %add3A_550 = arith.addi %broadcast_in_dim3A_548, %add3A_549 : vector<16xi32>
        %add3A_551 = arith.constant 0 : i32
        %add3A_552 = arith.addi %add3A_551, %scan3A_547 : i32
        %get3A = arith.constant 0 : i32
        %get3A_553 = arith.index_cast %get3A : i32 to index
        %get3A_554 = arith.index_cast %add3A_552 : i32 to index
        %get3A_555 = arith.constant 0 : index
        %get3A_556 = tpu.vector_load %arg7[%get3A_553, %get3A_554, %get3A_555] {strides = array<i32>} : memref<2x640x32xf32, #tpu.memory_space<vmem>>, vector<16xf32>,
        %add3A_557 = arith.constant 0 : i32
        %add3A_558 = vector.broadcast %add3A_557 : i32 to vector<16xi32>
        %add3A_559 = arith.addi %iota3A, %add3A_558 : vector<16xi32>
        %broadcast_in_dim3A_560 = arith.constant 0 : i32
        %broadcast_in_dim3A_561 = vector.broadcast %broadcast_in_dim3A_560 : i32 to vector<16xi32>
        %shift_right_logical3A = arith.constant 3 : i32
        %shift_right_logical3A_562 = vector.broadcast %shift_right_logical3A : i32 to vector<16xi32>
        %shift_right_logical3A_563 = arith.shrui %add3A_559, %shift_right_logical3A_562 : vector<16xi32>
        %and3A = arith.constant 7 : i32
        %and3A_564 = vector.broadcast %and3A : i32 to vector<16xi32>
        %and3A_565 = arith.andi %add3A_559, %and3A_564 : vector<16xi32>
        %scatter3A = arith.constant 0 : i32
        %scatter3A_566 = arith.constant 0 : i32
        %scatter3A_567 = arith.constant 0 : i32
        %scatter3A_568 = arith.constant 0 : i32
        %scatter3A_569 = arith.constant 0 : i32
        %scatter3A_570 = tpu.memref_slice %arg8[%scatter3A, %scatter3A_566, %scatter3A_567, %scatter3A_568, %scatter3A_569] : memref<2x5x4x8x129xf32, #tpu.memory_space<vmem>> -> memref<1x5x4x8x129xf32, #tpu.memory_space<vmem>>
        %scatter3A_571 = tpu.memref_squeeze %scatter3A_570 : memref<1x5x4x8x129xf32, #tpu.memory_space<vmem>> -> memref<5x4x8x129xf32, #tpu.memory_space<vmem>>
        tpu.vector_store_idx %scatter3A_571[%broadcast_in_dim3A_561, %shift_right_logical3A_563, %and3A_565, %add3A_550], %get3A_556 : memref<5x4x8x129xf32, #tpu.memory_space<vmem>>[vector<16xi32>, vector<16xi32>, vector<16xi32>, vector<16xi32>], vector<16xf32>,
        %add3A_572 = arith.constant 0 : i32
        %add3A_573 = arith.addi %add3A_572, %scan3A_547 : i32
        %get3A_574 = arith.constant 0 : i32
        %get3A_575 = arith.index_cast %get3A_574 : i32 to index
        %get3A_576 = arith.index_cast %add3A_573 : i32 to index
        %get3A_577 = arith.constant 16 : index
        %get3A_578 = tpu.vector_load %arg7[%get3A_575, %get3A_576, %get3A_577] {strides = array<i32>} : memref<2x640x32xf32, #tpu.memory_space<vmem>>, vector<16xf32>,
        %add3A_579 = arith.constant 16 : i32
        %add3A_580 = vector.broadcast %add3A_579 : i32 to vector<16xi32>
        %add3A_581 = arith.addi %iota3A, %add3A_580 : vector<16xi32>
        %broadcast_in_dim3A_582 = arith.constant 0 : i32
        %broadcast_in_dim3A_583 = vector.broadcast %broadcast_in_dim3A_582 : i32 to vector<16xi32>
        %shift_right_logical3A_584 = arith.constant 3 : i32
        %shift_right_logical3A_585 = vector.broadcast %shift_right_logical3A_584 : i32 to vector<16xi32>
        %shift_right_logical3A_586 = arith.shrui %add3A_581, %shift_right_logical3A_585 : vector<16xi32>
        %and3A_587 = arith.constant 7 : i32
        %and3A_588 = vector.broadcast %and3A_587 : i32 to vector<16xi32>
        %and3A_589 = arith.andi %add3A_581, %and3A_588 : vector<16xi32>
        %scatter3A_590 = arith.constant 0 : i32
        %scatter3A_591 = arith.constant 0 : i32
        %scatter3A_592 = arith.constant 0 : i32
        %scatter3A_593 = arith.constant 0 : i32
        %scatter3A_594 = arith.constant 0 : i32
        %scatter3A_595 = tpu.memref_slice %arg8[%scatter3A_590, %scatter3A_591, %scatter3A_592, %scatter3A_593, %scatter3A_594] : memref<2x5x4x8x129xf32, #tpu.memory_space<vmem>> -> memref<1x5x4x8x129xf32, #tpu.memory_space<vmem>>
        %scatter3A_596 = tpu.memref_squeeze %scatter3A_595 : memref<1x5x4x8x129xf32, #tpu.memory_space<vmem>> -> memref<5x4x8x129xf32, #tpu.memory_space<vmem>>
        tpu.vector_store_idx %scatter3A_596[%broadcast_in_dim3A_583, %shift_right_logical3A_586, %and3A_589, %add3A_550], %get3A_578 : memref<5x4x8x129xf32, #tpu.memory_space<vmem>>[vector<16xi32>, vector<16xi32>, vector<16xi32>, vector<16xi32>], vector<16xf32>,
        %add3A_597 = arith.constant 128 : i32
        %add3A_598 = arith.addi %add3A_597, %scan3A_547 : i32
        %get3A_599 = arith.constant 0 : i32
        %get3A_600 = arith.index_cast %get3A_599 : i32 to index
        %get3A_601 = arith.index_cast %add3A_598 : i32 to index
        %get3A_602 = arith.constant 0 : index
        %get3A_603 = tpu.vector_load %arg7[%get3A_600, %get3A_601, %get3A_602] {strides = array<i32>} : memref<2x640x32xf32, #tpu.memory_space<vmem>>, vector<16xf32>,
        %add3A_604 = arith.constant 0 : i32
        %add3A_605 = vector.broadcast %add3A_604 : i32 to vector<16xi32>
        %add3A_606 = arith.addi %iota3A, %add3A_605 : vector<16xi32>
        %broadcast_in_dim3A_607 = arith.constant 1 : i32
        %broadcast_in_dim3A_608 = vector.broadcast %broadcast_in_dim3A_607 : i32 to vector<16xi32>
        %shift_right_logical3A_609 = arith.constant 3 : i32
        %shift_right_logical3A_610 = vector.broadcast %shift_right_logical3A_609 : i32 to vector<16xi32>
        %shift_right_logical3A_611 = arith.shrui %add3A_606, %shift_right_logical3A_610 : vector<16xi32>
        %and3A_612 = arith.constant 7 : i32
        %and3A_613 = vector.broadcast %and3A_612 : i32 to vector<16xi32>
        %and3A_614 = arith.andi %add3A_606, %and3A_613 : vector<16xi32>
        %scatter3A_615 = arith.constant 0 : i32
        %scatter3A_616 = arith.constant 0 : i32
        %scatter3A_617 = arith.constant 0 : i32
        %scatter3A_618 = arith.constant 0 : i32
        %scatter3A_619 = arith.constant 0 : i32
        %scatter3A_620 = tpu.memref_slice %arg8[%scatter3A_615, %scatter3A_616, %scatter3A_617, %scatter3A_618, %scatter3A_619] : memref<2x5x4x8x129xf32, #tpu.memory_space<vmem>> -> memref<1x5x4x8x129xf32, #tpu.memory_space<vmem>>
        %scatter3A_621 = tpu.memref_squeeze %scatter3A_620 : memref<1x5x4x8x129xf32, #tpu.memory_space<vmem>> -> memref<5x4x8x129xf32, #tpu.memory_space<vmem>>
        tpu.vector_store_idx %scatter3A_621[%broadcast_in_dim3A_608, %shift_right_logical3A_611, %and3A_614, %add3A_550], %get3A_603 : memref<5x4x8x129xf32, #tpu.memory_space<vmem>>[vector<16xi32>, vector<16xi32>, vector<16xi32>, vector<16xi32>], vector<16xf32>,
        %add3A_622 = arith.constant 128 : i32
        %add3A_623 = arith.addi %add3A_622, %scan3A_547 : i32
        %get3A_624 = arith.constant 0 : i32
        %get3A_625 = arith.index_cast %get3A_624 : i32 to index
        %get3A_626 = arith.index_cast %add3A_623 : i32 to index
        %get3A_627 = arith.constant 16 : index
        %get3A_628 = tpu.vector_load %arg7[%get3A_625, %get3A_626, %get3A_627] {strides = array<i32>} : memref<2x640x32xf32, #tpu.memory_space<vmem>>, vector<16xf32>,
        %add3A_629 = arith.constant 16 : i32
        %add3A_630 = vector.broadcast %add3A_629 : i32 to vector<16xi32>
        %add3A_631 = arith.addi %iota3A, %add3A_630 : vector<16xi32>
        %broadcast_in_dim3A_632 = arith.constant 1 : i32
        %broadcast_in_dim3A_633 = vector.broadcast %broadcast_in_dim3A_632 : i32 to vector<16xi32>
        %shift_right_logical3A_634 = arith.constant 3 : i32
        %shift_right_logical3A_635 = vector.broadcast %shift_right_logical3A_634 : i32 to vector<16xi32>
        %shift_right_logical3A_636 = arith.shrui %add3A_631, %shift_right_logical3A_635 : vector<16xi32>
        %and3A_637 = arith.constant 7 : i32
        %and3A_638 = vector.broadcast %and3A_637 : i32 to vector<16xi32>
        %and3A_639 = arith.andi %add3A_631, %and3A_638 : vector<16xi32>
        %scatter3A_640 = arith.constant 0 : i32
        %scatter3A_641 = arith.constant 0 : i32
        %scatter3A_642 = arith.constant 0 : i32
        %scatter3A_643 = arith.constant 0 : i32
        %scatter3A_644 = arith.constant 0 : i32
        %scatter3A_645 = tpu.memref_slice %arg8[%scatter3A_640, %scatter3A_641, %scatter3A_642, %scatter3A_643, %scatter3A_644] : memref<2x5x4x8x129xf32, #tpu.memory_space<vmem>> -> memref<1x5x4x8x129xf32, #tpu.memory_space<vmem>>
        %scatter3A_646 = tpu.memref_squeeze %scatter3A_645 : memref<1x5x4x8x129xf32, #tpu.memory_space<vmem>> -> memref<5x4x8x129xf32, #tpu.memory_space<vmem>>
        tpu.vector_store_idx %scatter3A_646[%broadcast_in_dim3A_633, %shift_right_logical3A_636, %and3A_639, %add3A_550], %get3A_628 : memref<5x4x8x129xf32, #tpu.memory_space<vmem>>[vector<16xi32>, vector<16xi32>, vector<16xi32>, vector<16xi32>], vector<16xf32>,
        %add3A_647 = arith.constant 256 : i32
        %add3A_648 = arith.addi %add3A_647, %scan3A_547 : i32
        %get3A_649 = arith.constant 0 : i32
        %get3A_650 = arith.index_cast %get3A_649 : i32 to index
        %get3A_651 = arith.index_cast %add3A_648 : i32 to index
        %get3A_652 = arith.constant 0 : index
        %get3A_653 = tpu.vector_load %arg7[%get3A_650, %get3A_651, %get3A_652] {strides = array<i32>} : memref<2x640x32xf32, #tpu.memory_space<vmem>>, vector<16xf32>,
        %add3A_654 = arith.constant 0 : i32
        %add3A_655 = vector.broadcast %add3A_654 : i32 to vector<16xi32>
        %add3A_656 = arith.addi %iota3A, %add3A_655 : vector<16xi32>
        %broadcast_in_dim3A_657 = arith.constant 2 : i32
        %broadcast_in_dim3A_658 = vector.broadcast %broadcast_in_dim3A_657 : i32 to vector<16xi32>
        %shift_right_logical3A_659 = arith.constant 3 : i32
        %shift_right_logical3A_660 = vector.broadcast %shift_right_logical3A_659 : i32 to vector<16xi32>
        %shift_right_logical3A_661 = arith.shrui %add3A_656, %shift_right_logical3A_660 : vector<16xi32>
        %and3A_662 = arith.constant 7 : i32
        %and3A_663 = vector.broadcast %and3A_662 : i32 to vector<16xi32>
        %and3A_664 = arith.andi %add3A_656, %and3A_663 : vector<16xi32>
        %scatter3A_665 = arith.constant 0 : i32
        %scatter3A_666 = arith.constant 0 : i32
        %scatter3A_667 = arith.constant 0 : i32
        %scatter3A_668 = arith.constant 0 : i32
        %scatter3A_669 = arith.constant 0 : i32
        %scatter3A_670 = tpu.memref_slice %arg8[%scatter3A_665, %scatter3A_666, %scatter3A_667, %scatter3A_668, %scatter3A_669] : memref<2x5x4x8x129xf32, #tpu.memory_space<vmem>> -> memref<1x5x4x8x129xf32, #tpu.memory_space<vmem>>
        %scatter3A_671 = tpu.memref_squeeze %scatter3A_670 : memref<1x5x4x8x129xf32, #tpu.memory_space<vmem>> -> memref<5x4x8x129xf32, #tpu.memory_space<vmem>>
        tpu.vector_store_idx %scatter3A_671[%broadcast_in_dim3A_658, %shift_right_logical3A_661, %and3A_664, %add3A_550], %get3A_653 : memref<5x4x8x129xf32, #tpu.memory_space<vmem>>[vector<16xi32>, vector<16xi32>, vector<16xi32>, vector<16xi32>], vector<16xf32>,
        %add3A_672 = arith.constant 256 : i32
        %add3A_673 = arith.addi %add3A_672, %scan3A_547 : i32
        %get3A_674 = arith.constant 0 : i32
        %get3A_675 = arith.index_cast %get3A_674 : i32 to index
        %get3A_676 = arith.index_cast %add3A_673 : i32 to index
        %get3A_677 = arith.constant 16 : index
        %get3A_678 = tpu.vector_load %arg7[%get3A_675, %get3A_676, %get3A_677] {strides = array<i32>} : memref<2x640x32xf32, #tpu.memory_space<vmem>>, vector<16xf32>,
        %add3A_679 = arith.constant 16 : i32
        %add3A_680 = vector.broadcast %add3A_679 : i32 to vector<16xi32>
        %add3A_681 = arith.addi %iota3A, %add3A_680 : vector<16xi32>
        %broadcast_in_dim3A_682 = arith.constant 2 : i32
        %broadcast_in_dim3A_683 = vector.broadcast %broadcast_in_dim3A_682 : i32 to vector<16xi32>
        %shift_right_logical3A_684 = arith.constant 3 : i32
        %shift_right_logical3A_685 = vector.broadcast %shift_right_logical3A_684 : i32 to vector<16xi32>
        %shift_right_logical3A_686 = arith.shrui %add3A_681, %shift_right_logical3A_685 : vector<16xi32>
        %and3A_687 = arith.constant 7 : i32
        %and3A_688 = vector.broadcast %and3A_687 : i32 to vector<16xi32>
        %and3A_689 = arith.andi %add3A_681, %and3A_688 : vector<16xi32>
        %scatter3A_690 = arith.constant 0 : i32
        %scatter3A_691 = arith.constant 0 : i32
        %scatter3A_692 = arith.constant 0 : i32
        %scatter3A_693 = arith.constant 0 : i32
        %scatter3A_694 = arith.constant 0 : i32
        %scatter3A_695 = tpu.memref_slice %arg8[%scatter3A_690, %scatter3A_691, %scatter3A_692, %scatter3A_693, %scatter3A_694] : memref<2x5x4x8x129xf32, #tpu.memory_space<vmem>> -> memref<1x5x4x8x129xf32, #tpu.memory_space<vmem>>
        %scatter3A_696 = tpu.memref_squeeze %scatter3A_695 : memref<1x5x4x8x129xf32, #tpu.memory_space<vmem>> -> memref<5x4x8x129xf32, #tpu.memory_space<vmem>>
        tpu.vector_store_idx %scatter3A_696[%broadcast_in_dim3A_683, %shift_right_logical3A_686, %and3A_689, %add3A_550], %get3A_678 : memref<5x4x8x129xf32, #tpu.memory_space<vmem>>[vector<16xi32>, vector<16xi32>, vector<16xi32>, vector<16xi32>], vector<16xf32>,
        %add3A_697 = arith.constant 384 : i32
        %add3A_698 = arith.addi %add3A_697, %scan3A_547 : i32
        %get3A_699 = arith.constant 0 : i32
        %get3A_700 = arith.index_cast %get3A_699 : i32 to index
        %get3A_701 = arith.index_cast %add3A_698 : i32 to index
        %get3A_702 = arith.constant 0 : index
        %get3A_703 = tpu.vector_load %arg7[%get3A_700, %get3A_701, %get3A_702] {strides = array<i32>} : memref<2x640x32xf32, #tpu.memory_space<vmem>>, vector<16xf32>,
        %add3A_704 = arith.constant 0 : i32
        %add3A_705 = vector.broadcast %add3A_704 : i32 to vector<16xi32>
        %add3A_706 = arith.addi %iota3A, %add3A_705 : vector<16xi32>
        %broadcast_in_dim3A_707 = arith.constant 3 : i32
        %broadcast_in_dim3A_708 = vector.broadcast %broadcast_in_dim3A_707 : i32 to vector<16xi32>
        %shift_right_logical3A_709 = arith.constant 3 : i32
        %shift_right_logical3A_710 = vector.broadcast %shift_right_logical3A_709 : i32 to vector<16xi32>
        %shift_right_logical3A_711 = arith.shrui %add3A_706, %shift_right_logical3A_710 : vector<16xi32>
        %and3A_712 = arith.constant 7 : i32
        %and3A_713 = vector.broadcast %and3A_712 : i32 to vector<16xi32>
        %and3A_714 = arith.andi %add3A_706, %and3A_713 : vector<16xi32>
        %scatter3A_715 = arith.constant 0 : i32
        %scatter3A_716 = arith.constant 0 : i32
        %scatter3A_717 = arith.constant 0 : i32
        %scatter3A_718 = arith.constant 0 : i32
        %scatter3A_719 = arith.constant 0 : i32
        %scatter3A_720 = tpu.memref_slice %arg8[%scatter3A_715, %scatter3A_716, %scatter3A_717, %scatter3A_718, %scatter3A_719] : memref<2x5x4x8x129xf32, #tpu.memory_space<vmem>> -> memref<1x5x4x8x129xf32, #tpu.memory_space<vmem>>
        %scatter3A_721 = tpu.memref_squeeze %scatter3A_720 : memref<1x5x4x8x129xf32, #tpu.memory_space<vmem>> -> memref<5x4x8x129xf32, #tpu.memory_space<vmem>>
        tpu.vector_store_idx %scatter3A_721[%broadcast_in_dim3A_708, %shift_right_logical3A_711, %and3A_714, %add3A_550], %get3A_703 : memref<5x4x8x129xf32, #tpu.memory_space<vmem>>[vector<16xi32>, vector<16xi32>, vector<16xi32>, vector<16xi32>], vector<16xf32>,
        %add3A_722 = arith.constant 384 : i32
        %add3A_723 = arith.addi %add3A_722, %scan3A_547 : i32
        %get3A_724 = arith.constant 0 : i32
        %get3A_725 = arith.index_cast %get3A_724 : i32 to index
        %get3A_726 = arith.index_cast %add3A_723 : i32 to index
        %get3A_727 = arith.constant 16 : index
        %get3A_728 = tpu.vector_load %arg7[%get3A_725, %get3A_726, %get3A_727] {strides = array<i32>} : memref<2x640x32xf32, #tpu.memory_space<vmem>>, vector<16xf32>,
        %add3A_729 = arith.constant 16 : i32
        %add3A_730 = vector.broadcast %add3A_729 : i32 to vector<16xi32>
        %add3A_731 = arith.addi %iota3A, %add3A_730 : vector<16xi32>
        %broadcast_in_dim3A_732 = arith.constant 3 : i32
        %broadcast_in_dim3A_733 = vector.broadcast %broadcast_in_dim3A_732 : i32 to vector<16xi32>
        %shift_right_logical3A_734 = arith.constant 3 : i32
        %shift_right_logical3A_735 = vector.broadcast %shift_right_logical3A_734 : i32 to vector<16xi32>
        %shift_right_logical3A_736 = arith.shrui %add3A_731, %shift_right_logical3A_735 : vector<16xi32>
        %and3A_737 = arith.constant 7 : i32
        %and3A_738 = vector.broadcast %and3A_737 : i32 to vector<16xi32>
        %and3A_739 = arith.andi %add3A_731, %and3A_738 : vector<16xi32>
        %scatter3A_740 = arith.constant 0 : i32
        %scatter3A_741 = arith.constant 0 : i32
        %scatter3A_742 = arith.constant 0 : i32
        %scatter3A_743 = arith.constant 0 : i32
        %scatter3A_744 = arith.constant 0 : i32
        %scatter3A_745 = tpu.memref_slice %arg8[%scatter3A_740, %scatter3A_741, %scatter3A_742, %scatter3A_743, %scatter3A_744] : memref<2x5x4x8x129xf32, #tpu.memory_space<vmem>> -> memref<1x5x4x8x129xf32, #tpu.memory_space<vmem>>
        %scatter3A_746 = tpu.memref_squeeze %scatter3A_745 : memref<1x5x4x8x129xf32, #tpu.memory_space<vmem>> -> memref<5x4x8x129xf32, #tpu.memory_space<vmem>>
        tpu.vector_store_idx %scatter3A_746[%broadcast_in_dim3A_733, %shift_right_logical3A_736, %and3A_739, %add3A_550], %get3A_728 : memref<5x4x8x129xf32, #tpu.memory_space<vmem>>[vector<16xi32>, vector<16xi32>, vector<16xi32>, vector<16xi32>], vector<16xf32>,
        %add3A_747 = arith.constant 512 : i32
        %add3A_748 = arith.addi %add3A_747, %scan3A_547 : i32
        %get3A_749 = arith.constant 0 : i32
        %get3A_750 = arith.index_cast %get3A_749 : i32 to index
        %get3A_751 = arith.index_cast %add3A_748 : i32 to index
        %get3A_752 = arith.constant 0 : index
        %get3A_753 = tpu.vector_load %arg7[%get3A_750, %get3A_751, %get3A_752] {strides = array<i32>} : memref<2x640x32xf32, #tpu.memory_space<vmem>>, vector<16xf32>,
        %add3A_754 = arith.constant 0 : i32
        %add3A_755 = vector.broadcast %add3A_754 : i32 to vector<16xi32>
        %add3A_756 = arith.addi %iota3A, %add3A_755 : vector<16xi32>
        %broadcast_in_dim3A_757 = arith.constant 4 : i32
        %broadcast_in_dim3A_758 = vector.broadcast %broadcast_in_dim3A_757 : i32 to vector<16xi32>
        %shift_right_logical3A_759 = arith.constant 3 : i32
        %shift_right_logical3A_760 = vector.broadcast %shift_right_logical3A_759 : i32 to vector<16xi32>
        %shift_right_logical3A_761 = arith.shrui %add3A_756, %shift_right_logical3A_760 : vector<16xi32>
        %and3A_762 = arith.constant 7 : i32
        %and3A_763 = vector.broadcast %and3A_762 : i32 to vector<16xi32>
        %and3A_764 = arith.andi %add3A_756, %and3A_763 : vector<16xi32>
        %scatter3A_765 = arith.constant 0 : i32
        %scatter3A_766 = arith.constant 0 : i32
        %scatter3A_767 = arith.constant 0 : i32
        %scatter3A_768 = arith.constant 0 : i32
        %scatter3A_769 = arith.constant 0 : i32
        %scatter3A_770 = tpu.memref_slice %arg8[%scatter3A_765, %scatter3A_766, %scatter3A_767, %scatter3A_768, %scatter3A_769] : memref<2x5x4x8x129xf32, #tpu.memory_space<vmem>> -> memref<1x5x4x8x129xf32, #tpu.memory_space<vmem>>
        %scatter3A_771 = tpu.memref_squeeze %scatter3A_770 : memref<1x5x4x8x129xf32, #tpu.memory_space<vmem>> -> memref<5x4x8x129xf32, #tpu.memory_space<vmem>>
        tpu.vector_store_idx %scatter3A_771[%broadcast_in_dim3A_758, %shift_right_logical3A_761, %and3A_764, %add3A_550], %get3A_753 : memref<5x4x8x129xf32, #tpu.memory_space<vmem>>[vector<16xi32>, vector<16xi32>, vector<16xi32>, vector<16xi32>], vector<16xf32>,
        %add3A_772 = arith.constant 512 : i32
        %add3A_773 = arith.addi %add3A_772, %scan3A_547 : i32
        %get3A_774 = arith.constant 0 : i32
        %get3A_775 = arith.index_cast %get3A_774 : i32 to index
        %get3A_776 = arith.index_cast %add3A_773 : i32 to index
        %get3A_777 = arith.constant 16 : index
        %get3A_778 = tpu.vector_load %arg7[%get3A_775, %get3A_776, %get3A_777] {strides = array<i32>} : memref<2x640x32xf32, #tpu.memory_space<vmem>>, vector<16xf32>,
        %add3A_779 = arith.constant 16 : i32
        %add3A_780 = vector.broadcast %add3A_779 : i32 to vector<16xi32>
        %add3A_781 = arith.addi %iota3A, %add3A_780 : vector<16xi32>
        %broadcast_in_dim3A_782 = arith.constant 4 : i32
        %broadcast_in_dim3A_783 = vector.broadcast %broadcast_in_dim3A_782 : i32 to vector<16xi32>
        %shift_right_logical3A_784 = arith.constant 3 : i32
        %shift_right_logical3A_785 = vector.broadcast %shift_right_logical3A_784 : i32 to vector<16xi32>
        %shift_right_logical3A_786 = arith.shrui %add3A_781, %shift_right_logical3A_785 : vector<16xi32>
        %and3A_787 = arith.constant 7 : i32
        %and3A_788 = vector.broadcast %and3A_787 : i32 to vector<16xi32>
        %and3A_789 = arith.andi %add3A_781, %and3A_788 : vector<16xi32>
        %scatter3A_790 = arith.constant 0 : i32
        %scatter3A_791 = arith.constant 0 : i32
        %scatter3A_792 = arith.constant 0 : i32
        %scatter3A_793 = arith.constant 0 : i32
        %scatter3A_794 = arith.constant 0 : i32
        %scatter3A_795 = tpu.memref_slice %arg8[%scatter3A_790, %scatter3A_791, %scatter3A_792, %scatter3A_793, %scatter3A_794] : memref<2x5x4x8x129xf32, #tpu.memory_space<vmem>> -> memref<1x5x4x8x129xf32, #tpu.memory_space<vmem>>
        %scatter3A_796 = tpu.memref_squeeze %scatter3A_795 : memref<1x5x4x8x129xf32, #tpu.memory_space<vmem>> -> memref<5x4x8x129xf32, #tpu.memory_space<vmem>>
        tpu.vector_store_idx %scatter3A_796[%broadcast_in_dim3A_783, %shift_right_logical3A_786, %and3A_789, %add3A_550], %get3A_778 : memref<5x4x8x129xf32, #tpu.memory_space<vmem>>[vector<16xi32>, vector<16xi32>, vector<16xi32>, vector<16xi32>], vector<16xf32>,
      }
      %scan3A_405 = arith.constant 128 : i32
      %mul3A_406 = arith.constant 5 : i32
      %mul3A_407 = arith.muli %add3A_362, %mul3A_406 : i32
      %dma_start3A_408 = arith.constant 0 : i32
      %dma_start3A_409 = arith.constant 0 : i32
      %dma_start3A_410 = arith.constant 0 : i32
      %dma_start3A_411 = arith.constant 0 : i32
      %dma_start3A_412 = arith.constant 0 : i32
      %dma_start3A_413 = tpu.memref_slice %arg8[%dma_start3A_408, %dma_start3A_409, %dma_start3A_410, %dma_start3A_411, %dma_start3A_412] : memref<2x5x4x8x129xf32, #tpu.memory_space<vmem>> -> memref<1x5x4x8x128xf32, #tpu.memory_space<vmem>>
      %dma_start3A_414 = tpu.memref_squeeze %dma_start3A_413 : memref<1x5x4x8x128xf32, #tpu.memory_space<vmem>> -> memref<5x4x8x128xf32, #tpu.memory_space<vmem>>
      %dma_start3A_415 = arith.constant 0 : i32
      %dma_start3A_416 = arith.constant 0 : i32
      %dma_start3A_417 = arith.constant 0 : i32
      %dma_start3A_418 = tpu.memref_slice %arg4[%mul3A_407, %dma_start3A_415, %add3A, %dma_start3A_416, %dma_start3A_417] : memref<200x4x32x8x128xf32, #tpu.memory_space<hbm>> -> memref<5x4x1x8x128xf32, #tpu.memory_space<hbm>>
      %dma_start3A_419 = tpu.memref_squeeze %dma_start3A_418 : memref<5x4x1x8x128xf32, #tpu.memory_space<hbm>> -> memref<5x4x8x128xf32, #tpu.memory_space<hbm>>
      %dma_start3A_420 = arith.constant 0 : i32
      %dma_start3A_421 = arith.constant 0 : i32
      %dma_start3A_422 = arith.constant 0 : i32
      %dma_start3A_423 = tpu.memref_slice %arg4[%mul3A_407, %dma_start3A_420, %add3A, %dma_start3A_421, %dma_start3A_422] : memref<200x4x32x8x128xf32, #tpu.memory_space<hbm>> -> memref<5x4x1x8x128xf32, #tpu.memory_space<hbm>>
      %dma_start3A_424 = tpu.memref_squeeze %dma_start3A_423 : memref<5x4x1x8x128xf32, #tpu.memory_space<hbm>> -> memref<5x4x8x128xf32, #tpu.memory_space<hbm>>
      %dma_start3A_425 = arith.constant 0 : i32
      %dma_start3A_426 = arith.constant 0 : i32
      %dma_start3A_427 = arith.constant 0 : i32
      %dma_start3A_428 = arith.constant 0 : i32
      %dma_start3A_429 = tpu.memref_slice %arg8[%dma_start3A_408, %dma_start3A_425, %dma_start3A_426, %dma_start3A_427, %dma_start3A_428] : memref<2x5x4x8x129xf32, #tpu.memory_space<vmem>> -> memref<1x5x4x8x128xf32, #tpu.memory_space<vmem>>
      %dma_start3A_430 = tpu.memref_squeeze %dma_start3A_429 : memref<1x5x4x8x128xf32, #tpu.memory_space<vmem>> -> memref<5x4x8x128xf32, #tpu.memory_space<vmem>>
      tpu.enqueue_dma source(%dma_start3A_430 : memref<5x4x8x128xf32, #tpu.memory_space<vmem>>) target(%dma_start3A_424 : memref<5x4x8x128xf32, #tpu.memory_space<hbm>>) target_semaphore(%arg12 : memref<!tpu.dma_semaphore, #tpu.memory_space<semaphore_mem>>)
      %add3A_431 = arith.constant 2 : i32
      %add3A_432 = arith.addi %add3A_362, %add3A_431 : i32
      %mul3A_433 = arith.constant 5 : i32
      %mul3A_434 = arith.muli %add3A_432, %mul3A_433 : i32
      %scan3A_435 = arith.constant 0 : i32
      %scan3A_436 = arith.constant 0 : i32
      %scan3A_437 = arith.constant 8 : i32
      %scan3A_438 = arith.addi %scan3A_436, %scan3A_437 : i32
      %scan3A_439 = arith.constant 1 : i32
      scf.for %scan3A_547 = %scan3A_436 to %scan3A_438 step %scan3A_439  : i32 {
        %mul3A_548 = arith.constant 16 : i32
        %mul3A_549 = arith.muli %scan3A_547, %mul3A_548 : i32
        %add3A_550 = vector.broadcast %mul3A_549 : i32 to vector<16xi32>
        %add3A_551 = arith.addi %iota3A, %add3A_550 : vector<16xi32>
        %broadcast_in_dim3A = arith.constant 0 : i32
        %broadcast_in_dim3A_552 = vector.broadcast %broadcast_in_dim3A : i32 to vector<16xi32>
        %add3A_553 = arith.constant 0 : i32
        %add3A_554 = arith.addi %mul3A_434, %add3A_553 : i32
        %add3A_555 = vector.broadcast %add3A_554 : i32 to vector<16xi32>
        %add3A_556 = arith.addi %broadcast_in_dim3A_552, %add3A_555 : vector<16xi32>
        %gather3A = tpu.vector_load_idx %arg5[%add3A_551, %add3A_556] : memref<128x200xi32, #tpu.memory_space<vmem>>[vector<16xi32>, vector<16xi32>], vector<16xi32>,
        %mul3A_557 = arith.constant 16 : i32
        %mul3A_558 = arith.muli %scan3A_547, %mul3A_557 : i32
        %add3A_559 = arith.constant 0 : i32
        %add3A_560 = arith.addi %add3A_559, %mul3A_558 : i32
        %swap3A = arith.constant 0 : i32
        %swap3A_561 = arith.index_cast %swap3A : i32 to index
        %swap3A_562 = arith.index_cast %add3A_560 : i32 to index
        %swap3A_563 = tpu.vector_load %arg6[%swap3A_561, %swap3A_562] {strides = array<i32>} : memref<2x640xi32, #tpu.memory_space<vmem>>, vector<16xi32>,
        tpu.vector_store %arg6[%swap3A_561, %swap3A_562], %gather3A {strides = array<i32>} : memref<2x640xi32, #tpu.memory_space<vmem>>, vector<16xi32>,
        %broadcast_in_dim3A_564 = arith.constant 0 : i32
        %broadcast_in_dim3A_565 = vector.broadcast %broadcast_in_dim3A_564 : i32 to vector<16xi32>
        %add3A_566 = arith.constant 1 : i32
        %add3A_567 = arith.addi %mul3A_434, %add3A_566 : i32
        %add3A_568 = vector.broadcast %add3A_567 : i32 to vector<16xi32>
        %add3A_569 = arith.addi %broadcast_in_dim3A_565, %add3A_568 : vector<16xi32>
        %gather3A_570 = tpu.vector_load_idx %arg5[%add3A_551, %add3A_569] : memref<128x200xi32, #tpu.memory_space<vmem>>[vector<16xi32>, vector<16xi32>], vector<16xi32>,
        %mul3A_571 = arith.constant 16 : i32
        %mul3A_572 = arith.muli %scan3A_547, %mul3A_571 : i32
        %add3A_573 = arith.constant 128 : i32
        %add3A_574 = arith.addi %add3A_573, %mul3A_572 : i32
        %swap3A_575 = arith.constant 0 : i32
        %swap3A_576 = arith.index_cast %swap3A_575 : i32 to index
        %swap3A_577 = arith.index_cast %add3A_574 : i32 to index
        %swap3A_578 = tpu.vector_load %arg6[%swap3A_576, %swap3A_577] {strides = array<i32>} : memref<2x640xi32, #tpu.memory_space<vmem>>, vector<16xi32>,
        tpu.vector_store %arg6[%swap3A_576, %swap3A_577], %gather3A_570 {strides = array<i32>} : memref<2x640xi32, #tpu.memory_space<vmem>>, vector<16xi32>,
        %broadcast_in_dim3A_579 = arith.constant 0 : i32
        %broadcast_in_dim3A_580 = vector.broadcast %broadcast_in_dim3A_579 : i32 to vector<16xi32>
        %add3A_581 = arith.constant 2 : i32
        %add3A_582 = arith.addi %mul3A_434, %add3A_581 : i32
        %add3A_583 = vector.broadcast %add3A_582 : i32 to vector<16xi32>
        %add3A_584 = arith.addi %broadcast_in_dim3A_580, %add3A_583 : vector<16xi32>
        %gather3A_585 = tpu.vector_load_idx %arg5[%add3A_551, %add3A_584] : memref<128x200xi32, #tpu.memory_space<vmem>>[vector<16xi32>, vector<16xi32>], vector<16xi32>,
        %mul3A_586 = arith.constant 16 : i32
        %mul3A_587 = arith.muli %scan3A_547, %mul3A_586 : i32
        %add3A_588 = arith.constant 256 : i32
        %add3A_589 = arith.addi %add3A_588, %mul3A_587 : i32
        %swap3A_590 = arith.constant 0 : i32
        %swap3A_591 = arith.index_cast %swap3A_590 : i32 to index
        %swap3A_592 = arith.index_cast %add3A_589 : i32 to index
        %swap3A_593 = tpu.vector_load %arg6[%swap3A_591, %swap3A_592] {strides = array<i32>} : memref<2x640xi32, #tpu.memory_space<vmem>>, vector<16xi32>,
        tpu.vector_store %arg6[%swap3A_591, %swap3A_592], %gather3A_585 {strides = array<i32>} : memref<2x640xi32, #tpu.memory_space<vmem>>, vector<16xi32>,
        %broadcast_in_dim3A_594 = arith.constant 0 : i32
        %broadcast_in_dim3A_595 = vector.broadcast %broadcast_in_dim3A_594 : i32 to vector<16xi32>
        %add3A_596 = arith.constant 3 : i32
        %add3A_597 = arith.addi %mul3A_434, %add3A_596 : i32
        %add3A_598 = vector.broadcast %add3A_597 : i32 to vector<16xi32>
        %add3A_599 = arith.addi %broadcast_in_dim3A_595, %add3A_598 : vector<16xi32>
        %gather3A_600 = tpu.vector_load_idx %arg5[%add3A_551, %add3A_599] : memref<128x200xi32, #tpu.memory_space<vmem>>[vector<16xi32>, vector<16xi32>], vector<16xi32>,
        %mul3A_601 = arith.constant 16 : i32
        %mul3A_602 = arith.muli %scan3A_547, %mul3A_601 : i32
        %add3A_603 = arith.constant 384 : i32
        %add3A_604 = arith.addi %add3A_603, %mul3A_602 : i32
        %swap3A_605 = arith.constant 0 : i32
        %swap3A_606 = arith.index_cast %swap3A_605 : i32 to index
        %swap3A_607 = arith.index_cast %add3A_604 : i32 to index
        %swap3A_608 = tpu.vector_load %arg6[%swap3A_606, %swap3A_607] {strides = array<i32>} : memref<2x640xi32, #tpu.memory_space<vmem>>, vector<16xi32>,
        tpu.vector_store %arg6[%swap3A_606, %swap3A_607], %gather3A_600 {strides = array<i32>} : memref<2x640xi32, #tpu.memory_space<vmem>>, vector<16xi32>,
        %broadcast_in_dim3A_609 = arith.constant 0 : i32
        %broadcast_in_dim3A_610 = vector.broadcast %broadcast_in_dim3A_609 : i32 to vector<16xi32>
        %add3A_611 = arith.constant 4 : i32
        %add3A_612 = arith.addi %mul3A_434, %add3A_611 : i32
        %add3A_613 = vector.broadcast %add3A_612 : i32 to vector<16xi32>
        %add3A_614 = arith.addi %broadcast_in_dim3A_610, %add3A_613 : vector<16xi32>
        %gather3A_615 = tpu.vector_load_idx %arg5[%add3A_551, %add3A_614] : memref<128x200xi32, #tpu.memory_space<vmem>>[vector<16xi32>, vector<16xi32>], vector<16xi32>,
        %mul3A_616 = arith.constant 16 : i32
        %mul3A_617 = arith.muli %scan3A_547, %mul3A_616 : i32
        %add3A_618 = arith.constant 512 : i32
        %add3A_619 = arith.addi %add3A_618, %mul3A_617 : i32
        %swap3A_620 = arith.constant 0 : i32
        %swap3A_621 = arith.index_cast %swap3A_620 : i32 to index
        %swap3A_622 = arith.index_cast %add3A_619 : i32 to index
        %swap3A_623 = tpu.vector_load %arg6[%swap3A_621, %swap3A_622] {strides = array<i32>} : memref<2x640xi32, #tpu.memory_space<vmem>>, vector<16xi32>,
        tpu.vector_store %arg6[%swap3A_621, %swap3A_622], %gather3A_615 {strides = array<i32>} : memref<2x640xi32, #tpu.memory_space<vmem>>, vector<16xi32>,
      }
      %scan3A_440 = arith.constant 8 : i32
      %dma_start3A_441 = arith.constant 0 : i32
      %dma_start3A_442 = arith.constant 0 : i32
      %dma_start3A_443 = arith.constant 0 : i32
      %dma_start3A_444 = arith.constant 0 : i32
      %dma_start3A_445 = tpu.memref_slice %arg7[%dma_start3A_442, %dma_start3A_443, %dma_start3A_444] : memref<2x640x32xf32, #tpu.memory_space<vmem>> -> memref<1x640x32xf32, #tpu.memory_space<vmem>>
      %dma_start3A_446 = tpu.memref_squeeze %dma_start3A_445 : memref<1x640x32xf32, #tpu.memory_space<vmem>> -> memref<640x32xf32, #tpu.memory_space<vmem>>
      %dma_start3A_447 = arith.constant 0 : i32
      %dma_start3A_448 = tpu.memref_slice %arg6[%dma_start3A_441, %dma_start3A_447] : memref<2x640xi32, #tpu.memory_space<vmem>> -> memref<1x640xi32, #tpu.memory_space<vmem>>
      %dma_start3A_449 = tpu.memref_squeeze %dma_start3A_448 : memref<1x640xi32, #tpu.memory_space<vmem>> -> memref<640xi32, #tpu.memory_space<vmem>>
      %dma_start3A_450 = arith.constant 0 : i32
      %dma_start3A_451 = arith.constant 0 : i32
      %dma_start3A_452 = tpu.memref_slice %arg3[%dma_start3A_450, %dma_start3A_451] : memref<1000000x32xf32, #tpu.memory_space<hbm>> -> memref<1000000x32xf32, #tpu.memory_space<hbm>>
      tpu.enqueue_indirect_dma source(%dma_start3A_452 : memref<1000000x32xf32, #tpu.memory_space<hbm>>) target(%dma_start3A_446 : memref<640x32xf32, #tpu.memory_space<vmem>>) offsets(%dma_start3A_449 : memref<640xi32, #tpu.memory_space<vmem>>) semaphore(%arg10 : memref<!tpu.dma_semaphore, #tpu.memory_space<semaphore_mem>>)
      %mul3A_453 = arith.constant 2 : i32
      %mul3A_454 = arith.muli %mul3A_453, %scan3A_358 : i32
      %add3A_455 = arith.constant 1 : i32
      %add3A_456 = arith.addi %mul3A_454, %add3A_455 : i32
      %dma_wait3A_457 = arith.constant 1 : i32
      %dma_wait3A_458 = arith.constant 1 : i32
      %dma_wait3A_459 = arith.constant 0 : i32
      %dma_wait3A_460 = arith.constant 0 : i32
      %dma_wait3A_461 = tpu.memref_slice %arg7[%dma_wait3A_458, %dma_wait3A_459, %dma_wait3A_460] : memref<2x640x32xf32, #tpu.memory_space<vmem>> -> memref<1x640x32xf32, #tpu.memory_space<vmem>>
      %dma_wait3A_462 = tpu.memref_squeeze %dma_wait3A_461 : memref<1x640x32xf32, #tpu.memory_space<vmem>> -> memref<640x32xf32, #tpu.memory_space<vmem>>
      %dma_wait3A_463 = arith.constant 0 : i32
      %dma_wait3A_464 = tpu.memref_slice %arg6[%dma_wait3A_457, %dma_wait3A_463] : memref<2x640xi32, #tpu.memory_space<vmem>> -> memref<1x640xi32, #tpu.memory_space<vmem>>
      %dma_wait3A_465 = tpu.memref_squeeze %dma_wait3A_464 : memref<1x640xi32, #tpu.memory_space<vmem>> -> memref<640xi32, #tpu.memory_space<vmem>>
      %dma_wait3A_466 = arith.constant 0 : i32
      %dma_wait3A_467 = arith.constant 0 : i32
      %dma_wait3A_468 = tpu.memref_slice %arg3[%dma_wait3A_466, %dma_wait3A_467] : memref<1000000x32xf32, #tpu.memory_space<hbm>> -> memref<1000000x32xf32, #tpu.memory_space<hbm>>
      tpu.wait_indirect_dma semaphore(%arg11 : memref<!tpu.dma_semaphore, #tpu.memory_space<semaphore_mem>>) src(%dma_wait3A_468 : memref<1000000x32xf32, #tpu.memory_space<hbm>>) dst(%dma_wait3A_462 : memref<640x32xf32, #tpu.memory_space<vmem>>)
      %dma_wait3A_469 = arith.constant 1 : i32
      %dma_wait3A_470 = arith.constant 0 : i32
      %dma_wait3A_471 = arith.constant 0 : i32
      %dma_wait3A_472 = arith.constant 0 : i32
      %dma_wait3A_473 = arith.constant 0 : i32
      %dma_wait3A_474 = tpu.memref_slice %arg8[%dma_wait3A_469, %dma_wait3A_470, %dma_wait3A_471, %dma_wait3A_472, %dma_wait3A_473] : memref<2x5x4x8x129xf32, #tpu.memory_space<vmem>> -> memref<1x5x4x8x128xf32, #tpu.memory_space<vmem>>
      %dma_wait3A_475 = tpu.memref_squeeze %dma_wait3A_474 : memref<1x5x4x8x128xf32, #tpu.memory_space<vmem>> -> memref<5x4x8x128xf32, #tpu.memory_space<vmem>>
      %dma_wait3A_476 = arith.constant 0 : i32
      %dma_wait3A_477 = arith.constant 0 : i32
      %dma_wait3A_478 = arith.constant 0 : i32
      %dma_wait3A_479 = arith.constant 0 : i32
      %dma_wait3A_480 = tpu.memref_slice %arg4[%dma_wait3A_476, %dma_wait3A_477, %add3A, %dma_wait3A_478, %dma_wait3A_479] : memref<200x4x32x8x128xf32, #tpu.memory_space<hbm>> -> memref<5x4x1x8x128xf32, #tpu.memory_space<hbm>>
      %dma_wait3A_481 = tpu.memref_squeeze %dma_wait3A_480 : memref<5x4x1x8x128xf32, #tpu.memory_space<hbm>> -> memref<5x4x8x128xf32, #tpu.memory_space<hbm>>
      %dma_wait3A_482 = arith.constant 0 : i32
      %dma_wait3A_483 = arith.constant 0 : i32
      %dma_wait3A_484 = arith.constant 0 : i32
      %dma_wait3A_485 = arith.constant 0 : i32
      %dma_wait3A_486 = tpu.memref_slice %arg4[%dma_wait3A_482, %dma_wait3A_483, %add3A, %dma_wait3A_484, %dma_wait3A_485] : memref<200x4x32x8x128xf32, #tpu.memory_space<hbm>> -> memref<5x4x1x8x128xf32, #tpu.memory_space<hbm>>
      %dma_wait3A_487 = tpu.memref_squeeze %dma_wait3A_486 : memref<5x4x1x8x128xf32, #tpu.memory_space<hbm>> -> memref<5x4x8x128xf32, #tpu.memory_space<hbm>>
      %dma_wait3A_488 = arith.constant 0 : i32
      %dma_wait3A_489 = arith.constant 0 : i32
      %dma_wait3A_490 = arith.constant 0 : i32
      %dma_wait3A_491 = arith.constant 0 : i32
      %dma_wait3A_492 = tpu.memref_slice %arg8[%dma_wait3A_469, %dma_wait3A_488, %dma_wait3A_489, %dma_wait3A_490, %dma_wait3A_491] : memref<2x5x4x8x129xf32, #tpu.memory_space<vmem>> -> memref<1x5x4x8x128xf32, #tpu.memory_space<vmem>>
      %dma_wait3A_493 = tpu.memref_squeeze %dma_wait3A_492 : memref<1x5x4x8x128xf32, #tpu.memory_space<vmem>> -> memref<5x4x8x128xf32, #tpu.memory_space<vmem>>
      tpu.wait_dma2 semaphore(%arg13 : memref<!tpu.dma_semaphore, #tpu.memory_space<semaphore_mem>>) src(%dma_wait3A_493 : memref<5x4x8x128xf32, #tpu.memory_space<vmem>>) dst(%dma_wait3A_487 : memref<5x4x8x128xf32, #tpu.memory_space<hbm>>)
      %scan3A_494 = arith.constant 0 : i32
      %scan3A_495 = arith.constant 0 : i32
      %scan3A_496 = arith.constant 128 : i32
      %scan3A_497 = arith.addi %scan3A_495, %scan3A_496 : i32
      %scan3A_498 = arith.constant 1 : i32
      scf.for %scan3A_547 = %scan3A_495 to %scan3A_497 step %scan3A_498  : i32 {
        %broadcast_in_dim3A = arith.constant 0 : i32
        %broadcast_in_dim3A_548 = vector.broadcast %broadcast_in_dim3A : i32 to vector<16xi32>
        %add3A_549 = vector.broadcast %scan3A_547 : i32 to vector<16xi32>
        %add3A_550 = arith.addi %broadcast_in_dim3A_548, %add3A_549 : vector<16xi32>
        %add3A_551 = arith.constant 0 : i32
        %add3A_552 = arith.addi %add3A_551, %scan3A_547 : i32
        %get3A = arith.constant 1 : i32
        %get3A_553 = arith.index_cast %get3A : i32 to index
        %get3A_554 = arith.index_cast %add3A_552 : i32 to index
        %get3A_555 = arith.constant 0 : index
        %get3A_556 = tpu.vector_load %arg7[%get3A_553, %get3A_554, %get3A_555] {strides = array<i32>} : memref<2x640x32xf32, #tpu.memory_space<vmem>>, vector<16xf32>,
        %add3A_557 = arith.constant 0 : i32
        %add3A_558 = vector.broadcast %add3A_557 : i32 to vector<16xi32>
        %add3A_559 = arith.addi %iota3A, %add3A_558 : vector<16xi32>
        %broadcast_in_dim3A_560 = arith.constant 0 : i32
        %broadcast_in_dim3A_561 = vector.broadcast %broadcast_in_dim3A_560 : i32 to vector<16xi32>
        %shift_right_logical3A = arith.constant 3 : i32
        %shift_right_logical3A_562 = vector.broadcast %shift_right_logical3A : i32 to vector<16xi32>
        %shift_right_logical3A_563 = arith.shrui %add3A_559, %shift_right_logical3A_562 : vector<16xi32>
        %and3A = arith.constant 7 : i32
        %and3A_564 = vector.broadcast %and3A : i32 to vector<16xi32>
        %and3A_565 = arith.andi %add3A_559, %and3A_564 : vector<16xi32>
        %scatter3A = arith.constant 1 : i32
        %scatter3A_566 = arith.constant 0 : i32
        %scatter3A_567 = arith.constant 0 : i32
        %scatter3A_568 = arith.constant 0 : i32
        %scatter3A_569 = arith.constant 0 : i32
        %scatter3A_570 = tpu.memref_slice %arg8[%scatter3A, %scatter3A_566, %scatter3A_567, %scatter3A_568, %scatter3A_569] : memref<2x5x4x8x129xf32, #tpu.memory_space<vmem>> -> memref<1x5x4x8x129xf32, #tpu.memory_space<vmem>>
        %scatter3A_571 = tpu.memref_squeeze %scatter3A_570 : memref<1x5x4x8x129xf32, #tpu.memory_space<vmem>> -> memref<5x4x8x129xf32, #tpu.memory_space<vmem>>
        tpu.vector_store_idx %scatter3A_571[%broadcast_in_dim3A_561, %shift_right_logical3A_563, %and3A_565, %add3A_550], %get3A_556 : memref<5x4x8x129xf32, #tpu.memory_space<vmem>>[vector<16xi32>, vector<16xi32>, vector<16xi32>, vector<16xi32>], vector<16xf32>,
        %add3A_572 = arith.constant 0 : i32
        %add3A_573 = arith.addi %add3A_572, %scan3A_547 : i32
        %get3A_574 = arith.constant 1 : i32
        %get3A_575 = arith.index_cast %get3A_574 : i32 to index
        %get3A_576 = arith.index_cast %add3A_573 : i32 to index
        %get3A_577 = arith.constant 16 : index
        %get3A_578 = tpu.vector_load %arg7[%get3A_575, %get3A_576, %get3A_577] {strides = array<i32>} : memref<2x640x32xf32, #tpu.memory_space<vmem>>, vector<16xf32>,
        %add3A_579 = arith.constant 16 : i32
        %add3A_580 = vector.broadcast %add3A_579 : i32 to vector<16xi32>
        %add3A_581 = arith.addi %iota3A, %add3A_580 : vector<16xi32>
        %broadcast_in_dim3A_582 = arith.constant 0 : i32
        %broadcast_in_dim3A_583 = vector.broadcast %broadcast_in_dim3A_582 : i32 to vector<16xi32>
        %shift_right_logical3A_584 = arith.constant 3 : i32
        %shift_right_logical3A_585 = vector.broadcast %shift_right_logical3A_584 : i32 to vector<16xi32>
        %shift_right_logical3A_586 = arith.shrui %add3A_581, %shift_right_logical3A_585 : vector<16xi32>
        %and3A_587 = arith.constant 7 : i32
        %and3A_588 = vector.broadcast %and3A_587 : i32 to vector<16xi32>
        %and3A_589 = arith.andi %add3A_581, %and3A_588 : vector<16xi32>
        %scatter3A_590 = arith.constant 1 : i32
        %scatter3A_591 = arith.constant 0 : i32
        %scatter3A_592 = arith.constant 0 : i32
        %scatter3A_593 = arith.constant 0 : i32
        %scatter3A_594 = arith.constant 0 : i32
        %scatter3A_595 = tpu.memref_slice %arg8[%scatter3A_590, %scatter3A_591, %scatter3A_592, %scatter3A_593, %scatter3A_594] : memref<2x5x4x8x129xf32, #tpu.memory_space<vmem>> -> memref<1x5x4x8x129xf32, #tpu.memory_space<vmem>>
        %scatter3A_596 = tpu.memref_squeeze %scatter3A_595 : memref<1x5x4x8x129xf32, #tpu.memory_space<vmem>> -> memref<5x4x8x129xf32, #tpu.memory_space<vmem>>
        tpu.vector_store_idx %scatter3A_596[%broadcast_in_dim3A_583, %shift_right_logical3A_586, %and3A_589, %add3A_550], %get3A_578 : memref<5x4x8x129xf32, #tpu.memory_space<vmem>>[vector<16xi32>, vector<16xi32>, vector<16xi32>, vector<16xi32>], vector<16xf32>,
        %add3A_597 = arith.constant 128 : i32
        %add3A_598 = arith.addi %add3A_597, %scan3A_547 : i32
        %get3A_599 = arith.constant 1 : i32
        %get3A_600 = arith.index_cast %get3A_599 : i32 to index
        %get3A_601 = arith.index_cast %add3A_598 : i32 to index
        %get3A_602 = arith.constant 0 : index
        %get3A_603 = tpu.vector_load %arg7[%get3A_600, %get3A_601, %get3A_602] {strides = array<i32>} : memref<2x640x32xf32, #tpu.memory_space<vmem>>, vector<16xf32>,
        %add3A_604 = arith.constant 0 : i32
        %add3A_605 = vector.broadcast %add3A_604 : i32 to vector<16xi32>
        %add3A_606 = arith.addi %iota3A, %add3A_605 : vector<16xi32>
        %broadcast_in_dim3A_607 = arith.constant 1 : i32
        %broadcast_in_dim3A_608 = vector.broadcast %broadcast_in_dim3A_607 : i32 to vector<16xi32>
        %shift_right_logical3A_609 = arith.constant 3 : i32
        %shift_right_logical3A_610 = vector.broadcast %shift_right_logical3A_609 : i32 to vector<16xi32>
        %shift_right_logical3A_611 = arith.shrui %add3A_606, %shift_right_logical3A_610 : vector<16xi32>
        %and3A_612 = arith.constant 7 : i32
        %and3A_613 = vector.broadcast %and3A_612 : i32 to vector<16xi32>
        %and3A_614 = arith.andi %add3A_606, %and3A_613 : vector<16xi32>
        %scatter3A_615 = arith.constant 1 : i32
        %scatter3A_616 = arith.constant 0 : i32
        %scatter3A_617 = arith.constant 0 : i32
        %scatter3A_618 = arith.constant 0 : i32
        %scatter3A_619 = arith.constant 0 : i32
        %scatter3A_620 = tpu.memref_slice %arg8[%scatter3A_615, %scatter3A_616, %scatter3A_617, %scatter3A_618, %scatter3A_619] : memref<2x5x4x8x129xf32, #tpu.memory_space<vmem>> -> memref<1x5x4x8x129xf32, #tpu.memory_space<vmem>>
        %scatter3A_621 = tpu.memref_squeeze %scatter3A_620 : memref<1x5x4x8x129xf32, #tpu.memory_space<vmem>> -> memref<5x4x8x129xf32, #tpu.memory_space<vmem>>
        tpu.vector_store_idx %scatter3A_621[%broadcast_in_dim3A_608, %shift_right_logical3A_611, %and3A_614, %add3A_550], %get3A_603 : memref<5x4x8x129xf32, #tpu.memory_space<vmem>>[vector<16xi32>, vector<16xi32>, vector<16xi32>, vector<16xi32>], vector<16xf32>,
        %add3A_622 = arith.constant 128 : i32
        %add3A_623 = arith.addi %add3A_622, %scan3A_547 : i32
        %get3A_624 = arith.constant 1 : i32
        %get3A_625 = arith.index_cast %get3A_624 : i32 to index
        %get3A_626 = arith.index_cast %add3A_623 : i32 to index
        %get3A_627 = arith.constant 16 : index
        %get3A_628 = tpu.vector_load %arg7[%get3A_625, %get3A_626, %get3A_627] {strides = array<i32>} : memref<2x640x32xf32, #tpu.memory_space<vmem>>, vector<16xf32>,
        %add3A_629 = arith.constant 16 : i32
        %add3A_630 = vector.broadcast %add3A_629 : i32 to vector<16xi32>
        %add3A_631 = arith.addi %iota3A, %add3A_630 : vector<16xi32>
        %broadcast_in_dim3A_632 = arith.constant 1 : i32
        %broadcast_in_dim3A_633 = vector.broadcast %broadcast_in_dim3A_632 : i32 to vector<16xi32>
        %shift_right_logical3A_634 = arith.constant 3 : i32
        %shift_right_logical3A_635 = vector.broadcast %shift_right_logical3A_634 : i32 to vector<16xi32>
        %shift_right_logical3A_636 = arith.shrui %add3A_631, %shift_right_logical3A_635 : vector<16xi32>
        %and3A_637 = arith.constant 7 : i32
        %and3A_638 = vector.broadcast %and3A_637 : i32 to vector<16xi32>
        %and3A_639 = arith.andi %add3A_631, %and3A_638 : vector<16xi32>
        %scatter3A_640 = arith.constant 1 : i32
        %scatter3A_641 = arith.constant 0 : i32
        %scatter3A_642 = arith.constant 0 : i32
        %scatter3A_643 = arith.constant 0 : i32
        %scatter3A_644 = arith.constant 0 : i32
        %scatter3A_645 = tpu.memref_slice %arg8[%scatter3A_640, %scatter3A_641, %scatter3A_642, %scatter3A_643, %scatter3A_644] : memref<2x5x4x8x129xf32, #tpu.memory_space<vmem>> -> memref<1x5x4x8x129xf32, #tpu.memory_space<vmem>>
        %scatter3A_646 = tpu.memref_squeeze %scatter3A_645 : memref<1x5x4x8x129xf32, #tpu.memory_space<vmem>> -> memref<5x4x8x129xf32, #tpu.memory_space<vmem>>
        tpu.vector_store_idx %scatter3A_646[%broadcast_in_dim3A_633, %shift_right_logical3A_636, %and3A_639, %add3A_550], %get3A_628 : memref<5x4x8x129xf32, #tpu.memory_space<vmem>>[vector<16xi32>, vector<16xi32>, vector<16xi32>, vector<16xi32>], vector<16xf32>,
        %add3A_647 = arith.constant 256 : i32
        %add3A_648 = arith.addi %add3A_647, %scan3A_547 : i32
        %get3A_649 = arith.constant 1 : i32
        %get3A_650 = arith.index_cast %get3A_649 : i32 to index
        %get3A_651 = arith.index_cast %add3A_648 : i32 to index
        %get3A_652 = arith.constant 0 : index
        %get3A_653 = tpu.vector_load %arg7[%get3A_650, %get3A_651, %get3A_652] {strides = array<i32>} : memref<2x640x32xf32, #tpu.memory_space<vmem>>, vector<16xf32>,
        %add3A_654 = arith.constant 0 : i32
        %add3A_655 = vector.broadcast %add3A_654 : i32 to vector<16xi32>
        %add3A_656 = arith.addi %iota3A, %add3A_655 : vector<16xi32>
        %broadcast_in_dim3A_657 = arith.constant 2 : i32
        %broadcast_in_dim3A_658 = vector.broadcast %broadcast_in_dim3A_657 : i32 to vector<16xi32>
        %shift_right_logical3A_659 = arith.constant 3 : i32
        %shift_right_logical3A_660 = vector.broadcast %shift_right_logical3A_659 : i32 to vector<16xi32>
        %shift_right_logical3A_661 = arith.shrui %add3A_656, %shift_right_logical3A_660 : vector<16xi32>
        %and3A_662 = arith.constant 7 : i32
        %and3A_663 = vector.broadcast %and3A_662 : i32 to vector<16xi32>
        %and3A_664 = arith.andi %add3A_656, %and3A_663 : vector<16xi32>
        %scatter3A_665 = arith.constant 1 : i32
        %scatter3A_666 = arith.constant 0 : i32
        %scatter3A_667 = arith.constant 0 : i32
        %scatter3A_668 = arith.constant 0 : i32
        %scatter3A_669 = arith.constant 0 : i32
        %scatter3A_670 = tpu.memref_slice %arg8[%scatter3A_665, %scatter3A_666, %scatter3A_667, %scatter3A_668, %scatter3A_669] : memref<2x5x4x8x129xf32, #tpu.memory_space<vmem>> -> memref<1x5x4x8x129xf32, #tpu.memory_space<vmem>>
        %scatter3A_671 = tpu.memref_squeeze %scatter3A_670 : memref<1x5x4x8x129xf32, #tpu.memory_space<vmem>> -> memref<5x4x8x129xf32, #tpu.memory_space<vmem>>
        tpu.vector_store_idx %scatter3A_671[%broadcast_in_dim3A_658, %shift_right_logical3A_661, %and3A_664, %add3A_550], %get3A_653 : memref<5x4x8x129xf32, #tpu.memory_space<vmem>>[vector<16xi32>, vector<16xi32>, vector<16xi32>, vector<16xi32>], vector<16xf32>,
        %add3A_672 = arith.constant 256 : i32
        %add3A_673 = arith.addi %add3A_672, %scan3A_547 : i32
        %get3A_674 = arith.constant 1 : i32
        %get3A_675 = arith.index_cast %get3A_674 : i32 to index
        %get3A_676 = arith.index_cast %add3A_673 : i32 to index
        %get3A_677 = arith.constant 16 : index
        %get3A_678 = tpu.vector_load %arg7[%get3A_675, %get3A_676, %get3A_677] {strides = array<i32>} : memref<2x640x32xf32, #tpu.memory_space<vmem>>, vector<16xf32>,
        %add3A_679 = arith.constant 16 : i32
        %add3A_680 = vector.broadcast %add3A_679 : i32 to vector<16xi32>
        %add3A_681 = arith.addi %iota3A, %add3A_680 : vector<16xi32>
        %broadcast_in_dim3A_682 = arith.constant 2 : i32
        %broadcast_in_dim3A_683 = vector.broadcast %broadcast_in_dim3A_682 : i32 to vector<16xi32>
        %shift_right_logical3A_684 = arith.constant 3 : i32
        %shift_right_logical3A_685 = vector.broadcast %shift_right_logical3A_684 : i32 to vector<16xi32>
        %shift_right_logical3A_686 = arith.shrui %add3A_681, %shift_right_logical3A_685 : vector<16xi32>
        %and3A_687 = arith.constant 7 : i32
        %and3A_688 = vector.broadcast %and3A_687 : i32 to vector<16xi32>
        %and3A_689 = arith.andi %add3A_681, %and3A_688 : vector<16xi32>
        %scatter3A_690 = arith.constant 1 : i32
        %scatter3A_691 = arith.constant 0 : i32
        %scatter3A_692 = arith.constant 0 : i32
        %scatter3A_693 = arith.constant 0 : i32
        %scatter3A_694 = arith.constant 0 : i32
        %scatter3A_695 = tpu.memref_slice %arg8[%scatter3A_690, %scatter3A_691, %scatter3A_692, %scatter3A_693, %scatter3A_694] : memref<2x5x4x8x129xf32, #tpu.memory_space<vmem>> -> memref<1x5x4x8x129xf32, #tpu.memory_space<vmem>>
        %scatter3A_696 = tpu.memref_squeeze %scatter3A_695 : memref<1x5x4x8x129xf32, #tpu.memory_space<vmem>> -> memref<5x4x8x129xf32, #tpu.memory_space<vmem>>
        tpu.vector_store_idx %scatter3A_696[%broadcast_in_dim3A_683, %shift_right_logical3A_686, %and3A_689, %add3A_550], %get3A_678 : memref<5x4x8x129xf32, #tpu.memory_space<vmem>>[vector<16xi32>, vector<16xi32>, vector<16xi32>, vector<16xi32>], vector<16xf32>,
        %add3A_697 = arith.constant 384 : i32
        %add3A_698 = arith.addi %add3A_697, %scan3A_547 : i32
        %get3A_699 = arith.constant 1 : i32
        %get3A_700 = arith.index_cast %get3A_699 : i32 to index
        %get3A_701 = arith.index_cast %add3A_698 : i32 to index
        %get3A_702 = arith.constant 0 : index
        %get3A_703 = tpu.vector_load %arg7[%get3A_700, %get3A_701, %get3A_702] {strides = array<i32>} : memref<2x640x32xf32, #tpu.memory_space<vmem>>, vector<16xf32>,
        %add3A_704 = arith.constant 0 : i32
        %add3A_705 = vector.broadcast %add3A_704 : i32 to vector<16xi32>
        %add3A_706 = arith.addi %iota3A, %add3A_705 : vector<16xi32>
        %broadcast_in_dim3A_707 = arith.constant 3 : i32
        %broadcast_in_dim3A_708 = vector.broadcast %broadcast_in_dim3A_707 : i32 to vector<16xi32>
        %shift_right_logical3A_709 = arith.constant 3 : i32
        %shift_right_logical3A_710 = vector.broadcast %shift_right_logical3A_709 : i32 to vector<16xi32>
        %shift_right_logical3A_711 = arith.shrui %add3A_706, %shift_right_logical3A_710 : vector<16xi32>
        %and3A_712 = arith.constant 7 : i32
        %and3A_713 = vector.broadcast %and3A_712 : i32 to vector<16xi32>
        %and3A_714 = arith.andi %add3A_706, %and3A_713 : vector<16xi32>
        %scatter3A_715 = arith.constant 1 : i32
        %scatter3A_716 = arith.constant 0 : i32
        %scatter3A_717 = arith.constant 0 : i32
        %scatter3A_718 = arith.constant 0 : i32
        %scatter3A_719 = arith.constant 0 : i32
        %scatter3A_720 = tpu.memref_slice %arg8[%scatter3A_715, %scatter3A_716, %scatter3A_717, %scatter3A_718, %scatter3A_719] : memref<2x5x4x8x129xf32, #tpu.memory_space<vmem>> -> memref<1x5x4x8x129xf32, #tpu.memory_space<vmem>>
        %scatter3A_721 = tpu.memref_squeeze %scatter3A_720 : memref<1x5x4x8x129xf32, #tpu.memory_space<vmem>> -> memref<5x4x8x129xf32, #tpu.memory_space<vmem>>
        tpu.vector_store_idx %scatter3A_721[%broadcast_in_dim3A_708, %shift_right_logical3A_711, %and3A_714, %add3A_550], %get3A_703 : memref<5x4x8x129xf32, #tpu.memory_space<vmem>>[vector<16xi32>, vector<16xi32>, vector<16xi32>, vector<16xi32>], vector<16xf32>,
        %add3A_722 = arith.constant 384 : i32
        %add3A_723 = arith.addi %add3A_722, %scan3A_547 : i32
        %get3A_724 = arith.constant 1 : i32
        %get3A_725 = arith.index_cast %get3A_724 : i32 to index
        %get3A_726 = arith.index_cast %add3A_723 : i32 to index
        %get3A_727 = arith.constant 16 : index
        %get3A_728 = tpu.vector_load %arg7[%get3A_725, %get3A_726, %get3A_727] {strides = array<i32>} : memref<2x640x32xf32, #tpu.memory_space<vmem>>, vector<16xf32>,
        %add3A_729 = arith.constant 16 : i32
        %add3A_730 = vector.broadcast %add3A_729 : i32 to vector<16xi32>
        %add3A_731 = arith.addi %iota3A, %add3A_730 : vector<16xi32>
        %broadcast_in_dim3A_732 = arith.constant 3 : i32
        %broadcast_in_dim3A_733 = vector.broadcast %broadcast_in_dim3A_732 : i32 to vector<16xi32>
        %shift_right_logical3A_734 = arith.constant 3 : i32
        %shift_right_logical3A_735 = vector.broadcast %shift_right_logical3A_734 : i32 to vector<16xi32>
        %shift_right_logical3A_736 = arith.shrui %add3A_731, %shift_right_logical3A_735 : vector<16xi32>
        %and3A_737 = arith.constant 7 : i32
        %and3A_738 = vector.broadcast %and3A_737 : i32 to vector<16xi32>
        %and3A_739 = arith.andi %add3A_731, %and3A_738 : vector<16xi32>
        %scatter3A_740 = arith.constant 1 : i32
        %scatter3A_741 = arith.constant 0 : i32
        %scatter3A_742 = arith.constant 0 : i32
        %scatter3A_743 = arith.constant 0 : i32
        %scatter3A_744 = arith.constant 0 : i32
        %scatter3A_745 = tpu.memref_slice %arg8[%scatter3A_740, %scatter3A_741, %scatter3A_742, %scatter3A_743, %scatter3A_744] : memref<2x5x4x8x129xf32, #tpu.memory_space<vmem>> -> memref<1x5x4x8x129xf32, #tpu.memory_space<vmem>>
        %scatter3A_746 = tpu.memref_squeeze %scatter3A_745 : memref<1x5x4x8x129xf32, #tpu.memory_space<vmem>> -> memref<5x4x8x129xf32, #tpu.memory_space<vmem>>
        tpu.vector_store_idx %scatter3A_746[%broadcast_in_dim3A_733, %shift_right_logical3A_736, %and3A_739, %add3A_550], %get3A_728 : memref<5x4x8x129xf32, #tpu.memory_space<vmem>>[vector<16xi32>, vector<16xi32>, vector<16xi32>, vector<16xi32>], vector<16xf32>,
        %add3A_747 = arith.constant 512 : i32
        %add3A_748 = arith.addi %add3A_747, %scan3A_547 : i32
        %get3A_749 = arith.constant 1 : i32
        %get3A_750 = arith.index_cast %get3A_749 : i32 to index
        %get3A_751 = arith.index_cast %add3A_748 : i32 to index
        %get3A_752 = arith.constant 0 : index
        %get3A_753 = tpu.vector_load %arg7[%get3A_750, %get3A_751, %get3A_752] {strides = array<i32>} : memref<2x640x32xf32, #tpu.memory_space<vmem>>, vector<16xf32>,
        %add3A_754 = arith.constant 0 : i32
        %add3A_755 = vector.broadcast %add3A_754 : i32 to vector<16xi32>
        %add3A_756 = arith.addi %iota3A, %add3A_755 : vector<16xi32>
        %broadcast_in_dim3A_757 = arith.constant 4 : i32
        %broadcast_in_dim3A_758 = vector.broadcast %broadcast_in_dim3A_757 : i32 to vector<16xi32>
        %shift_right_logical3A_759 = arith.constant 3 : i32
        %shift_right_logical3A_760 = vector.broadcast %shift_right_logical3A_759 : i32 to vector<16xi32>
        %shift_right_logical3A_761 = arith.shrui %add3A_756, %shift_right_logical3A_760 : vector<16xi32>
        %and3A_762 = arith.constant 7 : i32
        %and3A_763 = vector.broadcast %and3A_762 : i32 to vector<16xi32>
        %and3A_764 = arith.andi %add3A_756, %and3A_763 : vector<16xi32>
        %scatter3A_765 = arith.constant 1 : i32
        %scatter3A_766 = arith.constant 0 : i32
        %scatter3A_767 = arith.constant 0 : i32
        %scatter3A_768 = arith.constant 0 : i32
        %scatter3A_769 = arith.constant 0 : i32
        %scatter3A_770 = tpu.memref_slice %arg8[%scatter3A_765, %scatter3A_766, %scatter3A_767, %scatter3A_768, %scatter3A_769] : memref<2x5x4x8x129xf32, #tpu.memory_space<vmem>> -> memref<1x5x4x8x129xf32, #tpu.memory_space<vmem>>
        %scatter3A_771 = tpu.memref_squeeze %scatter3A_770 : memref<1x5x4x8x129xf32, #tpu.memory_space<vmem>> -> memref<5x4x8x129xf32, #tpu.memory_space<vmem>>
        tpu.vector_store_idx %scatter3A_771[%broadcast_in_dim3A_758, %shift_right_logical3A_761, %and3A_764, %add3A_550], %get3A_753 : memref<5x4x8x129xf32, #tpu.memory_space<vmem>>[vector<16xi32>, vector<16xi32>, vector<16xi32>, vector<16xi32>], vector<16xf32>,
        %add3A_772 = arith.constant 512 : i32
        %add3A_773 = arith.addi %add3A_772, %scan3A_547 : i32
        %get3A_774 = arith.constant 1 : i32
        %get3A_775 = arith.index_cast %get3A_774 : i32 to index
        %get3A_776 = arith.index_cast %add3A_773 : i32 to index
        %get3A_777 = arith.constant 16 : index
        %get3A_778 = tpu.vector_load %arg7[%get3A_775, %get3A_776, %get3A_777] {strides = array<i32>} : memref<2x640x32xf32, #tpu.memory_space<vmem>>, vector<16xf32>,
        %add3A_779 = arith.constant 16 : i32
        %add3A_780 = vector.broadcast %add3A_779 : i32 to vector<16xi32>
        %add3A_781 = arith.addi %iota3A, %add3A_780 : vector<16xi32>
        %broadcast_in_dim3A_782 = arith.constant 4 : i32
        %broadcast_in_dim3A_783 = vector.broadcast %broadcast_in_dim3A_782 : i32 to vector<16xi32>
        %shift_right_logical3A_784 = arith.constant 3 : i32
        %shift_right_logical3A_785 = vector.broadcast %shift_right_logical3A_784 : i32 to vector<16xi32>
        %shift_right_logical3A_786 = arith.shrui %add3A_781, %shift_right_logical3A_785 : vector<16xi32>
        %and3A_787 = arith.constant 7 : i32
        %and3A_788 = vector.broadcast %and3A_787 : i32 to vector<16xi32>
        %and3A_789 = arith.andi %add3A_781, %and3A_788 : vector<16xi32>
        %scatter3A_790 = arith.constant 1 : i32
        %scatter3A_791 = arith.constant 0 : i32
        %scatter3A_792 = arith.constant 0 : i32
        %scatter3A_793 = arith.constant 0 : i32
        %scatter3A_794 = arith.constant 0 : i32
        %scatter3A_795 = tpu.memref_slice %arg8[%scatter3A_790, %scatter3A_791, %scatter3A_792, %scatter3A_793, %scatter3A_794] : memref<2x5x4x8x129xf32, #tpu.memory_space<vmem>> -> memref<1x5x4x8x129xf32, #tpu.memory_space<vmem>>
        %scatter3A_796 = tpu.memref_squeeze %scatter3A_795 : memref<1x5x4x8x129xf32, #tpu.memory_space<vmem>> -> memref<5x4x8x129xf32, #tpu.memory_space<vmem>>
        tpu.vector_store_idx %scatter3A_796[%broadcast_in_dim3A_783, %shift_right_logical3A_786, %and3A_789, %add3A_550], %get3A_778 : memref<5x4x8x129xf32, #tpu.memory_space<vmem>>[vector<16xi32>, vector<16xi32>, vector<16xi32>, vector<16xi32>], vector<16xf32>,
      }
      %scan3A_499 = arith.constant 128 : i32
      %mul3A_500 = arith.constant 5 : i32
      %mul3A_501 = arith.muli %add3A_456, %mul3A_500 : i32
      %dma_start3A_502 = arith.constant 1 : i32
      %dma_start3A_503 = arith.constant 0 : i32
      %dma_start3A_504 = arith.constant 0 : i32
      %dma_start3A_505 = arith.constant 0 : i32
      %dma_start3A_506 = arith.constant 0 : i32
      %dma_start3A_507 = tpu.memref_slice %arg8[%dma_start3A_502, %dma_start3A_503, %dma_start3A_504, %dma_start3A_505, %dma_start3A_506] : memref<2x5x4x8x129xf32, #tpu.memory_space<vmem>> -> memref<1x5x4x8x128xf32, #tpu.memory_space<vmem>>
      %dma_start3A_508 = tpu.memref_squeeze %dma_start3A_507 : memref<1x5x4x8x128xf32, #tpu.memory_space<vmem>> -> memref<5x4x8x128xf32, #tpu.memory_space<vmem>>
      %dma_start3A_509 = arith.constant 0 : i32
      %dma_start3A_510 = arith.constant 0 : i32
      %dma_start3A_511 = arith.constant 0 : i32
      %dma_start3A_512 = tpu.memref_slice %arg4[%mul3A_501, %dma_start3A_509, %add3A, %dma_start3A_510, %dma_start3A_511] : memref<200x4x32x8x128xf32, #tpu.memory_space<hbm>> -> memref<5x4x1x8x128xf32, #tpu.memory_space<hbm>>
      %dma_start3A_513 = tpu.memref_squeeze %dma_start3A_512 : memref<5x4x1x8x128xf32, #tpu.memory_space<hbm>> -> memref<5x4x8x128xf32, #tpu.memory_space<hbm>>
      %dma_start3A_514 = arith.constant 0 : i32
      %dma_start3A_515 = arith.constant 0 : i32
      %dma_start3A_516 = arith.constant 0 : i32
      %dma_start3A_517 = tpu.memref_slice %arg4[%mul3A_501, %dma_start3A_514, %add3A, %dma_start3A_515, %dma_start3A_516] : memref<200x4x32x8x128xf32, #tpu.memory_space<hbm>> -> memref<5x4x1x8x128xf32, #tpu.memory_space<hbm>>
      %dma_start3A_518 = tpu.memref_squeeze %dma_start3A_517 : memref<5x4x1x8x128xf32, #tpu.memory_space<hbm>> -> memref<5x4x8x128xf32, #tpu.memory_space<hbm>>
      %dma_start3A_519 = arith.constant 0 : i32
      %dma_start3A_520 = arith.constant 0 : i32
      %dma_start3A_521 = arith.constant 0 : i32
      %dma_start3A_522 = arith.constant 0 : i32
      %dma_start3A_523 = tpu.memref_slice %arg8[%dma_start3A_502, %dma_start3A_519, %dma_start3A_520, %dma_start3A_521, %dma_start3A_522] : memref<2x5x4x8x129xf32, #tpu.memory_space<vmem>> -> memref<1x5x4x8x128xf32, #tpu.memory_space<vmem>>
      %dma_start3A_524 = tpu.memref_squeeze %dma_start3A_523 : memref<1x5x4x8x128xf32, #tpu.memory_space<vmem>> -> memref<5x4x8x128xf32, #tpu.memory_space<vmem>>
      tpu.enqueue_dma source(%dma_start3A_524 : memref<5x4x8x128xf32, #tpu.memory_space<vmem>>) target(%dma_start3A_518 : memref<5x4x8x128xf32, #tpu.memory_space<hbm>>) target_semaphore(%arg13 : memref<!tpu.dma_semaphore, #tpu.memory_space<semaphore_mem>>)
      %add3A_525 = arith.constant 2 : i32
      %add3A_526 = arith.addi %add3A_456, %add3A_525 : i32
      %mul3A_527 = arith.constant 5 : i32
      %mul3A_528 = arith.muli %add3A_526, %mul3A_527 : i32
      %scan3A_529 = arith.constant 0 : i32
      %scan3A_530 = arith.constant 0 : i32
      %scan3A_531 = arith.constant 8 : i32
      %scan3A_532 = arith.addi %scan3A_530, %scan3A_531 : i32
      %scan3A_533 = arith.constant 1 : i32
      scf.for %scan3A_547 = %scan3A_530 to %scan3A_532 step %scan3A_533  : i32 {
        %mul3A_548 = arith.constant 16 : i32
        %mul3A_549 = arith.muli %scan3A_547, %mul3A_548 : i32
        %add3A_550 = vector.broadcast %mul3A_549 : i32 to vector<16xi32>
        %add3A_551 = arith.addi %iota3A, %add3A_550 : vector<16xi32>
        %broadcast_in_dim3A = arith.constant 0 : i32
        %broadcast_in_dim3A_552 = vector.broadcast %broadcast_in_dim3A : i32 to vector<16xi32>
        %add3A_553 = arith.constant 0 : i32
        %add3A_554 = arith.addi %mul3A_528, %add3A_553 : i32
        %add3A_555 = vector.broadcast %add3A_554 : i32 to vector<16xi32>
        %add3A_556 = arith.addi %broadcast_in_dim3A_552, %add3A_555 : vector<16xi32>
        %gather3A = tpu.vector_load_idx %arg5[%add3A_551, %add3A_556] : memref<128x200xi32, #tpu.memory_space<vmem>>[vector<16xi32>, vector<16xi32>], vector<16xi32>,
        %mul3A_557 = arith.constant 16 : i32
        %mul3A_558 = arith.muli %scan3A_547, %mul3A_557 : i32
        %add3A_559 = arith.constant 0 : i32
        %add3A_560 = arith.addi %add3A_559, %mul3A_558 : i32
        %swap3A = arith.constant 1 : i32
        %swap3A_561 = arith.index_cast %swap3A : i32 to index
        %swap3A_562 = arith.index_cast %add3A_560 : i32 to index
        %swap3A_563 = tpu.vector_load %arg6[%swap3A_561, %swap3A_562] {strides = array<i32>} : memref<2x640xi32, #tpu.memory_space<vmem>>, vector<16xi32>,
        tpu.vector_store %arg6[%swap3A_561, %swap3A_562], %gather3A {strides = array<i32>} : memref<2x640xi32, #tpu.memory_space<vmem>>, vector<16xi32>,
        %broadcast_in_dim3A_564 = arith.constant 0 : i32
        %broadcast_in_dim3A_565 = vector.broadcast %broadcast_in_dim3A_564 : i32 to vector<16xi32>
        %add3A_566 = arith.constant 1 : i32
        %add3A_567 = arith.addi %mul3A_528, %add3A_566 : i32
        %add3A_568 = vector.broadcast %add3A_567 : i32 to vector<16xi32>
        %add3A_569 = arith.addi %broadcast_in_dim3A_565, %add3A_568 : vector<16xi32>
        %gather3A_570 = tpu.vector_load_idx %arg5[%add3A_551, %add3A_569] : memref<128x200xi32, #tpu.memory_space<vmem>>[vector<16xi32>, vector<16xi32>], vector<16xi32>,
        %mul3A_571 = arith.constant 16 : i32
        %mul3A_572 = arith.muli %scan3A_547, %mul3A_571 : i32
        %add3A_573 = arith.constant 128 : i32
        %add3A_574 = arith.addi %add3A_573, %mul3A_572 : i32
        %swap3A_575 = arith.constant 1 : i32
        %swap3A_576 = arith.index_cast %swap3A_575 : i32 to index
        %swap3A_577 = arith.index_cast %add3A_574 : i32 to index
        %swap3A_578 = tpu.vector_load %arg6[%swap3A_576, %swap3A_577] {strides = array<i32>} : memref<2x640xi32, #tpu.memory_space<vmem>>, vector<16xi32>,
        tpu.vector_store %arg6[%swap3A_576, %swap3A_577], %gather3A_570 {strides = array<i32>} : memref<2x640xi32, #tpu.memory_space<vmem>>, vector<16xi32>,
        %broadcast_in_dim3A_579 = arith.constant 0 : i32
        %broadcast_in_dim3A_580 = vector.broadcast %broadcast_in_dim3A_579 : i32 to vector<16xi32>
        %add3A_581 = arith.constant 2 : i32
        %add3A_582 = arith.addi %mul3A_528, %add3A_581 : i32
        %add3A_583 = vector.broadcast %add3A_582 : i32 to vector<16xi32>
        %add3A_584 = arith.addi %broadcast_in_dim3A_580, %add3A_583 : vector<16xi32>
        %gather3A_585 = tpu.vector_load_idx %arg5[%add3A_551, %add3A_584] : memref<128x200xi32, #tpu.memory_space<vmem>>[vector<16xi32>, vector<16xi32>], vector<16xi32>,
        %mul3A_586 = arith.constant 16 : i32
        %mul3A_587 = arith.muli %scan3A_547, %mul3A_586 : i32
        %add3A_588 = arith.constant 256 : i32
        %add3A_589 = arith.addi %add3A_588, %mul3A_587 : i32
        %swap3A_590 = arith.constant 1 : i32
        %swap3A_591 = arith.index_cast %swap3A_590 : i32 to index
        %swap3A_592 = arith.index_cast %add3A_589 : i32 to index
        %swap3A_593 = tpu.vector_load %arg6[%swap3A_591, %swap3A_592] {strides = array<i32>} : memref<2x640xi32, #tpu.memory_space<vmem>>, vector<16xi32>,
        tpu.vector_store %arg6[%swap3A_591, %swap3A_592], %gather3A_585 {strides = array<i32>} : memref<2x640xi32, #tpu.memory_space<vmem>>, vector<16xi32>,
        %broadcast_in_dim3A_594 = arith.constant 0 : i32
        %broadcast_in_dim3A_595 = vector.broadcast %broadcast_in_dim3A_594 : i32 to vector<16xi32>
        %add3A_596 = arith.constant 3 : i32
        %add3A_597 = arith.addi %mul3A_528, %add3A_596 : i32
        %add3A_598 = vector.broadcast %add3A_597 : i32 to vector<16xi32>
        %add3A_599 = arith.addi %broadcast_in_dim3A_595, %add3A_598 : vector<16xi32>
        %gather3A_600 = tpu.vector_load_idx %arg5[%add3A_551, %add3A_599] : memref<128x200xi32, #tpu.memory_space<vmem>>[vector<16xi32>, vector<16xi32>], vector<16xi32>,
        %mul3A_601 = arith.constant 16 : i32
        %mul3A_602 = arith.muli %scan3A_547, %mul3A_601 : i32
        %add3A_603 = arith.constant 384 : i32
        %add3A_604 = arith.addi %add3A_603, %mul3A_602 : i32
        %swap3A_605 = arith.constant 1 : i32
        %swap3A_606 = arith.index_cast %swap3A_605 : i32 to index
        %swap3A_607 = arith.index_cast %add3A_604 : i32 to index
        %swap3A_608 = tpu.vector_load %arg6[%swap3A_606, %swap3A_607] {strides = array<i32>} : memref<2x640xi32, #tpu.memory_space<vmem>>, vector<16xi32>,
        tpu.vector_store %arg6[%swap3A_606, %swap3A_607], %gather3A_600 {strides = array<i32>} : memref<2x640xi32, #tpu.memory_space<vmem>>, vector<16xi32>,
        %broadcast_in_dim3A_609 = arith.constant 0 : i32
        %broadcast_in_dim3A_610 = vector.broadcast %broadcast_in_dim3A_609 : i32 to vector<16xi32>
        %add3A_611 = arith.constant 4 : i32
        %add3A_612 = arith.addi %mul3A_528, %add3A_611 : i32
        %add3A_613 = vector.broadcast %add3A_612 : i32 to vector<16xi32>
        %add3A_614 = arith.addi %broadcast_in_dim3A_610, %add3A_613 : vector<16xi32>
        %gather3A_615 = tpu.vector_load_idx %arg5[%add3A_551, %add3A_614] : memref<128x200xi32, #tpu.memory_space<vmem>>[vector<16xi32>, vector<16xi32>], vector<16xi32>,
        %mul3A_616 = arith.constant 16 : i32
        %mul3A_617 = arith.muli %scan3A_547, %mul3A_616 : i32
        %add3A_618 = arith.constant 512 : i32
        %add3A_619 = arith.addi %add3A_618, %mul3A_617 : i32
        %swap3A_620 = arith.constant 1 : i32
        %swap3A_621 = arith.index_cast %swap3A_620 : i32 to index
        %swap3A_622 = arith.index_cast %add3A_619 : i32 to index
        %swap3A_623 = tpu.vector_load %arg6[%swap3A_621, %swap3A_622] {strides = array<i32>} : memref<2x640xi32, #tpu.memory_space<vmem>>, vector<16xi32>,
        tpu.vector_store %arg6[%swap3A_621, %swap3A_622], %gather3A_615 {strides = array<i32>} : memref<2x640xi32, #tpu.memory_space<vmem>>, vector<16xi32>,
      }
      %scan3A_534 = arith.constant 8 : i32
      %dma_start3A_535 = arith.constant 1 : i32
      %dma_start3A_536 = arith.constant 1 : i32
      %dma_start3A_537 = arith.constant 0 : i32
      %dma_start3A_538 = arith.constant 0 : i32
      %dma_start3A_539 = tpu.memref_slice %arg7[%dma_start3A_536, %dma_start3A_537, %dma_start3A_538] : memref<2x640x32xf32, #tpu.memory_space<vmem>> -> memref<1x640x32xf32, #tpu.memory_space<vmem>>
      %dma_start3A_540 = tpu.memref_squeeze %dma_start3A_539 : memref<1x640x32xf32, #tpu.memory_space<vmem>> -> memref<640x32xf32, #tpu.memory_space<vmem>>
      %dma_start3A_541 = arith.constant 0 : i32
      %dma_start3A_542 = tpu.memref_slice %arg6[%dma_start3A_535, %dma_start3A_541] : memref<2x640xi32, #tpu.memory_space<vmem>> -> memref<1x640xi32, #tpu.memory_space<vmem>>
      %dma_start3A_543 = tpu.memref_squeeze %dma_start3A_542 : memref<1x640xi32, #tpu.memory_space<vmem>> -> memref<640xi32, #tpu.memory_space<vmem>>
      %dma_start3A_544 = arith.constant 0 : i32
      %dma_start3A_545 = arith.constant 0 : i32
      %dma_start3A_546 = tpu.memref_slice %arg3[%dma_start3A_544, %dma_start3A_545] : memref<1000000x32xf32, #tpu.memory_space<hbm>> -> memref<1000000x32xf32, #tpu.memory_space<hbm>>
      tpu.enqueue_indirect_dma source(%dma_start3A_546 : memref<1000000x32xf32, #tpu.memory_space<hbm>>) target(%dma_start3A_540 : memref<640x32xf32, #tpu.memory_space<vmem>>) offsets(%dma_start3A_543 : memref<640xi32, #tpu.memory_space<vmem>>) semaphore(%arg11 : memref<!tpu.dma_semaphore, #tpu.memory_space<semaphore_mem>>)
    }
    %scan3A_171 = arith.constant 18 : i32
    %dma_wait3A_172 = arith.constant 0 : i32
    %dma_wait3A_173 = arith.constant 0 : i32
    %dma_wait3A_174 = arith.constant 0 : i32
    %dma_wait3A_175 = arith.constant 0 : i32
    %dma_wait3A_176 = tpu.memref_slice %arg7[%dma_wait3A_173, %dma_wait3A_174, %dma_wait3A_175] : memref<2x640x32xf32, #tpu.memory_space<vmem>> -> memref<1x640x32xf32, #tpu.memory_space<vmem>>
    %dma_wait3A_177 = tpu.memref_squeeze %dma_wait3A_176 : memref<1x640x32xf32, #tpu.memory_space<vmem>> -> memref<640x32xf32, #tpu.memory_space<vmem>>
    %dma_wait3A_178 = arith.constant 0 : i32
    %dma_wait3A_179 = tpu.memref_slice %arg6[%dma_wait3A_172, %dma_wait3A_178] : memref<2x640xi32, #tpu.memory_space<vmem>> -> memref<1x640xi32, #tpu.memory_space<vmem>>
    %dma_wait3A_180 = tpu.memref_squeeze %dma_wait3A_179 : memref<1x640xi32, #tpu.memory_space<vmem>> -> memref<640xi32, #tpu.memory_space<vmem>>
    %dma_wait3A_181 = arith.constant 0 : i32
    %dma_wait3A_182 = arith.constant 0 : i32
    %dma_wait3A_183 = tpu.memref_slice %arg3[%dma_wait3A_181, %dma_wait3A_182] : memref<1000000x32xf32, #tpu.memory_space<hbm>> -> memref<1000000x32xf32, #tpu.memory_space<hbm>>
    tpu.wait_indirect_dma semaphore(%arg10 : memref<!tpu.dma_semaphore, #tpu.memory_space<semaphore_mem>>) src(%dma_wait3A_183 : memref<1000000x32xf32, #tpu.memory_space<hbm>>) dst(%dma_wait3A_177 : memref<640x32xf32, #tpu.memory_space<vmem>>)
    %dma_wait3A_184 = arith.constant 0 : i32
    %dma_wait3A_185 = arith.constant 0 : i32
    %dma_wait3A_186 = arith.constant 0 : i32
    %dma_wait3A_187 = arith.constant 0 : i32
    %dma_wait3A_188 = arith.constant 0 : i32
    %dma_wait3A_189 = tpu.memref_slice %arg8[%dma_wait3A_184, %dma_wait3A_185, %dma_wait3A_186, %dma_wait3A_187, %dma_wait3A_188] : memref<2x5x4x8x129xf32, #tpu.memory_space<vmem>> -> memref<1x5x4x8x128xf32, #tpu.memory_space<vmem>>
    %dma_wait3A_190 = tpu.memref_squeeze %dma_wait3A_189 : memref<1x5x4x8x128xf32, #tpu.memory_space<vmem>> -> memref<5x4x8x128xf32, #tpu.memory_space<vmem>>
    %dma_wait3A_191 = arith.constant 0 : i32
    %dma_wait3A_192 = arith.constant 0 : i32
    %dma_wait3A_193 = arith.constant 0 : i32
    %dma_wait3A_194 = arith.constant 0 : i32
    %dma_wait3A_195 = tpu.memref_slice %arg4[%dma_wait3A_191, %dma_wait3A_192, %add3A, %dma_wait3A_193, %dma_wait3A_194] : memref<200x4x32x8x128xf32, #tpu.memory_space<hbm>> -> memref<5x4x1x8x128xf32, #tpu.memory_space<hbm>>
    %dma_wait3A_196 = tpu.memref_squeeze %dma_wait3A_195 : memref<5x4x1x8x128xf32, #tpu.memory_space<hbm>> -> memref<5x4x8x128xf32, #tpu.memory_space<hbm>>
    %dma_wait3A_197 = arith.constant 0 : i32
    %dma_wait3A_198 = arith.constant 0 : i32
    %dma_wait3A_199 = arith.constant 0 : i32
    %dma_wait3A_200 = arith.constant 0 : i32
    %dma_wait3A_201 = tpu.memref_slice %arg4[%dma_wait3A_197, %dma_wait3A_198, %add3A, %dma_wait3A_199, %dma_wait3A_200] : memref<200x4x32x8x128xf32, #tpu.memory_space<hbm>> -> memref<5x4x1x8x128xf32, #tpu.memory_space<hbm>>
    %dma_wait3A_202 = tpu.memref_squeeze %dma_wait3A_201 : memref<5x4x1x8x128xf32, #tpu.memory_space<hbm>> -> memref<5x4x8x128xf32, #tpu.memory_space<hbm>>
    %dma_wait3A_203 = arith.constant 0 : i32
    %dma_wait3A_204 = arith.constant 0 : i32
    %dma_wait3A_205 = arith.constant 0 : i32
    %dma_wait3A_206 = arith.constant 0 : i32
    %dma_wait3A_207 = tpu.memref_slice %arg8[%dma_wait3A_184, %dma_wait3A_203, %dma_wait3A_204, %dma_wait3A_205, %dma_wait3A_206] : memref<2x5x4x8x129xf32, #tpu.memory_space<vmem>> -> memref<1x5x4x8x128xf32, #tpu.memory_space<vmem>>
    %dma_wait3A_208 = tpu.memref_squeeze %dma_wait3A_207 : memref<1x5x4x8x128xf32, #tpu.memory_space<vmem>> -> memref<5x4x8x128xf32, #tpu.memory_space<vmem>>
    tpu.wait_dma2 semaphore(%arg12 : memref<!tpu.dma_semaphore, #tpu.memory_space<semaphore_mem>>) src(%dma_wait3A_208 : memref<5x4x8x128xf32, #tpu.memory_space<vmem>>) dst(%dma_wait3A_202 : memref<5x4x8x128xf32, #tpu.memory_space<hbm>>)
    %scan3A_209 = arith.constant 0 : i32
    %scan3A_210 = arith.constant 0 : i32
    %scan3A_211 = arith.constant 128 : i32
    %scan3A_212 = arith.addi %scan3A_210, %scan3A_211 : i32
    %scan3A_213 = arith.constant 1 : i32
    scf.for %scan3A_358 = %scan3A_210 to %scan3A_212 step %scan3A_213  : i32 {
      %broadcast_in_dim3A = arith.constant 0 : i32
      %broadcast_in_dim3A_359 = vector.broadcast %broadcast_in_dim3A : i32 to vector<16xi32>
      %add3A_360 = vector.broadcast %scan3A_358 : i32 to vector<16xi32>
      %add3A_361 = arith.addi %broadcast_in_dim3A_359, %add3A_360 : vector<16xi32>
      %add3A_362 = arith.constant 0 : i32
      %add3A_363 = arith.addi %add3A_362, %scan3A_358 : i32
      %get3A = arith.constant 0 : i32
      %get3A_364 = arith.index_cast %get3A : i32 to index
      %get3A_365 = arith.index_cast %add3A_363 : i32 to index
      %get3A_366 = arith.constant 0 : index
      %get3A_367 = tpu.vector_load %arg7[%get3A_364, %get3A_365, %get3A_366] {strides = array<i32>} : memref<2x640x32xf32, #tpu.memory_space<vmem>>, vector<16xf32>,
      %add3A_368 = arith.constant 0 : i32
      %add3A_369 = vector.broadcast %add3A_368 : i32 to vector<16xi32>
      %add3A_370 = arith.addi %iota3A, %add3A_369 : vector<16xi32>
      %broadcast_in_dim3A_371 = arith.constant 0 : i32
      %broadcast_in_dim3A_372 = vector.broadcast %broadcast_in_dim3A_371 : i32 to vector<16xi32>
      %shift_right_logical3A = arith.constant 3 : i32
      %shift_right_logical3A_373 = vector.broadcast %shift_right_logical3A : i32 to vector<16xi32>
      %shift_right_logical3A_374 = arith.shrui %add3A_370, %shift_right_logical3A_373 : vector<16xi32>
      %and3A = arith.constant 7 : i32
      %and3A_375 = vector.broadcast %and3A : i32 to vector<16xi32>
      %and3A_376 = arith.andi %add3A_370, %and3A_375 : vector<16xi32>
      %scatter3A = arith.constant 0 : i32
      %scatter3A_377 = arith.constant 0 : i32
      %scatter3A_378 = arith.constant 0 : i32
      %scatter3A_379 = arith.constant 0 : i32
      %scatter3A_380 = arith.constant 0 : i32
      %scatter3A_381 = tpu.memref_slice %arg8[%scatter3A, %scatter3A_377, %scatter3A_378, %scatter3A_379, %scatter3A_380] : memref<2x5x4x8x129xf32, #tpu.memory_space<vmem>> -> memref<1x5x4x8x129xf32, #tpu.memory_space<vmem>>
      %scatter3A_382 = tpu.memref_squeeze %scatter3A_381 : memref<1x5x4x8x129xf32, #tpu.memory_space<vmem>> -> memref<5x4x8x129xf32, #tpu.memory_space<vmem>>
      tpu.vector_store_idx %scatter3A_382[%broadcast_in_dim3A_372, %shift_right_logical3A_374, %and3A_376, %add3A_361], %get3A_367 : memref<5x4x8x129xf32, #tpu.memory_space<vmem>>[vector<16xi32>, vector<16xi32>, vector<16xi32>, vector<16xi32>], vector<16xf32>,
      %add3A_383 = arith.constant 0 : i32
      %add3A_384 = arith.addi %add3A_383, %scan3A_358 : i32
      %get3A_385 = arith.constant 0 : i32
      %get3A_386 = arith.index_cast %get3A_385 : i32 to index
      %get3A_387 = arith.index_cast %add3A_384 : i32 to index
      %get3A_388 = arith.constant 16 : index
      %get3A_389 = tpu.vector_load %arg7[%get3A_386, %get3A_387, %get3A_388] {strides = array<i32>} : memref<2x640x32xf32, #tpu.memory_space<vmem>>, vector<16xf32>,
      %add3A_390 = arith.constant 16 : i32
      %add3A_391 = vector.broadcast %add3A_390 : i32 to vector<16xi32>
      %add3A_392 = arith.addi %iota3A, %add3A_391 : vector<16xi32>
      %broadcast_in_dim3A_393 = arith.constant 0 : i32
      %broadcast_in_dim3A_394 = vector.broadcast %broadcast_in_dim3A_393 : i32 to vector<16xi32>
      %shift_right_logical3A_395 = arith.constant 3 : i32
      %shift_right_logical3A_396 = vector.broadcast %shift_right_logical3A_395 : i32 to vector<16xi32>
      %shift_right_logical3A_397 = arith.shrui %add3A_392, %shift_right_logical3A_396 : vector<16xi32>
      %and3A_398 = arith.constant 7 : i32
      %and3A_399 = vector.broadcast %and3A_398 : i32 to vector<16xi32>
      %and3A_400 = arith.andi %add3A_392, %and3A_399 : vector<16xi32>
      %scatter3A_401 = arith.constant 0 : i32
      %scatter3A_402 = arith.constant 0 : i32
      %scatter3A_403 = arith.constant 0 : i32
      %scatter3A_404 = arith.constant 0 : i32
      %scatter3A_405 = arith.constant 0 : i32
      %scatter3A_406 = tpu.memref_slice %arg8[%scatter3A_401, %scatter3A_402, %scatter3A_403, %scatter3A_404, %scatter3A_405] : memref<2x5x4x8x129xf32, #tpu.memory_space<vmem>> -> memref<1x5x4x8x129xf32, #tpu.memory_space<vmem>>
      %scatter3A_407 = tpu.memref_squeeze %scatter3A_406 : memref<1x5x4x8x129xf32, #tpu.memory_space<vmem>> -> memref<5x4x8x129xf32, #tpu.memory_space<vmem>>
      tpu.vector_store_idx %scatter3A_407[%broadcast_in_dim3A_394, %shift_right_logical3A_397, %and3A_400, %add3A_361], %get3A_389 : memref<5x4x8x129xf32, #tpu.memory_space<vmem>>[vector<16xi32>, vector<16xi32>, vector<16xi32>, vector<16xi32>], vector<16xf32>,
      %add3A_408 = arith.constant 128 : i32
      %add3A_409 = arith.addi %add3A_408, %scan3A_358 : i32
      %get3A_410 = arith.constant 0 : i32
      %get3A_411 = arith.index_cast %get3A_410 : i32 to index
      %get3A_412 = arith.index_cast %add3A_409 : i32 to index
      %get3A_413 = arith.constant 0 : index
      %get3A_414 = tpu.vector_load %arg7[%get3A_411, %get3A_412, %get3A_413] {strides = array<i32>} : memref<2x640x32xf32, #tpu.memory_space<vmem>>, vector<16xf32>,
      %add3A_415 = arith.constant 0 : i32
      %add3A_416 = vector.broadcast %add3A_415 : i32 to vector<16xi32>
      %add3A_417 = arith.addi %iota3A, %add3A_416 : vector<16xi32>
      %broadcast_in_dim3A_418 = arith.constant 1 : i32
      %broadcast_in_dim3A_419 = vector.broadcast %broadcast_in_dim3A_418 : i32 to vector<16xi32>
      %shift_right_logical3A_420 = arith.constant 3 : i32
      %shift_right_logical3A_421 = vector.broadcast %shift_right_logical3A_420 : i32 to vector<16xi32>
      %shift_right_logical3A_422 = arith.shrui %add3A_417, %shift_right_logical3A_421 : vector<16xi32>
      %and3A_423 = arith.constant 7 : i32
      %and3A_424 = vector.broadcast %and3A_423 : i32 to vector<16xi32>
      %and3A_425 = arith.andi %add3A_417, %and3A_424 : vector<16xi32>
      %scatter3A_426 = arith.constant 0 : i32
      %scatter3A_427 = arith.constant 0 : i32
      %scatter3A_428 = arith.constant 0 : i32
      %scatter3A_429 = arith.constant 0 : i32
      %scatter3A_430 = arith.constant 0 : i32
      %scatter3A_431 = tpu.memref_slice %arg8[%scatter3A_426, %scatter3A_427, %scatter3A_428, %scatter3A_429, %scatter3A_430] : memref<2x5x4x8x129xf32, #tpu.memory_space<vmem>> -> memref<1x5x4x8x129xf32, #tpu.memory_space<vmem>>
      %scatter3A_432 = tpu.memref_squeeze %scatter3A_431 : memref<1x5x4x8x129xf32, #tpu.memory_space<vmem>> -> memref<5x4x8x129xf32, #tpu.memory_space<vmem>>
      tpu.vector_store_idx %scatter3A_432[%broadcast_in_dim3A_419, %shift_right_logical3A_422, %and3A_425, %add3A_361], %get3A_414 : memref<5x4x8x129xf32, #tpu.memory_space<vmem>>[vector<16xi32>, vector<16xi32>, vector<16xi32>, vector<16xi32>], vector<16xf32>,
      %add3A_433 = arith.constant 128 : i32
      %add3A_434 = arith.addi %add3A_433, %scan3A_358 : i32
      %get3A_435 = arith.constant 0 : i32
      %get3A_436 = arith.index_cast %get3A_435 : i32 to index
      %get3A_437 = arith.index_cast %add3A_434 : i32 to index
      %get3A_438 = arith.constant 16 : index
      %get3A_439 = tpu.vector_load %arg7[%get3A_436, %get3A_437, %get3A_438] {strides = array<i32>} : memref<2x640x32xf32, #tpu.memory_space<vmem>>, vector<16xf32>,
      %add3A_440 = arith.constant 16 : i32
      %add3A_441 = vector.broadcast %add3A_440 : i32 to vector<16xi32>
      %add3A_442 = arith.addi %iota3A, %add3A_441 : vector<16xi32>
      %broadcast_in_dim3A_443 = arith.constant 1 : i32
      %broadcast_in_dim3A_444 = vector.broadcast %broadcast_in_dim3A_443 : i32 to vector<16xi32>
      %shift_right_logical3A_445 = arith.constant 3 : i32
      %shift_right_logical3A_446 = vector.broadcast %shift_right_logical3A_445 : i32 to vector<16xi32>
      %shift_right_logical3A_447 = arith.shrui %add3A_442, %shift_right_logical3A_446 : vector<16xi32>
      %and3A_448 = arith.constant 7 : i32
      %and3A_449 = vector.broadcast %and3A_448 : i32 to vector<16xi32>
      %and3A_450 = arith.andi %add3A_442, %and3A_449 : vector<16xi32>
      %scatter3A_451 = arith.constant 0 : i32
      %scatter3A_452 = arith.constant 0 : i32
      %scatter3A_453 = arith.constant 0 : i32
      %scatter3A_454 = arith.constant 0 : i32
      %scatter3A_455 = arith.constant 0 : i32
      %scatter3A_456 = tpu.memref_slice %arg8[%scatter3A_451, %scatter3A_452, %scatter3A_453, %scatter3A_454, %scatter3A_455] : memref<2x5x4x8x129xf32, #tpu.memory_space<vmem>> -> memref<1x5x4x8x129xf32, #tpu.memory_space<vmem>>
      %scatter3A_457 = tpu.memref_squeeze %scatter3A_456 : memref<1x5x4x8x129xf32, #tpu.memory_space<vmem>> -> memref<5x4x8x129xf32, #tpu.memory_space<vmem>>
      tpu.vector_store_idx %scatter3A_457[%broadcast_in_dim3A_444, %shift_right_logical3A_447, %and3A_450, %add3A_361], %get3A_439 : memref<5x4x8x129xf32, #tpu.memory_space<vmem>>[vector<16xi32>, vector<16xi32>, vector<16xi32>, vector<16xi32>], vector<16xf32>,
      %add3A_458 = arith.constant 256 : i32
      %add3A_459 = arith.addi %add3A_458, %scan3A_358 : i32
      %get3A_460 = arith.constant 0 : i32
      %get3A_461 = arith.index_cast %get3A_460 : i32 to index
      %get3A_462 = arith.index_cast %add3A_459 : i32 to index
      %get3A_463 = arith.constant 0 : index
      %get3A_464 = tpu.vector_load %arg7[%get3A_461, %get3A_462, %get3A_463] {strides = array<i32>} : memref<2x640x32xf32, #tpu.memory_space<vmem>>, vector<16xf32>,
      %add3A_465 = arith.constant 0 : i32
      %add3A_466 = vector.broadcast %add3A_465 : i32 to vector<16xi32>
      %add3A_467 = arith.addi %iota3A, %add3A_466 : vector<16xi32>
      %broadcast_in_dim3A_468 = arith.constant 2 : i32
      %broadcast_in_dim3A_469 = vector.broadcast %broadcast_in_dim3A_468 : i32 to vector<16xi32>
      %shift_right_logical3A_470 = arith.constant 3 : i32
      %shift_right_logical3A_471 = vector.broadcast %shift_right_logical3A_470 : i32 to vector<16xi32>
      %shift_right_logical3A_472 = arith.shrui %add3A_467, %shift_right_logical3A_471 : vector<16xi32>
      %and3A_473 = arith.constant 7 : i32
      %and3A_474 = vector.broadcast %and3A_473 : i32 to vector<16xi32>
      %and3A_475 = arith.andi %add3A_467, %and3A_474 : vector<16xi32>
      %scatter3A_476 = arith.constant 0 : i32
      %scatter3A_477 = arith.constant 0 : i32
      %scatter3A_478 = arith.constant 0 : i32
      %scatter3A_479 = arith.constant 0 : i32
      %scatter3A_480 = arith.constant 0 : i32
      %scatter3A_481 = tpu.memref_slice %arg8[%scatter3A_476, %scatter3A_477, %scatter3A_478, %scatter3A_479, %scatter3A_480] : memref<2x5x4x8x129xf32, #tpu.memory_space<vmem>> -> memref<1x5x4x8x129xf32, #tpu.memory_space<vmem>>
      %scatter3A_482 = tpu.memref_squeeze %scatter3A_481 : memref<1x5x4x8x129xf32, #tpu.memory_space<vmem>> -> memref<5x4x8x129xf32, #tpu.memory_space<vmem>>
      tpu.vector_store_idx %scatter3A_482[%broadcast_in_dim3A_469, %shift_right_logical3A_472, %and3A_475, %add3A_361], %get3A_464 : memref<5x4x8x129xf32, #tpu.memory_space<vmem>>[vector<16xi32>, vector<16xi32>, vector<16xi32>, vector<16xi32>], vector<16xf32>,
      %add3A_483 = arith.constant 256 : i32
      %add3A_484 = arith.addi %add3A_483, %scan3A_358 : i32
      %get3A_485 = arith.constant 0 : i32
      %get3A_486 = arith.index_cast %get3A_485 : i32 to index
      %get3A_487 = arith.index_cast %add3A_484 : i32 to index
      %get3A_488 = arith.constant 16 : index
      %get3A_489 = tpu.vector_load %arg7[%get3A_486, %get3A_487, %get3A_488] {strides = array<i32>} : memref<2x640x32xf32, #tpu.memory_space<vmem>>, vector<16xf32>,
      %add3A_490 = arith.constant 16 : i32
      %add3A_491 = vector.broadcast %add3A_490 : i32 to vector<16xi32>
      %add3A_492 = arith.addi %iota3A, %add3A_491 : vector<16xi32>
      %broadcast_in_dim3A_493 = arith.constant 2 : i32
      %broadcast_in_dim3A_494 = vector.broadcast %broadcast_in_dim3A_493 : i32 to vector<16xi32>
      %shift_right_logical3A_495 = arith.constant 3 : i32
      %shift_right_logical3A_496 = vector.broadcast %shift_right_logical3A_495 : i32 to vector<16xi32>
      %shift_right_logical3A_497 = arith.shrui %add3A_492, %shift_right_logical3A_496 : vector<16xi32>
      %and3A_498 = arith.constant 7 : i32
      %and3A_499 = vector.broadcast %and3A_498 : i32 to vector<16xi32>
      %and3A_500 = arith.andi %add3A_492, %and3A_499 : vector<16xi32>
      %scatter3A_501 = arith.constant 0 : i32
      %scatter3A_502 = arith.constant 0 : i32
      %scatter3A_503 = arith.constant 0 : i32
      %scatter3A_504 = arith.constant 0 : i32
      %scatter3A_505 = arith.constant 0 : i32
      %scatter3A_506 = tpu.memref_slice %arg8[%scatter3A_501, %scatter3A_502, %scatter3A_503, %scatter3A_504, %scatter3A_505] : memref<2x5x4x8x129xf32, #tpu.memory_space<vmem>> -> memref<1x5x4x8x129xf32, #tpu.memory_space<vmem>>
      %scatter3A_507 = tpu.memref_squeeze %scatter3A_506 : memref<1x5x4x8x129xf32, #tpu.memory_space<vmem>> -> memref<5x4x8x129xf32, #tpu.memory_space<vmem>>
      tpu.vector_store_idx %scatter3A_507[%broadcast_in_dim3A_494, %shift_right_logical3A_497, %and3A_500, %add3A_361], %get3A_489 : memref<5x4x8x129xf32, #tpu.memory_space<vmem>>[vector<16xi32>, vector<16xi32>, vector<16xi32>, vector<16xi32>], vector<16xf32>,
      %add3A_508 = arith.constant 384 : i32
      %add3A_509 = arith.addi %add3A_508, %scan3A_358 : i32
      %get3A_510 = arith.constant 0 : i32
      %get3A_511 = arith.index_cast %get3A_510 : i32 to index
      %get3A_512 = arith.index_cast %add3A_509 : i32 to index
      %get3A_513 = arith.constant 0 : index
      %get3A_514 = tpu.vector_load %arg7[%get3A_511, %get3A_512, %get3A_513] {strides = array<i32>} : memref<2x640x32xf32, #tpu.memory_space<vmem>>, vector<16xf32>,
      %add3A_515 = arith.constant 0 : i32
      %add3A_516 = vector.broadcast %add3A_515 : i32 to vector<16xi32>
      %add3A_517 = arith.addi %iota3A, %add3A_516 : vector<16xi32>
      %broadcast_in_dim3A_518 = arith.constant 3 : i32
      %broadcast_in_dim3A_519 = vector.broadcast %broadcast_in_dim3A_518 : i32 to vector<16xi32>
      %shift_right_logical3A_520 = arith.constant 3 : i32
      %shift_right_logical3A_521 = vector.broadcast %shift_right_logical3A_520 : i32 to vector<16xi32>
      %shift_right_logical3A_522 = arith.shrui %add3A_517, %shift_right_logical3A_521 : vector<16xi32>
      %and3A_523 = arith.constant 7 : i32
      %and3A_524 = vector.broadcast %and3A_523 : i32 to vector<16xi32>
      %and3A_525 = arith.andi %add3A_517, %and3A_524 : vector<16xi32>
      %scatter3A_526 = arith.constant 0 : i32
      %scatter3A_527 = arith.constant 0 : i32
      %scatter3A_528 = arith.constant 0 : i32
      %scatter3A_529 = arith.constant 0 : i32
      %scatter3A_530 = arith.constant 0 : i32
      %scatter3A_531 = tpu.memref_slice %arg8[%scatter3A_526, %scatter3A_527, %scatter3A_528, %scatter3A_529, %scatter3A_530] : memref<2x5x4x8x129xf32, #tpu.memory_space<vmem>> -> memref<1x5x4x8x129xf32, #tpu.memory_space<vmem>>
      %scatter3A_532 = tpu.memref_squeeze %scatter3A_531 : memref<1x5x4x8x129xf32, #tpu.memory_space<vmem>> -> memref<5x4x8x129xf32, #tpu.memory_space<vmem>>
      tpu.vector_store_idx %scatter3A_532[%broadcast_in_dim3A_519, %shift_right_logical3A_522, %and3A_525, %add3A_361], %get3A_514 : memref<5x4x8x129xf32, #tpu.memory_space<vmem>>[vector<16xi32>, vector<16xi32>, vector<16xi32>, vector<16xi32>], vector<16xf32>,
      %add3A_533 = arith.constant 384 : i32
      %add3A_534 = arith.addi %add3A_533, %scan3A_358 : i32
      %get3A_535 = arith.constant 0 : i32
      %get3A_536 = arith.index_cast %get3A_535 : i32 to index
      %get3A_537 = arith.index_cast %add3A_534 : i32 to index
      %get3A_538 = arith.constant 16 : index
      %get3A_539 = tpu.vector_load %arg7[%get3A_536, %get3A_537, %get3A_538] {strides = array<i32>} : memref<2x640x32xf32, #tpu.memory_space<vmem>>, vector<16xf32>,
      %add3A_540 = arith.constant 16 : i32
      %add3A_541 = vector.broadcast %add3A_540 : i32 to vector<16xi32>
      %add3A_542 = arith.addi %iota3A, %add3A_541 : vector<16xi32>
      %broadcast_in_dim3A_543 = arith.constant 3 : i32
      %broadcast_in_dim3A_544 = vector.broadcast %broadcast_in_dim3A_543 : i32 to vector<16xi32>
      %shift_right_logical3A_545 = arith.constant 3 : i32
      %shift_right_logical3A_546 = vector.broadcast %shift_right_logical3A_545 : i32 to vector<16xi32>
      %shift_right_logical3A_547 = arith.shrui %add3A_542, %shift_right_logical3A_546 : vector<16xi32>
      %and3A_548 = arith.constant 7 : i32
      %and3A_549 = vector.broadcast %and3A_548 : i32 to vector<16xi32>
      %and3A_550 = arith.andi %add3A_542, %and3A_549 : vector<16xi32>
      %scatter3A_551 = arith.constant 0 : i32
      %scatter3A_552 = arith.constant 0 : i32
      %scatter3A_553 = arith.constant 0 : i32
      %scatter3A_554 = arith.constant 0 : i32
      %scatter3A_555 = arith.constant 0 : i32
      %scatter3A_556 = tpu.memref_slice %arg8[%scatter3A_551, %scatter3A_552, %scatter3A_553, %scatter3A_554, %scatter3A_555] : memref<2x5x4x8x129xf32, #tpu.memory_space<vmem>> -> memref<1x5x4x8x129xf32, #tpu.memory_space<vmem>>
      %scatter3A_557 = tpu.memref_squeeze %scatter3A_556 : memref<1x5x4x8x129xf32, #tpu.memory_space<vmem>> -> memref<5x4x8x129xf32, #tpu.memory_space<vmem>>
      tpu.vector_store_idx %scatter3A_557[%broadcast_in_dim3A_544, %shift_right_logical3A_547, %and3A_550, %add3A_361], %get3A_539 : memref<5x4x8x129xf32, #tpu.memory_space<vmem>>[vector<16xi32>, vector<16xi32>, vector<16xi32>, vector<16xi32>], vector<16xf32>,
      %add3A_558 = arith.constant 512 : i32
      %add3A_559 = arith.addi %add3A_558, %scan3A_358 : i32
      %get3A_560 = arith.constant 0 : i32
      %get3A_561 = arith.index_cast %get3A_560 : i32 to index
      %get3A_562 = arith.index_cast %add3A_559 : i32 to index
      %get3A_563 = arith.constant 0 : index
      %get3A_564 = tpu.vector_load %arg7[%get3A_561, %get3A_562, %get3A_563] {strides = array<i32>} : memref<2x640x32xf32, #tpu.memory_space<vmem>>, vector<16xf32>,
      %add3A_565 = arith.constant 0 : i32
      %add3A_566 = vector.broadcast %add3A_565 : i32 to vector<16xi32>
      %add3A_567 = arith.addi %iota3A, %add3A_566 : vector<16xi32>
      %broadcast_in_dim3A_568 = arith.constant 4 : i32
      %broadcast_in_dim3A_569 = vector.broadcast %broadcast_in_dim3A_568 : i32 to vector<16xi32>
      %shift_right_logical3A_570 = arith.constant 3 : i32
      %shift_right_logical3A_571 = vector.broadcast %shift_right_logical3A_570 : i32 to vector<16xi32>
      %shift_right_logical3A_572 = arith.shrui %add3A_567, %shift_right_logical3A_571 : vector<16xi32>
      %and3A_573 = arith.constant 7 : i32
      %and3A_574 = vector.broadcast %and3A_573 : i32 to vector<16xi32>
      %and3A_575 = arith.andi %add3A_567, %and3A_574 : vector<16xi32>
      %scatter3A_576 = arith.constant 0 : i32
      %scatter3A_577 = arith.constant 0 : i32
      %scatter3A_578 = arith.constant 0 : i32
      %scatter3A_579 = arith.constant 0 : i32
      %scatter3A_580 = arith.constant 0 : i32
      %scatter3A_581 = tpu.memref_slice %arg8[%scatter3A_576, %scatter3A_577, %scatter3A_578, %scatter3A_579, %scatter3A_580] : memref<2x5x4x8x129xf32, #tpu.memory_space<vmem>> -> memref<1x5x4x8x129xf32, #tpu.memory_space<vmem>>
      %scatter3A_582 = tpu.memref_squeeze %scatter3A_581 : memref<1x5x4x8x129xf32, #tpu.memory_space<vmem>> -> memref<5x4x8x129xf32, #tpu.memory_space<vmem>>
      tpu.vector_store_idx %scatter3A_582[%broadcast_in_dim3A_569, %shift_right_logical3A_572, %and3A_575, %add3A_361], %get3A_564 : memref<5x4x8x129xf32, #tpu.memory_space<vmem>>[vector<16xi32>, vector<16xi32>, vector<16xi32>, vector<16xi32>], vector<16xf32>,
      %add3A_583 = arith.constant 512 : i32
      %add3A_584 = arith.addi %add3A_583, %scan3A_358 : i32
      %get3A_585 = arith.constant 0 : i32
      %get3A_586 = arith.index_cast %get3A_585 : i32 to index
      %get3A_587 = arith.index_cast %add3A_584 : i32 to index
      %get3A_588 = arith.constant 16 : index
      %get3A_589 = tpu.vector_load %arg7[%get3A_586, %get3A_587, %get3A_588] {strides = array<i32>} : memref<2x640x32xf32, #tpu.memory_space<vmem>>, vector<16xf32>,
      %add3A_590 = arith.constant 16 : i32
      %add3A_591 = vector.broadcast %add3A_590 : i32 to vector<16xi32>
      %add3A_592 = arith.addi %iota3A, %add3A_591 : vector<16xi32>
      %broadcast_in_dim3A_593 = arith.constant 4 : i32
      %broadcast_in_dim3A_594 = vector.broadcast %broadcast_in_dim3A_593 : i32 to vector<16xi32>
      %shift_right_logical3A_595 = arith.constant 3 : i32
      %shift_right_logical3A_596 = vector.broadcast %shift_right_logical3A_595 : i32 to vector<16xi32>
      %shift_right_logical3A_597 = arith.shrui %add3A_592, %shift_right_logical3A_596 : vector<16xi32>
      %and3A_598 = arith.constant 7 : i32
      %and3A_599 = vector.broadcast %and3A_598 : i32 to vector<16xi32>
      %and3A_600 = arith.andi %add3A_592, %and3A_599 : vector<16xi32>
      %scatter3A_601 = arith.constant 0 : i32
      %scatter3A_602 = arith.constant 0 : i32
      %scatter3A_603 = arith.constant 0 : i32
      %scatter3A_604 = arith.constant 0 : i32
      %scatter3A_605 = arith.constant 0 : i32
      %scatter3A_606 = tpu.memref_slice %arg8[%scatter3A_601, %scatter3A_602, %scatter3A_603, %scatter3A_604, %scatter3A_605] : memref<2x5x4x8x129xf32, #tpu.memory_space<vmem>> -> memref<1x5x4x8x129xf32, #tpu.memory_space<vmem>>
      %scatter3A_607 = tpu.memref_squeeze %scatter3A_606 : memref<1x5x4x8x129xf32, #tpu.memory_space<vmem>> -> memref<5x4x8x129xf32, #tpu.memory_space<vmem>>
      tpu.vector_store_idx %scatter3A_607[%broadcast_in_dim3A_594, %shift_right_logical3A_597, %and3A_600, %add3A_361], %get3A_589 : memref<5x4x8x129xf32, #tpu.memory_space<vmem>>[vector<16xi32>, vector<16xi32>, vector<16xi32>, vector<16xi32>], vector<16xf32>,
    }
    %scan3A_214 = arith.constant 128 : i32
    %dma_start3A_215 = arith.constant 0 : i32
    %dma_start3A_216 = arith.constant 0 : i32
    %dma_start3A_217 = arith.constant 0 : i32
    %dma_start3A_218 = arith.constant 0 : i32
    %dma_start3A_219 = arith.constant 0 : i32
    %dma_start3A_220 = tpu.memref_slice %arg8[%dma_start3A_215, %dma_start3A_216, %dma_start3A_217, %dma_start3A_218, %dma_start3A_219] : memref<2x5x4x8x129xf32, #tpu.memory_space<vmem>> -> memref<1x5x4x8x128xf32, #tpu.memory_space<vmem>>
    %dma_start3A_221 = tpu.memref_squeeze %dma_start3A_220 : memref<1x5x4x8x128xf32, #tpu.memory_space<vmem>> -> memref<5x4x8x128xf32, #tpu.memory_space<vmem>>
    %dma_start3A_222 = arith.constant 190 : i32
    %dma_start3A_223 = arith.constant 0 : i32
    %dma_start3A_224 = arith.constant 0 : i32
    %dma_start3A_225 = arith.constant 0 : i32
    %dma_start3A_226 = tpu.memref_slice %arg4[%dma_start3A_222, %dma_start3A_223, %add3A, %dma_start3A_224, %dma_start3A_225] : memref<200x4x32x8x128xf32, #tpu.memory_space<hbm>> -> memref<5x4x1x8x128xf32, #tpu.memory_space<hbm>>
    %dma_start3A_227 = tpu.memref_squeeze %dma_start3A_226 : memref<5x4x1x8x128xf32, #tpu.memory_space<hbm>> -> memref<5x4x8x128xf32, #tpu.memory_space<hbm>>
    %dma_start3A_228 = arith.constant 190 : i32
    %dma_start3A_229 = arith.constant 0 : i32
    %dma_start3A_230 = arith.constant 0 : i32
    %dma_start3A_231 = arith.constant 0 : i32
    %dma_start3A_232 = tpu.memref_slice %arg4[%dma_start3A_228, %dma_start3A_229, %add3A, %dma_start3A_230, %dma_start3A_231] : memref<200x4x32x8x128xf32, #tpu.memory_space<hbm>> -> memref<5x4x1x8x128xf32, #tpu.memory_space<hbm>>
    %dma_start3A_233 = tpu.memref_squeeze %dma_start3A_232 : memref<5x4x1x8x128xf32, #tpu.memory_space<hbm>> -> memref<5x4x8x128xf32, #tpu.memory_space<hbm>>
    %dma_start3A_234 = arith.constant 0 : i32
    %dma_start3A_235 = arith.constant 0 : i32
    %dma_start3A_236 = arith.constant 0 : i32
    %dma_start3A_237 = arith.constant 0 : i32
    %dma_start3A_238 = tpu.memref_slice %arg8[%dma_start3A_215, %dma_start3A_234, %dma_start3A_235, %dma_start3A_236, %dma_start3A_237] : memref<2x5x4x8x129xf32, #tpu.memory_space<vmem>> -> memref<1x5x4x8x128xf32, #tpu.memory_space<vmem>>
    %dma_start3A_239 = tpu.memref_squeeze %dma_start3A_238 : memref<1x5x4x8x128xf32, #tpu.memory_space<vmem>> -> memref<5x4x8x128xf32, #tpu.memory_space<vmem>>
    tpu.enqueue_dma source(%dma_start3A_239 : memref<5x4x8x128xf32, #tpu.memory_space<vmem>>) target(%dma_start3A_233 : memref<5x4x8x128xf32, #tpu.memory_space<hbm>>) target_semaphore(%arg12 : memref<!tpu.dma_semaphore, #tpu.memory_space<semaphore_mem>>)
    %dma_wait3A_240 = arith.constant 1 : i32
    %dma_wait3A_241 = arith.constant 1 : i32
    %dma_wait3A_242 = arith.constant 0 : i32
    %dma_wait3A_243 = arith.constant 0 : i32
    %dma_wait3A_244 = tpu.memref_slice %arg7[%dma_wait3A_241, %dma_wait3A_242, %dma_wait3A_243] : memref<2x640x32xf32, #tpu.memory_space<vmem>> -> memref<1x640x32xf32, #tpu.memory_space<vmem>>
    %dma_wait3A_245 = tpu.memref_squeeze %dma_wait3A_244 : memref<1x640x32xf32, #tpu.memory_space<vmem>> -> memref<640x32xf32, #tpu.memory_space<vmem>>
    %dma_wait3A_246 = arith.constant 0 : i32
    %dma_wait3A_247 = tpu.memref_slice %arg6[%dma_wait3A_240, %dma_wait3A_246] : memref<2x640xi32, #tpu.memory_space<vmem>> -> memref<1x640xi32, #tpu.memory_space<vmem>>
    %dma_wait3A_248 = tpu.memref_squeeze %dma_wait3A_247 : memref<1x640xi32, #tpu.memory_space<vmem>> -> memref<640xi32, #tpu.memory_space<vmem>>
    %dma_wait3A_249 = arith.constant 0 : i32
    %dma_wait3A_250 = arith.constant 0 : i32
    %dma_wait3A_251 = tpu.memref_slice %arg3[%dma_wait3A_249, %dma_wait3A_250] : memref<1000000x32xf32, #tpu.memory_space<hbm>> -> memref<1000000x32xf32, #tpu.memory_space<hbm>>
    tpu.wait_indirect_dma semaphore(%arg11 : memref<!tpu.dma_semaphore, #tpu.memory_space<semaphore_mem>>) src(%dma_wait3A_251 : memref<1000000x32xf32, #tpu.memory_space<hbm>>) dst(%dma_wait3A_245 : memref<640x32xf32, #tpu.memory_space<vmem>>)
    %dma_wait3A_252 = arith.constant 1 : i32
    %dma_wait3A_253 = arith.constant 0 : i32
    %dma_wait3A_254 = arith.constant 0 : i32
    %dma_wait3A_255 = arith.constant 0 : i32
    %dma_wait3A_256 = arith.constant 0 : i32
    %dma_wait3A_257 = tpu.memref_slice %arg8[%dma_wait3A_252, %dma_wait3A_253, %dma_wait3A_254, %dma_wait3A_255, %dma_wait3A_256] : memref<2x5x4x8x129xf32, #tpu.memory_space<vmem>> -> memref<1x5x4x8x128xf32, #tpu.memory_space<vmem>>
    %dma_wait3A_258 = tpu.memref_squeeze %dma_wait3A_257 : memref<1x5x4x8x128xf32, #tpu.memory_space<vmem>> -> memref<5x4x8x128xf32, #tpu.memory_space<vmem>>
    %dma_wait3A_259 = arith.constant 0 : i32
    %dma_wait3A_260 = arith.constant 0 : i32
    %dma_wait3A_261 = arith.constant 0 : i32
    %dma_wait3A_262 = arith.constant 0 : i32
    %dma_wait3A_263 = tpu.memref_slice %arg4[%dma_wait3A_259, %dma_wait3A_260, %add3A, %dma_wait3A_261, %dma_wait3A_262] : memref<200x4x32x8x128xf32, #tpu.memory_space<hbm>> -> memref<5x4x1x8x128xf32, #tpu.memory_space<hbm>>
    %dma_wait3A_264 = tpu.memref_squeeze %dma_wait3A_263 : memref<5x4x1x8x128xf32, #tpu.memory_space<hbm>> -> memref<5x4x8x128xf32, #tpu.memory_space<hbm>>
    %dma_wait3A_265 = arith.constant 0 : i32
    %dma_wait3A_266 = arith.constant 0 : i32
    %dma_wait3A_267 = arith.constant 0 : i32
    %dma_wait3A_268 = arith.constant 0 : i32
    %dma_wait3A_269 = tpu.memref_slice %arg4[%dma_wait3A_265, %dma_wait3A_266, %add3A, %dma_wait3A_267, %dma_wait3A_268] : memref<200x4x32x8x128xf32, #tpu.memory_space<hbm>> -> memref<5x4x1x8x128xf32, #tpu.memory_space<hbm>>
    %dma_wait3A_270 = tpu.memref_squeeze %dma_wait3A_269 : memref<5x4x1x8x128xf32, #tpu.memory_space<hbm>> -> memref<5x4x8x128xf32, #tpu.memory_space<hbm>>
    %dma_wait3A_271 = arith.constant 0 : i32
    %dma_wait3A_272 = arith.constant 0 : i32
    %dma_wait3A_273 = arith.constant 0 : i32
    %dma_wait3A_274 = arith.constant 0 : i32
    %dma_wait3A_275 = tpu.memref_slice %arg8[%dma_wait3A_252, %dma_wait3A_271, %dma_wait3A_272, %dma_wait3A_273, %dma_wait3A_274] : memref<2x5x4x8x129xf32, #tpu.memory_space<vmem>> -> memref<1x5x4x8x128xf32, #tpu.memory_space<vmem>>
    %dma_wait3A_276 = tpu.memref_squeeze %dma_wait3A_275 : memref<1x5x4x8x128xf32, #tpu.memory_space<vmem>> -> memref<5x4x8x128xf32, #tpu.memory_space<vmem>>
    tpu.wait_dma2 semaphore(%arg13 : memref<!tpu.dma_semaphore, #tpu.memory_space<semaphore_mem>>) src(%dma_wait3A_276 : memref<5x4x8x128xf32, #tpu.memory_space<vmem>>) dst(%dma_wait3A_270 : memref<5x4x8x128xf32, #tpu.memory_space<hbm>>)
    %scan3A_277 = arith.constant 0 : i32
    %scan3A_278 = arith.constant 0 : i32
    %scan3A_279 = arith.constant 128 : i32
    %scan3A_280 = arith.addi %scan3A_278, %scan3A_279 : i32
    %scan3A_281 = arith.constant 1 : i32
    scf.for %scan3A_358 = %scan3A_278 to %scan3A_280 step %scan3A_281  : i32 {
      %broadcast_in_dim3A = arith.constant 0 : i32
      %broadcast_in_dim3A_359 = vector.broadcast %broadcast_in_dim3A : i32 to vector<16xi32>
      %add3A_360 = vector.broadcast %scan3A_358 : i32 to vector<16xi32>
      %add3A_361 = arith.addi %broadcast_in_dim3A_359, %add3A_360 : vector<16xi32>
      %add3A_362 = arith.constant 0 : i32
      %add3A_363 = arith.addi %add3A_362, %scan3A_358 : i32
      %get3A = arith.constant 1 : i32
      %get3A_364 = arith.index_cast %get3A : i32 to index
      %get3A_365 = arith.index_cast %add3A_363 : i32 to index
      %get3A_366 = arith.constant 0 : index
      %get3A_367 = tpu.vector_load %arg7[%get3A_364, %get3A_365, %get3A_366] {strides = array<i32>} : memref<2x640x32xf32, #tpu.memory_space<vmem>>, vector<16xf32>,
      %add3A_368 = arith.constant 0 : i32
      %add3A_369 = vector.broadcast %add3A_368 : i32 to vector<16xi32>
      %add3A_370 = arith.addi %iota3A, %add3A_369 : vector<16xi32>
      %broadcast_in_dim3A_371 = arith.constant 0 : i32
      %broadcast_in_dim3A_372 = vector.broadcast %broadcast_in_dim3A_371 : i32 to vector<16xi32>
      %shift_right_logical3A = arith.constant 3 : i32
      %shift_right_logical3A_373 = vector.broadcast %shift_right_logical3A : i32 to vector<16xi32>
      %shift_right_logical3A_374 = arith.shrui %add3A_370, %shift_right_logical3A_373 : vector<16xi32>
      %and3A = arith.constant 7 : i32
      %and3A_375 = vector.broadcast %and3A : i32 to vector<16xi32>
      %and3A_376 = arith.andi %add3A_370, %and3A_375 : vector<16xi32>
      %scatter3A = arith.constant 1 : i32
      %scatter3A_377 = arith.constant 0 : i32
      %scatter3A_378 = arith.constant 0 : i32
      %scatter3A_379 = arith.constant 0 : i32
      %scatter3A_380 = arith.constant 0 : i32
      %scatter3A_381 = tpu.memref_slice %arg8[%scatter3A, %scatter3A_377, %scatter3A_378, %scatter3A_379, %scatter3A_380] : memref<2x5x4x8x129xf32, #tpu.memory_space<vmem>> -> memref<1x5x4x8x129xf32, #tpu.memory_space<vmem>>
      %scatter3A_382 = tpu.memref_squeeze %scatter3A_381 : memref<1x5x4x8x129xf32, #tpu.memory_space<vmem>> -> memref<5x4x8x129xf32, #tpu.memory_space<vmem>>
      tpu.vector_store_idx %scatter3A_382[%broadcast_in_dim3A_372, %shift_right_logical3A_374, %and3A_376, %add3A_361], %get3A_367 : memref<5x4x8x129xf32, #tpu.memory_space<vmem>>[vector<16xi32>, vector<16xi32>, vector<16xi32>, vector<16xi32>], vector<16xf32>,
      %add3A_383 = arith.constant 0 : i32
      %add3A_384 = arith.addi %add3A_383, %scan3A_358 : i32
      %get3A_385 = arith.constant 1 : i32
      %get3A_386 = arith.index_cast %get3A_385 : i32 to index
      %get3A_387 = arith.index_cast %add3A_384 : i32 to index
      %get3A_388 = arith.constant 16 : index
      %get3A_389 = tpu.vector_load %arg7[%get3A_386, %get3A_387, %get3A_388] {strides = array<i32>} : memref<2x640x32xf32, #tpu.memory_space<vmem>>, vector<16xf32>,
      %add3A_390 = arith.constant 16 : i32
      %add3A_391 = vector.broadcast %add3A_390 : i32 to vector<16xi32>
      %add3A_392 = arith.addi %iota3A, %add3A_391 : vector<16xi32>
      %broadcast_in_dim3A_393 = arith.constant 0 : i32
      %broadcast_in_dim3A_394 = vector.broadcast %broadcast_in_dim3A_393 : i32 to vector<16xi32>
      %shift_right_logical3A_395 = arith.constant 3 : i32
      %shift_right_logical3A_396 = vector.broadcast %shift_right_logical3A_395 : i32 to vector<16xi32>
      %shift_right_logical3A_397 = arith.shrui %add3A_392, %shift_right_logical3A_396 : vector<16xi32>
      %and3A_398 = arith.constant 7 : i32
      %and3A_399 = vector.broadcast %and3A_398 : i32 to vector<16xi32>
      %and3A_400 = arith.andi %add3A_392, %and3A_399 : vector<16xi32>
      %scatter3A_401 = arith.constant 1 : i32
      %scatter3A_402 = arith.constant 0 : i32
      %scatter3A_403 = arith.constant 0 : i32
      %scatter3A_404 = arith.constant 0 : i32
      %scatter3A_405 = arith.constant 0 : i32
      %scatter3A_406 = tpu.memref_slice %arg8[%scatter3A_401, %scatter3A_402, %scatter3A_403, %scatter3A_404, %scatter3A_405] : memref<2x5x4x8x129xf32, #tpu.memory_space<vmem>> -> memref<1x5x4x8x129xf32, #tpu.memory_space<vmem>>
      %scatter3A_407 = tpu.memref_squeeze %scatter3A_406 : memref<1x5x4x8x129xf32, #tpu.memory_space<vmem>> -> memref<5x4x8x129xf32, #tpu.memory_space<vmem>>
      tpu.vector_store_idx %scatter3A_407[%broadcast_in_dim3A_394, %shift_right_logical3A_397, %and3A_400, %add3A_361], %get3A_389 : memref<5x4x8x129xf32, #tpu.memory_space<vmem>>[vector<16xi32>, vector<16xi32>, vector<16xi32>, vector<16xi32>], vector<16xf32>,
      %add3A_408 = arith.constant 128 : i32
      %add3A_409 = arith.addi %add3A_408, %scan3A_358 : i32
      %get3A_410 = arith.constant 1 : i32
      %get3A_411 = arith.index_cast %get3A_410 : i32 to index
      %get3A_412 = arith.index_cast %add3A_409 : i32 to index
      %get3A_413 = arith.constant 0 : index
      %get3A_414 = tpu.vector_load %arg7[%get3A_411, %get3A_412, %get3A_413] {strides = array<i32>} : memref<2x640x32xf32, #tpu.memory_space<vmem>>, vector<16xf32>,
      %add3A_415 = arith.constant 0 : i32
      %add3A_416 = vector.broadcast %add3A_415 : i32 to vector<16xi32>
      %add3A_417 = arith.addi %iota3A, %add3A_416 : vector<16xi32>
      %broadcast_in_dim3A_418 = arith.constant 1 : i32
      %broadcast_in_dim3A_419 = vector.broadcast %broadcast_in_dim3A_418 : i32 to vector<16xi32>
      %shift_right_logical3A_420 = arith.constant 3 : i32
      %shift_right_logical3A_421 = vector.broadcast %shift_right_logical3A_420 : i32 to vector<16xi32>
      %shift_right_logical3A_422 = arith.shrui %add3A_417, %shift_right_logical3A_421 : vector<16xi32>
      %and3A_423 = arith.constant 7 : i32
      %and3A_424 = vector.broadcast %and3A_423 : i32 to vector<16xi32>
      %and3A_425 = arith.andi %add3A_417, %and3A_424 : vector<16xi32>
      %scatter3A_426 = arith.constant 1 : i32
      %scatter3A_427 = arith.constant 0 : i32
      %scatter3A_428 = arith.constant 0 : i32
      %scatter3A_429 = arith.constant 0 : i32
      %scatter3A_430 = arith.constant 0 : i32
      %scatter3A_431 = tpu.memref_slice %arg8[%scatter3A_426, %scatter3A_427, %scatter3A_428, %scatter3A_429, %scatter3A_430] : memref<2x5x4x8x129xf32, #tpu.memory_space<vmem>> -> memref<1x5x4x8x129xf32, #tpu.memory_space<vmem>>
      %scatter3A_432 = tpu.memref_squeeze %scatter3A_431 : memref<1x5x4x8x129xf32, #tpu.memory_space<vmem>> -> memref<5x4x8x129xf32, #tpu.memory_space<vmem>>
      tpu.vector_store_idx %scatter3A_432[%broadcast_in_dim3A_419, %shift_right_logical3A_422, %and3A_425, %add3A_361], %get3A_414 : memref<5x4x8x129xf32, #tpu.memory_space<vmem>>[vector<16xi32>, vector<16xi32>, vector<16xi32>, vector<16xi32>], vector<16xf32>,
      %add3A_433 = arith.constant 128 : i32
      %add3A_434 = arith.addi %add3A_433, %scan3A_358 : i32
      %get3A_435 = arith.constant 1 : i32
      %get3A_436 = arith.index_cast %get3A_435 : i32 to index
      %get3A_437 = arith.index_cast %add3A_434 : i32 to index
      %get3A_438 = arith.constant 16 : index
      %get3A_439 = tpu.vector_load %arg7[%get3A_436, %get3A_437, %get3A_438] {strides = array<i32>} : memref<2x640x32xf32, #tpu.memory_space<vmem>>, vector<16xf32>,
      %add3A_440 = arith.constant 16 : i32
      %add3A_441 = vector.broadcast %add3A_440 : i32 to vector<16xi32>
      %add3A_442 = arith.addi %iota3A, %add3A_441 : vector<16xi32>
      %broadcast_in_dim3A_443 = arith.constant 1 : i32
      %broadcast_in_dim3A_444 = vector.broadcast %broadcast_in_dim3A_443 : i32 to vector<16xi32>
      %shift_right_logical3A_445 = arith.constant 3 : i32
      %shift_right_logical3A_446 = vector.broadcast %shift_right_logical3A_445 : i32 to vector<16xi32>
      %shift_right_logical3A_447 = arith.shrui %add3A_442, %shift_right_logical3A_446 : vector<16xi32>
      %and3A_448 = arith.constant 7 : i32
      %and3A_449 = vector.broadcast %and3A_448 : i32 to vector<16xi32>
      %and3A_450 = arith.andi %add3A_442, %and3A_449 : vector<16xi32>
      %scatter3A_451 = arith.constant 1 : i32
      %scatter3A_452 = arith.constant 0 : i32
      %scatter3A_453 = arith.constant 0 : i32
      %scatter3A_454 = arith.constant 0 : i32
      %scatter3A_455 = arith.constant 0 : i32
      %scatter3A_456 = tpu.memref_slice %arg8[%scatter3A_451, %scatter3A_452, %scatter3A_453, %scatter3A_454, %scatter3A_455] : memref<2x5x4x8x129xf32, #tpu.memory_space<vmem>> -> memref<1x5x4x8x129xf32, #tpu.memory_space<vmem>>
      %scatter3A_457 = tpu.memref_squeeze %scatter3A_456 : memref<1x5x4x8x129xf32, #tpu.memory_space<vmem>> -> memref<5x4x8x129xf32, #tpu.memory_space<vmem>>
      tpu.vector_store_idx %scatter3A_457[%broadcast_in_dim3A_444, %shift_right_logical3A_447, %and3A_450, %add3A_361], %get3A_439 : memref<5x4x8x129xf32, #tpu.memory_space<vmem>>[vector<16xi32>, vector<16xi32>, vector<16xi32>, vector<16xi32>], vector<16xf32>,
      %add3A_458 = arith.constant 256 : i32
      %add3A_459 = arith.addi %add3A_458, %scan3A_358 : i32
      %get3A_460 = arith.constant 1 : i32
      %get3A_461 = arith.index_cast %get3A_460 : i32 to index
      %get3A_462 = arith.index_cast %add3A_459 : i32 to index
      %get3A_463 = arith.constant 0 : index
      %get3A_464 = tpu.vector_load %arg7[%get3A_461, %get3A_462, %get3A_463] {strides = array<i32>} : memref<2x640x32xf32, #tpu.memory_space<vmem>>, vector<16xf32>,
      %add3A_465 = arith.constant 0 : i32
      %add3A_466 = vector.broadcast %add3A_465 : i32 to vector<16xi32>
      %add3A_467 = arith.addi %iota3A, %add3A_466 : vector<16xi32>
      %broadcast_in_dim3A_468 = arith.constant 2 : i32
      %broadcast_in_dim3A_469 = vector.broadcast %broadcast_in_dim3A_468 : i32 to vector<16xi32>
      %shift_right_logical3A_470 = arith.constant 3 : i32
      %shift_right_logical3A_471 = vector.broadcast %shift_right_logical3A_470 : i32 to vector<16xi32>
      %shift_right_logical3A_472 = arith.shrui %add3A_467, %shift_right_logical3A_471 : vector<16xi32>
      %and3A_473 = arith.constant 7 : i32
      %and3A_474 = vector.broadcast %and3A_473 : i32 to vector<16xi32>
      %and3A_475 = arith.andi %add3A_467, %and3A_474 : vector<16xi32>
      %scatter3A_476 = arith.constant 1 : i32
      %scatter3A_477 = arith.constant 0 : i32
      %scatter3A_478 = arith.constant 0 : i32
      %scatter3A_479 = arith.constant 0 : i32
      %scatter3A_480 = arith.constant 0 : i32
      %scatter3A_481 = tpu.memref_slice %arg8[%scatter3A_476, %scatter3A_477, %scatter3A_478, %scatter3A_479, %scatter3A_480] : memref<2x5x4x8x129xf32, #tpu.memory_space<vmem>> -> memref<1x5x4x8x129xf32, #tpu.memory_space<vmem>>
      %scatter3A_482 = tpu.memref_squeeze %scatter3A_481 : memref<1x5x4x8x129xf32, #tpu.memory_space<vmem>> -> memref<5x4x8x129xf32, #tpu.memory_space<vmem>>
      tpu.vector_store_idx %scatter3A_482[%broadcast_in_dim3A_469, %shift_right_logical3A_472, %and3A_475, %add3A_361], %get3A_464 : memref<5x4x8x129xf32, #tpu.memory_space<vmem>>[vector<16xi32>, vector<16xi32>, vector<16xi32>, vector<16xi32>], vector<16xf32>,
      %add3A_483 = arith.constant 256 : i32
      %add3A_484 = arith.addi %add3A_483, %scan3A_358 : i32
      %get3A_485 = arith.constant 1 : i32
      %get3A_486 = arith.index_cast %get3A_485 : i32 to index
      %get3A_487 = arith.index_cast %add3A_484 : i32 to index
      %get3A_488 = arith.constant 16 : index
      %get3A_489 = tpu.vector_load %arg7[%get3A_486, %get3A_487, %get3A_488] {strides = array<i32>} : memref<2x640x32xf32, #tpu.memory_space<vmem>>, vector<16xf32>,
      %add3A_490 = arith.constant 16 : i32
      %add3A_491 = vector.broadcast %add3A_490 : i32 to vector<16xi32>
      %add3A_492 = arith.addi %iota3A, %add3A_491 : vector<16xi32>
      %broadcast_in_dim3A_493 = arith.constant 2 : i32
      %broadcast_in_dim3A_494 = vector.broadcast %broadcast_in_dim3A_493 : i32 to vector<16xi32>
      %shift_right_logical3A_495 = arith.constant 3 : i32
      %shift_right_logical3A_496 = vector.broadcast %shift_right_logical3A_495 : i32 to vector<16xi32>
      %shift_right_logical3A_497 = arith.shrui %add3A_492, %shift_right_logical3A_496 : vector<16xi32>
      %and3A_498 = arith.constant 7 : i32
      %and3A_499 = vector.broadcast %and3A_498 : i32 to vector<16xi32>
      %and3A_500 = arith.andi %add3A_492, %and3A_499 : vector<16xi32>
      %scatter3A_501 = arith.constant 1 : i32
      %scatter3A_502 = arith.constant 0 : i32
      %scatter3A_503 = arith.constant 0 : i32
      %scatter3A_504 = arith.constant 0 : i32
      %scatter3A_505 = arith.constant 0 : i32
      %scatter3A_506 = tpu.memref_slice %arg8[%scatter3A_501, %scatter3A_502, %scatter3A_503, %scatter3A_504, %scatter3A_505] : memref<2x5x4x8x129xf32, #tpu.memory_space<vmem>> -> memref<1x5x4x8x129xf32, #tpu.memory_space<vmem>>
      %scatter3A_507 = tpu.memref_squeeze %scatter3A_506 : memref<1x5x4x8x129xf32, #tpu.memory_space<vmem>> -> memref<5x4x8x129xf32, #tpu.memory_space<vmem>>
      tpu.vector_store_idx %scatter3A_507[%broadcast_in_dim3A_494, %shift_right_logical3A_497, %and3A_500, %add3A_361], %get3A_489 : memref<5x4x8x129xf32, #tpu.memory_space<vmem>>[vector<16xi32>, vector<16xi32>, vector<16xi32>, vector<16xi32>], vector<16xf32>,
      %add3A_508 = arith.constant 384 : i32
      %add3A_509 = arith.addi %add3A_508, %scan3A_358 : i32
      %get3A_510 = arith.constant 1 : i32
      %get3A_511 = arith.index_cast %get3A_510 : i32 to index
      %get3A_512 = arith.index_cast %add3A_509 : i32 to index
      %get3A_513 = arith.constant 0 : index
      %get3A_514 = tpu.vector_load %arg7[%get3A_511, %get3A_512, %get3A_513] {strides = array<i32>} : memref<2x640x32xf32, #tpu.memory_space<vmem>>, vector<16xf32>,
      %add3A_515 = arith.constant 0 : i32
      %add3A_516 = vector.broadcast %add3A_515 : i32 to vector<16xi32>
      %add3A_517 = arith.addi %iota3A, %add3A_516 : vector<16xi32>
      %broadcast_in_dim3A_518 = arith.constant 3 : i32
      %broadcast_in_dim3A_519 = vector.broadcast %broadcast_in_dim3A_518 : i32 to vector<16xi32>
      %shift_right_logical3A_520 = arith.constant 3 : i32
      %shift_right_logical3A_521 = vector.broadcast %shift_right_logical3A_520 : i32 to vector<16xi32>
      %shift_right_logical3A_522 = arith.shrui %add3A_517, %shift_right_logical3A_521 : vector<16xi32>
      %and3A_523 = arith.constant 7 : i32
      %and3A_524 = vector.broadcast %and3A_523 : i32 to vector<16xi32>
      %and3A_525 = arith.andi %add3A_517, %and3A_524 : vector<16xi32>
      %scatter3A_526 = arith.constant 1 : i32
      %scatter3A_527 = arith.constant 0 : i32
      %scatter3A_528 = arith.constant 0 : i32
      %scatter3A_529 = arith.constant 0 : i32
      %scatter3A_530 = arith.constant 0 : i32
      %scatter3A_531 = tpu.memref_slice %arg8[%scatter3A_526, %scatter3A_527, %scatter3A_528, %scatter3A_529, %scatter3A_530] : memref<2x5x4x8x129xf32, #tpu.memory_space<vmem>> -> memref<1x5x4x8x129xf32, #tpu.memory_space<vmem>>
      %scatter3A_532 = tpu.memref_squeeze %scatter3A_531 : memref<1x5x4x8x129xf32, #tpu.memory_space<vmem>> -> memref<5x4x8x129xf32, #tpu.memory_space<vmem>>
      tpu.vector_store_idx %scatter3A_532[%broadcast_in_dim3A_519, %shift_right_logical3A_522, %and3A_525, %add3A_361], %get3A_514 : memref<5x4x8x129xf32, #tpu.memory_space<vmem>>[vector<16xi32>, vector<16xi32>, vector<16xi32>, vector<16xi32>], vector<16xf32>,
      %add3A_533 = arith.constant 384 : i32
      %add3A_534 = arith.addi %add3A_533, %scan3A_358 : i32
      %get3A_535 = arith.constant 1 : i32
      %get3A_536 = arith.index_cast %get3A_535 : i32 to index
      %get3A_537 = arith.index_cast %add3A_534 : i32 to index
      %get3A_538 = arith.constant 16 : index
      %get3A_539 = tpu.vector_load %arg7[%get3A_536, %get3A_537, %get3A_538] {strides = array<i32>} : memref<2x640x32xf32, #tpu.memory_space<vmem>>, vector<16xf32>,
      %add3A_540 = arith.constant 16 : i32
      %add3A_541 = vector.broadcast %add3A_540 : i32 to vector<16xi32>
      %add3A_542 = arith.addi %iota3A, %add3A_541 : vector<16xi32>
      %broadcast_in_dim3A_543 = arith.constant 3 : i32
      %broadcast_in_dim3A_544 = vector.broadcast %broadcast_in_dim3A_543 : i32 to vector<16xi32>
      %shift_right_logical3A_545 = arith.constant 3 : i32
      %shift_right_logical3A_546 = vector.broadcast %shift_right_logical3A_545 : i32 to vector<16xi32>
      %shift_right_logical3A_547 = arith.shrui %add3A_542, %shift_right_logical3A_546 : vector<16xi32>
      %and3A_548 = arith.constant 7 : i32
      %and3A_549 = vector.broadcast %and3A_548 : i32 to vector<16xi32>
      %and3A_550 = arith.andi %add3A_542, %and3A_549 : vector<16xi32>
      %scatter3A_551 = arith.constant 1 : i32
      %scatter3A_552 = arith.constant 0 : i32
      %scatter3A_553 = arith.constant 0 : i32
      %scatter3A_554 = arith.constant 0 : i32
      %scatter3A_555 = arith.constant 0 : i32
      %scatter3A_556 = tpu.memref_slice %arg8[%scatter3A_551, %scatter3A_552, %scatter3A_553, %scatter3A_554, %scatter3A_555] : memref<2x5x4x8x129xf32, #tpu.memory_space<vmem>> -> memref<1x5x4x8x129xf32, #tpu.memory_space<vmem>>
      %scatter3A_557 = tpu.memref_squeeze %scatter3A_556 : memref<1x5x4x8x129xf32, #tpu.memory_space<vmem>> -> memref<5x4x8x129xf32, #tpu.memory_space<vmem>>
      tpu.vector_store_idx %scatter3A_557[%broadcast_in_dim3A_544, %shift_right_logical3A_547, %and3A_550, %add3A_361], %get3A_539 : memref<5x4x8x129xf32, #tpu.memory_space<vmem>>[vector<16xi32>, vector<16xi32>, vector<16xi32>, vector<16xi32>], vector<16xf32>,
      %add3A_558 = arith.constant 512 : i32
      %add3A_559 = arith.addi %add3A_558, %scan3A_358 : i32
      %get3A_560 = arith.constant 1 : i32
      %get3A_561 = arith.index_cast %get3A_560 : i32 to index
      %get3A_562 = arith.index_cast %add3A_559 : i32 to index
      %get3A_563 = arith.constant 0 : index
      %get3A_564 = tpu.vector_load %arg7[%get3A_561, %get3A_562, %get3A_563] {strides = array<i32>} : memref<2x640x32xf32, #tpu.memory_space<vmem>>, vector<16xf32>,
      %add3A_565 = arith.constant 0 : i32
      %add3A_566 = vector.broadcast %add3A_565 : i32 to vector<16xi32>
      %add3A_567 = arith.addi %iota3A, %add3A_566 : vector<16xi32>
      %broadcast_in_dim3A_568 = arith.constant 4 : i32
      %broadcast_in_dim3A_569 = vector.broadcast %broadcast_in_dim3A_568 : i32 to vector<16xi32>
      %shift_right_logical3A_570 = arith.constant 3 : i32
      %shift_right_logical3A_571 = vector.broadcast %shift_right_logical3A_570 : i32 to vector<16xi32>
      %shift_right_logical3A_572 = arith.shrui %add3A_567, %shift_right_logical3A_571 : vector<16xi32>
      %and3A_573 = arith.constant 7 : i32
      %and3A_574 = vector.broadcast %and3A_573 : i32 to vector<16xi32>
      %and3A_575 = arith.andi %add3A_567, %and3A_574 : vector<16xi32>
      %scatter3A_576 = arith.constant 1 : i32
      %scatter3A_577 = arith.constant 0 : i32
      %scatter3A_578 = arith.constant 0 : i32
      %scatter3A_579 = arith.constant 0 : i32
      %scatter3A_580 = arith.constant 0 : i32
      %scatter3A_581 = tpu.memref_slice %arg8[%scatter3A_576, %scatter3A_577, %scatter3A_578, %scatter3A_579, %scatter3A_580] : memref<2x5x4x8x129xf32, #tpu.memory_space<vmem>> -> memref<1x5x4x8x129xf32, #tpu.memory_space<vmem>>
      %scatter3A_582 = tpu.memref_squeeze %scatter3A_581 : memref<1x5x4x8x129xf32, #tpu.memory_space<vmem>> -> memref<5x4x8x129xf32, #tpu.memory_space<vmem>>
      tpu.vector_store_idx %scatter3A_582[%broadcast_in_dim3A_569, %shift_right_logical3A_572, %and3A_575, %add3A_361], %get3A_564 : memref<5x4x8x129xf32, #tpu.memory_space<vmem>>[vector<16xi32>, vector<16xi32>, vector<16xi32>, vector<16xi32>], vector<16xf32>,
      %add3A_583 = arith.constant 512 : i32
      %add3A_584 = arith.addi %add3A_583, %scan3A_358 : i32
      %get3A_585 = arith.constant 1 : i32
      %get3A_586 = arith.index_cast %get3A_585 : i32 to index
      %get3A_587 = arith.index_cast %add3A_584 : i32 to index
      %get3A_588 = arith.constant 16 : index
      %get3A_589 = tpu.vector_load %arg7[%get3A_586, %get3A_587, %get3A_588] {strides = array<i32>} : memref<2x640x32xf32, #tpu.memory_space<vmem>>, vector<16xf32>,
      %add3A_590 = arith.constant 16 : i32
      %add3A_591 = vector.broadcast %add3A_590 : i32 to vector<16xi32>
      %add3A_592 = arith.addi %iota3A, %add3A_591 : vector<16xi32>
      %broadcast_in_dim3A_593 = arith.constant 4 : i32
      %broadcast_in_dim3A_594 = vector.broadcast %broadcast_in_dim3A_593 : i32 to vector<16xi32>
      %shift_right_logical3A_595 = arith.constant 3 : i32
      %shift_right_logical3A_596 = vector.broadcast %shift_right_logical3A_595 : i32 to vector<16xi32>
      %shift_right_logical3A_597 = arith.shrui %add3A_592, %shift_right_logical3A_596 : vector<16xi32>
      %and3A_598 = arith.constant 7 : i32
      %and3A_599 = vector.broadcast %and3A_598 : i32 to vector<16xi32>
      %and3A_600 = arith.andi %add3A_592, %and3A_599 : vector<16xi32>
      %scatter3A_601 = arith.constant 1 : i32
      %scatter3A_602 = arith.constant 0 : i32
      %scatter3A_603 = arith.constant 0 : i32
      %scatter3A_604 = arith.constant 0 : i32
      %scatter3A_605 = arith.constant 0 : i32
      %scatter3A_606 = tpu.memref_slice %arg8[%scatter3A_601, %scatter3A_602, %scatter3A_603, %scatter3A_604, %scatter3A_605] : memref<2x5x4x8x129xf32, #tpu.memory_space<vmem>> -> memref<1x5x4x8x129xf32, #tpu.memory_space<vmem>>
      %scatter3A_607 = tpu.memref_squeeze %scatter3A_606 : memref<1x5x4x8x129xf32, #tpu.memory_space<vmem>> -> memref<5x4x8x129xf32, #tpu.memory_space<vmem>>
      tpu.vector_store_idx %scatter3A_607[%broadcast_in_dim3A_594, %shift_right_logical3A_597, %and3A_600, %add3A_361], %get3A_589 : memref<5x4x8x129xf32, #tpu.memory_space<vmem>>[vector<16xi32>, vector<16xi32>, vector<16xi32>, vector<16xi32>], vector<16xf32>,
    }
    %scan3A_282 = arith.constant 128 : i32
    %dma_start3A_283 = arith.constant 1 : i32
    %dma_start3A_284 = arith.constant 0 : i32
    %dma_start3A_285 = arith.constant 0 : i32
    %dma_start3A_286 = arith.constant 0 : i32
    %dma_start3A_287 = arith.constant 0 : i32
    %dma_start3A_288 = tpu.memref_slice %arg8[%dma_start3A_283, %dma_start3A_284, %dma_start3A_285, %dma_start3A_286, %dma_start3A_287] : memref<2x5x4x8x129xf32, #tpu.memory_space<vmem>> -> memref<1x5x4x8x128xf32, #tpu.memory_space<vmem>>
    %dma_start3A_289 = tpu.memref_squeeze %dma_start3A_288 : memref<1x5x4x8x128xf32, #tpu.memory_space<vmem>> -> memref<5x4x8x128xf32, #tpu.memory_space<vmem>>
    %dma_start3A_290 = arith.constant 195 : i32
    %dma_start3A_291 = arith.constant 0 : i32
    %dma_start3A_292 = arith.constant 0 : i32
    %dma_start3A_293 = arith.constant 0 : i32
    %dma_start3A_294 = tpu.memref_slice %arg4[%dma_start3A_290, %dma_start3A_291, %add3A, %dma_start3A_292, %dma_start3A_293] : memref<200x4x32x8x128xf32, #tpu.memory_space<hbm>> -> memref<5x4x1x8x128xf32, #tpu.memory_space<hbm>>
    %dma_start3A_295 = tpu.memref_squeeze %dma_start3A_294 : memref<5x4x1x8x128xf32, #tpu.memory_space<hbm>> -> memref<5x4x8x128xf32, #tpu.memory_space<hbm>>
    %dma_start3A_296 = arith.constant 195 : i32
    %dma_start3A_297 = arith.constant 0 : i32
    %dma_start3A_298 = arith.constant 0 : i32
    %dma_start3A_299 = arith.constant 0 : i32
    %dma_start3A_300 = tpu.memref_slice %arg4[%dma_start3A_296, %dma_start3A_297, %add3A, %dma_start3A_298, %dma_start3A_299] : memref<200x4x32x8x128xf32, #tpu.memory_space<hbm>> -> memref<5x4x1x8x128xf32, #tpu.memory_space<hbm>>
    %dma_start3A_301 = tpu.memref_squeeze %dma_start3A_300 : memref<5x4x1x8x128xf32, #tpu.memory_space<hbm>> -> memref<5x4x8x128xf32, #tpu.memory_space<hbm>>
    %dma_start3A_302 = arith.constant 0 : i32
    %dma_start3A_303 = arith.constant 0 : i32
    %dma_start3A_304 = arith.constant 0 : i32
    %dma_start3A_305 = arith.constant 0 : i32
    %dma_start3A_306 = tpu.memref_slice %arg8[%dma_start3A_283, %dma_start3A_302, %dma_start3A_303, %dma_start3A_304, %dma_start3A_305] : memref<2x5x4x8x129xf32, #tpu.memory_space<vmem>> -> memref<1x5x4x8x128xf32, #tpu.memory_space<vmem>>
    %dma_start3A_307 = tpu.memref_squeeze %dma_start3A_306 : memref<1x5x4x8x128xf32, #tpu.memory_space<vmem>> -> memref<5x4x8x128xf32, #tpu.memory_space<vmem>>
    tpu.enqueue_dma source(%dma_start3A_307 : memref<5x4x8x128xf32, #tpu.memory_space<vmem>>) target(%dma_start3A_301 : memref<5x4x8x128xf32, #tpu.memory_space<hbm>>) target_semaphore(%arg13 : memref<!tpu.dma_semaphore, #tpu.memory_space<semaphore_mem>>)
    %dma_wait3A_308 = arith.constant 0 : i32
    %dma_wait3A_309 = arith.constant 0 : i32
    %dma_wait3A_310 = arith.constant 0 : i32
    %dma_wait3A_311 = arith.constant 0 : i32
    %dma_wait3A_312 = arith.constant 0 : i32
    %dma_wait3A_313 = tpu.memref_slice %arg8[%dma_wait3A_308, %dma_wait3A_309, %dma_wait3A_310, %dma_wait3A_311, %dma_wait3A_312] : memref<2x5x4x8x129xf32, #tpu.memory_space<vmem>> -> memref<1x5x4x8x128xf32, #tpu.memory_space<vmem>>
    %dma_wait3A_314 = tpu.memref_squeeze %dma_wait3A_313 : memref<1x5x4x8x128xf32, #tpu.memory_space<vmem>> -> memref<5x4x8x128xf32, #tpu.memory_space<vmem>>
    %dma_wait3A_315 = arith.constant 0 : i32
    %dma_wait3A_316 = arith.constant 0 : i32
    %dma_wait3A_317 = arith.constant 0 : i32
    %dma_wait3A_318 = arith.constant 0 : i32
    %dma_wait3A_319 = tpu.memref_slice %arg4[%dma_wait3A_315, %dma_wait3A_316, %add3A, %dma_wait3A_317, %dma_wait3A_318] : memref<200x4x32x8x128xf32, #tpu.memory_space<hbm>> -> memref<5x4x1x8x128xf32, #tpu.memory_space<hbm>>
    %dma_wait3A_320 = tpu.memref_squeeze %dma_wait3A_319 : memref<5x4x1x8x128xf32, #tpu.memory_space<hbm>> -> memref<5x4x8x128xf32, #tpu.memory_space<hbm>>
    %dma_wait3A_321 = arith.constant 0 : i32
    %dma_wait3A_322 = arith.constant 0 : i32
    %dma_wait3A_323 = arith.constant 0 : i32
    %dma_wait3A_324 = arith.constant 0 : i32
    %dma_wait3A_325 = tpu.memref_slice %arg4[%dma_wait3A_321, %dma_wait3A_322, %add3A, %dma_wait3A_323, %dma_wait3A_324] : memref<200x4x32x8x128xf32, #tpu.memory_space<hbm>> -> memref<5x4x1x8x128xf32, #tpu.memory_space<hbm>>
    %dma_wait3A_326 = tpu.memref_squeeze %dma_wait3A_325 : memref<5x4x1x8x128xf32, #tpu.memory_space<hbm>> -> memref<5x4x8x128xf32, #tpu.memory_space<hbm>>
    %dma_wait3A_327 = arith.constant 0 : i32
    %dma_wait3A_328 = arith.constant 0 : i32
    %dma_wait3A_329 = arith.constant 0 : i32
    %dma_wait3A_330 = arith.constant 0 : i32
    %dma_wait3A_331 = tpu.memref_slice %arg8[%dma_wait3A_308, %dma_wait3A_327, %dma_wait3A_328, %dma_wait3A_329, %dma_wait3A_330] : memref<2x5x4x8x129xf32, #tpu.memory_space<vmem>> -> memref<1x5x4x8x128xf32, #tpu.memory_space<vmem>>
    %dma_wait3A_332 = tpu.memref_squeeze %dma_wait3A_331 : memref<1x5x4x8x128xf32, #tpu.memory_space<vmem>> -> memref<5x4x8x128xf32, #tpu.memory_space<vmem>>
    tpu.wait_dma2 semaphore(%arg12 : memref<!tpu.dma_semaphore, #tpu.memory_space<semaphore_mem>>) src(%dma_wait3A_332 : memref<5x4x8x128xf32, #tpu.memory_space<vmem>>) dst(%dma_wait3A_326 : memref<5x4x8x128xf32, #tpu.memory_space<hbm>>)
    %dma_wait3A_333 = arith.constant 1 : i32
    %dma_wait3A_334 = arith.constant 0 : i32
    %dma_wait3A_335 = arith.constant 0 : i32
    %dma_wait3A_336 = arith.constant 0 : i32
    %dma_wait3A_337 = arith.constant 0 : i32
    %dma_wait3A_338 = tpu.memref_slice %arg8[%dma_wait3A_333, %dma_wait3A_334, %dma_wait3A_335, %dma_wait3A_336, %dma_wait3A_337] : memref<2x5x4x8x129xf32, #tpu.memory_space<vmem>> -> memref<1x5x4x8x128xf32, #tpu.memory_space<vmem>>
    %dma_wait3A_339 = tpu.memref_squeeze %dma_wait3A_338 : memref<1x5x4x8x128xf32, #tpu.memory_space<vmem>> -> memref<5x4x8x128xf32, #tpu.memory_space<vmem>>
    %dma_wait3A_340 = arith.constant 0 : i32
    %dma_wait3A_341 = arith.constant 0 : i32
    %dma_wait3A_342 = arith.constant 0 : i32
    %dma_wait3A_343 = arith.constant 0 : i32
    %dma_wait3A_344 = tpu.memref_slice %arg4[%dma_wait3A_340, %dma_wait3A_341, %add3A, %dma_wait3A_342, %dma_wait3A_343] : memref<200x4x32x8x128xf32, #tpu.memory_space<hbm>> -> memref<5x4x1x8x128xf32, #tpu.memory_space<hbm>>
    %dma_wait3A_345 = tpu.memref_squeeze %dma_wait3A_344 : memref<5x4x1x8x128xf32, #tpu.memory_space<hbm>> -> memref<5x4x8x128xf32, #tpu.memory_space<hbm>>
    %dma_wait3A_346 = arith.constant 0 : i32
    %dma_wait3A_347 = arith.constant 0 : i32
    %dma_wait3A_348 = arith.constant 0 : i32
    %dma_wait3A_349 = arith.constant 0 : i32
    %dma_wait3A_350 = tpu.memref_slice %arg4[%dma_wait3A_346, %dma_wait3A_347, %add3A, %dma_wait3A_348, %dma_wait3A_349] : memref<200x4x32x8x128xf32, #tpu.memory_space<hbm>> -> memref<5x4x1x8x128xf32, #tpu.memory_space<hbm>>
    %dma_wait3A_351 = tpu.memref_squeeze %dma_wait3A_350 : memref<5x4x1x8x128xf32, #tpu.memory_space<hbm>> -> memref<5x4x8x128xf32, #tpu.memory_space<hbm>>
    %dma_wait3A_352 = arith.constant 0 : i32
    %dma_wait3A_353 = arith.constant 0 : i32
    %dma_wait3A_354 = arith.constant 0 : i32
    %dma_wait3A_355 = arith.constant 0 : i32
    %dma_wait3A_356 = tpu.memref_slice %arg8[%dma_wait3A_333, %dma_wait3A_352, %dma_wait3A_353, %dma_wait3A_354, %dma_wait3A_355] : memref<2x5x4x8x129xf32, #tpu.memory_space<vmem>> -> memref<1x5x4x8x128xf32, #tpu.memory_space<vmem>>
    %dma_wait3A_357 = tpu.memref_squeeze %dma_wait3A_356 : memref<1x5x4x8x128xf32, #tpu.memory_space<vmem>> -> memref<5x4x8x128xf32, #tpu.memory_space<vmem>>
    tpu.wait_dma2 semaphore(%arg13 : memref<!tpu.dma_semaphore, #tpu.memory_space<semaphore_mem>>) src(%dma_wait3A_357 : memref<5x4x8x128xf32, #tpu.memory_space<vmem>>) dst(%dma_wait3A_351 : memref<5x4x8x128xf32, #tpu.memory_space<hbm>>)
    return
  }
}

</mosaic_0001>

<sc_bundles>
// kernel: kernel.3.cloned.1.call-start
scs
__scs_entry_jumppad:
0x0: {  	(pc) =	sbr.rel $0x88, $3  }
0x1: {  	(tag) =	ssettag $0x0;
	lr =	simm.s32 $0x1  }
0x2: {  	[smem:$0x3F9F] =	sst lr;
	_ =	strace $0xD0000000  }
0x3: {  	_ = 	snop  }
0x4: {  	_ = 	snop  }
0x5: {  	_ = 	snop  }
0x6: {  	_ = 	snop  }
0x7: {  	_ = 	snop  }
__scs_overlays_trampoline_lowered:
0x8: {  	[smem:$0x3FAE] =	sst s0  }
0x9: {  	[smem:$0x3FAF] =	sst s1  }
0xa: {  	[smem:$0x3FB0] =	sst s2  }
0xb: {  	[smem:$0x3FB1] =	sst s3  }
0xc: {  	[smem:$0x3FB2] =	sst s4  }
0xd: {  	[smem:$0x3FB3] =	sst s5  }
0xe: {  	[smem:$0x3FB4] =	sst s6  }
0xf: {  	[smem:$0x3FB5] =	sst s7  }
0x10: {  	[smem:$0x3FB6] =	sst s8  }
0x11: {  	[smem:$0x3FB7] =	sst s9;
	s0 =	simm.s32 @!p0 $0x0  }
0x12: {  	s1 =	sld [smem:$0x3F9D];
	s0 =	simm.s32 @p0 $0x1  }
0x13: {  	[smem:$0x3FB8] =	sst s0;
	s0 =	simm.s32 @!p1 $0x0  }
0x14: {  	s2 =	sld [smem:$0x3F9C];
	s0 =	simm.s32 @p1 $0x1  }
0x15: {  	[smem:$0x3FB9] =	sst s0;
	s0 =	simm.s32 @!p2 $0x0  }
0x16: {  	s3 =	sld [smem:$0x3FDB];
	s0 =	simm.s32 @p2 $0x1  }
0x17: {  	s4 =	simm.s32 $0x1BF5;
	[smem:$0x3FBB] =	sst s0  }
0x18: {  	s0 =	sld [smem:$0x3F9E];
	_ =	swait.ge [sflag:s4], $0x0  }
0x19: {  	s7 =	sld [smem:$0x3F9F]  }
0x1a: {  	s8 =	sadd.s32 $0xFFFFE003, lr  }
0x1b: {  	s9 =	sadd.s32 $0xFFFFFEF7, lr;
	s5 =	simm.s32 $0xFFFFFFFF;
	p2 =	slt.u32 s8, $0xFFFFF086  }
0x1c: {  	p1 =	slt.u32 s9, $0xF7A;
	s5 =	simm.s32 @!p2 $0x0  }
0x1d: {  	s5 =	simm.s32 @p1 $0x1;
	p0 =	seq.s32 s7, s2  }
0x1e: {  	s7 =	smul.u32 @!p0 $0xF7A, s2;
	p2 =	seq.s32 @!p0 s5, $0x0  }
0x1f: {  	s9 =	smul.u32 $0xF7A, s1;
	s8 =	simm.s32 @!p0 $0x1BF5;
	p2 =	por !p2, p0  }
0x20: {  	[sflag:s8] =	ssyncset.s32 @!p0 $0xFFFFF086;
	s6 =	sadd.s32 @!p0 s3, s7;
	s7 =	simm.s32 @!p0 $0x108  }
0x21: {  	s3 =	sadd.s32 s3, s9;
	s6 =	sadd.s32 @!p0 $0x88, s6;
	s7 =	simm.s32 @p2 $0x1082  }
0x22: {  	[simem:s7], [sflag:s8] =	dma.local @!p0 [hbm:s6], $0xF7A  }
0x23: {  	s9 =	sor.u32 $0xD0000000, s2;
	s6 =	simm.s32 $0x108;
	_ =	swait.ge @!p0 [sflag:s8], $0x0  }
0x24: {  	s3 =	sadd.s32 $0x88, s3;
	s6 =	simm.s32 @!p1 $0x1082;
	[sflag:s4] =	ssyncset.s32 $0xFFFFF086  }
0x25: {  	[simem:s6], [sflag:s4] =	dma.local [hbm:s3], $0xF7A  }
0x26: {  	[smem:$0x3F9F] =	sst s1;
	(tag) =	ssettag s2;
	_ =	strace s9  }
0x27: {  	s1 =	sld [smem:$0x3FAF]  }
0x28: {  	s2 =	sld [smem:$0x3FB0]  }
0x29: {  	s4 =	sld [smem:$0x3FB2]  }
0x2a: {  	p0 =	seq.s32 s5, $0x0;
	s5 =	sld [smem:$0x3FB3]  }
0x2b: {  	s6 =	sld [smem:$0x3FB4]  }
0x2c: {  	s7 =	sld [smem:$0x3FB5]  }
0x2d: {  	s3 =	simm.s32 $0x108;
	s8 =	sld [smem:$0x3FB6]  }
0x2e: {  	s3 =	simm.s32 @!p0 $0x1082;
	s9 =	sld [smem:$0x3FB7]  }
0x2f: {  	lr =	sadd.s32 s0, s3;
	s0 =	sld [smem:$0x3FAE]  }
0x30: {  	s3 =	sld [smem:$0x3FB1]  }
0x31: {  	[smem:$0x3FBA] =	sst s10  }
0x32: {  	s10 =	sld [smem:$0x3FB8];
	_ =	sdelay $0x3  }
0x33: {  	p0 =	seq.s32 s10, $0x1;
	s10 =	sld [smem:$0x3FBA];
	_ =	sdelay $0x3  }
0x34: {  	[smem:$0x3FBA] =	sst s10  }
0x35: {  	s10 =	sld [smem:$0x3FB9];
	_ =	sdelay $0x3  }
0x36: {  	p1 =	seq.s32 s10, $0x1;
	s10 =	sld [smem:$0x3FBA];
	_ =	sdelay $0x3  }
0x37: {  	[smem:$0x3FBA] =	sst s10  }
0x38: {  	s10 =	sld [smem:$0x3FBB]  }
0x39: {  	_ = 	snop;
	(pc) =	sbr.ind lr, $3  }
0x3a: {  	_ = 	snop  }
0x3b: {  	_ = 	snop  }
0x3c: {  	p2 =	seq.s32 s10, $0x1;
	s10 =	sld [smem:$0x3FBA]  }
0x3d: {  	_ =	shalt  }
0x3e: {  	_ =	shalt  }
0x3f: {  	_ =	shalt  }
0x40: {  	_ =	shalt  }
0x41: {  	_ =	shalt  }
0x42: {  	_ =	shalt  }
0x43: {  	_ =	shalt  }
0x44: {  	_ =	shalt  }
0x45: {  	_ =	shalt  }
0x46: {  	_ =	shalt  }
0x47: {  	_ =	shalt  }
0x48: {  	_ =	shalt  }
0x49: {  	_ =	shalt  }
0x4a: {  	_ =	shalt  }
0x4b: {  	_ =	shalt  }
0x4c: {  	_ =	shalt  }
0x4d: {  	_ =	shalt  }
0x4e: {  	_ =	shalt  }
0x4f: {  	_ =	shalt  }
0x50: {  	_ =	shalt  }
0x51: {  	_ =	shalt  }
0x52: {  	_ =	shalt  }
0x53: {  	_ =	shalt  }
0x54: {  	_ =	shalt  }
0x55: {  	_ =	shalt  }
0x56: {  	_ =	shalt  }
0x57: {  	_ =	shalt  }
0x58: {  	_ =	shalt  }
0x59: {  	_ =	shalt  }
0x5a: {  	_ =	shalt  }
0x5b: {  	_ =	shalt  }
0x5c: {  	_ =	shalt  }
0x5d: {  	_ =	shalt  }
0x5e: {  	_ =	shalt  }
0x5f: {  	_ =	shalt  }
0x60: {  	_ =	shalt  }
0x61: {  	_ =	shalt  }
0x62: {  	_ =	shalt  }
0x63: {  	_ =	shalt  }
0x64: {  	_ =	shalt  }
0x65: {  	_ =	shalt  }
0x66: {  	_ =	shalt  }
0x67: {  	_ =	shalt  }
0x68: {  	_ =	shalt  }
0x69: {  	_ =	shalt  }
0x6a: {  	_ =	shalt  }
0x6b: {  	_ =	shalt  }
0x6c: {  	_ =	shalt  }
0x6d: {  	_ =	shalt  }
0x6e: {  	_ =	shalt  }
0x6f: {  	_ =	shalt  }
0x70: {  	_ =	shalt  }
0x71: {  	_ =	shalt  }
0x72: {  	_ =	shalt  }
0x73: {  	_ =	shalt  }
0x74: {  	_ =	shalt  }
0x75: {  	_ =	shalt  }
0x76: {  	_ =	shalt  }
0x77: {  	_ =	shalt  }
0x78: {  	_ =	shalt  }
0x79: {  	_ =	shalt  }
0x7a: {  	_ =	shalt  }
0x7b: {  	_ =	shalt  }
0x7c: {  	_ =	shalt  }
0x7d: {  	_ =	shalt  }
0x7e: {  	_ =	shalt  }
0x7f: {  	_ =	shalt  }
0x80: {  	_ =	shalt  }
0x81: {  	_ =	shalt  }
0x82: {  	_ =	shalt  }
0x83: {  	_ =	shalt  }
0x84: {  	_ =	shalt  }
0x85: {  	_ =	shalt  }
0x86: {  	_ =	shalt  }
0x87: {  	_ =	shalt  }
.Lfunc_end0:
.L_simem_size_0:
called_computation_lowered:
.L_overlay_start_0:
0x88: {  	s2 =	sld [smem:$0x3FD9]  }
0x89: {  	s3 =	sld [smem:$0x3FFE];
	_ =	sdelay $0x1  }
0x8a: {  	s1 =	srdreg.scid  }
0x8b: {  	s0 =	sand.u32 $0x1, s1  }
0x8c: {  	s17 =	sshll.u32 s0, $0xA;
	s2 =	sadd.s32 s3, s2  }
0x8d: {  	s2 =	sadd.s32 s2, s17  }
0x8e: {  	[smem:$0x3FC6] =	sst s2  }
0x8f: {  	_ = 	snop  }
0x90: {  	s2 =	sld [smem:$0x3FD0];
	(tm) =	ssettm $0x1  }
0x91: {  	s18 =	sld [smem:$0x3FFB];
	_ =	sdelay $0x3  }
0x92: {  	_ =	strace s18  }
0x93: {  	s3 =	sld [smem:$0x3FFC];
	_ =	sdelay $0x3  }
0x94: {  	_ =	strace s3  }
0x95: {  	s3 =	sld [smem:$0x3FFD];
	_ =	sdelay $0x3  }
0x96: {  	_ =	strace s3  }
0x97: {  	_ =	strace $0x8FFFFFFF  }
0x98: {  	s19 =	sld [smem:$0x3FDB];
	_ =	sdelay $0x1  }
0x99: {  	s4 =	simm.s32 $_scs_section_size  }
0x9a: {  	s5 =	simm.s32 $_size__tile_overlayer_lowered;
	s6 =	simm.s32 $_tile_overlayer_lowered  }
0x9b: {  	s22 =	simm.s32 $0x1BFF;
	s21 =	sshll.u32 s6, $0x1;
	s3 =	sadd.s32 s4, s19  }
0x9c: {  	s7 =	simm.s32 $0x0;
	s20 =	sshll.u32 s5, $0x1;
	s5 =	sadd.s32 s21, s3  }
0x9d: {  	[timem:s7], [sflag:s22] =	dma.local [hbm:s5], s20  }
0x9e: {  	_ =	swait.ge [sflag:s22], s20  }
0x9f: {  	s4 =	ssub.s32 $0x0, s20;
	[sflag:s22] =	ssyncset.done $0x0  }
0xa0: {  	[sflag:s22] =	ssyncadd.s32 s4;
	_ =	sdelay $0x1  }
0xa1: {  	s23 =	simm.s32 $0x1B8B  }
0xa2: {  	_ =	swait.ge [sflag:s23], $0x1  }
0xa3: {  	[sflag:s23] =	ssyncset.done $0x0  }
0xa4: {  	s25 =	simm.s32 $0x1B8E;
	s24 =	sld [smem:$0x3FFE];
	[sflag:s23] =	ssyncadd.s32 $0xFFFFFFFF  }
0xa5: {  	s26 =	simm.s32 $execute0_lowered;
	[smem:$0x3FD2] =	sst s25  }
0xa6: {  	s5 =	sshll.u32 s26, $0x1;
	_ =	strace $0x80000046;
	[dreg:$0x1] =	wrdreg $0xFFFFFFFF  }
0xa7: {  	s28 =	simm.s32 $_size_execute0_lowered;
	s3 =	sadd.s32 s3, s5;
	[dreg:$0x0] =	wrdreg $0x0  }
0xa8: {  	s5 =	sshll.u32 s28, $0x1;
	[dreg:$0x2] =	wrdreg s3  }
0xa9: {  	[dreg:$0x3] =	wrdreg s5  }
0xaa: {  	[dreg:$0x4] =	wrdreg $0xC0  }
0xab: {  	_ =	task [dreg:s7], $0x5FFFF  }
0xac: {  	[dreg:$0x1] =	wrdreg $0xFFFFFFFF  }
0xad: {  	[dreg:$0x0] =	wrdreg $0x60  }
0xae: {  	[dreg:$0x2] =	wrdreg s24  }
0xaf: {  	[dreg:$0x3] =	wrdreg s2  }
0xb0: {  	[dreg:$0x4] =	wrdreg $0x9  }
0xb1: {  	_ =	task.clear_ibuf [dreg:s7], $0x5FFFF;
	_ =	strace $0x90000046  }
0xb2: {  	s29 =	simm.s32 $0x9;
	_ =	strace $0x80000048  }
0xb3: {  	_ =	swait.ge [sflag:s29], $0x1  }
0xb4: {  	[sflag:s29] =	ssyncadd.s32 $0xFFFFFFFF  }
0xb5: {  	_ =	strace $0x90000048  }
0xb6: {  	_ =	sfence  }
0xb7: {  	s30 =	sld [smem:$0x0];
	_ =	sdelay $0x2  }
0xb8: {  	s31 =	sshll.u32 s1, $0xD;
	s1 =	sshrl.u32 s1, $0x2  }
0xb9: {  	s3 =	sand.u32 $0x4000, s31;
	s1 =	sadd.s32 s1, s30  }
0xba: {  	s0 =	sor.u32 s3, s0;
	s1 =	sshll.u32 s1, $0x11  }
0xbb: {  	s0 =	sor.u32 s1, s0  }
0xbc: {  	s0 =	sadd.s32 $0x8F2B, s0  }
0xbd: {  	[sflag:s0] =	ssyncadd.remote.s32 $0x1  }
0xbe: {  	_ =	sfence.sel $0xFFFF  }
0xbf: {  	[dreg:$0x0] =	wrdreg $0xFFFFFFFF;
	(pc) =	sbr.abs _section_cstart, $3  }
0xc0: {  	[dreg:$0x1] =	wrdreg $0xFFFFFFFF  }
0xc1: {  	_ =	task.clear_ibuf [dreg:s7], $0x2FFFF;
	_ =	strace $0x9FFFFFFF  }
0xc2: {  	(tm) =	ssettm $0x7FFFFFFF  }
0xc3: {  	_ =	shalt  }
tec
execute0_lowered:
.L_overlay_start_1:
0x0: {  	(tag) =	ssettag $0x1  }
0x1: {  	s0 =	srdreg.scid  }
0x2: {  	s2 =	stileid.u32;
	s1 =	rddreg [dreg:$0x0];
	v5 =	vlaneseq.u32;
	s13 =	simm.s32 $0x1  }
0x3: {  	s14 =	simm.s32 $0x280;
	s15 =	simm.s32 $0x6400;
	s16 =	simm.s32 $0x6900;
	v0 =	vmul.u32 $0xC8, v5  }
0x4: {  	s17 =	simm.s32 $0x6680;
	s18 =	simm.s32 $0xB900;
	s19 =	simm.s32 $0x2  }
0x5: {  	s20 =	simm.s32 $0x10900;
	s21 =	simm.s32 $0x3;
	s22 =	simm.s32 $0x15E00;
	v5 =	vmul.u32 $0x88, v5;
	v1 =	vor.u32 $0x1, v0  }
0x6: {  	s23 =	simm.s32 $0x4;
	s24 =	simm.s32 $0x5;
	s25 =	simm.s32 $0x0;
	v2 =	vor.u32 $0x2, v0;
	v3 =	vor.u32 $0x3, v0;
	v4 =	vor.u32 $0x4, v0  }
0x7: {  	s0 =	sand.u32 $0x1, s0;
	s3 =	sshll.u32 s2, $0x1;
	s2 =	rddreg [dreg:$0x1];
	v6 =	vor.u32 $0x5, v0;
	v7 =	vor.u32 $0x6, v0;
	v8 =	vor.u32 $0x7, v0  }
0x8: {  	s6 =	sor.u32 s0, s3;
	s3 =	simm.s32 $0x0;
	s0 =	ssub.s32 $0x2, s0;
	v9 =	vadd.s32 $0x8, v0;
	v10 =	vadd.s32 $0x9, v0;
	v11 =	vadd.s32 $0x880, v5  }
0x9: {  	s4 =	smul.u32 $0xC80, s6;
	[smem:$0x7FF] =	sst s3;
	s7 =	sshrl.u32 s0, $0x1;
	v12 =	vadd.s32 $0x1100, v5;
	v13 =	vadd.s32 $0x1980, v5;
	v14 =	vadd.s32 $0x2200, v5  }
0xa: {  	s31 =	sshll.u32 s6, $0x7;
	s6 =	sshll.u32 s6, $0xA;
	v15 =	vadd.s32 $0x2A80, v5;
	v16 =	vadd.s32 $0x3300, v5;
	v17 =	vadd.s32 $0x3B80, v5;
	_ =	strace $0x80000047  }
0xb: {  	v18 =	vadd.s32 $0x4400, v5;
	v19 =	vadd.s32 $0x4C80, v5;
	v20 =	vadd.s32 $0xA, v0;
	s0 =	ssub.s32 s0, s7;
	s7 =	sadd.s32 s2, s31;
	s9 =	sor.u32 $0xA0000, s6  }
0xc: {  	v21 =	vadd.s32 $0xB, v0;
	v22 =	vadd.s32 $0xC, v0;
	v23 =	vadd.s32 $0xD, v0;
	s5 =	sadd.s32 s4, s1;
	s4 =	sadd.s32 $0xF42A00, s1;
	s0 =	smax.u32 s0, $0x1  }
0xd: {  	v24 =	vadd.s32 $0xE, v0;
	v25 =	vadd.s32 $0xF, v0;
	v26 =	vadd.s32 $0x10, v0;
	s8 =	sadd.s32 $0x14000, s7;
	s5 =	sadd.s32 $0x600, s5;
	[dreg:$0x4] =	wrdreg s0  }
0xe: {  	v27 =	vadd.s32 $0x11, v0;
	v28 =	vadd.s32 $0x12, v0;
	v29 =	vadd.s32 $0x13, v0;
	s10 =	sadd.s32 $0x2F8000, s7;
	s11 =	sadd.s32 $0x30C000, s7;
	[dreg:$0x3] =	wrdreg s5  }
.LBB2_1:
0xf: {  	v30 =	vmov s3  }
0x10: {  	v30 =	vmul.u32 $0xC8, v30;
	_ =	sdelay $0x1  }
0x11: {  	v30 =	vbroadcast v30, $0x0;
	_ =	sdelay $0x1  }
0x12: {  	s0 =	rddreg [dreg:$0x3];
	v31 =	vadd.s32 v0, v30  }
0x13: {  	[tilespmem:s3], [sflag:$0x1] =	stream.linear.gather [hbm4b:s0+s3], $0x6400, $0x38;
	[tilespmem:$0x1B300] =	vst v63  }
0x14: {  	_ =	swait.ge [sflag:s13], $0x6400  }
0x15: {  	[sflag:s13] =	ssyncset.done $0x0  }
0x16: {  	[sflag:s13] =	ssyncadd.s32 $0xFFFF9C00  }
0x17: {  	v31 =	vld.idx.msk [tilespmem:v31+s3+$0x0], $0xffff  }
0x18: {  	v32 =	vadd.s32 v1, v30;
	_ =	sdelay $0x2  }
0x19: {  	s0 =	simm.s32 $0x6500  }
0x1a: {  	[tilespmem:s0+$0xFFFFFF00] =	vst v31  }
0x1b: {  	v31 =	vld.idx.msk [tilespmem:v32+s3+$0x0], $0xffff  }
0x1c: {  	v62 =	vadd.s32 v2, v30;
	_ =	sdelay $0x3  }
0x1d: {  	[tilespmem:s0+$0xFFFFFF80] =	vst v31  }
0x1e: {  	v31 =	vld.idx.msk [tilespmem:v62+s3+$0x0], $0xffff  }
0x1f: {  	v63 =	vadd.s32 v3, v30;
	_ =	sdelay $0x3  }
0x20: {  	[tilespmem:s0+$0x0] =	vst v31  }
0x21: {  	v31 =	vld.idx.msk [tilespmem:v63+s3+$0x0], $0xffff  }
0x22: {  	v30 =	vadd.s32 v4, v30  }
0x23: {  	s1 =	simm.s32 $0x10  }
0x24: {  	v32 =	vmov s1;
	s1 =	simm.s32 $0x20  }
.LBB2_2:
0x25: {  	p0 =	sne.s32 s1, $0x70;
	v32 =	vmul.u32 $0xC8, v32  }
0x26: {  	[tilespmem:s0+$0x80] =	vst v31  }
0x27: {  	v32 =	vbroadcast v32, $0x0;
	v30 =	vld.idx.msk [tilespmem:v30+s3+$0x0], $0xffff;
	_ =	sdelay $0x1  }
0x28: {  	v31 =	vadd.s32 v0, v32;
	_ =	sdelay $0x3  }
0x29: {  	[tilespmem:s0+$0x100] =	vst v30  }
0x2a: {  	v30 =	vld.idx.msk [tilespmem:v31+s3+$0x0], $0xffff;
	_ =	sdelay $0x1  }
0x2b: {  	v31 =	vadd.s32 v1, v32;
	_ =	sdelay $0x2  }
0x2c: {  	s0 =	sadd.s32 $0x10, s0  }
0x2d: {  	[tilespmem:s0+$0xFFFFFF00] =	vst v30  }
0x2e: {  	v30 =	vld.idx.msk [tilespmem:v31+s3+$0x0], $0xffff;
	_ =	sdelay $0x1  }
0x2f: {  	v31 =	vadd.s32 v2, v32;
	_ =	sdelay $0x3  }
0x30: {  	[tilespmem:s0+$0xFFFFFF80] =	vst v30  }
0x31: {  	v30 =	vld.idx.msk [tilespmem:v31+s3+$0x0], $0xffff;
	_ =	sdelay $0x1  }
0x32: {  	v31 =	vadd.s32 v3, v32;
	_ =	sdelay $0x3  }
0x33: {  	[tilespmem:s0+$0x0] =	vst v30  }
.Ltmp0:
0x34: {  	v31 =	vld.idx.msk [tilespmem:v31+s3+$0x0], $0xffff;
	(pc) =	sbr.rel @p0 .LBB2_2-.Ltmp0, $3  }
0x35: {  	_ = 	snop  }
0x36: {  	v30 =	vadd.s32 v4, v32;
	_ =	sdelay $0x1  }
0x37: {  	v32 =	vmov s1;
	s1 =	sadd.s32 $0x10, s1  }
0x38: {  	_ = 	snop  }
0x39: {  	v32 =	vmul.u32 $0xC8, v32;
	_ =	sdelay $0x1  }
0x3a: {  	[tilespmem:s0+$0x80] =	vst v31;
	v31 =	vbroadcast v32, $0x0  }
0x3b: {  	v30 =	vld.idx.msk [tilespmem:v30+s3+$0x0], $0xffff  }
0x3c: {  	v32 =	vadd.s32 v0, v31;
	_ =	sdelay $0x3  }
0x3d: {  	[tilespmem:s0+$0x100] =	vst v30  }
0x3e: {  	v30 =	vld.idx.msk [tilespmem:v32+s3+$0x0], $0xffff  }
0x3f: {  	v60 =	vadd.s32 v1, v31;
	_ =	sdelay $0x2  }
0x40: {  	s30 =	sadd.s32 $0x10, s0  }
0x41: {  	[tilespmem:s30+$0xFFFFFF00] =	vst v30  }
0x42: {  	v30 =	vld.idx.msk [tilespmem:v60+s3+$0x0], $0xffff  }
0x43: {  	v61 =	vadd.s32 v2, v31;
	_ =	sdelay $0x3  }
0x44: {  	[tilespmem:s30+$0xFFFFFF80] =	vst v30  }
0x45: {  	v30 =	vld.idx.msk [tilespmem:v61+s3+$0x0], $0xffff  }
0x46: {  	v62 =	vadd.s32 v3, v31;
	_ =	sdelay $0x3  }
0x47: {  	[tilespmem:s30+$0x0] =	vst v30  }
0x48: {  	v30 =	vld.idx.msk [tilespmem:v62+s3+$0x0], $0xffff  }
0x49: {  	v31 =	vadd.s32 v4, v31  }
0x4a: {  	s1 =	simm.s32 $0x0  }
0x4b: {  	v63 =	vmov s1  }
0x4c: {  	v32 =	vmul.u32 $0xC8, v63  }
0x4d: {  	[tilespmem:s30+$0x80] =	vst v30  }
0x4e: {  	v32 =	vbroadcast v32, $0x0;
	v30 =	vld.idx.msk [tilespmem:v31+s3+$0x0], $0xffff;
	_ =	sdelay $0x1  }
0x4f: {  	v31 =	vadd.s32 v6, v32;
	_ =	sdelay $0x2  }
0x50: {  	[tilespmem:s30+$0x100] =	vst v30  }
0x51: {  	[tilespmem:s16], [sflag:$0x2] =	stream.indirect.gather [hbm4b:s4+s14], $0x20, s15, s14, $0xb8;
	[tilespmem:$0x1B300] =	vst v63  }
0x52: {  	v30 =	vld.idx.msk [tilespmem:v31+s3+$0x0], $0xffff  }
0x53: {  	v31 =	vadd.s32 v7, v32;
	_ =	sdelay $0x2  }
0x54: {  	s0 =	simm.s32 $0x6880  }
0x55: {  	[tilespmem:s0+$0xFFFFFE00] =	vst v30  }
0x56: {  	v30 =	vld.idx.msk [tilespmem:v31+s3+$0x0], $0xffff  }
0x57: {  	v31 =	vadd.s32 v8, v32;
	_ =	sdelay $0x3  }
0x58: {  	[tilespmem:s0+$0xFFFFFE80] =	vst v30  }
0x59: {  	v30 =	vld.idx.msk [tilespmem:v31+s3+$0x0], $0xffff  }
0x5a: {  	v31 =	vadd.s32 v9, v32;
	_ =	sdelay $0x3  }
0x5b: {  	[tilespmem:s0+$0xFFFFFF00] =	vst v30  }
0x5c: {  	v31 =	vld.idx.msk [tilespmem:v31+s3+$0x0], $0xffff  }
0x5d: {  	v30 =	vadd.s32 v10, v32  }
0x5e: {  	s31 =	simm.s32 $0x10  }
0x5f: {  	s1 =	simm.s32 $0x20;
	v32 =	vmov s31  }
.LBB2_4:
0x60: {  	p0 =	sne.s32 s1, $0x70;
	v32 =	vmul.u32 $0xC8, v32  }
0x61: {  	[tilespmem:s0+$0xFFFFFF80] =	vst v31  }
0x62: {  	v32 =	vbroadcast v32, $0x0;
	v30 =	vld.idx.msk [tilespmem:v30+s3+$0x0], $0xffff;
	_ =	sdelay $0x1  }
0x63: {  	v31 =	vadd.s32 v6, v32;
	_ =	sdelay $0x3  }
0x64: {  	[tilespmem:s0+$0x0] =	vst v30  }
0x65: {  	v30 =	vld.idx.msk [tilespmem:v31+s3+$0x0], $0xffff;
	_ =	sdelay $0x1  }
0x66: {  	v31 =	vadd.s32 v7, v32;
	_ =	sdelay $0x2  }
0x67: {  	s0 =	sadd.s32 $0x10, s0  }
0x68: {  	[tilespmem:s0+$0xFFFFFE00] =	vst v30  }
0x69: {  	v30 =	vld.idx.msk [tilespmem:v31+s3+$0x0], $0xffff;
	_ =	sdelay $0x1  }
0x6a: {  	v31 =	vadd.s32 v8, v32;
	_ =	sdelay $0x3  }
0x6b: {  	[tilespmem:s0+$0xFFFFFE80] =	vst v30  }
0x6c: {  	v30 =	vld.idx.msk [tilespmem:v31+s3+$0x0], $0xffff;
	_ =	sdelay $0x1  }
0x6d: {  	v31 =	vadd.s32 v9, v32;
	_ =	sdelay $0x3  }
0x6e: {  	[tilespmem:s0+$0xFFFFFF00] =	vst v30  }
.Ltmp1:
0x6f: {  	v31 =	vld.idx.msk [tilespmem:v31+s3+$0x0], $0xffff;
	(pc) =	sbr.rel @p0 .LBB2_4-.Ltmp1, $3  }
0x70: {  	_ = 	snop  }
0x71: {  	v30 =	vadd.s32 v10, v32;
	_ =	sdelay $0x1  }
0x72: {  	v32 =	vmov s1;
	s1 =	sadd.s32 $0x10, s1  }
0x73: {  	_ = 	snop  }
0x74: {  	v32 =	vmul.u32 $0xC8, v32;
	_ =	sdelay $0x1  }
0x75: {  	[tilespmem:s0+$0xFFFFFF80] =	vst v31;
	v31 =	vbroadcast v32, $0x0  }
0x76: {  	v30 =	vld.idx.msk [tilespmem:v30+s3+$0x0], $0xffff  }
0x77: {  	v32 =	vadd.s32 v6, v31;
	_ =	sdelay $0x3  }
0x78: {  	[tilespmem:s0+$0x0] =	vst v30  }
0x79: {  	v30 =	vld.idx.msk [tilespmem:v32+s3+$0x0], $0xffff  }
0x7a: {  	v52 =	vadd.s32 v7, v31;
	_ =	sdelay $0x2  }
0x7b: {  	s29 =	sadd.s32 $0x10, s0  }
0x7c: {  	[tilespmem:s29+$0xFFFFFE00] =	vst v30  }
0x7d: {  	v30 =	vld.idx.msk [tilespmem:v52+s3+$0x0], $0xffff  }
0x7e: {  	v53 =	vadd.s32 v8, v31;
	_ =	sdelay $0x3  }
0x7f: {  	[tilespmem:s29+$0xFFFFFE80] =	vst v30  }
0x80: {  	v30 =	vld.idx.msk [tilespmem:v53+s3+$0x0], $0xffff  }
0x81: {  	v54 =	vadd.s32 v9, v31;
	_ =	sdelay $0x3  }
0x82: {  	[tilespmem:s29+$0xFFFFFF00] =	vst v30  }
0x83: {  	v30 =	vld.idx.msk [tilespmem:v54+s3+$0x0], $0xffff  }
0x84: {  	v31 =	vadd.s32 v10, v31;
	_ =	sdelay $0x3  }
0x85: {  	[tilespmem:s29+$0xFFFFFF80] =	vst v30  }
0x86: {  	v30 =	vld.idx.msk [tilespmem:v31+s3+$0x0], $0xffff;
	_ =	sdelay $0x4  }
0x87: {  	[tilespmem:s29+$0x0] =	vst v30  }
0x88: {  	[tilespmem:s18], [sflag:$0x3] =	stream.indirect.gather [hbm4b:s4+s14], $0x20, s17, s14, $0xb8;
	[tilespmem:$0x1B300] =	vst v63  }
0x89: {  	s30 =	simm.s32 $0x0;
	_ =	swait.ge [sflag:s19], $0x5000  }
0x8a: {  	v30 =	vmov s30;
	[sflag:s19] =	ssyncset.done $0x0  }
0x8b: {  	s26 =	simm.s32 $0x8910;
	v31 =	vand.u32 $0x7F, v30;
	[sflag:s19] =	ssyncadd.s32 $0xFFFFB000  }
0x8c: {  	v55 =	vadd.s32 v5, v31;
	v30 =	vld [tilespmem:s26+$0xFFFFDFF0];
	_ =	sdelay $0x4  }
0x8d: {  	[tilespmem:v55+s20+$0x0] =	vst.idx.msk $0xffff, v30  }
0x8e: {  	v56 =	vadd.s32 v11, v31;
	v30 =	vld [tilespmem:s26+$0xFFFFE000];
	_ =	sdelay $0x4  }
0x8f: {  	[tilespmem:v56+s20+$0x0] =	vst.idx.msk $0xffff, v30  }
0x90: {  	v57 =	vadd.s32 v12, v31;
	v30 =	vld [tilespmem:s26+$0xFFFFEFF0];
	_ =	sdelay $0x4  }
0x91: {  	[tilespmem:v57+s20+$0x0] =	vst.idx.msk $0xffff, v30  }
0x92: {  	v58 =	vadd.s32 v13, v31;
	v30 =	vld [tilespmem:s26+$0xFFFFF000];
	_ =	sdelay $0x4  }
0x93: {  	[tilespmem:v58+s20+$0x0] =	vst.idx.msk $0xffff, v30  }
0x94: {  	v59 =	vadd.s32 v14, v31;
	v30 =	vld [tilespmem:s26+$0xFFFFFFF0];
	_ =	sdelay $0x4  }
0x95: {  	[tilespmem:v59+s20+$0x0] =	vst.idx.msk $0xffff, v30  }
0x96: {  	v60 =	vadd.s32 v15, v31;
	v30 =	vld [tilespmem:s26+$0x0];
	_ =	sdelay $0x4  }
0x97: {  	[tilespmem:v60+s20+$0x0] =	vst.idx.msk $0xffff, v30  }
0x98: {  	v61 =	vadd.s32 v16, v31;
	v30 =	vld [tilespmem:s26+$0xFF0];
	_ =	sdelay $0x4  }
0x99: {  	[tilespmem:v61+s20+$0x0] =	vst.idx.msk $0xffff, v30  }
0x9a: {  	v62 =	vadd.s32 v17, v31;
	v30 =	vld [tilespmem:s26+$0x1000];
	_ =	sdelay $0x4  }
0x9b: {  	[tilespmem:v62+s20+$0x0] =	vst.idx.msk $0xffff, v30  }
0x9c: {  	v63 =	vadd.s32 v18, v31;
	v30 =	vld [tilespmem:s26+$0x1FF0];
	_ =	sdelay $0x4  }
0x9d: {  	[tilespmem:v63+s20+$0x0] =	vst.idx.msk $0xffff, v30  }
0x9e: {  	v31 =	vadd.s32 v19, v31;
	v30 =	vld [tilespmem:s26+$0x2000];
	_ =	sdelay $0x2  }
0x9f: {  	s31 =	simm.s32 $0x1  }
0xa0: {  	s1 =	simm.s32 $0x2;
	v32 =	vmov s31  }
.LBB2_6:
0xa1: {  	p0 =	sne.s32 s1, $0x7F;
	v32 =	vand.u32 $0x7F, v32;
	[tilespmem:v31+s20+$0x0] =	vst.idx.msk $0xffff, v30;
	s26 =	sadd.s32 $0x20, s26  }
0xa2: {  	v30 =	vld [tilespmem:s26+$0xFFFFDFF0];
	v31 =	vadd.s32 v5, v32;
	_ =	sdelay $0x4  }
0xa3: {  	[tilespmem:v31+s20+$0x0] =	vst.idx.msk $0xffff, v30  }
0xa4: {  	v31 =	vadd.s32 v11, v32;
	v30 =	vld [tilespmem:s26+$0xFFFFE000];
	_ =	sdelay $0x4  }
0xa5: {  	[tilespmem:v31+s20+$0x0] =	vst.idx.msk $0xffff, v30  }
0xa6: {  	v31 =	vadd.s32 v12, v32;
	v30 =	vld [tilespmem:s26+$0xFFFFEFF0];
	_ =	sdelay $0x4  }
0xa7: {  	[tilespmem:v31+s20+$0x0] =	vst.idx.msk $0xffff, v30  }
0xa8: {  	v31 =	vadd.s32 v13, v32;
	v30 =	vld [tilespmem:s26+$0xFFFFF000];
	_ =	sdelay $0x4  }
0xa9: {  	[tilespmem:v31+s20+$0x0] =	vst.idx.msk $0xffff, v30  }
0xaa: {  	v31 =	vadd.s32 v14, v32;
	v30 =	vld [tilespmem:s26+$0xFFFFFFF0];
	_ =	sdelay $0x4  }
0xab: {  	[tilespmem:v31+s20+$0x0] =	vst.idx.msk $0xffff, v30  }
0xac: {  	v31 =	vadd.s32 v15, v32;
	v30 =	vld [tilespmem:s26+$0x0];
	_ =	sdelay $0x4  }
0xad: {  	[tilespmem:v31+s20+$0x0] =	vst.idx.msk $0xffff, v30  }
0xae: {  	v31 =	vadd.s32 v16, v32;
	v30 =	vld [tilespmem:s26+$0xFF0];
	_ =	sdelay $0x4  }
0xaf: {  	[tilespmem:v31+s20+$0x0] =	vst.idx.msk $0xffff, v30  }
0xb0: {  	v31 =	vadd.s32 v17, v32;
	v30 =	vld [tilespmem:s26+$0x1000];
	_ =	sdelay $0x4  }
0xb1: {  	[tilespmem:v31+s20+$0x0] =	vst.idx.msk $0xffff, v30  }
0xb2: {  	v31 =	vadd.s32 v18, v32;
	v30 =	vld [tilespmem:s26+$0x1FF0];
	_ =	sdelay $0x4  }
0xb3: {  	[tilespmem:v31+s20+$0x0] =	vst.idx.msk $0xffff, v30  }
.Ltmp2:
0xb4: {  	v31 =	vadd.s32 v19, v32;
	v30 =	vld [tilespmem:s26+$0x2000];
	(pc) =	sbr.rel @p0 .LBB2_6-.Ltmp2, $2  }
0xb5: {  	_ =	sdelay $0x2  }
0xb6: {  	v32 =	vmov s1;
	s1 =	sadd.s32 $0x1, s1  }
0xb7: {  	_ =	sdelay $0x3  }
0xb8: {  	v32 =	vand.u32 $0x7F, v32;
	[tilespmem:v31+s20+$0x0] =	vst.idx.msk $0xffff, v30;
	s0 =	sadd.s32 $0x20, s26  }
0xb9: {  	v30 =	vld [tilespmem:s0+$0xFFFFDFF0];
	v31 =	vadd.s32 v5, v32;
	_ =	sdelay $0x4  }
0xba: {  	[tilespmem:v31+s20+$0x0] =	vst.idx.msk $0xffff, v30  }
0xbb: {  	v31 =	vadd.s32 v11, v32;
	v30 =	vld [tilespmem:s0+$0xFFFFE000];
	_ =	sdelay $0x4  }
0xbc: {  	[tilespmem:v31+s20+$0x0] =	vst.idx.msk $0xffff, v30  }
0xbd: {  	v31 =	vadd.s32 v12, v32;
	v30 =	vld [tilespmem:s0+$0xFFFFEFF0];
	_ =	sdelay $0x4  }
0xbe: {  	[tilespmem:v31+s20+$0x0] =	vst.idx.msk $0xffff, v30  }
0xbf: {  	v31 =	vadd.s32 v13, v32;
	v30 =	vld [tilespmem:s0+$0xFFFFF000];
	_ =	sdelay $0x4  }
0xc0: {  	[tilespmem:v31+s20+$0x0] =	vst.idx.msk $0xffff, v30  }
0xc1: {  	v31 =	vadd.s32 v14, v32;
	v30 =	vld [tilespmem:s0+$0xFFFFFFF0];
	_ =	sdelay $0x4  }
0xc2: {  	[tilespmem:v31+s20+$0x0] =	vst.idx.msk $0xffff, v30  }
0xc3: {  	v31 =	vadd.s32 v15, v32;
	v30 =	vld [tilespmem:s0+$0x0];
	_ =	sdelay $0x4  }
0xc4: {  	[tilespmem:v31+s20+$0x0] =	vst.idx.msk $0xffff, v30  }
0xc5: {  	v31 =	vadd.s32 v16, v32;
	v30 =	vld [tilespmem:s0+$0xFF0];
	_ =	sdelay $0x4  }
0xc6: {  	[tilespmem:v31+s20+$0x0] =	vst.idx.msk $0xffff, v30  }
0xc7: {  	v31 =	vadd.s32 v17, v32;
	v30 =	vld [tilespmem:s0+$0x1000];
	_ =	sdelay $0x4  }
0xc8: {  	[tilespmem:v31+s20+$0x0] =	vst.idx.msk $0xffff, v30  }
0xc9: {  	v31 =	vadd.s32 v18, v32;
	v30 =	vld [tilespmem:s0+$0x1FF0];
	_ =	sdelay $0x4  }
0xca: {  	[tilespmem:v31+s20+$0x0] =	vst.idx.msk $0xffff, v30  }
0xcb: {  	v31 =	vadd.s32 v19, v32;
	v30 =	vld [tilespmem:s0+$0x2000];
	_ =	sdelay $0x4  }
0xcc: {  	s26 =	simm.s32 $0x0;
	s1 =	simm.s32 $0x10900;
	[tilespmem:v31+s20+$0x0] =	vst.idx.msk $0xffff, v30  }
0xcd: {  	[hbm4b:s7+s26] =	stream.linear.scatter [tilespmem:s1], [sflag:$0x4], $0x80, $0x38;
	[tilespmem:$0x1B300] =	vst v63  }
0xce: {  	s5 =	simm.s32 $0x10988;
	s1 =	sadd.s32 $0x10, s7  }
0xcf: {  	[hbm4b:s1+s26] =	stream.linear.scatter [tilespmem:s5], [sflag:$0x4], $0x80, $0x38;
	[tilespmem:$0x1B300] =	vst v63  }
0xd0: {  	s12 =	simm.s32 $0x10A10;
	s31 =	sadd.s32 $0x20, s7;
	s28 =	simm.s32 $0x2200  }
0xd1: {  	[hbm4b:s31+s26] =	stream.linear.scatter [tilespmem:s12], [sflag:$0x4], $0x80, $0x38;
	[tilespmem:$0x1B300] =	vst v63  }
0xd2: {  	s29 =	simm.s32 $0x10CB8;
	s1 =	simm.s32 $0x10A98;
	s5 =	sadd.s32 $0x30, s7  }
0xd3: {  	[hbm4b:s5+s26] =	stream.linear.scatter [tilespmem:s1], [sflag:$0x4], $0x80, $0x38;
	[tilespmem:$0x1B300] =	vst v63  }
0xd4: {  	s30 =	sadd.s32 $0x70, s7;
	s12 =	simm.s32 $0x10B20;
	s31 =	sadd.s32 $0x40, s7  }
0xd5: {  	[hbm4b:s31+s26] =	stream.linear.scatter [tilespmem:s12], [sflag:$0x4], $0x80, $0x38;
	[tilespmem:$0x1B300] =	vst v63  }
0xd6: {  	s0 =	simm.s32 $0x440;
	s1 =	simm.s32 $0x10BA8;
	s5 =	sadd.s32 $0x50, s7  }
0xd7: {  	[hbm4b:s5+s26] =	stream.linear.scatter [tilespmem:s1], [sflag:$0x4], $0x80, $0x38;
	[tilespmem:$0x1B300] =	vst v63  }
0xd8: {  	s12 =	simm.s32 $0x10C30;
	s31 =	sadd.s32 $0x60, s7;
	s1 =	sadd.s32 $0x1000, s7  }
0xd9: {  	[hbm4b:s31+s26] =	stream.linear.scatter [tilespmem:s12], [sflag:$0x4], $0x80, $0x38;
	[tilespmem:$0x1B300] =	vst v63  }
.LBB2_8:
0xda: {  	[hbm4b:s30+s26] =	stream.linear.scatter [tilespmem:s29], [sflag:$0x4], $0x80, $0x38;
	[tilespmem:$0x1B300] =	vst v63  }
0xdb: {  	s29 =	smov.u32 s0;
	s0 =	smov.u32 s28  }
0xdc: {  	s31 =	sadd.s32 $0x1100, s28;
	s0 =	sshra.s32 s0, $0x2;
	s30 =	sadd.s32 $0x10900, s29  }
0xdd: {  	[hbm4b:s1+s26] =	stream.linear.scatter [tilespmem:s30], [sflag:$0x4], $0x80, $0x38;
	[tilespmem:$0x1B300] =	vst v63  }
0xde: {  	p0 =	sne.s32 s28, $0x14300;
	s28 =	sadd.s32 $0x10988, s29;
	s30 =	sadd.s32 $0x10, s1  }
0xdf: {  	[hbm4b:s30+s26] =	stream.linear.scatter [tilespmem:s28], [sflag:$0x4], $0x80, $0x38;
	[tilespmem:$0x1B300] =	vst v63  }
0xe0: {  	s28 =	sadd.s32 $0x10A10, s29;
	s30 =	sadd.s32 $0x20, s1  }
0xe1: {  	[hbm4b:s30+s26] =	stream.linear.scatter [tilespmem:s28], [sflag:$0x4], $0x80, $0x38;
	[tilespmem:$0x1B300] =	vst v63  }
0xe2: {  	s28 =	sadd.s32 $0x10A98, s29;
	s30 =	sadd.s32 $0x30, s1  }
0xe3: {  	[hbm4b:s30+s26] =	stream.linear.scatter [tilespmem:s28], [sflag:$0x4], $0x80, $0x38;
	[tilespmem:$0x1B300] =	vst v63  }
0xe4: {  	s28 =	sadd.s32 $0x10B20, s29;
	s30 =	sadd.s32 $0x40, s1  }
0xe5: {  	[hbm4b:s30+s26] =	stream.linear.scatter [tilespmem:s28], [sflag:$0x4], $0x80, $0x38;
	[tilespmem:$0x1B300] =	vst v63  }
.Ltmp3:
0xe6: {  	s28 =	sadd.s32 $0x10BA8, s29;
	s30 =	sadd.s32 $0x50, s1;
	(pc) =	sbr.rel @p0 .LBB2_8-.Ltmp3, $4  }
0xe7: {  	[hbm4b:s30+s26] =	stream.linear.scatter [tilespmem:s28], [sflag:$0x4], $0x80, $0x38;
	[tilespmem:$0x1B300] =	vst v63  }
0xe8: {  	s28 =	sadd.s32 $0x10C30, s29;
	s30 =	sadd.s32 $0x60, s1;
	s29 =	sadd.s32 $0x10CB8, s29  }
0xe9: {  	[hbm4b:s30+s26] =	stream.linear.scatter [tilespmem:s28], [sflag:$0x4], $0x80, $0x38;
	[tilespmem:$0x1B300] =	vst v63  }
0xea: {  	s30 =	sadd.s32 $0x70, s1;
	s1 =	sadd.s32 $0x1000, s1;
	s28 =	smov.u32 s31  }
0xeb: {  	[hbm4b:s30+s26] =	stream.linear.scatter [tilespmem:s29], [sflag:$0x4], $0x80, $0x38;
	[tilespmem:$0x1B300] =	vst v63  }
0xec: {  	s28 =	sadd.s32 $0x10900, s0  }
0xed: {  	[hbm4b:s1+s26] =	stream.linear.scatter [tilespmem:s28], [sflag:$0x4], $0x80, $0x38;
	[tilespmem:$0x1B300] =	vst v63  }
0xee: {  	s30 =	sadd.s32 $0x10988, s0;
	s31 =	sadd.s32 $0x10, s1  }
0xef: {  	[hbm4b:s31+s26] =	stream.linear.scatter [tilespmem:s30], [sflag:$0x4], $0x80, $0x38;
	[tilespmem:$0x1B300] =	vst v63  }
0xf0: {  	s5 =	sadd.s32 $0x10A10, s0;
	s12 =	sadd.s32 $0x20, s1  }
0xf1: {  	[hbm4b:s12+s26] =	stream.linear.scatter [tilespmem:s5], [sflag:$0x4], $0x80, $0x38;
	[tilespmem:$0x1B300] =	vst v63  }
0xf2: {  	v30 =	vmov s26;
	s30 =	sadd.s32 $0x10A98, s0;
	s31 =	sadd.s32 $0x30, s1  }
0xf3: {  	v30 =	vmul.u32 $0xC8, v30;
	[hbm4b:s31+s26] =	stream.linear.scatter [tilespmem:s30], [sflag:$0x4], $0x80, $0x38;
	[tilespmem:$0x1B300] =	vst v63  }
0xf4: {  	s5 =	sadd.s32 $0x10B20, s0;
	s12 =	sadd.s32 $0x40, s1  }
0xf5: {  	v30 =	vbroadcast v30, $0x0;
	[hbm4b:s12+s26] =	stream.linear.scatter [tilespmem:s5], [sflag:$0x4], $0x80, $0x38;
	[tilespmem:$0x1B300] =	vst v63  }
0xf6: {  	s30 =	sadd.s32 $0x10BA8, s0;
	s31 =	sadd.s32 $0x50, s1  }
0xf7: {  	v31 =	vadd.s32 v20, v30;
	[hbm4b:s31+s26] =	stream.linear.scatter [tilespmem:s30], [sflag:$0x4], $0x80, $0x38;
	[tilespmem:$0x1B300] =	vst v63  }
0xf8: {  	s5 =	sadd.s32 $0x10C30, s0;
	s12 =	sadd.s32 $0x60, s1  }
0xf9: {  	[hbm4b:s12+s26] =	stream.linear.scatter [tilespmem:s5], [sflag:$0x4], $0x80, $0x38;
	[tilespmem:$0x1B300] =	vst v63  }
0xfa: {  	s29 =	sadd.s32 $0x10CB8, s0;
	s30 =	sadd.s32 $0x70, s1  }
0xfb: {  	[hbm4b:s30+s26] =	stream.linear.scatter [tilespmem:s29], [sflag:$0x4], $0x80, $0x38;
	[tilespmem:$0x1B300] =	vst v63  }
0xfc: {  	v31 =	vld.idx.msk [tilespmem:v31+s3+$0x0], $0xffff  }
0xfd: {  	v32 =	vadd.s32 v21, v30;
	_ =	sdelay $0x2  }
0xfe: {  	s0 =	simm.s32 $0x6500  }
0xff: {  	[tilespmem:s0+$0xFFFFFF00] =	vst v31  }
0x100: {  	v31 =	vld.idx.msk [tilespmem:v32+s3+$0x0], $0xffff  }
0x101: {  	v62 =	vadd.s32 v22, v30;
	_ =	sdelay $0x3  }
0x102: {  	[tilespmem:s0+$0xFFFFFF80] =	vst v31  }
0x103: {  	v31 =	vld.idx.msk [tilespmem:v62+s3+$0x0], $0xffff  }
0x104: {  	v63 =	vadd.s32 v23, v30;
	_ =	sdelay $0x3  }
0x105: {  	[tilespmem:s0+$0x0] =	vst v31  }
0x106: {  	v31 =	vld.idx.msk [tilespmem:v63+s3+$0x0], $0xffff  }
0x107: {  	v30 =	vadd.s32 v24, v30  }
0x108: {  	s31 =	simm.s32 $0x10  }
0x109: {  	s1 =	simm.s32 $0x20;
	v32 =	vmov s31  }
.LBB2_10:
0x10a: {  	p0 =	sne.s32 s1, $0x70;
	v32 =	vmul.u32 $0xC8, v32  }
0x10b: {  	[tilespmem:s0+$0x80] =	vst v31  }
0x10c: {  	v32 =	vbroadcast v32, $0x0;
	v30 =	vld.idx.msk [tilespmem:v30+s3+$0x0], $0xffff;
	_ =	sdelay $0x1  }
0x10d: {  	v31 =	vadd.s32 v20, v32;
	_ =	sdelay $0x3  }
0x10e: {  	[tilespmem:s0+$0x100] =	vst v30  }
0x10f: {  	v30 =	vld.idx.msk [tilespmem:v31+s3+$0x0], $0xffff;
	_ =	sdelay $0x1  }
0x110: {  	v31 =	vadd.s32 v21, v32;
	_ =	sdelay $0x2  }
0x111: {  	s0 =	sadd.s32 $0x10, s0  }
0x112: {  	[tilespmem:s0+$0xFFFFFF00] =	vst v30  }
0x113: {  	v30 =	vld.idx.msk [tilespmem:v31+s3+$0x0], $0xffff;
	_ =	sdelay $0x1  }
0x114: {  	v31 =	vadd.s32 v22, v32;
	_ =	sdelay $0x3  }
0x115: {  	[tilespmem:s0+$0xFFFFFF80] =	vst v30  }
0x116: {  	v30 =	vld.idx.msk [tilespmem:v31+s3+$0x0], $0xffff;
	_ =	sdelay $0x1  }
0x117: {  	v31 =	vadd.s32 v23, v32;
	_ =	sdelay $0x3  }
0x118: {  	[tilespmem:s0+$0x0] =	vst v30  }
.Ltmp4:
0x119: {  	v31 =	vld.idx.msk [tilespmem:v31+s3+$0x0], $0xffff;
	(pc) =	sbr.rel @p0 .LBB2_10-.Ltmp4, $3  }
0x11a: {  	_ = 	snop  }
0x11b: {  	v30 =	vadd.s32 v24, v32;
	_ =	sdelay $0x1  }
0x11c: {  	v32 =	vmov s1;
	s1 =	sadd.s32 $0x10, s1  }
0x11d: {  	_ = 	snop  }
0x11e: {  	v32 =	vmul.u32 $0xC8, v32;
	_ =	sdelay $0x1  }
0x11f: {  	[tilespmem:s0+$0x80] =	vst v31;
	v31 =	vbroadcast v32, $0x0  }
0x120: {  	v30 =	vld.idx.msk [tilespmem:v30+s3+$0x0], $0xffff  }
0x121: {  	v32 =	vadd.s32 v20, v31;
	_ =	sdelay $0x3  }
0x122: {  	[tilespmem:s0+$0x100] =	vst v30  }
0x123: {  	v30 =	vld.idx.msk [tilespmem:v32+s3+$0x0], $0xffff  }
0x124: {  	v52 =	vadd.s32 v21, v31;
	_ =	sdelay $0x2  }
0x125: {  	s26 =	sadd.s32 $0x10, s0  }
0x126: {  	[tilespmem:s26+$0xFFFFFF00] =	vst v30  }
0x127: {  	v30 =	vld.idx.msk [tilespmem:v52+s3+$0x0], $0xffff  }
0x128: {  	v53 =	vadd.s32 v22, v31;
	_ =	sdelay $0x3  }
0x129: {  	[tilespmem:s26+$0xFFFFFF80] =	vst v30  }
0x12a: {  	v30 =	vld.idx.msk [tilespmem:v53+s3+$0x0], $0xffff  }
0x12b: {  	v54 =	vadd.s32 v23, v31;
	_ =	sdelay $0x3  }
0x12c: {  	[tilespmem:s26+$0x0] =	vst v30  }
0x12d: {  	v30 =	vld.idx.msk [tilespmem:v54+s3+$0x0], $0xffff  }
0x12e: {  	v31 =	vadd.s32 v24, v31;
	_ =	sdelay $0x3  }
0x12f: {  	[tilespmem:s26+$0x80] =	vst v30  }
0x130: {  	v30 =	vld.idx.msk [tilespmem:v31+s3+$0x0], $0xffff;
	_ =	sdelay $0x4  }
0x131: {  	[tilespmem:s26+$0x100] =	vst v30  }
0x132: {  	[tilespmem:s16], [sflag:$0x2] =	stream.indirect.gather [hbm4b:s4+s14], $0x20, s15, s14, $0xb8;
	[tilespmem:$0x1B300] =	vst v63  }
0x133: {  	s30 =	simm.s32 $0x0;
	_ =	swait.ge [sflag:s21], $0x5000  }
0x134: {  	v30 =	vmov s30;
	[sflag:s21] =	ssyncset.done $0x0  }
0x135: {  	s31 =	simm.s32 $0x0;
	v31 =	vand.u32 $0x7F, v30;
	[sflag:s21] =	ssyncadd.s32 $0xFFFFB000  }
0x136: {  	v55 =	vadd.s32 v5, v31;
	v30 =	vld [tilespmem:s31+$0xB900];
	_ =	sdelay $0x4  }
0x137: {  	[tilespmem:v55+s22+$0x0] =	vst.idx.msk $0xffff, v30  }
0x138: {  	v56 =	vadd.s32 v11, v31;
	v30 =	vld [tilespmem:s31+$0xB910];
	_ =	sdelay $0x4  }
0x139: {  	[tilespmem:v56+s22+$0x0] =	vst.idx.msk $0xffff, v30  }
0x13a: {  	v57 =	vadd.s32 v12, v31;
	v30 =	vld [tilespmem:s31+$0xC900];
	_ =	sdelay $0x4  }
0x13b: {  	[tilespmem:v57+s22+$0x0] =	vst.idx.msk $0xffff, v30  }
0x13c: {  	v58 =	vadd.s32 v13, v31;
	v30 =	vld [tilespmem:s31+$0xC910];
	_ =	sdelay $0x4  }
0x13d: {  	[tilespmem:v58+s22+$0x0] =	vst.idx.msk $0xffff, v30  }
0x13e: {  	v59 =	vadd.s32 v14, v31;
	v30 =	vld [tilespmem:s31+$0xD900];
	_ =	sdelay $0x4  }
0x13f: {  	[tilespmem:v59+s22+$0x0] =	vst.idx.msk $0xffff, v30  }
0x140: {  	v60 =	vadd.s32 v15, v31;
	v30 =	vld [tilespmem:s31+$0xD910];
	_ =	sdelay $0x4  }
0x141: {  	[tilespmem:v60+s22+$0x0] =	vst.idx.msk $0xffff, v30  }
0x142: {  	v61 =	vadd.s32 v16, v31;
	v30 =	vld [tilespmem:s31+$0xE900];
	_ =	sdelay $0x4  }
0x143: {  	[tilespmem:v61+s22+$0x0] =	vst.idx.msk $0xffff, v30  }
0x144: {  	v62 =	vadd.s32 v17, v31;
	v30 =	vld [tilespmem:s31+$0xE910];
	_ =	sdelay $0x4  }
0x145: {  	[tilespmem:v62+s22+$0x0] =	vst.idx.msk $0xffff, v30  }
0x146: {  	v63 =	vadd.s32 v18, v31;
	v30 =	vld [tilespmem:s31+$0xF900];
	_ =	sdelay $0x4  }
0x147: {  	[tilespmem:v63+s22+$0x0] =	vst.idx.msk $0xffff, v30  }
0x148: {  	v31 =	vadd.s32 v19, v31;
	v30 =	vld [tilespmem:s31+$0xF910];
	_ =	sdelay $0x2  }
0x149: {  	s26 =	simm.s32 $0x1  }
0x14a: {  	s28 =	simm.s32 $0x80;
	s29 =	simm.s32 $0x100;
	v32 =	vmov s26  }
.LBB2_12:
0x14b: {  	p0 =	sne.s32 s29, $0x3F80;
	s1 =	sshra.s32 s28, $0x2;
	v32 =	vand.u32 $0x7F, v32;
	[tilespmem:v31+s22+$0x0] =	vst.idx.msk $0xffff, v30;
	s28 =	smov.u32 s29  }
0x14c: {  	v30 =	vld [tilespmem:s1+$0xB900];
	v31 =	vadd.s32 v5, v32;
	_ =	sdelay $0x4  }
0x14d: {  	[tilespmem:v31+s22+$0x0] =	vst.idx.msk $0xffff, v30  }
0x14e: {  	v31 =	vadd.s32 v11, v32;
	v30 =	vld [tilespmem:s1+$0xB910];
	_ =	sdelay $0x4  }
0x14f: {  	[tilespmem:v31+s22+$0x0] =	vst.idx.msk $0xffff, v30  }
0x150: {  	v31 =	vadd.s32 v12, v32;
	v30 =	vld [tilespmem:s1+$0xC900];
	_ =	sdelay $0x4  }
0x151: {  	[tilespmem:v31+s22+$0x0] =	vst.idx.msk $0xffff, v30  }
0x152: {  	v31 =	vadd.s32 v13, v32;
	v30 =	vld [tilespmem:s1+$0xC910];
	_ =	sdelay $0x4  }
0x153: {  	[tilespmem:v31+s22+$0x0] =	vst.idx.msk $0xffff, v30  }
0x154: {  	v31 =	vadd.s32 v14, v32;
	v30 =	vld [tilespmem:s1+$0xD900];
	_ =	sdelay $0x4  }
0x155: {  	[tilespmem:v31+s22+$0x0] =	vst.idx.msk $0xffff, v30  }
0x156: {  	v31 =	vadd.s32 v15, v32;
	v30 =	vld [tilespmem:s1+$0xD910];
	_ =	sdelay $0x4  }
0x157: {  	[tilespmem:v31+s22+$0x0] =	vst.idx.msk $0xffff, v30  }
0x158: {  	v31 =	vadd.s32 v16, v32;
	v30 =	vld [tilespmem:s1+$0xE900];
	_ =	sdelay $0x4  }
0x159: {  	[tilespmem:v31+s22+$0x0] =	vst.idx.msk $0xffff, v30  }
0x15a: {  	v31 =	vadd.s32 v17, v32;
	v30 =	vld [tilespmem:s1+$0xE910];
	_ =	sdelay $0x4  }
0x15b: {  	[tilespmem:v31+s22+$0x0] =	vst.idx.msk $0xffff, v30  }
0x15c: {  	v31 =	vadd.s32 v18, v32;
	v30 =	vld [tilespmem:s1+$0xF900];
	_ =	sdelay $0x4  }
0x15d: {  	[tilespmem:v31+s22+$0x0] =	vst.idx.msk $0xffff, v30  }
.Ltmp5:
0x15e: {  	v31 =	vadd.s32 v19, v32;
	v30 =	vld [tilespmem:s1+$0xF910];
	(pc) =	sbr.rel @p0 .LBB2_12-.Ltmp5, $3  }
0x15f: {  	_ =	sdelay $0x1  }
0x160: {  	s26 =	sadd.s32 $0x1, s26  }
0x161: {  	s29 =	sadd.s32 $0x80, s29;
	v32 =	vmov s26  }
0x162: {  	_ =	sdelay $0x3  }
0x163: {  	s0 =	sshra.s32 s28, $0x2;
	v32 =	vand.u32 $0x7F, v32;
	[tilespmem:v31+s22+$0x0] =	vst.idx.msk $0xffff, v30  }
0x164: {  	v30 =	vld [tilespmem:s0+$0xB900];
	v31 =	vadd.s32 v5, v32;
	_ =	sdelay $0x4  }
0x165: {  	[tilespmem:v31+s22+$0x0] =	vst.idx.msk $0xffff, v30  }
0x166: {  	v31 =	vadd.s32 v11, v32;
	v30 =	vld [tilespmem:s0+$0xB910];
	_ =	sdelay $0x4  }
0x167: {  	[tilespmem:v31+s22+$0x0] =	vst.idx.msk $0xffff, v30  }
0x168: {  	v31 =	vadd.s32 v12, v32;
	v30 =	vld [tilespmem:s0+$0xC900];
	_ =	sdelay $0x4  }
0x169: {  	[tilespmem:v31+s22+$0x0] =	vst.idx.msk $0xffff, v30  }
0x16a: {  	v31 =	vadd.s32 v13, v32;
	v30 =	vld [tilespmem:s0+$0xC910];
	_ =	sdelay $0x4  }
0x16b: {  	[tilespmem:v31+s22+$0x0] =	vst.idx.msk $0xffff, v30  }
0x16c: {  	v31 =	vadd.s32 v14, v32;
	v30 =	vld [tilespmem:s0+$0xD900];
	_ =	sdelay $0x4  }
0x16d: {  	[tilespmem:v31+s22+$0x0] =	vst.idx.msk $0xffff, v30  }
0x16e: {  	v31 =	vadd.s32 v15, v32;
	v30 =	vld [tilespmem:s0+$0xD910];
	_ =	sdelay $0x4  }
0x16f: {  	[tilespmem:v31+s22+$0x0] =	vst.idx.msk $0xffff, v30  }
0x170: {  	v31 =	vadd.s32 v16, v32;
	v30 =	vld [tilespmem:s0+$0xE900];
	_ =	sdelay $0x4  }
0x171: {  	[tilespmem:v31+s22+$0x0] =	vst.idx.msk $0xffff, v30  }
0x172: {  	v31 =	vadd.s32 v17, v32;
	v30 =	vld [tilespmem:s0+$0xE910];
	_ =	sdelay $0x4  }
0x173: {  	[tilespmem:v31+s22+$0x0] =	vst.idx.msk $0xffff, v30  }
0x174: {  	v31 =	vadd.s32 v18, v32;
	v30 =	vld [tilespmem:s0+$0xF900];
	_ =	sdelay $0x4  }
0x175: {  	[tilespmem:v31+s22+$0x0] =	vst.idx.msk $0xffff, v30  }
0x176: {  	v31 =	vadd.s32 v19, v32;
	v30 =	vld [tilespmem:s0+$0xF910];
	_ =	sdelay $0x4  }
0x177: {  	s26 =	simm.s32 $0x0;
	s1 =	simm.s32 $0x15E00;
	[tilespmem:v31+s22+$0x0] =	vst.idx.msk $0xffff, v30  }
0x178: {  	[hbm4b:s8+s26] =	stream.linear.scatter [tilespmem:s1], [sflag:$0x5], $0x80, $0x38;
	[tilespmem:$0x1B300] =	vst v63  }
0x179: {  	s5 =	simm.s32 $0x15E88;
	s1 =	sadd.s32 $0x10, s8  }
0x17a: {  	[hbm4b:s1+s26] =	stream.linear.scatter [tilespmem:s5], [sflag:$0x5], $0x80, $0x38;
	[tilespmem:$0x1B300] =	vst v63  }
0x17b: {  	s12 =	simm.s32 $0x15F10;
	s31 =	sadd.s32 $0x20, s8;
	s28 =	simm.s32 $0x2200  }
0x17c: {  	[hbm4b:s31+s26] =	stream.linear.scatter [tilespmem:s12], [sflag:$0x5], $0x80, $0x38;
	[tilespmem:$0x1B300] =	vst v63  }
0x17d: {  	s29 =	simm.s32 $0x161B8;
	s1 =	simm.s32 $0x15F98;
	s5 =	sadd.s32 $0x30, s8  }
0x17e: {  	[hbm4b:s5+s26] =	stream.linear.scatter [tilespmem:s1], [sflag:$0x5], $0x80, $0x38;
	[tilespmem:$0x1B300] =	vst v63  }
0x17f: {  	s30 =	sadd.s32 $0x70, s8;
	s12 =	simm.s32 $0x16020;
	s31 =	sadd.s32 $0x40, s8  }
0x180: {  	[hbm4b:s31+s26] =	stream.linear.scatter [tilespmem:s12], [sflag:$0x5], $0x80, $0x38;
	[tilespmem:$0x1B300] =	vst v63  }
0x181: {  	s0 =	simm.s32 $0x440;
	s1 =	simm.s32 $0x160A8;
	s5 =	sadd.s32 $0x50, s8  }
0x182: {  	[hbm4b:s5+s26] =	stream.linear.scatter [tilespmem:s1], [sflag:$0x5], $0x80, $0x38;
	[tilespmem:$0x1B300] =	vst v63  }
0x183: {  	s12 =	simm.s32 $0x16130;
	s31 =	sadd.s32 $0x60, s8;
	s1 =	sadd.s32 $0x1000, s8  }
0x184: {  	[hbm4b:s31+s26] =	stream.linear.scatter [tilespmem:s12], [sflag:$0x5], $0x80, $0x38;
	[tilespmem:$0x1B300] =	vst v63  }
.LBB2_14:
0x185: {  	[hbm4b:s30+s26] =	stream.linear.scatter [tilespmem:s29], [sflag:$0x5], $0x80, $0x38;
	[tilespmem:$0x1B300] =	vst v63  }
0x186: {  	s29 =	smov.u32 s0;
	s0 =	smov.u32 s28  }
0x187: {  	s31 =	sadd.s32 $0x1100, s28;
	s0 =	sshra.s32 s0, $0x2;
	s30 =	sadd.s32 $0x15E00, s29  }
0x188: {  	[hbm4b:s1+s26] =	stream.linear.scatter [tilespmem:s30], [sflag:$0x5], $0x80, $0x38;
	[tilespmem:$0x1B300] =	vst v63  }
0x189: {  	p0 =	sne.s32 s28, $0x14300;
	s28 =	sadd.s32 $0x15E88, s29;
	s30 =	sadd.s32 $0x10, s1  }
0x18a: {  	[hbm4b:s30+s26] =	stream.linear.scatter [tilespmem:s28], [sflag:$0x5], $0x80, $0x38;
	[tilespmem:$0x1B300] =	vst v63  }
0x18b: {  	s28 =	sadd.s32 $0x15F10, s29;
	s30 =	sadd.s32 $0x20, s1  }
0x18c: {  	[hbm4b:s30+s26] =	stream.linear.scatter [tilespmem:s28], [sflag:$0x5], $0x80, $0x38;
	[tilespmem:$0x1B300] =	vst v63  }
0x18d: {  	s28 =	sadd.s32 $0x15F98, s29;
	s30 =	sadd.s32 $0x30, s1  }
0x18e: {  	[hbm4b:s30+s26] =	stream.linear.scatter [tilespmem:s28], [sflag:$0x5], $0x80, $0x38;
	[tilespmem:$0x1B300] =	vst v63  }
0x18f: {  	s28 =	sadd.s32 $0x16020, s29;
	s30 =	sadd.s32 $0x40, s1  }
0x190: {  	[hbm4b:s30+s26] =	stream.linear.scatter [tilespmem:s28], [sflag:$0x5], $0x80, $0x38;
	[tilespmem:$0x1B300] =	vst v63  }
.Ltmp6:
0x191: {  	s28 =	sadd.s32 $0x160A8, s29;
	s30 =	sadd.s32 $0x50, s1;
	(pc) =	sbr.rel @p0 .LBB2_14-.Ltmp6, $4  }
0x192: {  	[hbm4b:s30+s26] =	stream.linear.scatter [tilespmem:s28], [sflag:$0x5], $0x80, $0x38;
	[tilespmem:$0x1B300] =	vst v63  }
0x193: {  	s28 =	sadd.s32 $0x16130, s29;
	s30 =	sadd.s32 $0x60, s1;
	s29 =	sadd.s32 $0x161B8, s29  }
0x194: {  	[hbm4b:s30+s26] =	stream.linear.scatter [tilespmem:s28], [sflag:$0x5], $0x80, $0x38;
	[tilespmem:$0x1B300] =	vst v63  }
0x195: {  	s30 =	sadd.s32 $0x70, s1;
	s1 =	sadd.s32 $0x1000, s1;
	s28 =	smov.u32 s31  }
0x196: {  	[hbm4b:s30+s26] =	stream.linear.scatter [tilespmem:s29], [sflag:$0x5], $0x80, $0x38;
	[tilespmem:$0x1B300] =	vst v63  }
0x197: {  	s28 =	sadd.s32 $0x15E00, s0  }
0x198: {  	[hbm4b:s1+s26] =	stream.linear.scatter [tilespmem:s28], [sflag:$0x5], $0x80, $0x38;
	[tilespmem:$0x1B300] =	vst v63  }
0x199: {  	s30 =	sadd.s32 $0x15E88, s0;
	s31 =	sadd.s32 $0x10, s1  }
0x19a: {  	[hbm4b:s31+s26] =	stream.linear.scatter [tilespmem:s30], [sflag:$0x5], $0x80, $0x38;
	[tilespmem:$0x1B300] =	vst v63  }
0x19b: {  	s5 =	sadd.s32 $0x15F10, s0;
	s12 =	sadd.s32 $0x20, s1  }
0x19c: {  	[hbm4b:s12+s26] =	stream.linear.scatter [tilespmem:s5], [sflag:$0x5], $0x80, $0x38;
	[tilespmem:$0x1B300] =	vst v63  }
0x19d: {  	v30 =	vmov s26;
	s30 =	sadd.s32 $0x15F98, s0;
	s31 =	sadd.s32 $0x30, s1  }
0x19e: {  	v30 =	vmul.u32 $0xC8, v30;
	[hbm4b:s31+s26] =	stream.linear.scatter [tilespmem:s30], [sflag:$0x5], $0x80, $0x38;
	[tilespmem:$0x1B300] =	vst v63  }
0x19f: {  	s5 =	sadd.s32 $0x16020, s0;
	s12 =	sadd.s32 $0x40, s1  }
0x1a0: {  	v30 =	vbroadcast v30, $0x0;
	[hbm4b:s12+s26] =	stream.linear.scatter [tilespmem:s5], [sflag:$0x5], $0x80, $0x38;
	[tilespmem:$0x1B300] =	vst v63  }
0x1a1: {  	s30 =	sadd.s32 $0x160A8, s0;
	s31 =	sadd.s32 $0x50, s1  }
0x1a2: {  	v31 =	vadd.s32 v25, v30;
	[hbm4b:s31+s26] =	stream.linear.scatter [tilespmem:s30], [sflag:$0x5], $0x80, $0x38;
	[tilespmem:$0x1B300] =	vst v63  }
0x1a3: {  	s5 =	sadd.s32 $0x16130, s0;
	s12 =	sadd.s32 $0x60, s1  }
0x1a4: {  	[hbm4b:s12+s26] =	stream.linear.scatter [tilespmem:s5], [sflag:$0x5], $0x80, $0x38;
	[tilespmem:$0x1B300] =	vst v63  }
0x1a5: {  	s29 =	sadd.s32 $0x161B8, s0;
	s30 =	sadd.s32 $0x70, s1  }
0x1a6: {  	[hbm4b:s30+s26] =	stream.linear.scatter [tilespmem:s29], [sflag:$0x5], $0x80, $0x38;
	[tilespmem:$0x1B300] =	vst v63  }
0x1a7: {  	v31 =	vld.idx.msk [tilespmem:v31+s3+$0x0], $0xffff  }
0x1a8: {  	v32 =	vadd.s32 v26, v30;
	_ =	sdelay $0x2  }
0x1a9: {  	s0 =	simm.s32 $0x6880  }
0x1aa: {  	[tilespmem:s0+$0xFFFFFE00] =	vst v31  }
0x1ab: {  	v31 =	vld.idx.msk [tilespmem:v32+s3+$0x0], $0xffff  }
0x1ac: {  	v62 =	vadd.s32 v27, v30;
	_ =	sdelay $0x3  }
0x1ad: {  	[tilespmem:s0+$0xFFFFFE80] =	vst v31  }
0x1ae: {  	v31 =	vld.idx.msk [tilespmem:v62+s3+$0x0], $0xffff  }
0x1af: {  	v63 =	vadd.s32 v28, v30;
	_ =	sdelay $0x3  }
0x1b0: {  	[tilespmem:s0+$0xFFFFFF00] =	vst v31  }
0x1b1: {  	v31 =	vld.idx.msk [tilespmem:v63+s3+$0x0], $0xffff  }
0x1b2: {  	v30 =	vadd.s32 v29, v30  }
0x1b3: {  	s31 =	simm.s32 $0x10  }
0x1b4: {  	s1 =	simm.s32 $0x20;
	v32 =	vmov s31  }
.LBB2_16:
0x1b5: {  	p0 =	sne.s32 s1, $0x70;
	v32 =	vmul.u32 $0xC8, v32  }
0x1b6: {  	[tilespmem:s0+$0xFFFFFF80] =	vst v31  }
0x1b7: {  	v32 =	vbroadcast v32, $0x0;
	v30 =	vld.idx.msk [tilespmem:v30+s3+$0x0], $0xffff;
	_ =	sdelay $0x1  }
0x1b8: {  	v31 =	vadd.s32 v25, v32;
	_ =	sdelay $0x3  }
0x1b9: {  	[tilespmem:s0+$0x0] =	vst v30  }
0x1ba: {  	v30 =	vld.idx.msk [tilespmem:v31+s3+$0x0], $0xffff;
	_ =	sdelay $0x1  }
0x1bb: {  	v31 =	vadd.s32 v26, v32;
	_ =	sdelay $0x2  }
0x1bc: {  	s0 =	sadd.s32 $0x10, s0  }
0x1bd: {  	[tilespmem:s0+$0xFFFFFE00] =	vst v30  }
0x1be: {  	v30 =	vld.idx.msk [tilespmem:v31+s3+$0x0], $0xffff;
	_ =	sdelay $0x1  }
0x1bf: {  	v31 =	vadd.s32 v27, v32;
	_ =	sdelay $0x3  }
0x1c0: {  	[tilespmem:s0+$0xFFFFFE80] =	vst v30  }
0x1c1: {  	v30 =	vld.idx.msk [tilespmem:v31+s3+$0x0], $0xffff;
	_ =	sdelay $0x1  }
0x1c2: {  	v31 =	vadd.s32 v28, v32;
	_ =	sdelay $0x3  }
0x1c3: {  	[tilespmem:s0+$0xFFFFFF00] =	vst v30  }
.Ltmp7:
0x1c4: {  	v31 =	vld.idx.msk [tilespmem:v31+s3+$0x0], $0xffff;
	(pc) =	sbr.rel @p0 .LBB2_16-.Ltmp7, $3  }
0x1c5: {  	_ = 	snop  }
0x1c6: {  	v30 =	vadd.s32 v29, v32;
	_ =	sdelay $0x1  }
0x1c7: {  	v32 =	vmov s1;
	s1 =	sadd.s32 $0x10, s1  }
0x1c8: {  	_ = 	snop  }
0x1c9: {  	v32 =	vmul.u32 $0xC8, v32;
	_ =	sdelay $0x1  }
0x1ca: {  	[tilespmem:s0+$0xFFFFFF80] =	vst v31;
	v31 =	vbroadcast v32, $0x0  }
0x1cb: {  	v30 =	vld.idx.msk [tilespmem:v30+s3+$0x0], $0xffff  }
0x1cc: {  	v32 =	vadd.s32 v25, v31;
	_ =	sdelay $0x3  }
0x1cd: {  	[tilespmem:s0+$0x0] =	vst v30  }
0x1ce: {  	v30 =	vld.idx.msk [tilespmem:v32+s3+$0x0], $0xffff  }
0x1cf: {  	v61 =	vadd.s32 v26, v31;
	_ =	sdelay $0x2  }
0x1d0: {  	s31 =	sadd.s32 $0x10, s0  }
0x1d1: {  	[tilespmem:s31+$0xFFFFFE00] =	vst v30  }
0x1d2: {  	v30 =	vld.idx.msk [tilespmem:v61+s3+$0x0], $0xffff  }
0x1d3: {  	v62 =	vadd.s32 v27, v31;
	_ =	sdelay $0x3  }
0x1d4: {  	[tilespmem:s31+$0xFFFFFE80] =	vst v30  }
0x1d5: {  	v30 =	vld.idx.msk [tilespmem:v62+s3+$0x0], $0xffff  }
0x1d6: {  	v63 =	vadd.s32 v28, v31;
	_ =	sdelay $0x3  }
0x1d7: {  	[tilespmem:s31+$0xFFFFFF00] =	vst v30  }
0x1d8: {  	v30 =	vld.idx.msk [tilespmem:v63+s3+$0x0], $0xffff  }
0x1d9: {  	v31 =	vadd.s32 v29, v31;
	_ =	sdelay $0x3  }
0x1da: {  	[tilespmem:s31+$0xFFFFFF80] =	vst v30  }
0x1db: {  	v30 =	vld.idx.msk [tilespmem:v31+s3+$0x0], $0xffff;
	_ =	sdelay $0x4  }
0x1dc: {  	s26 =	simm.s32 $0x1;
	[tilespmem:s31+$0x0] =	vst v30  }
0x1dd: {  	[tilespmem:s18], [sflag:$0x3] =	stream.indirect.gather [hbm4b:s4+s14], $0x20, s17, s14, $0xb8;
	[tilespmem:$0x1B300] =	vst v63  }
.LBB2_18:
0x1de: {  	_ =	swait.ge [sflag:s19], $0x5000  }
0x1df: {  	[sflag:s19] =	ssyncset.done $0x0  }
0x1e0: {  	[sflag:s19] =	ssyncadd.s32 $0xFFFFB000  }
0x1e1: {  	s0 =	simm.s32 $0x0;
	_ =	swait.ge [sflag:s23], $0x5000  }
0x1e2: {  	v30 =	vmov s0;
	[sflag:s23] =	ssyncset.done $0x0  }
0x1e3: {  	s28 =	simm.s32 $0x8910;
	v31 =	vand.u32 $0x7F, v30;
	[sflag:s23] =	ssyncadd.s32 $0xFFFFB000  }
0x1e4: {  	v32 =	vadd.s32 v5, v31;
	v30 =	vld [tilespmem:s28+$0xFFFFDFF0];
	_ =	sdelay $0x4  }
0x1e5: {  	[tilespmem:v32+s20+$0x0] =	vst.idx.msk $0xffff, v30  }
0x1e6: {  	v56 =	vadd.s32 v11, v31;
	v30 =	vld [tilespmem:s28+$0xFFFFE000];
	_ =	sdelay $0x4  }
0x1e7: {  	[tilespmem:v56+s20+$0x0] =	vst.idx.msk $0xffff, v30  }
0x1e8: {  	v57 =	vadd.s32 v12, v31;
	v30 =	vld [tilespmem:s28+$0xFFFFEFF0];
	_ =	sdelay $0x4  }
0x1e9: {  	[tilespmem:v57+s20+$0x0] =	vst.idx.msk $0xffff, v30  }
0x1ea: {  	v58 =	vadd.s32 v13, v31;
	v30 =	vld [tilespmem:s28+$0xFFFFF000];
	_ =	sdelay $0x4  }
0x1eb: {  	[tilespmem:v58+s20+$0x0] =	vst.idx.msk $0xffff, v30  }
0x1ec: {  	v59 =	vadd.s32 v14, v31;
	v30 =	vld [tilespmem:s28+$0xFFFFFFF0];
	_ =	sdelay $0x4  }
0x1ed: {  	[tilespmem:v59+s20+$0x0] =	vst.idx.msk $0xffff, v30  }
0x1ee: {  	v60 =	vadd.s32 v15, v31;
	v30 =	vld [tilespmem:s28+$0x0];
	_ =	sdelay $0x4  }
0x1ef: {  	[tilespmem:v60+s20+$0x0] =	vst.idx.msk $0xffff, v30  }
0x1f0: {  	v61 =	vadd.s32 v16, v31;
	v30 =	vld [tilespmem:s28+$0xFF0];
	_ =	sdelay $0x4  }
0x1f1: {  	[tilespmem:v61+s20+$0x0] =	vst.idx.msk $0xffff, v30  }
0x1f2: {  	v62 =	vadd.s32 v17, v31;
	v30 =	vld [tilespmem:s28+$0x1000];
	_ =	sdelay $0x4  }
0x1f3: {  	[tilespmem:v62+s20+$0x0] =	vst.idx.msk $0xffff, v30  }
0x1f4: {  	v63 =	vadd.s32 v18, v31;
	v30 =	vld [tilespmem:s28+$0x1FF0];
	_ =	sdelay $0x4  }
0x1f5: {  	[tilespmem:v63+s20+$0x0] =	vst.idx.msk $0xffff, v30  }
0x1f6: {  	v31 =	vadd.s32 v19, v31;
	v30 =	vld [tilespmem:s28+$0x2000];
	_ =	sdelay $0x2  }
0x1f7: {  	s31 =	simm.s32 $0x1  }
0x1f8: {  	s1 =	simm.s32 $0x2;
	v32 =	vmov s31  }
.LBB2_19:
0x1f9: {  	p0 =	sne.s32 s1, $0x7F;
	v32 =	vand.u32 $0x7F, v32;
	[tilespmem:v31+s20+$0x0] =	vst.idx.msk $0xffff, v30;
	s28 =	sadd.s32 $0x20, s28  }
0x1fa: {  	v30 =	vld [tilespmem:s28+$0xFFFFDFF0];
	v31 =	vadd.s32 v5, v32;
	_ =	sdelay $0x4  }
0x1fb: {  	[tilespmem:v31+s20+$0x0] =	vst.idx.msk $0xffff, v30  }
0x1fc: {  	v31 =	vadd.s32 v11, v32;
	v30 =	vld [tilespmem:s28+$0xFFFFE000];
	_ =	sdelay $0x4  }
0x1fd: {  	[tilespmem:v31+s20+$0x0] =	vst.idx.msk $0xffff, v30  }
0x1fe: {  	v31 =	vadd.s32 v12, v32;
	v30 =	vld [tilespmem:s28+$0xFFFFEFF0];
	_ =	sdelay $0x4  }
0x1ff: {  	[tilespmem:v31+s20+$0x0] =	vst.idx.msk $0xffff, v30  }
0x200: {  	v31 =	vadd.s32 v13, v32;
	v30 =	vld [tilespmem:s28+$0xFFFFF000];
	_ =	sdelay $0x4  }
0x201: {  	[tilespmem:v31+s20+$0x0] =	vst.idx.msk $0xffff, v30  }
0x202: {  	v31 =	vadd.s32 v14, v32;
	v30 =	vld [tilespmem:s28+$0xFFFFFFF0];
	_ =	sdelay $0x4  }
0x203: {  	[tilespmem:v31+s20+$0x0] =	vst.idx.msk $0xffff, v30  }
0x204: {  	v31 =	vadd.s32 v15, v32;
	v30 =	vld [tilespmem:s28+$0x0];
	_ =	sdelay $0x4  }
0x205: {  	[tilespmem:v31+s20+$0x0] =	vst.idx.msk $0xffff, v30  }
0x206: {  	v31 =	vadd.s32 v16, v32;
	v30 =	vld [tilespmem:s28+$0xFF0];
	_ =	sdelay $0x4  }
0x207: {  	[tilespmem:v31+s20+$0x0] =	vst.idx.msk $0xffff, v30  }
0x208: {  	v31 =	vadd.s32 v17, v32;
	v30 =	vld [tilespmem:s28+$0x1000];
	_ =	sdelay $0x4  }
0x209: {  	[tilespmem:v31+s20+$0x0] =	vst.idx.msk $0xffff, v30  }
0x20a: {  	v31 =	vadd.s32 v18, v32;
	v30 =	vld [tilespmem:s28+$0x1FF0];
	_ =	sdelay $0x4  }
0x20b: {  	[tilespmem:v31+s20+$0x0] =	vst.idx.msk $0xffff, v30  }
.Ltmp8:
0x20c: {  	v31 =	vadd.s32 v19, v32;
	v30 =	vld [tilespmem:s28+$0x2000];
	(pc) =	sbr.rel @p0 .LBB2_19-.Ltmp8, $2  }
0x20d: {  	_ =	sdelay $0x2  }
0x20e: {  	v32 =	vmov s1;
	s1 =	sadd.s32 $0x1, s1  }
0x20f: {  	_ =	sdelay $0x3  }
0x210: {  	v32 =	vand.u32 $0x7F, v32;
	[tilespmem:v31+s20+$0x0] =	vst.idx.msk $0xffff, v30;
	s0 =	sadd.s32 $0x20, s28  }
0x211: {  	v30 =	vld [tilespmem:s0+$0xFFFFDFF0];
	v31 =	vadd.s32 v5, v32;
	_ =	sdelay $0x4  }
0x212: {  	[tilespmem:v31+s20+$0x0] =	vst.idx.msk $0xffff, v30  }
0x213: {  	v31 =	vadd.s32 v11, v32;
	v30 =	vld [tilespmem:s0+$0xFFFFE000];
	_ =	sdelay $0x4  }
0x214: {  	[tilespmem:v31+s20+$0x0] =	vst.idx.msk $0xffff, v30  }
0x215: {  	v31 =	vadd.s32 v12, v32;
	v30 =	vld [tilespmem:s0+$0xFFFFEFF0];
	_ =	sdelay $0x4  }
0x216: {  	[tilespmem:v31+s20+$0x0] =	vst.idx.msk $0xffff, v30  }
0x217: {  	v31 =	vadd.s32 v13, v32;
	v30 =	vld [tilespmem:s0+$0xFFFFF000];
	_ =	sdelay $0x4  }
0x218: {  	[tilespmem:v31+s20+$0x0] =	vst.idx.msk $0xffff, v30  }
0x219: {  	v31 =	vadd.s32 v14, v32;
	v30 =	vld [tilespmem:s0+$0xFFFFFFF0];
	_ =	sdelay $0x4  }
0x21a: {  	[tilespmem:v31+s20+$0x0] =	vst.idx.msk $0xffff, v30  }
0x21b: {  	v31 =	vadd.s32 v15, v32;
	v30 =	vld [tilespmem:s0+$0x0];
	_ =	sdelay $0x4  }
0x21c: {  	[tilespmem:v31+s20+$0x0] =	vst.idx.msk $0xffff, v30  }
0x21d: {  	v31 =	vadd.s32 v16, v32;
	v30 =	vld [tilespmem:s0+$0xFF0];
	_ =	sdelay $0x4  }
0x21e: {  	[tilespmem:v31+s20+$0x0] =	vst.idx.msk $0xffff, v30  }
0x21f: {  	v31 =	vadd.s32 v17, v32;
	v30 =	vld [tilespmem:s0+$0x1000];
	_ =	sdelay $0x4  }
0x220: {  	[tilespmem:v31+s20+$0x0] =	vst.idx.msk $0xffff, v30  }
0x221: {  	v31 =	vadd.s32 v18, v32;
	v30 =	vld [tilespmem:s0+$0x1FF0];
	_ =	sdelay $0x4  }
0x222: {  	[tilespmem:v31+s20+$0x0] =	vst.idx.msk $0xffff, v30  }
0x223: {  	v31 =	vadd.s32 v19, v32;
	v30 =	vld [tilespmem:s0+$0x2000]  }
0x224: {  	s29 =	smul.u32 $0x140000, s26;
	_ =	sdelay $0x1  }
0x225: {  	s5 =	sor.u32 s6, s29  }
0x226: {  	s0 =	sshrl.u32 s5, $0x3  }
0x227: {  	s12 =	simm.s32 $0x10900;
	s1 =	sadd.s32 s2, s0;
	[tilespmem:v31+s20+$0x0] =	vst.idx.msk $0xffff, v30  }
0x228: {  	[hbm4b:s1+s3] =	stream.linear.scatter [tilespmem:s12], [sflag:$0x4], $0x80, $0x38;
	[tilespmem:$0x1B300] =	vst v63  }
0x229: {  	s5 =	simm.s32 $0x10988;
	s28 =	sadd.s32 $0x10, s1  }
0x22a: {  	[hbm4b:s28+s3] =	stream.linear.scatter [tilespmem:s5], [sflag:$0x4], $0x80, $0x38;
	[tilespmem:$0x1B300] =	vst v63  }
0x22b: {  	s12 =	simm.s32 $0x10A10;
	s28 =	sadd.s32 $0x20, s1  }
0x22c: {  	[hbm4b:s28+s3] =	stream.linear.scatter [tilespmem:s12], [sflag:$0x4], $0x80, $0x38;
	[tilespmem:$0x1B300] =	vst v63  }
0x22d: {  	s5 =	simm.s32 $0x10A98;
	s28 =	sadd.s32 $0x30, s1  }
0x22e: {  	[hbm4b:s28+s3] =	stream.linear.scatter [tilespmem:s5], [sflag:$0x4], $0x80, $0x38;
	[tilespmem:$0x1B300] =	vst v63  }
0x22f: {  	s12 =	simm.s32 $0x10B20;
	s28 =	sadd.s32 $0x40, s1  }
0x230: {  	[hbm4b:s28+s3] =	stream.linear.scatter [tilespmem:s12], [sflag:$0x4], $0x80, $0x38;
	[tilespmem:$0x1B300] =	vst v63  }
0x231: {  	s30 =	simm.s32 $0x10CB8;
	s5 =	simm.s32 $0x10BA8;
	s28 =	sadd.s32 $0x50, s1  }
0x232: {  	[hbm4b:s28+s3] =	stream.linear.scatter [tilespmem:s5], [sflag:$0x4], $0x80, $0x38;
	[tilespmem:$0x1B300] =	vst v63  }
0x233: {  	s0 =	simm.s32 $0x440;
	s12 =	simm.s32 $0x10C30;
	s28 =	sadd.s32 $0x60, s1  }
0x234: {  	[hbm4b:s28+s3] =	stream.linear.scatter [tilespmem:s12], [sflag:$0x4], $0x80, $0x38;
	[tilespmem:$0x1B300] =	vst v63  }
0x235: {  	s31 =	sadd.s32 $0x70, s1;
	s1 =	sadd.s32 $0x1000, s1;
	s28 =	simm.s32 $0x2200  }
.LBB2_21:
0x236: {  	[hbm4b:s31+s3] =	stream.linear.scatter [tilespmem:s30], [sflag:$0x4], $0x80, $0x38;
	[tilespmem:$0x1B300] =	vst v63  }
0x237: {  	s30 =	smov.u32 s0;
	s0 =	smov.u32 s28  }
0x238: {  	s5 =	sadd.s32 $0x1100, s28;
	s0 =	sshra.s32 s0, $0x2;
	s31 =	sadd.s32 $0x10900, s30  }
0x239: {  	[hbm4b:s1+s3] =	stream.linear.scatter [tilespmem:s31], [sflag:$0x4], $0x80, $0x38;
	[tilespmem:$0x1B300] =	vst v63  }
0x23a: {  	p0 =	sne.s32 s28, $0x14300;
	s28 =	sadd.s32 $0x10988, s30;
	s31 =	sadd.s32 $0x10, s1  }
0x23b: {  	[hbm4b:s31+s3] =	stream.linear.scatter [tilespmem:s28], [sflag:$0x4], $0x80, $0x38;
	[tilespmem:$0x1B300] =	vst v63  }
0x23c: {  	s28 =	sadd.s32 $0x10A10, s30;
	s31 =	sadd.s32 $0x20, s1  }
0x23d: {  	[hbm4b:s31+s3] =	stream.linear.scatter [tilespmem:s28], [sflag:$0x4], $0x80, $0x38;
	[tilespmem:$0x1B300] =	vst v63  }
0x23e: {  	s28 =	sadd.s32 $0x10A98, s30;
	s31 =	sadd.s32 $0x30, s1  }
0x23f: {  	[hbm4b:s31+s3] =	stream.linear.scatter [tilespmem:s28], [sflag:$0x4], $0x80, $0x38;
	[tilespmem:$0x1B300] =	vst v63  }
0x240: {  	s28 =	sadd.s32 $0x10B20, s30;
	s31 =	sadd.s32 $0x40, s1  }
0x241: {  	[hbm4b:s31+s3] =	stream.linear.scatter [tilespmem:s28], [sflag:$0x4], $0x80, $0x38;
	[tilespmem:$0x1B300] =	vst v63  }
.Ltmp9:
0x242: {  	s28 =	sadd.s32 $0x10BA8, s30;
	s31 =	sadd.s32 $0x50, s1;
	(pc) =	sbr.rel @p0 .LBB2_21-.Ltmp9, $4  }
0x243: {  	[hbm4b:s31+s3] =	stream.linear.scatter [tilespmem:s28], [sflag:$0x4], $0x80, $0x38;
	[tilespmem:$0x1B300] =	vst v63  }
0x244: {  	s28 =	sadd.s32 $0x10C30, s30;
	s31 =	sadd.s32 $0x60, s1;
	s30 =	sadd.s32 $0x10CB8, s30  }
0x245: {  	[hbm4b:s31+s3] =	stream.linear.scatter [tilespmem:s28], [sflag:$0x4], $0x80, $0x38;
	[tilespmem:$0x1B300] =	vst v63  }
0x246: {  	s31 =	sadd.s32 $0x70, s1;
	s1 =	sadd.s32 $0x1000, s1;
	s28 =	smov.u32 s5  }
0x247: {  	[hbm4b:s31+s3] =	stream.linear.scatter [tilespmem:s30], [sflag:$0x4], $0x80, $0x38;
	[tilespmem:$0x1B300] =	vst v63  }
0x248: {  	s5 =	sadd.s32 $0x10900, s0  }
0x249: {  	[hbm4b:s1+s3] =	stream.linear.scatter [tilespmem:s5], [sflag:$0x4], $0x80, $0x38;
	[tilespmem:$0x1B300] =	vst v63  }
0x24a: {  	s31 =	sadd.s32 $0x10988, s0;
	s28 =	sadd.s32 $0x10, s1;
	s30 =	sadd.s32 $0x20, s1  }
0x24b: {  	[hbm4b:s28+s3] =	stream.linear.scatter [tilespmem:s31], [sflag:$0x4], $0x80, $0x38;
	[tilespmem:$0x1B300] =	vst v63  }
0x24c: {  	s12 =	simm.s32 $0x0;
	s5 =	sadd.s32 $0x10A10, s0;
	s28 =	smul.u32 $0xA, s26  }
0x24d: {  	v30 =	vmov s12;
	[hbm4b:s30+s3] =	stream.linear.scatter [tilespmem:s5], [sflag:$0x4], $0x80, $0x38;
	[tilespmem:$0x1B300] =	vst v63  }
0x24e: {  	v30 =	vmul.u32 $0xC8, v30;
	s5 =	sadd.s32 $0x10A98, s0;
	s30 =	sadd.s32 $0x30, s1;
	s12 =	sadd.s32 $0xA, s28  }
0x24f: {  	v31 =	vmov s12;
	[hbm4b:s30+s3] =	stream.linear.scatter [tilespmem:s5], [sflag:$0x4], $0x80, $0x38;
	[tilespmem:$0x1B300] =	vst v63  }
0x250: {  	s31 =	sadd.s32 $0x40, s1;
	v32 =	vbroadcast v30, $0x0;
	s12 =	sadd.s32 $0x10B20, s0;
	v31 =	vand.u32 $0x3FE, v31  }
0x251: {  	v30 =	vbroadcast v31, $0x0;
	[hbm4b:s31+s3] =	stream.linear.scatter [tilespmem:s12], [sflag:$0x4], $0x80, $0x38;
	[tilespmem:$0x1B300] =	vst v63  }
0x252: {  	v36 =	vadd.s32 v0, v32;
	s12 =	sadd.s32 $0x10BA8, s0;
	s31 =	sadd.s32 $0x50, s1  }
0x253: {  	v32 =	vadd.s32 v30, v36;
	[hbm4b:s31+s3] =	stream.linear.scatter [tilespmem:s12], [sflag:$0x4], $0x80, $0x38;
	[tilespmem:$0x1B300] =	vst v63  }
0x254: {  	s5 =	sadd.s32 $0x10C30, s0;
	s30 =	sadd.s32 $0x60, s1;
	s12 =	sadd.s32 $0xB, s28  }
0x255: {  	v31 =	vmov s12;
	[hbm4b:s30+s3] =	stream.linear.scatter [tilespmem:s5], [sflag:$0x4], $0x80, $0x38;
	[tilespmem:$0x1B300] =	vst v63  }
0x256: {  	s31 =	sadd.s32 $0x70, s1;
	s30 =	sadd.s32 $0x10CB8, s0;
	v31 =	vand.u32 $0x3FF, v31  }
0x257: {  	v31 =	vbroadcast v31, $0x0;
	[hbm4b:s31+s3] =	stream.linear.scatter [tilespmem:s30], [sflag:$0x4], $0x80, $0x38;
	[tilespmem:$0x1B300] =	vst v63  }
0x258: {  	v33 =	vld.idx.msk [tilespmem:v32+s3+$0x0], $0xffff  }
0x259: {  	v34 =	vadd.s32 v31, v36  }
0x25a: {  	s5 =	sadd.s32 $0xC, s28  }
0x25b: {  	v61 =	vmov s5  }
0x25c: {  	s1 =	simm.s32 $0x6500;
	v32 =	vand.u32 $0x3FE, v61  }
0x25d: {  	v32 =	vbroadcast v32, $0x0;
	[tilespmem:s1+$0xFFFFFF00] =	vst v33  }
0x25e: {  	v34 =	vld.idx.msk [tilespmem:v34+s3+$0x0], $0xffff  }
0x25f: {  	v35 =	vadd.s32 v32, v36  }
0x260: {  	s12 =	sadd.s32 $0xD, s28  }
0x261: {  	v62 =	vmov s12  }
0x262: {  	v33 =	vand.u32 $0x3FF, v62  }
0x263: {  	v33 =	vbroadcast v33, $0x0;
	[tilespmem:s1+$0xFFFFFF80] =	vst v34  }
0x264: {  	v35 =	vld.idx.msk [tilespmem:v35+s3+$0x0], $0xffff  }
0x265: {  	v37 =	vadd.s32 v33, v36  }
0x266: {  	s30 =	sadd.s32 $0xE, s28  }
0x267: {  	v63 =	vmov s30  }
0x268: {  	v34 =	vand.u32 $0x3FE, v63  }
0x269: {  	v34 =	vbroadcast v34, $0x0;
	[tilespmem:s1+$0x0] =	vst v35  }
0x26a: {  	v35 =	vld.idx.msk [tilespmem:v37+s3+$0x0], $0xffff  }
0x26b: {  	s31 =	simm.s32 $0x10;
	v36 =	vadd.s32 v34, v36  }
0x26c: {  	s0 =	simm.s32 $0x20;
	v37 =	vmov s31  }
.LBB2_23:
0x26d: {  	p0 =	sne.s32 s0, $0x70;
	v37 =	vmul.u32 $0xC8, v37;
	_ =	sdelay $0x1  }
0x26e: {  	v37 =	vbroadcast v37, $0x0;
	[tilespmem:s1+$0x80] =	vst v35  }
0x26f: {  	v35 =	vld.idx.msk [tilespmem:v36+s3+$0x0], $0xffff  }
0x270: {  	v36 =	vadd.s32 v0, v37  }
0x271: {  	v37 =	vadd.s32 v30, v36;
	_ =	sdelay $0x3  }
0x272: {  	[tilespmem:s1+$0x100] =	vst v35  }
0x273: {  	v35 =	vld.idx.msk [tilespmem:v37+s3+$0x0], $0xffff;
	_ =	sdelay $0x1  }
0x274: {  	v37 =	vadd.s32 v31, v36;
	_ =	sdelay $0x2  }
0x275: {  	s1 =	sadd.s32 $0x10, s1  }
0x276: {  	[tilespmem:s1+$0xFFFFFF00] =	vst v35  }
0x277: {  	v35 =	vld.idx.msk [tilespmem:v37+s3+$0x0], $0xffff;
	_ =	sdelay $0x1  }
0x278: {  	v37 =	vadd.s32 v32, v36;
	_ =	sdelay $0x3  }
0x279: {  	[tilespmem:s1+$0xFFFFFF80] =	vst v35  }
0x27a: {  	v35 =	vld.idx.msk [tilespmem:v37+s3+$0x0], $0xffff;
	_ =	sdelay $0x1  }
0x27b: {  	v37 =	vadd.s32 v33, v36;
	_ =	sdelay $0x3  }
.Ltmp10:
0x27c: {  	[tilespmem:s1+$0x0] =	vst v35;
	(pc) =	sbr.rel @p0 .LBB2_23-.Ltmp10, $3  }
0x27d: {  	v35 =	vld.idx.msk [tilespmem:v37+s3+$0x0], $0xffff;
	_ =	sdelay $0x1  }
0x27e: {  	v36 =	vadd.s32 v34, v36  }
0x27f: {  	v37 =	vmov s0;
	s0 =	sadd.s32 $0x10, s0  }
0x280: {  	v37 =	vmul.u32 $0xC8, v37;
	_ =	sdelay $0x1  }
0x281: {  	v37 =	vbroadcast v37, $0x0  }
0x282: {  	[tilespmem:s1+$0x80] =	vst v35  }
0x283: {  	v35 =	vld.idx.msk [tilespmem:v36+s3+$0x0], $0xffff;
	v54 =	vadd.s32 v0, v37  }
0x284: {  	v30 =	vadd.s32 v30, v54;
	_ =	sdelay $0x3  }
0x285: {  	[tilespmem:s1+$0x100] =	vst v35  }
0x286: {  	v30 =	vld.idx.msk [tilespmem:v30+s3+$0x0], $0xffff  }
0x287: {  	v31 =	vadd.s32 v31, v54;
	_ =	sdelay $0x2  }
0x288: {  	s0 =	sadd.s32 $0x10, s1  }
0x289: {  	[tilespmem:s0+$0xFFFFFF00] =	vst v30  }
0x28a: {  	v30 =	vld.idx.msk [tilespmem:v31+s3+$0x0], $0xffff  }
0x28b: {  	v31 =	vadd.s32 v32, v54;
	_ =	sdelay $0x3  }
0x28c: {  	[tilespmem:s0+$0xFFFFFF80] =	vst v30  }
0x28d: {  	v30 =	vld.idx.msk [tilespmem:v31+s3+$0x0], $0xffff  }
0x28e: {  	v31 =	vadd.s32 v33, v54;
	_ =	sdelay $0x3  }
0x28f: {  	[tilespmem:s0+$0x0] =	vst v30  }
0x290: {  	v30 =	vld.idx.msk [tilespmem:v31+s3+$0x0], $0xffff  }
0x291: {  	v31 =	vadd.s32 v34, v54;
	_ =	sdelay $0x3  }
0x292: {  	[tilespmem:s0+$0x80] =	vst v30  }
0x293: {  	v30 =	vld.idx.msk [tilespmem:v31+s3+$0x0], $0xffff;
	_ =	sdelay $0x4  }
0x294: {  	[tilespmem:s0+$0x100] =	vst v30  }
0x295: {  	[tilespmem:s16], [sflag:$0x2] =	stream.indirect.gather [hbm4b:s4+s14], $0x20, s15, s14, $0xb8;
	[tilespmem:$0x1B300] =	vst v63  }
0x296: {  	_ =	swait.ge [sflag:s21], $0x5000  }
0x297: {  	[sflag:s21] =	ssyncset.done $0x0  }
0x298: {  	[sflag:s21] =	ssyncadd.s32 $0xFFFFB000  }
0x299: {  	s5 =	simm.s32 $0x0;
	_ =	swait.ge [sflag:s24], $0x5000  }
0x29a: {  	v30 =	vmov s5;
	[sflag:s24] =	ssyncset.done $0x0  }
0x29b: {  	s12 =	simm.s32 $0x0;
	v31 =	vand.u32 $0x7F, v30;
	[sflag:s24] =	ssyncadd.s32 $0xFFFFB000  }
0x29c: {  	v55 =	vadd.s32 v5, v31;
	v30 =	vld [tilespmem:s12+$0xB900];
	_ =	sdelay $0x4  }
0x29d: {  	[tilespmem:v55+s22+$0x0] =	vst.idx.msk $0xffff, v30  }
0x29e: {  	v56 =	vadd.s32 v11, v31;
	v30 =	vld [tilespmem:s12+$0xB910];
	_ =	sdelay $0x4  }
0x29f: {  	[tilespmem:v56+s22+$0x0] =	vst.idx.msk $0xffff, v30  }
0x2a0: {  	v57 =	vadd.s32 v12, v31;
	v30 =	vld [tilespmem:s12+$0xC900];
	_ =	sdelay $0x4  }
0x2a1: {  	[tilespmem:v57+s22+$0x0] =	vst.idx.msk $0xffff, v30  }
0x2a2: {  	v58 =	vadd.s32 v13, v31;
	v30 =	vld [tilespmem:s12+$0xC910];
	_ =	sdelay $0x4  }
0x2a3: {  	[tilespmem:v58+s22+$0x0] =	vst.idx.msk $0xffff, v30  }
0x2a4: {  	v59 =	vadd.s32 v14, v31;
	v30 =	vld [tilespmem:s12+$0xD900];
	_ =	sdelay $0x4  }
0x2a5: {  	[tilespmem:v59+s22+$0x0] =	vst.idx.msk $0xffff, v30  }
0x2a6: {  	v60 =	vadd.s32 v15, v31;
	v30 =	vld [tilespmem:s12+$0xD910];
	_ =	sdelay $0x4  }
0x2a7: {  	[tilespmem:v60+s22+$0x0] =	vst.idx.msk $0xffff, v30  }
0x2a8: {  	v61 =	vadd.s32 v16, v31;
	v30 =	vld [tilespmem:s12+$0xE900];
	_ =	sdelay $0x4  }
0x2a9: {  	[tilespmem:v61+s22+$0x0] =	vst.idx.msk $0xffff, v30  }
0x2aa: {  	v62 =	vadd.s32 v17, v31;
	v30 =	vld [tilespmem:s12+$0xE910];
	_ =	sdelay $0x4  }
0x2ab: {  	[tilespmem:v62+s22+$0x0] =	vst.idx.msk $0xffff, v30  }
0x2ac: {  	v63 =	vadd.s32 v18, v31;
	v30 =	vld [tilespmem:s12+$0xF900];
	_ =	sdelay $0x4  }
0x2ad: {  	[tilespmem:v63+s22+$0x0] =	vst.idx.msk $0xffff, v30  }
0x2ae: {  	v31 =	vadd.s32 v19, v31;
	v30 =	vld [tilespmem:s12+$0xF910];
	_ =	sdelay $0x2  }
0x2af: {  	s30 =	simm.s32 $0x1  }
0x2b0: {  	s31 =	simm.s32 $0x80;
	s1 =	simm.s32 $0x100;
	v32 =	vmov s30  }
.LBB2_25:
0x2b1: {  	p0 =	sne.s32 s1, $0x3F80;
	s0 =	sshra.s32 s31, $0x2;
	v32 =	vand.u32 $0x7F, v32;
	[tilespmem:v31+s22+$0x0] =	vst.idx.msk $0xffff, v30;
	s31 =	smov.u32 s1  }
0x2b2: {  	v30 =	vld [tilespmem:s0+$0xB900];
	v31 =	vadd.s32 v5, v32;
	_ =	sdelay $0x4  }
0x2b3: {  	[tilespmem:v31+s22+$0x0] =	vst.idx.msk $0xffff, v30  }
0x2b4: {  	v31 =	vadd.s32 v11, v32;
	v30 =	vld [tilespmem:s0+$0xB910];
	_ =	sdelay $0x4  }
0x2b5: {  	[tilespmem:v31+s22+$0x0] =	vst.idx.msk $0xffff, v30  }
0x2b6: {  	v31 =	vadd.s32 v12, v32;
	v30 =	vld [tilespmem:s0+$0xC900];
	_ =	sdelay $0x4  }
0x2b7: {  	[tilespmem:v31+s22+$0x0] =	vst.idx.msk $0xffff, v30  }
0x2b8: {  	v31 =	vadd.s32 v13, v32;
	v30 =	vld [tilespmem:s0+$0xC910];
	_ =	sdelay $0x4  }
0x2b9: {  	[tilespmem:v31+s22+$0x0] =	vst.idx.msk $0xffff, v30  }
0x2ba: {  	v31 =	vadd.s32 v14, v32;
	v30 =	vld [tilespmem:s0+$0xD900];
	_ =	sdelay $0x4  }
0x2bb: {  	[tilespmem:v31+s22+$0x0] =	vst.idx.msk $0xffff, v30  }
0x2bc: {  	v31 =	vadd.s32 v15, v32;
	v30 =	vld [tilespmem:s0+$0xD910];
	_ =	sdelay $0x4  }
0x2bd: {  	[tilespmem:v31+s22+$0x0] =	vst.idx.msk $0xffff, v30  }
0x2be: {  	v31 =	vadd.s32 v16, v32;
	v30 =	vld [tilespmem:s0+$0xE900];
	_ =	sdelay $0x4  }
0x2bf: {  	[tilespmem:v31+s22+$0x0] =	vst.idx.msk $0xffff, v30  }
0x2c0: {  	v31 =	vadd.s32 v17, v32;
	v30 =	vld [tilespmem:s0+$0xE910];
	_ =	sdelay $0x4  }
0x2c1: {  	[tilespmem:v31+s22+$0x0] =	vst.idx.msk $0xffff, v30  }
0x2c2: {  	v31 =	vadd.s32 v18, v32;
	v30 =	vld [tilespmem:s0+$0xF900];
	_ =	sdelay $0x4  }
0x2c3: {  	[tilespmem:v31+s22+$0x0] =	vst.idx.msk $0xffff, v30  }
.Ltmp11:
0x2c4: {  	v31 =	vadd.s32 v19, v32;
	v30 =	vld [tilespmem:s0+$0xF910];
	(pc) =	sbr.rel @p0 .LBB2_25-.Ltmp11, $3  }
0x2c5: {  	_ =	sdelay $0x1  }
0x2c6: {  	s30 =	sadd.s32 $0x1, s30  }
0x2c7: {  	s1 =	sadd.s32 $0x80, s1;
	v32 =	vmov s30  }
0x2c8: {  	_ =	sdelay $0x3  }
0x2c9: {  	s0 =	sshra.s32 s31, $0x2;
	v32 =	vand.u32 $0x7F, v32;
	[tilespmem:v31+s22+$0x0] =	vst.idx.msk $0xffff, v30  }
0x2ca: {  	v30 =	vld [tilespmem:s0+$0xB900];
	v31 =	vadd.s32 v5, v32;
	_ =	sdelay $0x4  }
0x2cb: {  	[tilespmem:v31+s22+$0x0] =	vst.idx.msk $0xffff, v30  }
0x2cc: {  	v31 =	vadd.s32 v11, v32;
	v30 =	vld [tilespmem:s0+$0xB910];
	_ =	sdelay $0x4  }
0x2cd: {  	[tilespmem:v31+s22+$0x0] =	vst.idx.msk $0xffff, v30  }
0x2ce: {  	v31 =	vadd.s32 v12, v32;
	v30 =	vld [tilespmem:s0+$0xC900];
	_ =	sdelay $0x4  }
0x2cf: {  	[tilespmem:v31+s22+$0x0] =	vst.idx.msk $0xffff, v30  }
0x2d0: {  	v31 =	vadd.s32 v13, v32;
	v30 =	vld [tilespmem:s0+$0xC910];
	_ =	sdelay $0x4  }
0x2d1: {  	[tilespmem:v31+s22+$0x0] =	vst.idx.msk $0xffff, v30  }
0x2d2: {  	v31 =	vadd.s32 v14, v32;
	v30 =	vld [tilespmem:s0+$0xD900];
	_ =	sdelay $0x4  }
0x2d3: {  	[tilespmem:v31+s22+$0x0] =	vst.idx.msk $0xffff, v30  }
0x2d4: {  	v31 =	vadd.s32 v15, v32;
	v30 =	vld [tilespmem:s0+$0xD910];
	_ =	sdelay $0x4  }
0x2d5: {  	[tilespmem:v31+s22+$0x0] =	vst.idx.msk $0xffff, v30  }
0x2d6: {  	v31 =	vadd.s32 v16, v32;
	v30 =	vld [tilespmem:s0+$0xE900];
	_ =	sdelay $0x4  }
0x2d7: {  	[tilespmem:v31+s22+$0x0] =	vst.idx.msk $0xffff, v30  }
0x2d8: {  	v31 =	vadd.s32 v17, v32;
	v30 =	vld [tilespmem:s0+$0xE910];
	_ =	sdelay $0x4  }
0x2d9: {  	[tilespmem:v31+s22+$0x0] =	vst.idx.msk $0xffff, v30  }
0x2da: {  	v31 =	vadd.s32 v18, v32;
	v30 =	vld [tilespmem:s0+$0xF900];
	_ =	sdelay $0x4  }
0x2db: {  	[tilespmem:v31+s22+$0x0] =	vst.idx.msk $0xffff, v30  }
0x2dc: {  	v31 =	vadd.s32 v19, v32;
	v30 =	vld [tilespmem:s0+$0xF910];
	_ =	sdelay $0x2  }
0x2dd: {  	s1 =	sadd.s32 s9, s29  }
0x2de: {  	s0 =	sshrl.u32 s1, $0x3  }
0x2df: {  	s5 =	simm.s32 $0x15E00;
	s1 =	sadd.s32 s2, s0;
	[tilespmem:v31+s22+$0x0] =	vst.idx.msk $0xffff, v30  }
0x2e0: {  	[hbm4b:s1+s3] =	stream.linear.scatter [tilespmem:s5], [sflag:$0x5], $0x80, $0x38;
	[tilespmem:$0x1B300] =	vst v63  }
0x2e1: {  	s12 =	simm.s32 $0x15E88;
	s5 =	sadd.s32 $0x10, s1  }
0x2e2: {  	[hbm4b:s5+s3] =	stream.linear.scatter [tilespmem:s12], [sflag:$0x5], $0x80, $0x38;
	[tilespmem:$0x1B300] =	vst v63  }
0x2e3: {  	s29 =	simm.s32 $0x2200;
	s5 =	simm.s32 $0x15F10;
	s12 =	sadd.s32 $0x20, s1  }
0x2e4: {  	[hbm4b:s12+s3] =	stream.linear.scatter [tilespmem:s5], [sflag:$0x5], $0x80, $0x38;
	[tilespmem:$0x1B300] =	vst v63  }
0x2e5: {  	s30 =	simm.s32 $0x161B8;
	s5 =	simm.s32 $0x15F98;
	s12 =	sadd.s32 $0x30, s1  }
0x2e6: {  	[hbm4b:s12+s3] =	stream.linear.scatter [tilespmem:s5], [sflag:$0x5], $0x80, $0x38;
	[tilespmem:$0x1B300] =	vst v63  }
0x2e7: {  	s0 =	simm.s32 $0x440;
	s5 =	simm.s32 $0x16020;
	s12 =	sadd.s32 $0x40, s1  }
0x2e8: {  	[hbm4b:s12+s3] =	stream.linear.scatter [tilespmem:s5], [sflag:$0x5], $0x80, $0x38;
	[tilespmem:$0x1B300] =	vst v63  }
0x2e9: {  	s31 =	sadd.s32 $0x70, s1;
	s5 =	simm.s32 $0x160A8;
	s12 =	sadd.s32 $0x50, s1  }
0x2ea: {  	[hbm4b:s12+s3] =	stream.linear.scatter [tilespmem:s5], [sflag:$0x5], $0x80, $0x38;
	[tilespmem:$0x1B300] =	vst v63  }
0x2eb: {  	s5 =	simm.s32 $0x16130;
	s12 =	sadd.s32 $0x60, s1;
	s1 =	sadd.s32 $0x1000, s1  }
0x2ec: {  	[hbm4b:s12+s3] =	stream.linear.scatter [tilespmem:s5], [sflag:$0x5], $0x80, $0x38;
	[tilespmem:$0x1B300] =	vst v63  }
.LBB2_27:
0x2ed: {  	[hbm4b:s31+s3] =	stream.linear.scatter [tilespmem:s30], [sflag:$0x5], $0x80, $0x38;
	[tilespmem:$0x1B300] =	vst v63  }
0x2ee: {  	s5 =	smov.u32 s0;
	s0 =	smov.u32 s29  }
0x2ef: {  	s12 =	sadd.s32 $0x1100, s29;
	s0 =	sshra.s32 s0, $0x2;
	s30 =	sadd.s32 $0x15E00, s5  }
0x2f0: {  	[hbm4b:s1+s3] =	stream.linear.scatter [tilespmem:s30], [sflag:$0x5], $0x80, $0x38;
	[tilespmem:$0x1B300] =	vst v63  }
0x2f1: {  	p0 =	sne.s32 s29, $0x14300;
	s29 =	sadd.s32 $0x15E88, s5;
	s30 =	sadd.s32 $0x10, s1  }
0x2f2: {  	[hbm4b:s30+s3] =	stream.linear.scatter [tilespmem:s29], [sflag:$0x5], $0x80, $0x38;
	[tilespmem:$0x1B300] =	vst v63  }
0x2f3: {  	s29 =	sadd.s32 $0x15F10, s5;
	s30 =	sadd.s32 $0x20, s1  }
0x2f4: {  	[hbm4b:s30+s3] =	stream.linear.scatter [tilespmem:s29], [sflag:$0x5], $0x80, $0x38;
	[tilespmem:$0x1B300] =	vst v63  }
0x2f5: {  	s29 =	sadd.s32 $0x15F98, s5;
	s30 =	sadd.s32 $0x30, s1  }
0x2f6: {  	[hbm4b:s30+s3] =	stream.linear.scatter [tilespmem:s29], [sflag:$0x5], $0x80, $0x38;
	[tilespmem:$0x1B300] =	vst v63  }
0x2f7: {  	s29 =	sadd.s32 $0x16020, s5;
	s30 =	sadd.s32 $0x40, s1  }
0x2f8: {  	[hbm4b:s30+s3] =	stream.linear.scatter [tilespmem:s29], [sflag:$0x5], $0x80, $0x38;
	[tilespmem:$0x1B300] =	vst v63  }
.Ltmp12:
0x2f9: {  	s29 =	sadd.s32 $0x160A8, s5;
	s30 =	sadd.s32 $0x50, s1;
	(pc) =	sbr.rel @p0 .LBB2_27-.Ltmp12, $4  }
0x2fa: {  	[hbm4b:s30+s3] =	stream.linear.scatter [tilespmem:s29], [sflag:$0x5], $0x80, $0x38;
	[tilespmem:$0x1B300] =	vst v63  }
0x2fb: {  	s31 =	sadd.s32 $0x70, s1;
	s29 =	sadd.s32 $0x16130, s5;
	s30 =	sadd.s32 $0x60, s1  }
0x2fc: {  	[hbm4b:s30+s3] =	stream.linear.scatter [tilespmem:s29], [sflag:$0x5], $0x80, $0x38;
	[tilespmem:$0x1B300] =	vst v63  }
0x2fd: {  	s1 =	sadd.s32 $0x1000, s1;
	s30 =	sadd.s32 $0x161B8, s5;
	s29 =	smov.u32 s12  }
0x2fe: {  	[hbm4b:s31+s3] =	stream.linear.scatter [tilespmem:s30], [sflag:$0x5], $0x80, $0x38;
	[tilespmem:$0x1B300] =	vst v63  }
0x2ff: {  	s5 =	sadd.s32 $0x15E00, s0  }
0x300: {  	[hbm4b:s1+s3] =	stream.linear.scatter [tilespmem:s5], [sflag:$0x5], $0x80, $0x38;
	[tilespmem:$0x1B300] =	vst v63  }
0x301: {  	s29 =	sadd.s32 $0x15E88, s0;
	s12 =	sadd.s32 $0x10, s1  }
0x302: {  	[hbm4b:s12+s3] =	stream.linear.scatter [tilespmem:s29], [sflag:$0x5], $0x80, $0x38;
	[tilespmem:$0x1B300] =	vst v63  }
0x303: {  	s30 =	sadd.s32 $0x15F10, s0;
	s31 =	sadd.s32 $0x20, s1;
	s29 =	simm.s32 $0x0  }
0x304: {  	v30 =	vmov s29;
	[hbm4b:s31+s3] =	stream.linear.scatter [tilespmem:s30], [sflag:$0x5], $0x80, $0x38;
	[tilespmem:$0x1B300] =	vst v63  }
0x305: {  	s12 =	sadd.s32 $0x15F98, s0;
	s30 =	sadd.s32 $0x30, s1;
	s31 =	sadd.s32 $0xF, s28;
	v30 =	vmul.u32 $0xC8, v30  }
0x306: {  	v31 =	vmov s31;
	[hbm4b:s30+s3] =	stream.linear.scatter [tilespmem:s12], [sflag:$0x5], $0x80, $0x38;
	[tilespmem:$0x1B300] =	vst v63  }
0x307: {  	s29 =	sadd.s32 $0x40, s1;
	s12 =	sadd.s32 $0x16020, s0;
	v31 =	vand.u32 $0x3FF, v31;
	v32 =	vbroadcast v30, $0x0  }
0x308: {  	v30 =	vbroadcast v31, $0x0;
	[hbm4b:s29+s3] =	stream.linear.scatter [tilespmem:s12], [sflag:$0x5], $0x80, $0x38;
	[tilespmem:$0x1B300] =	vst v63  }
0x309: {  	s31 =	sadd.s32 $0x50, s1;
	s30 =	sadd.s32 $0x160A8, s0;
	v36 =	vadd.s32 v0, v32  }
0x30a: {  	v32 =	vadd.s32 v30, v36;
	[hbm4b:s31+s3] =	stream.linear.scatter [tilespmem:s30], [sflag:$0x5], $0x80, $0x38;
	[tilespmem:$0x1B300] =	vst v63  }
0x30b: {  	s12 =	sadd.s32 $0x16130, s0;
	s31 =	sadd.s32 $0x60, s1;
	s30 =	sadd.s32 $0x10, s28  }
0x30c: {  	v31 =	vmov s30;
	[hbm4b:s31+s3] =	stream.linear.scatter [tilespmem:s12], [sflag:$0x5], $0x80, $0x38;
	[tilespmem:$0x1B300] =	vst v63  }
0x30d: {  	s5 =	sadd.s32 $0x70, s1;
	s31 =	sadd.s32 $0x161B8, s0;
	v31 =	vand.u32 $0x3FE, v31  }
0x30e: {  	v31 =	vbroadcast v31, $0x0;
	[hbm4b:s5+s3] =	stream.linear.scatter [tilespmem:s31], [sflag:$0x5], $0x80, $0x38;
	[tilespmem:$0x1B300] =	vst v63  }
0x30f: {  	v33 =	vld.idx.msk [tilespmem:v32+s3+$0x0], $0xffff  }
0x310: {  	v34 =	vadd.s32 v31, v36  }
0x311: {  	s12 =	sadd.s32 $0x11, s28  }
0x312: {  	v61 =	vmov s12  }
0x313: {  	s1 =	simm.s32 $0x6880;
	v32 =	vand.u32 $0x3FF, v61  }
0x314: {  	v32 =	vbroadcast v32, $0x0;
	[tilespmem:s1+$0xFFFFFE00] =	vst v33  }
0x315: {  	v34 =	vld.idx.msk [tilespmem:v34+s3+$0x0], $0xffff  }
0x316: {  	v35 =	vadd.s32 v32, v36  }
0x317: {  	s29 =	sadd.s32 $0x12, s28  }
0x318: {  	v62 =	vmov s29  }
0x319: {  	v33 =	vand.u32 $0x3FE, v62  }
0x31a: {  	v33 =	vbroadcast v33, $0x0;
	[tilespmem:s1+$0xFFFFFE80] =	vst v34  }
0x31b: {  	v35 =	vld.idx.msk [tilespmem:v35+s3+$0x0], $0xffff  }
0x31c: {  	v37 =	vadd.s32 v33, v36  }
0x31d: {  	s30 =	sadd.s32 $0x13, s28  }
0x31e: {  	v63 =	vmov s30  }
0x31f: {  	v34 =	vand.u32 $0x3FF, v63  }
0x320: {  	v34 =	vbroadcast v34, $0x0;
	[tilespmem:s1+$0xFFFFFF00] =	vst v35  }
0x321: {  	v35 =	vld.idx.msk [tilespmem:v37+s3+$0x0], $0xffff  }
0x322: {  	s31 =	simm.s32 $0x10;
	v36 =	vadd.s32 v34, v36  }
0x323: {  	s0 =	simm.s32 $0x20;
	v37 =	vmov s31  }
.LBB2_29:
0x324: {  	p0 =	sne.s32 s0, $0x70;
	v37 =	vmul.u32 $0xC8, v37;
	_ =	sdelay $0x1  }
0x325: {  	v37 =	vbroadcast v37, $0x0;
	[tilespmem:s1+$0xFFFFFF80] =	vst v35  }
0x326: {  	v35 =	vld.idx.msk [tilespmem:v36+s3+$0x0], $0xffff  }
0x327: {  	v36 =	vadd.s32 v0, v37  }
0x328: {  	v37 =	vadd.s32 v30, v36;
	_ =	sdelay $0x3  }
0x329: {  	[tilespmem:s1+$0x0] =	vst v35  }
0x32a: {  	v35 =	vld.idx.msk [tilespmem:v37+s3+$0x0], $0xffff;
	_ =	sdelay $0x1  }
0x32b: {  	v37 =	vadd.s32 v31, v36;
	_ =	sdelay $0x2  }
0x32c: {  	s1 =	sadd.s32 $0x10, s1  }
0x32d: {  	[tilespmem:s1+$0xFFFFFE00] =	vst v35  }
0x32e: {  	v35 =	vld.idx.msk [tilespmem:v37+s3+$0x0], $0xffff;
	_ =	sdelay $0x1  }
0x32f: {  	v37 =	vadd.s32 v32, v36;
	_ =	sdelay $0x3  }
0x330: {  	[tilespmem:s1+$0xFFFFFE80] =	vst v35  }
0x331: {  	v35 =	vld.idx.msk [tilespmem:v37+s3+$0x0], $0xffff;
	_ =	sdelay $0x1  }
0x332: {  	v37 =	vadd.s32 v33, v36;
	_ =	sdelay $0x3  }
.Ltmp13:
0x333: {  	[tilespmem:s1+$0xFFFFFF00] =	vst v35;
	(pc) =	sbr.rel @p0 .LBB2_29-.Ltmp13, $3  }
0x334: {  	v35 =	vld.idx.msk [tilespmem:v37+s3+$0x0], $0xffff;
	_ =	sdelay $0x1  }
0x335: {  	v36 =	vadd.s32 v34, v36  }
0x336: {  	v37 =	vmov s0;
	s0 =	sadd.s32 $0x10, s0  }
0x337: {  	v37 =	vmul.u32 $0xC8, v37;
	_ =	sdelay $0x1  }
0x338: {  	v37 =	vbroadcast v37, $0x0  }
0x339: {  	[tilespmem:s1+$0xFFFFFF80] =	vst v35  }
0x33a: {  	v35 =	vld.idx.msk [tilespmem:v36+s3+$0x0], $0xffff;
	v63 =	vadd.s32 v0, v37  }
0x33b: {  	v30 =	vadd.s32 v30, v63;
	_ =	sdelay $0x3  }
0x33c: {  	[tilespmem:s1+$0x0] =	vst v35  }
0x33d: {  	v30 =	vld.idx.msk [tilespmem:v30+s3+$0x0], $0xffff  }
0x33e: {  	v31 =	vadd.s32 v31, v63;
	_ =	sdelay $0x2  }
0x33f: {  	s0 =	sadd.s32 $0x10, s1  }
0x340: {  	[tilespmem:s0+$0xFFFFFE00] =	vst v30  }
0x341: {  	v30 =	vld.idx.msk [tilespmem:v31+s3+$0x0], $0xffff  }
0x342: {  	v31 =	vadd.s32 v32, v63;
	_ =	sdelay $0x3  }
0x343: {  	[tilespmem:s0+$0xFFFFFE80] =	vst v30  }
0x344: {  	v30 =	vld.idx.msk [tilespmem:v31+s3+$0x0], $0xffff  }
0x345: {  	v31 =	vadd.s32 v33, v63;
	_ =	sdelay $0x3  }
0x346: {  	[tilespmem:s0+$0xFFFFFF00] =	vst v30  }
0x347: {  	v30 =	vld.idx.msk [tilespmem:v31+s3+$0x0], $0xffff  }
0x348: {  	v31 =	vadd.s32 v34, v63;
	_ =	sdelay $0x3  }
0x349: {  	[tilespmem:s0+$0xFFFFFF80] =	vst v30  }
0x34a: {  	s26 =	sadd.s32 $0x1, s26;
	v30 =	vld.idx.msk [tilespmem:v31+s3+$0x0], $0xffff  }
0x34b: {  	p0 =	sne.s32 s26, $0x13  }
.Ltmp14:
0x34c: {  	_ = 	snop;
	(pc) =	sbr.rel @p0 .LBB2_18-.Ltmp14, $3  }
0x34d: {  	_ =	sdelay $0x1  }
0x34e: {  	[tilespmem:s0+$0x0] =	vst v30  }
0x34f: {  	[tilespmem:s18], [sflag:$0x3] =	stream.indirect.gather [hbm4b:s4+s14], $0x20, s17, s14, $0xb8;
	[tilespmem:$0x1B300] =	vst v63  }
0x350: {  	_ =	swait.ge [sflag:s19], $0x5000  }
0x351: {  	[sflag:s19] =	ssyncset.done $0x0  }
0x352: {  	[sflag:s19] =	ssyncadd.s32 $0xFFFFB000  }
0x353: {  	s0 =	simm.s32 $0x0;
	_ =	swait.ge [sflag:s23], $0x5000  }
0x354: {  	v30 =	vmov s0;
	[sflag:s23] =	ssyncset.done $0x0  }
0x355: {  	s26 =	simm.s32 $0x8910;
	v31 =	vand.u32 $0x7F, v30;
	[sflag:s23] =	ssyncadd.s32 $0xFFFFB000  }
0x356: {  	v32 =	vadd.s32 v5, v31;
	v30 =	vld [tilespmem:s26+$0xFFFFDFF0];
	_ =	sdelay $0x4  }
0x357: {  	[tilespmem:v32+s20+$0x0] =	vst.idx.msk $0xffff, v30  }
0x358: {  	v56 =	vadd.s32 v11, v31;
	v30 =	vld [tilespmem:s26+$0xFFFFE000];
	_ =	sdelay $0x4  }
0x359: {  	[tilespmem:v56+s20+$0x0] =	vst.idx.msk $0xffff, v30  }
0x35a: {  	v57 =	vadd.s32 v12, v31;
	v30 =	vld [tilespmem:s26+$0xFFFFEFF0];
	_ =	sdelay $0x4  }
0x35b: {  	[tilespmem:v57+s20+$0x0] =	vst.idx.msk $0xffff, v30  }
0x35c: {  	v58 =	vadd.s32 v13, v31;
	v30 =	vld [tilespmem:s26+$0xFFFFF000];
	_ =	sdelay $0x4  }
0x35d: {  	[tilespmem:v58+s20+$0x0] =	vst.idx.msk $0xffff, v30  }
0x35e: {  	v59 =	vadd.s32 v14, v31;
	v30 =	vld [tilespmem:s26+$0xFFFFFFF0];
	_ =	sdelay $0x4  }
0x35f: {  	[tilespmem:v59+s20+$0x0] =	vst.idx.msk $0xffff, v30  }
0x360: {  	v60 =	vadd.s32 v15, v31;
	v30 =	vld [tilespmem:s26+$0x0];
	_ =	sdelay $0x4  }
0x361: {  	[tilespmem:v60+s20+$0x0] =	vst.idx.msk $0xffff, v30  }
0x362: {  	v61 =	vadd.s32 v16, v31;
	v30 =	vld [tilespmem:s26+$0xFF0];
	_ =	sdelay $0x4  }
0x363: {  	[tilespmem:v61+s20+$0x0] =	vst.idx.msk $0xffff, v30  }
0x364: {  	v62 =	vadd.s32 v17, v31;
	v30 =	vld [tilespmem:s26+$0x1000];
	_ =	sdelay $0x4  }
0x365: {  	[tilespmem:v62+s20+$0x0] =	vst.idx.msk $0xffff, v30  }
0x366: {  	v63 =	vadd.s32 v18, v31;
	v30 =	vld [tilespmem:s26+$0x1FF0];
	_ =	sdelay $0x4  }
0x367: {  	[tilespmem:v63+s20+$0x0] =	vst.idx.msk $0xffff, v30  }
0x368: {  	v31 =	vadd.s32 v19, v31;
	v30 =	vld [tilespmem:s26+$0x2000];
	_ =	sdelay $0x2  }
0x369: {  	s31 =	simm.s32 $0x1  }
0x36a: {  	s1 =	simm.s32 $0x2;
	v32 =	vmov s31  }
.LBB2_32:
0x36b: {  	p0 =	sne.s32 s1, $0x7F;
	v32 =	vand.u32 $0x7F, v32;
	[tilespmem:v31+s20+$0x0] =	vst.idx.msk $0xffff, v30;
	s26 =	sadd.s32 $0x20, s26  }
0x36c: {  	v30 =	vld [tilespmem:s26+$0xFFFFDFF0];
	v31 =	vadd.s32 v5, v32;
	_ =	sdelay $0x4  }
0x36d: {  	[tilespmem:v31+s20+$0x0] =	vst.idx.msk $0xffff, v30  }
0x36e: {  	v31 =	vadd.s32 v11, v32;
	v30 =	vld [tilespmem:s26+$0xFFFFE000];
	_ =	sdelay $0x4  }
0x36f: {  	[tilespmem:v31+s20+$0x0] =	vst.idx.msk $0xffff, v30  }
0x370: {  	v31 =	vadd.s32 v12, v32;
	v30 =	vld [tilespmem:s26+$0xFFFFEFF0];
	_ =	sdelay $0x4  }
0x371: {  	[tilespmem:v31+s20+$0x0] =	vst.idx.msk $0xffff, v30  }
0x372: {  	v31 =	vadd.s32 v13, v32;
	v30 =	vld [tilespmem:s26+$0xFFFFF000];
	_ =	sdelay $0x4  }
0x373: {  	[tilespmem:v31+s20+$0x0] =	vst.idx.msk $0xffff, v30  }
0x374: {  	v31 =	vadd.s32 v14, v32;
	v30 =	vld [tilespmem:s26+$0xFFFFFFF0];
	_ =	sdelay $0x4  }
0x375: {  	[tilespmem:v31+s20+$0x0] =	vst.idx.msk $0xffff, v30  }
0x376: {  	v31 =	vadd.s32 v15, v32;
	v30 =	vld [tilespmem:s26+$0x0];
	_ =	sdelay $0x4  }
0x377: {  	[tilespmem:v31+s20+$0x0] =	vst.idx.msk $0xffff, v30  }
0x378: {  	v31 =	vadd.s32 v16, v32;
	v30 =	vld [tilespmem:s26+$0xFF0];
	_ =	sdelay $0x4  }
0x379: {  	[tilespmem:v31+s20+$0x0] =	vst.idx.msk $0xffff, v30  }
0x37a: {  	v31 =	vadd.s32 v17, v32;
	v30 =	vld [tilespmem:s26+$0x1000];
	_ =	sdelay $0x4  }
0x37b: {  	[tilespmem:v31+s20+$0x0] =	vst.idx.msk $0xffff, v30  }
0x37c: {  	v31 =	vadd.s32 v18, v32;
	v30 =	vld [tilespmem:s26+$0x1FF0];
	_ =	sdelay $0x4  }
0x37d: {  	[tilespmem:v31+s20+$0x0] =	vst.idx.msk $0xffff, v30  }
.Ltmp15:
0x37e: {  	v31 =	vadd.s32 v19, v32;
	v30 =	vld [tilespmem:s26+$0x2000];
	(pc) =	sbr.rel @p0 .LBB2_32-.Ltmp15, $2  }
0x37f: {  	_ =	sdelay $0x2  }
0x380: {  	v32 =	vmov s1;
	s1 =	sadd.s32 $0x1, s1  }
0x381: {  	_ =	sdelay $0x3  }
0x382: {  	v32 =	vand.u32 $0x7F, v32;
	[tilespmem:v31+s20+$0x0] =	vst.idx.msk $0xffff, v30;
	s0 =	sadd.s32 $0x20, s26  }
0x383: {  	v30 =	vld [tilespmem:s0+$0xFFFFDFF0];
	v31 =	vadd.s32 v5, v32;
	_ =	sdelay $0x4  }
0x384: {  	[tilespmem:v31+s20+$0x0] =	vst.idx.msk $0xffff, v30  }
0x385: {  	v31 =	vadd.s32 v11, v32;
	v30 =	vld [tilespmem:s0+$0xFFFFE000];
	_ =	sdelay $0x4  }
0x386: {  	[tilespmem:v31+s20+$0x0] =	vst.idx.msk $0xffff, v30  }
0x387: {  	v31 =	vadd.s32 v12, v32;
	v30 =	vld [tilespmem:s0+$0xFFFFEFF0];
	_ =	sdelay $0x4  }
0x388: {  	[tilespmem:v31+s20+$0x0] =	vst.idx.msk $0xffff, v30  }
0x389: {  	v31 =	vadd.s32 v13, v32;
	v30 =	vld [tilespmem:s0+$0xFFFFF000];
	_ =	sdelay $0x4  }
0x38a: {  	[tilespmem:v31+s20+$0x0] =	vst.idx.msk $0xffff, v30  }
0x38b: {  	v31 =	vadd.s32 v14, v32;
	v30 =	vld [tilespmem:s0+$0xFFFFFFF0];
	_ =	sdelay $0x4  }
0x38c: {  	[tilespmem:v31+s20+$0x0] =	vst.idx.msk $0xffff, v30  }
0x38d: {  	v31 =	vadd.s32 v15, v32;
	v30 =	vld [tilespmem:s0+$0x0];
	_ =	sdelay $0x4  }
0x38e: {  	[tilespmem:v31+s20+$0x0] =	vst.idx.msk $0xffff, v30  }
0x38f: {  	v31 =	vadd.s32 v16, v32;
	v30 =	vld [tilespmem:s0+$0xFF0];
	_ =	sdelay $0x4  }
0x390: {  	[tilespmem:v31+s20+$0x0] =	vst.idx.msk $0xffff, v30  }
0x391: {  	v31 =	vadd.s32 v17, v32;
	v30 =	vld [tilespmem:s0+$0x1000];
	_ =	sdelay $0x4  }
0x392: {  	[tilespmem:v31+s20+$0x0] =	vst.idx.msk $0xffff, v30  }
0x393: {  	v31 =	vadd.s32 v18, v32;
	v30 =	vld [tilespmem:s0+$0x1FF0];
	_ =	sdelay $0x4  }
0x394: {  	[tilespmem:v31+s20+$0x0] =	vst.idx.msk $0xffff, v30  }
0x395: {  	v31 =	vadd.s32 v19, v32;
	v30 =	vld [tilespmem:s0+$0x2000];
	_ =	sdelay $0x4  }
0x396: {  	s1 =	simm.s32 $0x10900;
	[tilespmem:v31+s20+$0x0] =	vst.idx.msk $0xffff, v30  }
0x397: {  	[hbm4b:s10+s3] =	stream.linear.scatter [tilespmem:s1], [sflag:$0x4], $0x80, $0x38;
	[tilespmem:$0x1B300] =	vst v63  }
0x398: {  	s5 =	simm.s32 $0x10988;
	s1 =	sadd.s32 $0x10, s10  }
0x399: {  	[hbm4b:s1+s3] =	stream.linear.scatter [tilespmem:s5], [sflag:$0x4], $0x80, $0x38;
	[tilespmem:$0x1B300] =	vst v63  }
0x39a: {  	s12 =	simm.s32 $0x10A10;
	s26 =	sadd.s32 $0x20, s10;
	s30 =	simm.s32 $0x10A98  }
0x39b: {  	[hbm4b:s26+s3] =	stream.linear.scatter [tilespmem:s12], [sflag:$0x4], $0x80, $0x38;
	[tilespmem:$0x1B300] =	vst v63  }
0x39c: {  	s31 =	sadd.s32 $0x30, s10;
	s28 =	simm.s32 $0x10CB8;
	s29 =	sadd.s32 $0x70, s10  }
0x39d: {  	[hbm4b:s31+s3] =	stream.linear.scatter [tilespmem:s30], [sflag:$0x4], $0x80, $0x38;
	[tilespmem:$0x1B300] =	vst v63  }
0x39e: {  	s0 =	simm.s32 $0x440;
	s1 =	simm.s32 $0x10B20;
	s5 =	sadd.s32 $0x40, s10  }
0x39f: {  	[hbm4b:s5+s3] =	stream.linear.scatter [tilespmem:s1], [sflag:$0x4], $0x80, $0x38;
	[tilespmem:$0x1B300] =	vst v63  }
0x3a0: {  	s12 =	simm.s32 $0x10BA8;
	s26 =	sadd.s32 $0x50, s10;
	s30 =	simm.s32 $0x10C30  }
0x3a1: {  	[hbm4b:s26+s3] =	stream.linear.scatter [tilespmem:s12], [sflag:$0x4], $0x80, $0x38;
	[tilespmem:$0x1B300] =	vst v63  }
0x3a2: {  	s31 =	sadd.s32 $0x60, s10;
	s1 =	sadd.s32 $0x1000, s10;
	s26 =	simm.s32 $0x2200  }
0x3a3: {  	[hbm4b:s31+s3] =	stream.linear.scatter [tilespmem:s30], [sflag:$0x4], $0x80, $0x38;
	[tilespmem:$0x1B300] =	vst v63  }
.LBB2_34:
0x3a4: {  	[hbm4b:s29+s3] =	stream.linear.scatter [tilespmem:s28], [sflag:$0x4], $0x80, $0x38;
	[tilespmem:$0x1B300] =	vst v63  }
0x3a5: {  	s5 =	smov.u32 s0;
	s0 =	smov.u32 s26  }
0x3a6: {  	s12 =	sadd.s32 $0x1100, s26;
	s0 =	sshra.s32 s0, $0x2;
	s28 =	sadd.s32 $0x10900, s5  }
0x3a7: {  	[hbm4b:s1+s3] =	stream.linear.scatter [tilespmem:s28], [sflag:$0x4], $0x80, $0x38;
	[tilespmem:$0x1B300] =	vst v63  }
0x3a8: {  	p0 =	sne.s32 s26, $0x14300;
	s26 =	sadd.s32 $0x10988, s5;
	s28 =	sadd.s32 $0x10, s1  }
0x3a9: {  	[hbm4b:s28+s3] =	stream.linear.scatter [tilespmem:s26], [sflag:$0x4], $0x80, $0x38;
	[tilespmem:$0x1B300] =	vst v63  }
0x3aa: {  	s26 =	sadd.s32 $0x10A10, s5;
	s28 =	sadd.s32 $0x20, s1  }
0x3ab: {  	[hbm4b:s28+s3] =	stream.linear.scatter [tilespmem:s26], [sflag:$0x4], $0x80, $0x38;
	[tilespmem:$0x1B300] =	vst v63  }
0x3ac: {  	s26 =	sadd.s32 $0x10A98, s5;
	s28 =	sadd.s32 $0x30, s1  }
0x3ad: {  	[hbm4b:s28+s3] =	stream.linear.scatter [tilespmem:s26], [sflag:$0x4], $0x80, $0x38;
	[tilespmem:$0x1B300] =	vst v63  }
0x3ae: {  	s26 =	sadd.s32 $0x10B20, s5;
	s28 =	sadd.s32 $0x40, s1  }
0x3af: {  	[hbm4b:s28+s3] =	stream.linear.scatter [tilespmem:s26], [sflag:$0x4], $0x80, $0x38;
	[tilespmem:$0x1B300] =	vst v63  }
.Ltmp16:
0x3b0: {  	s26 =	sadd.s32 $0x10BA8, s5;
	s28 =	sadd.s32 $0x50, s1;
	(pc) =	sbr.rel @p0 .LBB2_34-.Ltmp16, $4  }
0x3b1: {  	[hbm4b:s28+s3] =	stream.linear.scatter [tilespmem:s26], [sflag:$0x4], $0x80, $0x38;
	[tilespmem:$0x1B300] =	vst v63  }
0x3b2: {  	s29 =	sadd.s32 $0x70, s1;
	s26 =	sadd.s32 $0x10C30, s5;
	s28 =	sadd.s32 $0x60, s1  }
0x3b3: {  	[hbm4b:s28+s3] =	stream.linear.scatter [tilespmem:s26], [sflag:$0x4], $0x80, $0x38;
	[tilespmem:$0x1B300] =	vst v63  }
0x3b4: {  	s1 =	sadd.s32 $0x1000, s1;
	s28 =	sadd.s32 $0x10CB8, s5;
	s26 =	smov.u32 s12  }
0x3b5: {  	[hbm4b:s29+s3] =	stream.linear.scatter [tilespmem:s28], [sflag:$0x4], $0x80, $0x38;
	[tilespmem:$0x1B300] =	vst v63  }
0x3b6: {  	s5 =	sadd.s32 $0x10900, s0  }
0x3b7: {  	[hbm4b:s1+s3] =	stream.linear.scatter [tilespmem:s5], [sflag:$0x4], $0x80, $0x38;
	[tilespmem:$0x1B300] =	vst v63  }
0x3b8: {  	s29 =	sadd.s32 $0x10988, s0;
	s12 =	sadd.s32 $0x10, s1  }
0x3b9: {  	[hbm4b:s12+s3] =	stream.linear.scatter [tilespmem:s29], [sflag:$0x4], $0x80, $0x38;
	[tilespmem:$0x1B300] =	vst v63  }
0x3ba: {  	s30 =	sadd.s32 $0x10A10, s0;
	s31 =	sadd.s32 $0x20, s1  }
0x3bb: {  	[hbm4b:s31+s3] =	stream.linear.scatter [tilespmem:s30], [sflag:$0x4], $0x80, $0x38;
	[tilespmem:$0x1B300] =	vst v63  }
0x3bc: {  	s26 =	sadd.s32 $0x10A98, s0;
	s29 =	sadd.s32 $0x30, s1  }
0x3bd: {  	[hbm4b:s29+s3] =	stream.linear.scatter [tilespmem:s26], [sflag:$0x4], $0x80, $0x38;
	[tilespmem:$0x1B300] =	vst v63  }
0x3be: {  	s30 =	sadd.s32 $0x10B20, s0;
	s31 =	sadd.s32 $0x40, s1  }
0x3bf: {  	[hbm4b:s31+s3] =	stream.linear.scatter [tilespmem:s30], [sflag:$0x4], $0x80, $0x38;
	[tilespmem:$0x1B300] =	vst v63  }
0x3c0: {  	s26 =	sadd.s32 $0x10BA8, s0;
	s29 =	sadd.s32 $0x50, s1  }
0x3c1: {  	[hbm4b:s29+s3] =	stream.linear.scatter [tilespmem:s26], [sflag:$0x4], $0x80, $0x38;
	[tilespmem:$0x1B300] =	vst v63  }
0x3c2: {  	s30 =	sadd.s32 $0x10C30, s0;
	s31 =	sadd.s32 $0x60, s1  }
0x3c3: {  	[hbm4b:s31+s3] =	stream.linear.scatter [tilespmem:s30], [sflag:$0x4], $0x80, $0x38;
	[tilespmem:$0x1B300] =	vst v63  }
0x3c4: {  	s26 =	sadd.s32 $0x10CB8, s0;
	s29 =	sadd.s32 $0x70, s1  }
0x3c5: {  	[hbm4b:s29+s3] =	stream.linear.scatter [tilespmem:s26], [sflag:$0x4], $0x80, $0x38;
	[tilespmem:$0x1B300] =	vst v63  }
0x3c6: {  	_ =	swait.ge [sflag:s21], $0x5000  }
0x3c7: {  	[sflag:s21] =	ssyncset.done $0x0  }
0x3c8: {  	[sflag:s21] =	ssyncadd.s32 $0xFFFFB000  }
0x3c9: {  	s30 =	simm.s32 $0x0;
	_ =	swait.ge [sflag:s24], $0x5000  }
0x3ca: {  	v30 =	vmov s30;
	[sflag:s24] =	ssyncset.done $0x0  }
0x3cb: {  	s31 =	simm.s32 $0x0;
	v31 =	vand.u32 $0x7F, v30;
	[sflag:s24] =	ssyncadd.s32 $0xFFFFB000  }
0x3cc: {  	v32 =	vadd.s32 v5, v31;
	v30 =	vld [tilespmem:s31+$0xB900];
	_ =	sdelay $0x4  }
0x3cd: {  	[tilespmem:v32+s22+$0x0] =	vst.idx.msk $0xffff, v30  }
0x3ce: {  	v56 =	vadd.s32 v11, v31;
	v30 =	vld [tilespmem:s31+$0xB910];
	_ =	sdelay $0x4  }
0x3cf: {  	[tilespmem:v56+s22+$0x0] =	vst.idx.msk $0xffff, v30  }
0x3d0: {  	v57 =	vadd.s32 v12, v31;
	v30 =	vld [tilespmem:s31+$0xC900];
	_ =	sdelay $0x4  }
0x3d1: {  	[tilespmem:v57+s22+$0x0] =	vst.idx.msk $0xffff, v30  }
0x3d2: {  	v58 =	vadd.s32 v13, v31;
	v30 =	vld [tilespmem:s31+$0xC910];
	_ =	sdelay $0x4  }
0x3d3: {  	[tilespmem:v58+s22+$0x0] =	vst.idx.msk $0xffff, v30  }
0x3d4: {  	v59 =	vadd.s32 v14, v31;
	v30 =	vld [tilespmem:s31+$0xD900];
	_ =	sdelay $0x4  }
0x3d5: {  	[tilespmem:v59+s22+$0x0] =	vst.idx.msk $0xffff, v30  }
0x3d6: {  	v60 =	vadd.s32 v15, v31;
	v30 =	vld [tilespmem:s31+$0xD910];
	_ =	sdelay $0x4  }
0x3d7: {  	[tilespmem:v60+s22+$0x0] =	vst.idx.msk $0xffff, v30  }
0x3d8: {  	v61 =	vadd.s32 v16, v31;
	v30 =	vld [tilespmem:s31+$0xE900];
	_ =	sdelay $0x4  }
0x3d9: {  	[tilespmem:v61+s22+$0x0] =	vst.idx.msk $0xffff, v30  }
0x3da: {  	v62 =	vadd.s32 v17, v31;
	v30 =	vld [tilespmem:s31+$0xE910];
	_ =	sdelay $0x4  }
0x3db: {  	[tilespmem:v62+s22+$0x0] =	vst.idx.msk $0xffff, v30  }
0x3dc: {  	v63 =	vadd.s32 v18, v31;
	v30 =	vld [tilespmem:s31+$0xF900];
	_ =	sdelay $0x4  }
0x3dd: {  	[tilespmem:v63+s22+$0x0] =	vst.idx.msk $0xffff, v30  }
0x3de: {  	v31 =	vadd.s32 v19, v31;
	v30 =	vld [tilespmem:s31+$0xF910];
	_ =	sdelay $0x2  }
0x3df: {  	s26 =	simm.s32 $0x1  }
0x3e0: {  	s28 =	simm.s32 $0x80;
	s1 =	simm.s32 $0x100;
	v32 =	vmov s26  }
.LBB2_36:
0x3e1: {  	p0 =	sne.s32 s1, $0x3F80;
	s0 =	sshra.s32 s28, $0x2;
	v32 =	vand.u32 $0x7F, v32;
	[tilespmem:v31+s22+$0x0] =	vst.idx.msk $0xffff, v30;
	s28 =	smov.u32 s1  }
0x3e2: {  	v30 =	vld [tilespmem:s0+$0xB900];
	v31 =	vadd.s32 v5, v32;
	_ =	sdelay $0x4  }
0x3e3: {  	[tilespmem:v31+s22+$0x0] =	vst.idx.msk $0xffff, v30  }
0x3e4: {  	v31 =	vadd.s32 v11, v32;
	v30 =	vld [tilespmem:s0+$0xB910];
	_ =	sdelay $0x4  }
0x3e5: {  	[tilespmem:v31+s22+$0x0] =	vst.idx.msk $0xffff, v30  }
0x3e6: {  	v31 =	vadd.s32 v12, v32;
	v30 =	vld [tilespmem:s0+$0xC900];
	_ =	sdelay $0x4  }
0x3e7: {  	[tilespmem:v31+s22+$0x0] =	vst.idx.msk $0xffff, v30  }
0x3e8: {  	v31 =	vadd.s32 v13, v32;
	v30 =	vld [tilespmem:s0+$0xC910];
	_ =	sdelay $0x4  }
0x3e9: {  	[tilespmem:v31+s22+$0x0] =	vst.idx.msk $0xffff, v30  }
0x3ea: {  	v31 =	vadd.s32 v14, v32;
	v30 =	vld [tilespmem:s0+$0xD900];
	_ =	sdelay $0x4  }
0x3eb: {  	[tilespmem:v31+s22+$0x0] =	vst.idx.msk $0xffff, v30  }
0x3ec: {  	v31 =	vadd.s32 v15, v32;
	v30 =	vld [tilespmem:s0+$0xD910];
	_ =	sdelay $0x4  }
0x3ed: {  	[tilespmem:v31+s22+$0x0] =	vst.idx.msk $0xffff, v30  }
0x3ee: {  	v31 =	vadd.s32 v16, v32;
	v30 =	vld [tilespmem:s0+$0xE900];
	_ =	sdelay $0x4  }
0x3ef: {  	[tilespmem:v31+s22+$0x0] =	vst.idx.msk $0xffff, v30  }
0x3f0: {  	v31 =	vadd.s32 v17, v32;
	v30 =	vld [tilespmem:s0+$0xE910];
	_ =	sdelay $0x4  }
0x3f1: {  	[tilespmem:v31+s22+$0x0] =	vst.idx.msk $0xffff, v30  }
0x3f2: {  	v31 =	vadd.s32 v18, v32;
	v30 =	vld [tilespmem:s0+$0xF900];
	_ =	sdelay $0x4  }
0x3f3: {  	[tilespmem:v31+s22+$0x0] =	vst.idx.msk $0xffff, v30  }
.Ltmp17:
0x3f4: {  	v31 =	vadd.s32 v19, v32;
	v30 =	vld [tilespmem:s0+$0xF910];
	(pc) =	sbr.rel @p0 .LBB2_36-.Ltmp17, $3  }
0x3f5: {  	_ =	sdelay $0x1  }
0x3f6: {  	s26 =	sadd.s32 $0x1, s26  }
0x3f7: {  	s1 =	sadd.s32 $0x80, s1;
	v32 =	vmov s26  }
0x3f8: {  	_ =	sdelay $0x3  }
0x3f9: {  	s0 =	sshra.s32 s28, $0x2;
	v32 =	vand.u32 $0x7F, v32;
	[tilespmem:v31+s22+$0x0] =	vst.idx.msk $0xffff, v30  }
0x3fa: {  	v30 =	vld [tilespmem:s0+$0xB900];
	v31 =	vadd.s32 v5, v32;
	_ =	sdelay $0x4  }
0x3fb: {  	[tilespmem:v31+s22+$0x0] =	vst.idx.msk $0xffff, v30  }
0x3fc: {  	v31 =	vadd.s32 v11, v32;
	v30 =	vld [tilespmem:s0+$0xB910];
	_ =	sdelay $0x4  }
0x3fd: {  	[tilespmem:v31+s22+$0x0] =	vst.idx.msk $0xffff, v30  }
0x3fe: {  	v31 =	vadd.s32 v12, v32;
	v30 =	vld [tilespmem:s0+$0xC900];
	_ =	sdelay $0x4  }
0x3ff: {  	[tilespmem:v31+s22+$0x0] =	vst.idx.msk $0xffff, v30  }
0x400: {  	v31 =	vadd.s32 v13, v32;
	v30 =	vld [tilespmem:s0+$0xC910];
	_ =	sdelay $0x4  }
0x401: {  	[tilespmem:v31+s22+$0x0] =	vst.idx.msk $0xffff, v30  }
0x402: {  	v31 =	vadd.s32 v14, v32;
	v30 =	vld [tilespmem:s0+$0xD900];
	_ =	sdelay $0x4  }
0x403: {  	[tilespmem:v31+s22+$0x0] =	vst.idx.msk $0xffff, v30  }
0x404: {  	v31 =	vadd.s32 v15, v32;
	v30 =	vld [tilespmem:s0+$0xD910];
	_ =	sdelay $0x4  }
0x405: {  	[tilespmem:v31+s22+$0x0] =	vst.idx.msk $0xffff, v30  }
0x406: {  	v31 =	vadd.s32 v16, v32;
	v30 =	vld [tilespmem:s0+$0xE900];
	_ =	sdelay $0x4  }
0x407: {  	[tilespmem:v31+s22+$0x0] =	vst.idx.msk $0xffff, v30  }
0x408: {  	v31 =	vadd.s32 v17, v32;
	v30 =	vld [tilespmem:s0+$0xE910];
	_ =	sdelay $0x4  }
0x409: {  	[tilespmem:v31+s22+$0x0] =	vst.idx.msk $0xffff, v30  }
0x40a: {  	v31 =	vadd.s32 v18, v32;
	v30 =	vld [tilespmem:s0+$0xF900];
	_ =	sdelay $0x4  }
0x40b: {  	[tilespmem:v31+s22+$0x0] =	vst.idx.msk $0xffff, v30  }
0x40c: {  	v31 =	vadd.s32 v19, v32;
	v30 =	vld [tilespmem:s0+$0xF910];
	_ =	sdelay $0x4  }
0x40d: {  	s1 =	simm.s32 $0x15E00;
	[tilespmem:v31+s22+$0x0] =	vst.idx.msk $0xffff, v30  }
0x40e: {  	[hbm4b:s11+s3] =	stream.linear.scatter [tilespmem:s1], [sflag:$0x5], $0x80, $0x38;
	[tilespmem:$0x1B300] =	vst v63  }
0x40f: {  	s5 =	simm.s32 $0x15E88;
	s1 =	sadd.s32 $0x10, s11  }
0x410: {  	[hbm4b:s1+s3] =	stream.linear.scatter [tilespmem:s5], [sflag:$0x5], $0x80, $0x38;
	[tilespmem:$0x1B300] =	vst v63  }
0x411: {  	s12 =	simm.s32 $0x15F10;
	s26 =	sadd.s32 $0x20, s11;
	s30 =	simm.s32 $0x15F98  }
0x412: {  	[hbm4b:s26+s3] =	stream.linear.scatter [tilespmem:s12], [sflag:$0x5], $0x80, $0x38;
	[tilespmem:$0x1B300] =	vst v63  }
0x413: {  	s31 =	sadd.s32 $0x30, s11;
	s28 =	simm.s32 $0x161B8;
	s29 =	sadd.s32 $0x70, s11  }
0x414: {  	[hbm4b:s31+s3] =	stream.linear.scatter [tilespmem:s30], [sflag:$0x5], $0x80, $0x38;
	[tilespmem:$0x1B300] =	vst v63  }
0x415: {  	s0 =	simm.s32 $0x440;
	s1 =	simm.s32 $0x16020;
	s5 =	sadd.s32 $0x40, s11  }
0x416: {  	[hbm4b:s5+s3] =	stream.linear.scatter [tilespmem:s1], [sflag:$0x5], $0x80, $0x38;
	[tilespmem:$0x1B300] =	vst v63  }
0x417: {  	s12 =	simm.s32 $0x160A8;
	s26 =	sadd.s32 $0x50, s11;
	s30 =	simm.s32 $0x16130  }
0x418: {  	[hbm4b:s26+s3] =	stream.linear.scatter [tilespmem:s12], [sflag:$0x5], $0x80, $0x38;
	[tilespmem:$0x1B300] =	vst v63  }
0x419: {  	s31 =	sadd.s32 $0x60, s11;
	s1 =	sadd.s32 $0x1000, s11;
	s26 =	simm.s32 $0x2200  }
0x41a: {  	[hbm4b:s31+s3] =	stream.linear.scatter [tilespmem:s30], [sflag:$0x5], $0x80, $0x38;
	[tilespmem:$0x1B300] =	vst v63  }
.LBB2_38:
0x41b: {  	[hbm4b:s29+s3] =	stream.linear.scatter [tilespmem:s28], [sflag:$0x5], $0x80, $0x38;
	[tilespmem:$0x1B300] =	vst v63  }
0x41c: {  	s5 =	smov.u32 s0;
	s0 =	smov.u32 s26  }
0x41d: {  	s12 =	sadd.s32 $0x1100, s26;
	s0 =	sshra.s32 s0, $0x2;
	s28 =	sadd.s32 $0x15E00, s5  }
0x41e: {  	[hbm4b:s1+s3] =	stream.linear.scatter [tilespmem:s28], [sflag:$0x5], $0x80, $0x38;
	[tilespmem:$0x1B300] =	vst v63  }
0x41f: {  	p0 =	sne.s32 s26, $0x14300;
	s26 =	sadd.s32 $0x15E88, s5;
	s28 =	sadd.s32 $0x10, s1  }
0x420: {  	[hbm4b:s28+s3] =	stream.linear.scatter [tilespmem:s26], [sflag:$0x5], $0x80, $0x38;
	[tilespmem:$0x1B300] =	vst v63  }
0x421: {  	s26 =	sadd.s32 $0x15F10, s5;
	s28 =	sadd.s32 $0x20, s1  }
0x422: {  	[hbm4b:s28+s3] =	stream.linear.scatter [tilespmem:s26], [sflag:$0x5], $0x80, $0x38;
	[tilespmem:$0x1B300] =	vst v63  }
0x423: {  	s26 =	sadd.s32 $0x15F98, s5;
	s28 =	sadd.s32 $0x30, s1  }
0x424: {  	[hbm4b:s28+s3] =	stream.linear.scatter [tilespmem:s26], [sflag:$0x5], $0x80, $0x38;
	[tilespmem:$0x1B300] =	vst v63  }
0x425: {  	s26 =	sadd.s32 $0x16020, s5;
	s28 =	sadd.s32 $0x40, s1  }
0x426: {  	[hbm4b:s28+s3] =	stream.linear.scatter [tilespmem:s26], [sflag:$0x5], $0x80, $0x38;
	[tilespmem:$0x1B300] =	vst v63  }
.Ltmp18:
0x427: {  	s26 =	sadd.s32 $0x160A8, s5;
	s28 =	sadd.s32 $0x50, s1;
	(pc) =	sbr.rel @p0 .LBB2_38-.Ltmp18, $4  }
0x428: {  	[hbm4b:s28+s3] =	stream.linear.scatter [tilespmem:s26], [sflag:$0x5], $0x80, $0x38;
	[tilespmem:$0x1B300] =	vst v63  }
0x429: {  	s29 =	sadd.s32 $0x70, s1;
	s26 =	sadd.s32 $0x16130, s5;
	s28 =	sadd.s32 $0x60, s1  }
0x42a: {  	[hbm4b:s28+s3] =	stream.linear.scatter [tilespmem:s26], [sflag:$0x5], $0x80, $0x38;
	[tilespmem:$0x1B300] =	vst v63  }
0x42b: {  	s1 =	sadd.s32 $0x1000, s1;
	s28 =	sadd.s32 $0x161B8, s5;
	s26 =	smov.u32 s12  }
0x42c: {  	[hbm4b:s29+s3] =	stream.linear.scatter [tilespmem:s28], [sflag:$0x5], $0x80, $0x38;
	[tilespmem:$0x1B300] =	vst v63  }
0x42d: {  	s5 =	sadd.s32 $0x15E00, s0  }
0x42e: {  	[hbm4b:s1+s3] =	stream.linear.scatter [tilespmem:s5], [sflag:$0x5], $0x80, $0x38;
	[tilespmem:$0x1B300] =	vst v63  }
0x42f: {  	s29 =	sadd.s32 $0x15E88, s0;
	s12 =	sadd.s32 $0x10, s1  }
0x430: {  	[hbm4b:s12+s3] =	stream.linear.scatter [tilespmem:s29], [sflag:$0x5], $0x80, $0x38;
	[tilespmem:$0x1B300] =	vst v63  }
0x431: {  	s30 =	sadd.s32 $0x15F10, s0;
	s31 =	sadd.s32 $0x20, s1  }
0x432: {  	[hbm4b:s31+s3] =	stream.linear.scatter [tilespmem:s30], [sflag:$0x5], $0x80, $0x38;
	[tilespmem:$0x1B300] =	vst v63  }
0x433: {  	s26 =	sadd.s32 $0x30, s1;
	s12 =	sadd.s32 $0x15F98, s0  }
0x434: {  	[hbm4b:s26+s3] =	stream.linear.scatter [tilespmem:s12], [sflag:$0x5], $0x80, $0x38;
	[tilespmem:$0x1B300] =	vst v63  }
0x435: {  	s28 =	sadd.s32 $0x16020, s0;
	s29 =	sadd.s32 $0x40, s1  }
0x436: {  	[hbm4b:s29+s3] =	stream.linear.scatter [tilespmem:s28], [sflag:$0x5], $0x80, $0x38;
	[tilespmem:$0x1B300] =	vst v63  }
0x437: {  	s30 =	sadd.s32 $0x160A8, s0;
	s31 =	sadd.s32 $0x50, s1  }
0x438: {  	[hbm4b:s31+s3] =	stream.linear.scatter [tilespmem:s30], [sflag:$0x5], $0x80, $0x38;
	[tilespmem:$0x1B300] =	vst v63  }
0x439: {  	s26 =	sadd.s32 $0x16130, s0;
	s28 =	sadd.s32 $0x60, s1  }
0x43a: {  	[hbm4b:s28+s3] =	stream.linear.scatter [tilespmem:s26], [sflag:$0x5], $0x80, $0x38;
	[tilespmem:$0x1B300] =	vst v63  }
0x43b: {  	s29 =	sadd.s32 $0x161B8, s0;
	s30 =	sadd.s32 $0x70, s1  }
0x43c: {  	[hbm4b:s30+s3] =	stream.linear.scatter [tilespmem:s29], [sflag:$0x5], $0x80, $0x38;
	[tilespmem:$0x1B300] =	vst v63  }
0x43d: {  	_ =	swait.ge [sflag:s23], $0x5000  }
0x43e: {  	[sflag:s23] =	ssyncset.done $0x0  }
0x43f: {  	[sflag:s23] =	ssyncadd.s32 $0xFFFFB000  }
0x440: {  	_ =	swait.ge [sflag:s24], $0x5000  }
0x441: {  	s25 =	sadd.s32 $0x1, s25;
	s31 =	rddreg [dreg:$0x4]  }
0x442: {  	p0 =	sne.s32 s25, s31  }
.Ltmp19:
0x443: {  	_ = 	snop;
	(pc) =	sbr.rel @p0 .LBB2_1-.Ltmp19, $3  }
0x444: {  	_ =	sdelay $0x1  }
0x445: {  	[sflag:s24] =	ssyncset.done $0x0  }
0x446: {  	[sflag:s24] =	ssyncadd.s32 $0xFFFFB000  }
0x447: {  	_ =	sfence.sel $0x180000  }
0x448: {  	[bflag:$0x0] =	sbarrier.arrive $0xFFFF  }
0x449: {  	_ =	strace $0x90000047  }
0x44a: {  	s0 =	stileid.u32;
	[bflag:$0x2] =	sbarrier.arrive $0xFFFF  }
0x44b: {  	p0 =	sne.s32 s0, $0x0;
	s0 =	rddreg [dreg:$0x2]  }
0x44c: {  	s0 =	sadd.s32 @!p0 $0x100000, s0  }
0x44d: {  	[sflag:s0] =	ssyncadd.tile.s32 @!p0 $0x1;
	_ =	shalt  }
.Lfunc_end2:
_tile_overlayer_lowered:
.L_overlay_start_2:
0x44e: {  	(tag) =	ssettag $0x2  }
0x44f: {  	s0 =	rddreg [dreg:$0x0];
	s2 =	stileid.u32  }
0x450: {  	s1 =	rddreg [dreg:$0x1];
	p0 =	sne.s32 s2, $0x0  }
0x451: {  	s3 =	rddreg [dreg:$0x2];
	[bflag:$0x3] =	sbarrier.arrive $0xFFFF;
	s2 =	simm.s32 @!p0 $0x1C06  }
0x452: {  	[timem:s3], [sflag:s2] =	dma.local @!p0 [hbm:s0], s1  }
0x453: {  	s0 =	simm.s32 @!p0 $0x6  }
0x454: {  	_ =	swait.ge @!p0 [sflag:s0], s1  }
0x455: {  	s1 =	ssub.s32 @!p0 $0x0, s1;
	[sflag:s0] =	ssyncset.done @!p0 $0x0  }
0x456: {  	[sflag:s0] =	ssyncadd.s32 @!p0 s1  }
0x457: {  	[bflag:$0x3] =	sbarrier.arrive $0xFFFF  }
0x458: {  	_ =	shalt  }

</sc_bundles>
